<compile_context>
chip_gen: v7x
topology: tpu7x:2x2x1
jax: 0.10.2.dev20260603
libtpu: 0.0.44.dev20260713+nightly
codegen_flags: <defaults>
</compile_context>

<pallas_src>
import functools

import jax
import jax.numpy as jnp
from jax import lax
from jax.experimental import pallas as pl
from jax.experimental.pallas import tpu as pltpu
from jax.experimental.pallas import tpu_sc as plsc

_LANES = 16
_CHUNK_ROWS = 16
_NBUF = 2
_SC_FRACTION = 0.0
_TC_BLOCK_ROWS = 512


@functools.lru_cache(maxsize=None)
def _make_sc_copy_scale(cover_rows: int, out_rows: int, dim: int, scale: float):
    info = plsc.get_sparse_core_info()
    nc, ns = info.num_cores, info.num_subcores
    nw = nc * ns
    assert cover_rows % (nw * _CHUNK_ROWS) == 0 and dim % _LANES == 0
    per_w = cover_rows // nw
    nchunk = per_w // _CHUNK_ROWS

    mesh = plsc.VectorSubcoreMesh(core_axis_name="c", subcore_axis_name="s")

    def body(emb_hbm, out_hbm, *scratch):
        bufs = scratch[:_NBUF]
        lsems = scratch[_NBUF:2 * _NBUF]
        ssems = scratch[2 * _NBUF:3 * _NBUF]
        wid = lax.axis_index("s") * nc + lax.axis_index("c")
        base = wid * per_w

        def load(c, b):
            r = base + c * _CHUNK_ROWS
            return pltpu.async_copy(
                emb_hbm.at[pl.ds(r, _CHUNK_ROWS)], bufs[b], lsems[b])

        def store(c, b):
            r = base + c * _CHUNK_ROWS
            return pltpu.async_copy(
                bufs[b], out_hbm.at[pl.ds(r, _CHUNK_ROWS)], ssems[b])

        def scale_buf(b):
            def scale_row(r, carry):
                for j in range(dim // _LANES):
                    s = pl.ds(j * _LANES, _LANES)
                    bufs[b][r, s] = bufs[b][r, s] * scale
                return carry

            lax.fori_loop(0, _CHUNK_ROWS, scale_row, 0)

        def wait_load(b):
            pltpu.make_async_copy(
                emb_hbm.at[pl.ds(base, _CHUNK_ROWS)], bufs[b], lsems[b]).wait()

        def wait_store(b):
            pltpu.make_async_copy(
                bufs[b], out_hbm.at[pl.ds(base, _CHUNK_ROWS)], ssems[b]).wait()

        nrounds = nchunk // 2
        load(0, 0)
        load(1, 1)

        def round_body(g, carry):
            c0 = g * 2
            for b in range(2):
                wait_load(b)
                scale_buf(b)
                store(c0 + b, b)
            for b in range(2):
                wait_store(b)
                load(c0 + 2 + b, b)
            return carry

        lax.fori_loop(0, nrounds - 1, round_body, 0)
        c0 = (nrounds - 1) * 2
        for b in range(2):
            wait_load(b)
            scale_buf(b)
            store(c0 + b, b)
        for b in range(2):
            wait_store(b)

    return pl.kernel(
        body,
        out_type=jax.ShapeDtypeStruct((out_rows, dim), jnp.float32),
        mesh=mesh,
        compiler_params=pltpu.CompilerParams(use_tc_tiling_on_sc=True),
        scratch_types=(
            [pltpu.VMEM((_CHUNK_ROWS, dim), jnp.float32) for _ in range(_NBUF)]
            + [pltpu.SemaphoreType.DMA for _ in range(2 * _NBUF)]
        ),
    )


def _tc_fill(emb_weight, partial, start_row, seq_len, dim, scale):
    assert start_row % _TC_BLOCK_ROWS == 0 and seq_len % _TC_BLOCK_ROWS == 0
    start_blk = start_row // _TC_BLOCK_ROWS
    nblk = (seq_len - start_row) // _TC_BLOCK_ROWS

    def body(emb_ref, partial_ref, out_ref):
        del partial_ref
        out_ref[...] = emb_ref[...] * scale

    return pl.pallas_call(
        body,
        grid=(nblk,),
        in_specs=[
            pl.BlockSpec((_TC_BLOCK_ROWS, dim), lambda i: (i + start_blk, 0)),
            pl.BlockSpec(memory_space=pl.ANY),
        ],
        out_specs=pl.BlockSpec((_TC_BLOCK_ROWS, dim), lambda i: (i + start_blk, 0)),
        out_shape=jax.ShapeDtypeStruct((seq_len, dim), jnp.float32),
    )(emb_weight, partial)


def _tc_fill_noalias(emb_weight, start_row, seq_len, dim, scale):
    start_blk = start_row // _TC_BLOCK_ROWS
    nblk = (seq_len - start_row) // _TC_BLOCK_ROWS

    def body(emb_ref, out_ref):
        out_ref[...] = emb_ref[...] * scale

    return pl.pallas_call(
        body,
        grid=(nblk,),
        in_specs=[
            pl.BlockSpec((_TC_BLOCK_ROWS, dim), lambda i: (i + start_blk, 0)),
        ],
        out_specs=pl.BlockSpec((_TC_BLOCK_ROWS, dim), lambda i: (i + start_blk, 0)),
        out_shape=jax.ShapeDtypeStruct((seq_len, dim), jnp.float32),
    )(emb_weight)


def kernel(x, emb_weight):
    seq_len = x.shape[1]
    n_table, dim = emb_weight.shape
    scale = float(dim) ** -0.5
    fn = _make_sc_copy_scale(seq_len, seq_len, dim, scale)
    return fn(emb_weight)

# --- scband reference (transcript-rebuilt; emitter-appended) ---
"""Pipeline reference for scband-absolute-positional-embedding-60198261621492 (READ-ONLY COPY).

The authoritative reference and input builder live on the scoring server;
editing this copy changes nothing except your own understanding.
"""

import jax, jax.numpy as jnp
import numpy as np

DIM = 1024
MAX_SEQ_LEN = 8192


def setup_inputs(seed: int = 0) -> dict:
    key = jax.random.key(seed)
    k1, k2 = jax.random.split(key)
    x = jax.random.normal(k1, (2, 4096, DIM), dtype=jnp.float32)
    # nn.Embedding default init: N(0, 1)
    emb_weight = jax.random.normal(k2, (MAX_SEQ_LEN, DIM), dtype=jnp.float32)
    return {"x": x, "emb_weight": emb_weight}


def reference(x, emb_weight):
    scale = DIM ** (-0.5)
    seq_len = x.shape[1]
    pos = jnp.arange(seq_len)
    # embedding lookup -> gather rows of the table
    out = jnp.take(emb_weight, pos, axis=0) * scale
    return out

if __name__ == "__main__":
    import jax
    _d = setup_inputs()
    print(jax.jit(kernel)(*tuple(_d.values())))

</pallas_src>

<mosaic_0001>
#map = affine_map<(d0, d1) -> (0, 0)>
module attributes {stable_mosaic.version = 14 : i64} {
  func.func @body(%arg0: i32, %arg1: i32, %arg2: memref<8192x1024xf32, #tpu.memory_space<hbm>>, %arg3: memref<4096x1024xf32, #tpu.memory_space<hbm>>, %arg4: memref<16x1024xf32, #tpu.memory_space<vmem>>, %arg5: memref<16x1024xf32, #tpu.memory_space<vmem>>, %arg6: memref<!tpu.dma_semaphore, #tpu.memory_space<semaphore_mem>>, %arg7: memref<!tpu.dma_semaphore, #tpu.memory_space<semaphore_mem>>, %arg8: memref<!tpu.dma_semaphore, #tpu.memory_space<semaphore_mem>>, %arg9: memref<!tpu.dma_semaphore, #tpu.memory_space<semaphore_mem>>) attributes {dimension_semantics = [#tpu.dimension_semantics<core_parallel>, #tpu.dimension_semantics<subcore_parallel>], iteration_bounds = array<i64: 2, 16>, scalar_prefetch = 0 : i64, scratch_operands = 6 : i64, tpu.core_type = #tpu.core_type<sc_vector_subcore>, window_params = [{transform_indices = #map}, {transform_indices = #map}]} {
    %mul3A = arith.constant 2 : i32
    %mul3A_0 = arith.muli %arg1, %mul3A : i32
    %add3A = arith.addi %mul3A_0, %arg0 : i32
    %mul3A_1 = arith.constant 128 : i32
    %mul3A_2 = arith.muli %add3A, %mul3A_1 : i32
    %add3A_3 = arith.constant 0 : i32
    %add3A_4 = arith.addi %mul3A_2, %add3A_3 : i32
    %dma_start3A = arith.constant 0 : i32
    %dma_start3A_5 = tpu.memref_slice %arg2[%add3A_4, %dma_start3A] : memref<8192x1024xf32, #tpu.memory_space<hbm>> -> memref<16x1024xf32, #tpu.memory_space<hbm>>
    %dma_start3A_6 = arith.constant 0 : i32
    %dma_start3A_7 = tpu.memref_slice %arg2[%add3A_4, %dma_start3A_6] : memref<8192x1024xf32, #tpu.memory_space<hbm>> -> memref<16x1024xf32, #tpu.memory_space<hbm>>
    tpu.enqueue_dma source(%dma_start3A_7 : memref<16x1024xf32, #tpu.memory_space<hbm>>) target(%arg4 : memref<16x1024xf32, #tpu.memory_space<vmem>>) target_semaphore(%arg6 : memref<!tpu.dma_semaphore, #tpu.memory_space<semaphore_mem>>)
    %add3A_8 = arith.constant 16 : i32
    %add3A_9 = arith.addi %mul3A_2, %add3A_8 : i32
    %dma_start3A_10 = arith.constant 0 : i32
    %dma_start3A_11 = tpu.memref_slice %arg2[%add3A_9, %dma_start3A_10] : memref<8192x1024xf32, #tpu.memory_space<hbm>> -> memref<16x1024xf32, #tpu.memory_space<hbm>>
    %dma_start3A_12 = arith.constant 0 : i32
    %dma_start3A_13 = tpu.memref_slice %arg2[%add3A_9, %dma_start3A_12] : memref<8192x1024xf32, #tpu.memory_space<hbm>> -> memref<16x1024xf32, #tpu.memory_space<hbm>>
    tpu.enqueue_dma source(%dma_start3A_13 : memref<16x1024xf32, #tpu.memory_space<hbm>>) target(%arg5 : memref<16x1024xf32, #tpu.memory_space<vmem>>) target_semaphore(%arg7 : memref<!tpu.dma_semaphore, #tpu.memory_space<semaphore_mem>>)
    %scan3A = arith.constant 0 : i32
    %scan3A_14 = arith.constant 0 : i32
    %scan3A_15 = arith.constant 3 : i32
    %scan3A_16 = arith.addi %scan3A_14, %scan3A_15 : i32
    %scan3A_17 = arith.constant 1 : i32
    scf.for %scan3A_58 = %scan3A_14 to %scan3A_16 step %scan3A_17  : i32 {
      %mul3A_59 = arith.constant 2 : i32
      %mul3A_60 = arith.muli %scan3A_58, %mul3A_59 : i32
      %dma_wait3A_61 = arith.constant 0 : i32
      %dma_wait3A_62 = tpu.memref_slice %arg2[%mul3A_2, %dma_wait3A_61] : memref<8192x1024xf32, #tpu.memory_space<hbm>> -> memref<16x1024xf32, #tpu.memory_space<hbm>>
      %dma_wait3A_63 = arith.constant 0 : i32
      %dma_wait3A_64 = tpu.memref_slice %arg2[%mul3A_2, %dma_wait3A_63] : memref<8192x1024xf32, #tpu.memory_space<hbm>> -> memref<16x1024xf32, #tpu.memory_space<hbm>>
      tpu.wait_dma2 semaphore(%arg6 : memref<!tpu.dma_semaphore, #tpu.memory_space<semaphore_mem>>) src(%dma_wait3A_64 : memref<16x1024xf32, #tpu.memory_space<hbm>>) dst(%arg4 : memref<16x1024xf32, #tpu.memory_space<vmem>>)
      %scan3A_65 = arith.constant 0 : i32
      %scan3A_66 = arith.constant 0 : i32
      %scan3A_67 = arith.constant 16 : i32
      %scan3A_68 = arith.addi %scan3A_66, %scan3A_67 : i32
      %scan3A_69 = arith.constant 1 : i32
      scf.for %scan3A_129 = %scan3A_66 to %scan3A_68 step %scan3A_69  : i32 {
        %get3A = arith.index_cast %scan3A_129 : i32 to index
        %get3A_130 = arith.constant 0 : index
        %get3A_131 = tpu.vector_load %arg4[%get3A, %get3A_130] {strides = array<i32>} : memref<16x1024xf32, #tpu.memory_space<vmem>>, vector<1x16xf32>,
        %get3A_132 = vector.shape_cast %get3A_131 : vector<1x16xf32> to vector<16xf32>
        %mul3A_133 = arith.constant 3.125000e-02 : f32
        %mul3A_134 = vector.broadcast %mul3A_133 : f32 to vector<16xf32>
        %mul3A_135 = arith.mulf %get3A_132, %mul3A_134 : vector<16xf32>
        %swap3A = arith.index_cast %scan3A_129 : i32 to index
        %swap3A_136 = arith.constant 0 : index
        %swap3A_137 = tpu.vector_load %arg4[%swap3A, %swap3A_136] {strides = array<i32>} : memref<16x1024xf32, #tpu.memory_space<vmem>>, vector<1x16xf32>,
        %swap3A_138 = vector.shape_cast %swap3A_137 : vector<1x16xf32> to vector<16xf32>
        %swap3A_139 = vector.shape_cast %mul3A_135 : vector<16xf32> to vector<1x16xf32>
        tpu.vector_store %arg4[%swap3A, %swap3A_136], %swap3A_139 {strides = array<i32>} : memref<16x1024xf32, #tpu.memory_space<vmem>>, vector<1x16xf32>,
        %get3A_140 = arith.index_cast %scan3A_129 : i32 to index
        %get3A_141 = arith.constant 16 : index
        %get3A_142 = tpu.vector_load %arg4[%get3A_140, %get3A_141] {strides = array<i32>} : memref<16x1024xf32, #tpu.memory_space<vmem>>, vector<1x16xf32>,
        %get3A_143 = vector.shape_cast %get3A_142 : vector<1x16xf32> to vector<16xf32>
        %mul3A_144 = arith.constant 3.125000e-02 : f32
        %mul3A_145 = vector.broadcast %mul3A_144 : f32 to vector<16xf32>
        %mul3A_146 = arith.mulf %get3A_143, %mul3A_145 : vector<16xf32>
        %swap3A_147 = arith.index_cast %scan3A_129 : i32 to index
        %swap3A_148 = arith.constant 16 : index
        %swap3A_149 = tpu.vector_load %arg4[%swap3A_147, %swap3A_148] {strides = array<i32>} : memref<16x1024xf32, #tpu.memory_space<vmem>>, vector<1x16xf32>,
        %swap3A_150 = vector.shape_cast %swap3A_149 : vector<1x16xf32> to vector<16xf32>
        %swap3A_151 = vector.shape_cast %mul3A_146 : vector<16xf32> to vector<1x16xf32>
        tpu.vector_store %arg4[%swap3A_147, %swap3A_148], %swap3A_151 {strides = array<i32>} : memref<16x1024xf32, #tpu.memory_space<vmem>>, vector<1x16xf32>,
        %get3A_152 = arith.index_cast %scan3A_129 : i32 to index
        %get3A_153 = arith.constant 32 : index
        %get3A_154 = tpu.vector_load %arg4[%get3A_152, %get3A_153] {strides = array<i32>} : memref<16x1024xf32, #tpu.memory_space<vmem>>, vector<1x16xf32>,
        %get3A_155 = vector.shape_cast %get3A_154 : vector<1x16xf32> to vector<16xf32>
        %mul3A_156 = arith.constant 3.125000e-02 : f32
        %mul3A_157 = vector.broadcast %mul3A_156 : f32 to vector<16xf32>
        %mul3A_158 = arith.mulf %get3A_155, %mul3A_157 : vector<16xf32>
        %swap3A_159 = arith.index_cast %scan3A_129 : i32 to index
        %swap3A_160 = arith.constant 32 : index
        %swap3A_161 = tpu.vector_load %arg4[%swap3A_159, %swap3A_160] {strides = array<i32>} : memref<16x1024xf32, #tpu.memory_space<vmem>>, vector<1x16xf32>,
        %swap3A_162 = vector.shape_cast %swap3A_161 : vector<1x16xf32> to vector<16xf32>
        %swap3A_163 = vector.shape_cast %mul3A_158 : vector<16xf32> to vector<1x16xf32>
        tpu.vector_store %arg4[%swap3A_159, %swap3A_160], %swap3A_163 {strides = array<i32>} : memref<16x1024xf32, #tpu.memory_space<vmem>>, vector<1x16xf32>,
        %get3A_164 = arith.index_cast %scan3A_129 : i32 to index
        %get3A_165 = arith.constant 48 : index
        %get3A_166 = tpu.vector_load %arg4[%get3A_164, %get3A_165] {strides = array<i32>} : memref<16x1024xf32, #tpu.memory_space<vmem>>, vector<1x16xf32>,
        %get3A_167 = vector.shape_cast %get3A_166 : vector<1x16xf32> to vector<16xf32>
        %mul3A_168 = arith.constant 3.125000e-02 : f32
        %mul3A_169 = vector.broadcast %mul3A_168 : f32 to vector<16xf32>
        %mul3A_170 = arith.mulf %get3A_167, %mul3A_169 : vector<16xf32>
        %swap3A_171 = arith.index_cast %scan3A_129 : i32 to index
        %swap3A_172 = arith.constant 48 : index
        %swap3A_173 = tpu.vector_load %arg4[%swap3A_171, %swap3A_172] {strides = array<i32>} : memref<16x1024xf32, #tpu.memory_space<vmem>>, vector<1x16xf32>,
        %swap3A_174 = vector.shape_cast %swap3A_173 : vector<1x16xf32> to vector<16xf32>
        %swap3A_175 = vector.shape_cast %mul3A_170 : vector<16xf32> to vector<1x16xf32>
        tpu.vector_store %arg4[%swap3A_171, %swap3A_172], %swap3A_175 {strides = array<i32>} : memref<16x1024xf32, #tpu.memory_space<vmem>>, vector<1x16xf32>,
        %get3A_176 = arith.index_cast %scan3A_129 : i32 to index
        %get3A_177 = arith.constant 64 : index
        %get3A_178 = tpu.vector_load %arg4[%get3A_176, %get3A_177] {strides = array<i32>} : memref<16x1024xf32, #tpu.memory_space<vmem>>, vector<1x16xf32>,
        %get3A_179 = vector.shape_cast %get3A_178 : vector<1x16xf32> to vector<16xf32>
        %mul3A_180 = arith.constant 3.125000e-02 : f32
        %mul3A_181 = vector.broadcast %mul3A_180 : f32 to vector<16xf32>
        %mul3A_182 = arith.mulf %get3A_179, %mul3A_181 : vector<16xf32>
        %swap3A_183 = arith.index_cast %scan3A_129 : i32 to index
        %swap3A_184 = arith.constant 64 : index
        %swap3A_185 = tpu.vector_load %arg4[%swap3A_183, %swap3A_184] {strides = array<i32>} : memref<16x1024xf32, #tpu.memory_space<vmem>>, vector<1x16xf32>,
        %swap3A_186 = vector.shape_cast %swap3A_185 : vector<1x16xf32> to vector<16xf32>
        %swap3A_187 = vector.shape_cast %mul3A_182 : vector<16xf32> to vector<1x16xf32>
        tpu.vector_store %arg4[%swap3A_183, %swap3A_184], %swap3A_187 {strides = array<i32>} : memref<16x1024xf32, #tpu.memory_space<vmem>>, vector<1x16xf32>,
        %get3A_188 = arith.index_cast %scan3A_129 : i32 to index
        %get3A_189 = arith.constant 80 : index
        %get3A_190 = tpu.vector_load %arg4[%get3A_188, %get3A_189] {strides = array<i32>} : memref<16x1024xf32, #tpu.memory_space<vmem>>, vector<1x16xf32>,
        %get3A_191 = vector.shape_cast %get3A_190 : vector<1x16xf32> to vector<16xf32>
        %mul3A_192 = arith.constant 3.125000e-02 : f32
        %mul3A_193 = vector.broadcast %mul3A_192 : f32 to vector<16xf32>
        %mul3A_194 = arith.mulf %get3A_191, %mul3A_193 : vector<16xf32>
        %swap3A_195 = arith.index_cast %scan3A_129 : i32 to index
        %swap3A_196 = arith.constant 80 : index
        %swap3A_197 = tpu.vector_load %arg4[%swap3A_195, %swap3A_196] {strides = array<i32>} : memref<16x1024xf32, #tpu.memory_space<vmem>>, vector<1x16xf32>,
        %swap3A_198 = vector.shape_cast %swap3A_197 : vector<1x16xf32> to vector<16xf32>
        %swap3A_199 = vector.shape_cast %mul3A_194 : vector<16xf32> to vector<1x16xf32>
        tpu.vector_store %arg4[%swap3A_195, %swap3A_196], %swap3A_199 {strides = array<i32>} : memref<16x1024xf32, #tpu.memory_space<vmem>>, vector<1x16xf32>,
        %get3A_200 = arith.index_cast %scan3A_129 : i32 to index
        %get3A_201 = arith.constant 96 : index
        %get3A_202 = tpu.vector_load %arg4[%get3A_200, %get3A_201] {strides = array<i32>} : memref<16x1024xf32, #tpu.memory_space<vmem>>, vector<1x16xf32>,
        %get3A_203 = vector.shape_cast %get3A_202 : vector<1x16xf32> to vector<16xf32>
        %mul3A_204 = arith.constant 3.125000e-02 : f32
        %mul3A_205 = vector.broadcast %mul3A_204 : f32 to vector<16xf32>
        %mul3A_206 = arith.mulf %get3A_203, %mul3A_205 : vector<16xf32>
        %swap3A_207 = arith.index_cast %scan3A_129 : i32 to index
        %swap3A_208 = arith.constant 96 : index
        %swap3A_209 = tpu.vector_load %arg4[%swap3A_207, %swap3A_208] {strides = array<i32>} : memref<16x1024xf32, #tpu.memory_space<vmem>>, vector<1x16xf32>,
        %swap3A_210 = vector.shape_cast %swap3A_209 : vector<1x16xf32> to vector<16xf32>
        %swap3A_211 = vector.shape_cast %mul3A_206 : vector<16xf32> to vector<1x16xf32>
        tpu.vector_store %arg4[%swap3A_207, %swap3A_208], %swap3A_211 {strides = array<i32>} : memref<16x1024xf32, #tpu.memory_space<vmem>>, vector<1x16xf32>,
        %get3A_212 = arith.index_cast %scan3A_129 : i32 to index
        %get3A_213 = arith.constant 112 : index
        %get3A_214 = tpu.vector_load %arg4[%get3A_212, %get3A_213] {strides = array<i32>} : memref<16x1024xf32, #tpu.memory_space<vmem>>, vector<1x16xf32>,
        %get3A_215 = vector.shape_cast %get3A_214 : vector<1x16xf32> to vector<16xf32>
        %mul3A_216 = arith.constant 3.125000e-02 : f32
        %mul3A_217 = vector.broadcast %mul3A_216 : f32 to vector<16xf32>
        %mul3A_218 = arith.mulf %get3A_215, %mul3A_217 : vector<16xf32>
        %swap3A_219 = arith.index_cast %scan3A_129 : i32 to index
        %swap3A_220 = arith.constant 112 : index
        %swap3A_221 = tpu.vector_load %arg4[%swap3A_219, %swap3A_220] {strides = array<i32>} : memref<16x1024xf32, #tpu.memory_space<vmem>>, vector<1x16xf32>,
        %swap3A_222 = vector.shape_cast %swap3A_221 : vector<1x16xf32> to vector<16xf32>
        %swap3A_223 = vector.shape_cast %mul3A_218 : vector<16xf32> to vector<1x16xf32>
        tpu.vector_store %arg4[%swap3A_219, %swap3A_220], %swap3A_223 {strides = array<i32>} : memref<16x1024xf32, #tpu.memory_space<vmem>>, vector<1x16xf32>,
        %get3A_224 = arith.index_cast %scan3A_129 : i32 to index
        %get3A_225 = arith.constant 128 : index
        %get3A_226 = tpu.vector_load %arg4[%get3A_224, %get3A_225] {strides = array<i32>} : memref<16x1024xf32, #tpu.memory_space<vmem>>, vector<1x16xf32>,
        %get3A_227 = vector.shape_cast %get3A_226 : vector<1x16xf32> to vector<16xf32>
        %mul3A_228 = arith.constant 3.125000e-02 : f32
        %mul3A_229 = vector.broadcast %mul3A_228 : f32 to vector<16xf32>
        %mul3A_230 = arith.mulf %get3A_227, %mul3A_229 : vector<16xf32>
        %swap3A_231 = arith.index_cast %scan3A_129 : i32 to index
        %swap3A_232 = arith.constant 128 : index
        %swap3A_233 = tpu.vector_load %arg4[%swap3A_231, %swap3A_232] {strides = array<i32>} : memref<16x1024xf32, #tpu.memory_space<vmem>>, vector<1x16xf32>,
        %swap3A_234 = vector.shape_cast %swap3A_233 : vector<1x16xf32> to vector<16xf32>
        %swap3A_235 = vector.shape_cast %mul3A_230 : vector<16xf32> to vector<1x16xf32>
        tpu.vector_store %arg4[%swap3A_231, %swap3A_232], %swap3A_235 {strides = array<i32>} : memref<16x1024xf32, #tpu.memory_space<vmem>>, vector<1x16xf32>,
        %get3A_236 = arith.index_cast %scan3A_129 : i32 to index
        %get3A_237 = arith.constant 144 : index
        %get3A_238 = tpu.vector_load %arg4[%get3A_236, %get3A_237] {strides = array<i32>} : memref<16x1024xf32, #tpu.memory_space<vmem>>, vector<1x16xf32>,
        %get3A_239 = vector.shape_cast %get3A_238 : vector<1x16xf32> to vector<16xf32>
        %mul3A_240 = arith.constant 3.125000e-02 : f32
        %mul3A_241 = vector.broadcast %mul3A_240 : f32 to vector<16xf32>
        %mul3A_242 = arith.mulf %get3A_239, %mul3A_241 : vector<16xf32>
        %swap3A_243 = arith.index_cast %scan3A_129 : i32 to index
        %swap3A_244 = arith.constant 144 : index
        %swap3A_245 = tpu.vector_load %arg4[%swap3A_243, %swap3A_244] {strides = array<i32>} : memref<16x1024xf32, #tpu.memory_space<vmem>>, vector<1x16xf32>,
        %swap3A_246 = vector.shape_cast %swap3A_245 : vector<1x16xf32> to vector<16xf32>
        %swap3A_247 = vector.shape_cast %mul3A_242 : vector<16xf32> to vector<1x16xf32>
        tpu.vector_store %arg4[%swap3A_243, %swap3A_244], %swap3A_247 {strides = array<i32>} : memref<16x1024xf32, #tpu.memory_space<vmem>>, vector<1x16xf32>,
        %get3A_248 = arith.index_cast %scan3A_129 : i32 to index
        %get3A_249 = arith.constant 160 : index
        %get3A_250 = tpu.vector_load %arg4[%get3A_248, %get3A_249] {strides = array<i32>} : memref<16x1024xf32, #tpu.memory_space<vmem>>, vector<1x16xf32>,
        %get3A_251 = vector.shape_cast %get3A_250 : vector<1x16xf32> to vector<16xf32>
        %mul3A_252 = arith.constant 3.125000e-02 : f32
        %mul3A_253 = vector.broadcast %mul3A_252 : f32 to vector<16xf32>
        %mul3A_254 = arith.mulf %get3A_251, %mul3A_253 : vector<16xf32>
        %swap3A_255 = arith.index_cast %scan3A_129 : i32 to index
        %swap3A_256 = arith.constant 160 : index
        %swap3A_257 = tpu.vector_load %arg4[%swap3A_255, %swap3A_256] {strides = array<i32>} : memref<16x1024xf32, #tpu.memory_space<vmem>>, vector<1x16xf32>,
        %swap3A_258 = vector.shape_cast %swap3A_257 : vector<1x16xf32> to vector<16xf32>
        %swap3A_259 = vector.shape_cast %mul3A_254 : vector<16xf32> to vector<1x16xf32>
        tpu.vector_store %arg4[%swap3A_255, %swap3A_256], %swap3A_259 {strides = array<i32>} : memref<16x1024xf32, #tpu.memory_space<vmem>>, vector<1x16xf32>,
        %get3A_260 = arith.index_cast %scan3A_129 : i32 to index
        %get3A_261 = arith.constant 176 : index
        %get3A_262 = tpu.vector_load %arg4[%get3A_260, %get3A_261] {strides = array<i32>} : memref<16x1024xf32, #tpu.memory_space<vmem>>, vector<1x16xf32>,
        %get3A_263 = vector.shape_cast %get3A_262 : vector<1x16xf32> to vector<16xf32>
        %mul3A_264 = arith.constant 3.125000e-02 : f32
        %mul3A_265 = vector.broadcast %mul3A_264 : f32 to vector<16xf32>
        %mul3A_266 = arith.mulf %get3A_263, %mul3A_265 : vector<16xf32>
        %swap3A_267 = arith.index_cast %scan3A_129 : i32 to index
        %swap3A_268 = arith.constant 176 : index
        %swap3A_269 = tpu.vector_load %arg4[%swap3A_267, %swap3A_268] {strides = array<i32>} : memref<16x1024xf32, #tpu.memory_space<vmem>>, vector<1x16xf32>,
        %swap3A_270 = vector.shape_cast %swap3A_269 : vector<1x16xf32> to vector<16xf32>
        %swap3A_271 = vector.shape_cast %mul3A_266 : vector<16xf32> to vector<1x16xf32>
        tpu.vector_store %arg4[%swap3A_267, %swap3A_268], %swap3A_271 {strides = array<i32>} : memref<16x1024xf32, #tpu.memory_space<vmem>>, vector<1x16xf32>,
        %get3A_272 = arith.index_cast %scan3A_129 : i32 to index
        %get3A_273 = arith.constant 192 : index
        %get3A_274 = tpu.vector_load %arg4[%get3A_272, %get3A_273] {strides = array<i32>} : memref<16x1024xf32, #tpu.memory_space<vmem>>, vector<1x16xf32>,
        %get3A_275 = vector.shape_cast %get3A_274 : vector<1x16xf32> to vector<16xf32>
        %mul3A_276 = arith.constant 3.125000e-02 : f32
        %mul3A_277 = vector.broadcast %mul3A_276 : f32 to vector<16xf32>
        %mul3A_278 = arith.mulf %get3A_275, %mul3A_277 : vector<16xf32>
        %swap3A_279 = arith.index_cast %scan3A_129 : i32 to index
        %swap3A_280 = arith.constant 192 : index
        %swap3A_281 = tpu.vector_load %arg4[%swap3A_279, %swap3A_280] {strides = array<i32>} : memref<16x1024xf32, #tpu.memory_space<vmem>>, vector<1x16xf32>,
        %swap3A_282 = vector.shape_cast %swap3A_281 : vector<1x16xf32> to vector<16xf32>
        %swap3A_283 = vector.shape_cast %mul3A_278 : vector<16xf32> to vector<1x16xf32>
        tpu.vector_store %arg4[%swap3A_279, %swap3A_280], %swap3A_283 {strides = array<i32>} : memref<16x1024xf32, #tpu.memory_space<vmem>>, vector<1x16xf32>,
        %get3A_284 = arith.index_cast %scan3A_129 : i32 to index
        %get3A_285 = arith.constant 208 : index
        %get3A_286 = tpu.vector_load %arg4[%get3A_284, %get3A_285] {strides = array<i32>} : memref<16x1024xf32, #tpu.memory_space<vmem>>, vector<1x16xf32>,
        %get3A_287 = vector.shape_cast %get3A_286 : vector<1x16xf32> to vector<16xf32>
        %mul3A_288 = arith.constant 3.125000e-02 : f32
        %mul3A_289 = vector.broadcast %mul3A_288 : f32 to vector<16xf32>
        %mul3A_290 = arith.mulf %get3A_287, %mul3A_289 : vector<16xf32>
        %swap3A_291 = arith.index_cast %scan3A_129 : i32 to index
        %swap3A_292 = arith.constant 208 : index
        %swap3A_293 = tpu.vector_load %arg4[%swap3A_291, %swap3A_292] {strides = array<i32>} : memref<16x1024xf32, #tpu.memory_space<vmem>>, vector<1x16xf32>,
        %swap3A_294 = vector.shape_cast %swap3A_293 : vector<1x16xf32> to vector<16xf32>
        %swap3A_295 = vector.shape_cast %mul3A_290 : vector<16xf32> to vector<1x16xf32>
        tpu.vector_store %arg4[%swap3A_291, %swap3A_292], %swap3A_295 {strides = array<i32>} : memref<16x1024xf32, #tpu.memory_space<vmem>>, vector<1x16xf32>,
        %get3A_296 = arith.index_cast %scan3A_129 : i32 to index
        %get3A_297 = arith.constant 224 : index
        %get3A_298 = tpu.vector_load %arg4[%get3A_296, %get3A_297] {strides = array<i32>} : memref<16x1024xf32, #tpu.memory_space<vmem>>, vector<1x16xf32>,
        %get3A_299 = vector.shape_cast %get3A_298 : vector<1x16xf32> to vector<16xf32>
        %mul3A_300 = arith.constant 3.125000e-02 : f32
        %mul3A_301 = vector.broadcast %mul3A_300 : f32 to vector<16xf32>
        %mul3A_302 = arith.mulf %get3A_299, %mul3A_301 : vector<16xf32>
        %swap3A_303 = arith.index_cast %scan3A_129 : i32 to index
        %swap3A_304 = arith.constant 224 : index
        %swap3A_305 = tpu.vector_load %arg4[%swap3A_303, %swap3A_304] {strides = array<i32>} : memref<16x1024xf32, #tpu.memory_space<vmem>>, vector<1x16xf32>,
        %swap3A_306 = vector.shape_cast %swap3A_305 : vector<1x16xf32> to vector<16xf32>
        %swap3A_307 = vector.shape_cast %mul3A_302 : vector<16xf32> to vector<1x16xf32>
        tpu.vector_store %arg4[%swap3A_303, %swap3A_304], %swap3A_307 {strides = array<i32>} : memref<16x1024xf32, #tpu.memory_space<vmem>>, vector<1x16xf32>,
        %get3A_308 = arith.index_cast %scan3A_129 : i32 to index
        %get3A_309 = arith.constant 240 : index
        %get3A_310 = tpu.vector_load %arg4[%get3A_308, %get3A_309] {strides = array<i32>} : memref<16x1024xf32, #tpu.memory_space<vmem>>, vector<1x16xf32>,
        %get3A_311 = vector.shape_cast %get3A_310 : vector<1x16xf32> to vector<16xf32>
        %mul3A_312 = arith.constant 3.125000e-02 : f32
        %mul3A_313 = vector.broadcast %mul3A_312 : f32 to vector<16xf32>
        %mul3A_314 = arith.mulf %get3A_311, %mul3A_313 : vector<16xf32>
        %swap3A_315 = arith.index_cast %scan3A_129 : i32 to index
        %swap3A_316 = arith.constant 240 : index
        %swap3A_317 = tpu.vector_load %arg4[%swap3A_315, %swap3A_316] {strides = array<i32>} : memref<16x1024xf32, #tpu.memory_space<vmem>>, vector<1x16xf32>,
        %swap3A_318 = vector.shape_cast %swap3A_317 : vector<1x16xf32> to vector<16xf32>
        %swap3A_319 = vector.shape_cast %mul3A_314 : vector<16xf32> to vector<1x16xf32>
        tpu.vector_store %arg4[%swap3A_315, %swap3A_316], %swap3A_319 {strides = array<i32>} : memref<16x1024xf32, #tpu.memory_space<vmem>>, vector<1x16xf32>,
        %get3A_320 = arith.index_cast %scan3A_129 : i32 to index
        %get3A_321 = arith.constant 256 : index
        %get3A_322 = tpu.vector_load %arg4[%get3A_320, %get3A_321] {strides = array<i32>} : memref<16x1024xf32, #tpu.memory_space<vmem>>, vector<1x16xf32>,
        %get3A_323 = vector.shape_cast %get3A_322 : vector<1x16xf32> to vector<16xf32>
        %mul3A_324 = arith.constant 3.125000e-02 : f32
        %mul3A_325 = vector.broadcast %mul3A_324 : f32 to vector<16xf32>
        %mul3A_326 = arith.mulf %get3A_323, %mul3A_325 : vector<16xf32>
        %swap3A_327 = arith.index_cast %scan3A_129 : i32 to index
        %swap3A_328 = arith.constant 256 : index
        %swap3A_329 = tpu.vector_load %arg4[%swap3A_327, %swap3A_328] {strides = array<i32>} : memref<16x1024xf32, #tpu.memory_space<vmem>>, vector<1x16xf32>,
        %swap3A_330 = vector.shape_cast %swap3A_329 : vector<1x16xf32> to vector<16xf32>
        %swap3A_331 = vector.shape_cast %mul3A_326 : vector<16xf32> to vector<1x16xf32>
        tpu.vector_store %arg4[%swap3A_327, %swap3A_328], %swap3A_331 {strides = array<i32>} : memref<16x1024xf32, #tpu.memory_space<vmem>>, vector<1x16xf32>,
        %get3A_332 = arith.index_cast %scan3A_129 : i32 to index
        %get3A_333 = arith.constant 272 : index
        %get3A_334 = tpu.vector_load %arg4[%get3A_332, %get3A_333] {strides = array<i32>} : memref<16x1024xf32, #tpu.memory_space<vmem>>, vector<1x16xf32>,
        %get3A_335 = vector.shape_cast %get3A_334 : vector<1x16xf32> to vector<16xf32>
        %mul3A_336 = arith.constant 3.125000e-02 : f32
        %mul3A_337 = vector.broadcast %mul3A_336 : f32 to vector<16xf32>
        %mul3A_338 = arith.mulf %get3A_335, %mul3A_337 : vector<16xf32>
        %swap3A_339 = arith.index_cast %scan3A_129 : i32 to index
        %swap3A_340 = arith.constant 272 : index
        %swap3A_341 = tpu.vector_load %arg4[%swap3A_339, %swap3A_340] {strides = array<i32>} : memref<16x1024xf32, #tpu.memory_space<vmem>>, vector<1x16xf32>,
        %swap3A_342 = vector.shape_cast %swap3A_341 : vector<1x16xf32> to vector<16xf32>
        %swap3A_343 = vector.shape_cast %mul3A_338 : vector<16xf32> to vector<1x16xf32>
        tpu.vector_store %arg4[%swap3A_339, %swap3A_340], %swap3A_343 {strides = array<i32>} : memref<16x1024xf32, #tpu.memory_space<vmem>>, vector<1x16xf32>,
        %get3A_344 = arith.index_cast %scan3A_129 : i32 to index
        %get3A_345 = arith.constant 288 : index
        %get3A_346 = tpu.vector_load %arg4[%get3A_344, %get3A_345] {strides = array<i32>} : memref<16x1024xf32, #tpu.memory_space<vmem>>, vector<1x16xf32>,
        %get3A_347 = vector.shape_cast %get3A_346 : vector<1x16xf32> to vector<16xf32>
        %mul3A_348 = arith.constant 3.125000e-02 : f32
        %mul3A_349 = vector.broadcast %mul3A_348 : f32 to vector<16xf32>
        %mul3A_350 = arith.mulf %get3A_347, %mul3A_349 : vector<16xf32>
        %swap3A_351 = arith.index_cast %scan3A_129 : i32 to index
        %swap3A_352 = arith.constant 288 : index
        %swap3A_353 = tpu.vector_load %arg4[%swap3A_351, %swap3A_352] {strides = array<i32>} : memref<16x1024xf32, #tpu.memory_space<vmem>>, vector<1x16xf32>,
        %swap3A_354 = vector.shape_cast %swap3A_353 : vector<1x16xf32> to vector<16xf32>
        %swap3A_355 = vector.shape_cast %mul3A_350 : vector<16xf32> to vector<1x16xf32>
        tpu.vector_store %arg4[%swap3A_351, %swap3A_352], %swap3A_355 {strides = array<i32>} : memref<16x1024xf32, #tpu.memory_space<vmem>>, vector<1x16xf32>,
        %get3A_356 = arith.index_cast %scan3A_129 : i32 to index
        %get3A_357 = arith.constant 304 : index
        %get3A_358 = tpu.vector_load %arg4[%get3A_356, %get3A_357] {strides = array<i32>} : memref<16x1024xf32, #tpu.memory_space<vmem>>, vector<1x16xf32>,
        %get3A_359 = vector.shape_cast %get3A_358 : vector<1x16xf32> to vector<16xf32>
        %mul3A_360 = arith.constant 3.125000e-02 : f32
        %mul3A_361 = vector.broadcast %mul3A_360 : f32 to vector<16xf32>
        %mul3A_362 = arith.mulf %get3A_359, %mul3A_361 : vector<16xf32>
        %swap3A_363 = arith.index_cast %scan3A_129 : i32 to index
        %swap3A_364 = arith.constant 304 : index
        %swap3A_365 = tpu.vector_load %arg4[%swap3A_363, %swap3A_364] {strides = array<i32>} : memref<16x1024xf32, #tpu.memory_space<vmem>>, vector<1x16xf32>,
        %swap3A_366 = vector.shape_cast %swap3A_365 : vector<1x16xf32> to vector<16xf32>
        %swap3A_367 = vector.shape_cast %mul3A_362 : vector<16xf32> to vector<1x16xf32>
        tpu.vector_store %arg4[%swap3A_363, %swap3A_364], %swap3A_367 {strides = array<i32>} : memref<16x1024xf32, #tpu.memory_space<vmem>>, vector<1x16xf32>,
        %get3A_368 = arith.index_cast %scan3A_129 : i32 to index
        %get3A_369 = arith.constant 320 : index
        %get3A_370 = tpu.vector_load %arg4[%get3A_368, %get3A_369] {strides = array<i32>} : memref<16x1024xf32, #tpu.memory_space<vmem>>, vector<1x16xf32>,
        %get3A_371 = vector.shape_cast %get3A_370 : vector<1x16xf32> to vector<16xf32>
        %mul3A_372 = arith.constant 3.125000e-02 : f32
        %mul3A_373 = vector.broadcast %mul3A_372 : f32 to vector<16xf32>
        %mul3A_374 = arith.mulf %get3A_371, %mul3A_373 : vector<16xf32>
        %swap3A_375 = arith.index_cast %scan3A_129 : i32 to index
        %swap3A_376 = arith.constant 320 : index
        %swap3A_377 = tpu.vector_load %arg4[%swap3A_375, %swap3A_376] {strides = array<i32>} : memref<16x1024xf32, #tpu.memory_space<vmem>>, vector<1x16xf32>,
        %swap3A_378 = vector.shape_cast %swap3A_377 : vector<1x16xf32> to vector<16xf32>
        %swap3A_379 = vector.shape_cast %mul3A_374 : vector<16xf32> to vector<1x16xf32>
        tpu.vector_store %arg4[%swap3A_375, %swap3A_376], %swap3A_379 {strides = array<i32>} : memref<16x1024xf32, #tpu.memory_space<vmem>>, vector<1x16xf32>,
        %get3A_380 = arith.index_cast %scan3A_129 : i32 to index
        %get3A_381 = arith.constant 336 : index
        %get3A_382 = tpu.vector_load %arg4[%get3A_380, %get3A_381] {strides = array<i32>} : memref<16x1024xf32, #tpu.memory_space<vmem>>, vector<1x16xf32>,
        %get3A_383 = vector.shape_cast %get3A_382 : vector<1x16xf32> to vector<16xf32>
        %mul3A_384 = arith.constant 3.125000e-02 : f32
        %mul3A_385 = vector.broadcast %mul3A_384 : f32 to vector<16xf32>
        %mul3A_386 = arith.mulf %get3A_383, %mul3A_385 : vector<16xf32>
        %swap3A_387 = arith.index_cast %scan3A_129 : i32 to index
        %swap3A_388 = arith.constant 336 : index
        %swap3A_389 = tpu.vector_load %arg4[%swap3A_387, %swap3A_388] {strides = array<i32>} : memref<16x1024xf32, #tpu.memory_space<vmem>>, vector<1x16xf32>,
        %swap3A_390 = vector.shape_cast %swap3A_389 : vector<1x16xf32> to vector<16xf32>
        %swap3A_391 = vector.shape_cast %mul3A_386 : vector<16xf32> to vector<1x16xf32>
        tpu.vector_store %arg4[%swap3A_387, %swap3A_388], %swap3A_391 {strides = array<i32>} : memref<16x1024xf32, #tpu.memory_space<vmem>>, vector<1x16xf32>,
        %get3A_392 = arith.index_cast %scan3A_129 : i32 to index
        %get3A_393 = arith.constant 352 : index
        %get3A_394 = tpu.vector_load %arg4[%get3A_392, %get3A_393] {strides = array<i32>} : memref<16x1024xf32, #tpu.memory_space<vmem>>, vector<1x16xf32>,
        %get3A_395 = vector.shape_cast %get3A_394 : vector<1x16xf32> to vector<16xf32>
        %mul3A_396 = arith.constant 3.125000e-02 : f32
        %mul3A_397 = vector.broadcast %mul3A_396 : f32 to vector<16xf32>
        %mul3A_398 = arith.mulf %get3A_395, %mul3A_397 : vector<16xf32>
        %swap3A_399 = arith.index_cast %scan3A_129 : i32 to index
        %swap3A_400 = arith.constant 352 : index
        %swap3A_401 = tpu.vector_load %arg4[%swap3A_399, %swap3A_400] {strides = array<i32>} : memref<16x1024xf32, #tpu.memory_space<vmem>>, vector<1x16xf32>,
        %swap3A_402 = vector.shape_cast %swap3A_401 : vector<1x16xf32> to vector<16xf32>
        %swap3A_403 = vector.shape_cast %mul3A_398 : vector<16xf32> to vector<1x16xf32>
        tpu.vector_store %arg4[%swap3A_399, %swap3A_400], %swap3A_403 {strides = array<i32>} : memref<16x1024xf32, #tpu.memory_space<vmem>>, vector<1x16xf32>,
        %get3A_404 = arith.index_cast %scan3A_129 : i32 to index
        %get3A_405 = arith.constant 368 : index
        %get3A_406 = tpu.vector_load %arg4[%get3A_404, %get3A_405] {strides = array<i32>} : memref<16x1024xf32, #tpu.memory_space<vmem>>, vector<1x16xf32>,
        %get3A_407 = vector.shape_cast %get3A_406 : vector<1x16xf32> to vector<16xf32>
        %mul3A_408 = arith.constant 3.125000e-02 : f32
        %mul3A_409 = vector.broadcast %mul3A_408 : f32 to vector<16xf32>
        %mul3A_410 = arith.mulf %get3A_407, %mul3A_409 : vector<16xf32>
        %swap3A_411 = arith.index_cast %scan3A_129 : i32 to index
        %swap3A_412 = arith.constant 368 : index
        %swap3A_413 = tpu.vector_load %arg4[%swap3A_411, %swap3A_412] {strides = array<i32>} : memref<16x1024xf32, #tpu.memory_space<vmem>>, vector<1x16xf32>,
        %swap3A_414 = vector.shape_cast %swap3A_413 : vector<1x16xf32> to vector<16xf32>
        %swap3A_415 = vector.shape_cast %mul3A_410 : vector<16xf32> to vector<1x16xf32>
        tpu.vector_store %arg4[%swap3A_411, %swap3A_412], %swap3A_415 {strides = array<i32>} : memref<16x1024xf32, #tpu.memory_space<vmem>>, vector<1x16xf32>,
        %get3A_416 = arith.index_cast %scan3A_129 : i32 to index
        %get3A_417 = arith.constant 384 : index
        %get3A_418 = tpu.vector_load %arg4[%get3A_416, %get3A_417] {strides = array<i32>} : memref<16x1024xf32, #tpu.memory_space<vmem>>, vector<1x16xf32>,
        %get3A_419 = vector.shape_cast %get3A_418 : vector<1x16xf32> to vector<16xf32>
        %mul3A_420 = arith.constant 3.125000e-02 : f32
        %mul3A_421 = vector.broadcast %mul3A_420 : f32 to vector<16xf32>
        %mul3A_422 = arith.mulf %get3A_419, %mul3A_421 : vector<16xf32>
        %swap3A_423 = arith.index_cast %scan3A_129 : i32 to index
        %swap3A_424 = arith.constant 384 : index
        %swap3A_425 = tpu.vector_load %arg4[%swap3A_423, %swap3A_424] {strides = array<i32>} : memref<16x1024xf32, #tpu.memory_space<vmem>>, vector<1x16xf32>,
        %swap3A_426 = vector.shape_cast %swap3A_425 : vector<1x16xf32> to vector<16xf32>
        %swap3A_427 = vector.shape_cast %mul3A_422 : vector<16xf32> to vector<1x16xf32>
        tpu.vector_store %arg4[%swap3A_423, %swap3A_424], %swap3A_427 {strides = array<i32>} : memref<16x1024xf32, #tpu.memory_space<vmem>>, vector<1x16xf32>,
        %get3A_428 = arith.index_cast %scan3A_129 : i32 to index
        %get3A_429 = arith.constant 400 : index
        %get3A_430 = tpu.vector_load %arg4[%get3A_428, %get3A_429] {strides = array<i32>} : memref<16x1024xf32, #tpu.memory_space<vmem>>, vector<1x16xf32>,
        %get3A_431 = vector.shape_cast %get3A_430 : vector<1x16xf32> to vector<16xf32>
        %mul3A_432 = arith.constant 3.125000e-02 : f32
        %mul3A_433 = vector.broadcast %mul3A_432 : f32 to vector<16xf32>
        %mul3A_434 = arith.mulf %get3A_431, %mul3A_433 : vector<16xf32>
        %swap3A_435 = arith.index_cast %scan3A_129 : i32 to index
        %swap3A_436 = arith.constant 400 : index
        %swap3A_437 = tpu.vector_load %arg4[%swap3A_435, %swap3A_436] {strides = array<i32>} : memref<16x1024xf32, #tpu.memory_space<vmem>>, vector<1x16xf32>,
        %swap3A_438 = vector.shape_cast %swap3A_437 : vector<1x16xf32> to vector<16xf32>
        %swap3A_439 = vector.shape_cast %mul3A_434 : vector<16xf32> to vector<1x16xf32>
        tpu.vector_store %arg4[%swap3A_435, %swap3A_436], %swap3A_439 {strides = array<i32>} : memref<16x1024xf32, #tpu.memory_space<vmem>>, vector<1x16xf32>,
        %get3A_440 = arith.index_cast %scan3A_129 : i32 to index
        %get3A_441 = arith.constant 416 : index
        %get3A_442 = tpu.vector_load %arg4[%get3A_440, %get3A_441] {strides = array<i32>} : memref<16x1024xf32, #tpu.memory_space<vmem>>, vector<1x16xf32>,
        %get3A_443 = vector.shape_cast %get3A_442 : vector<1x16xf32> to vector<16xf32>
        %mul3A_444 = arith.constant 3.125000e-02 : f32
        %mul3A_445 = vector.broadcast %mul3A_444 : f32 to vector<16xf32>
        %mul3A_446 = arith.mulf %get3A_443, %mul3A_445 : vector<16xf32>
        %swap3A_447 = arith.index_cast %scan3A_129 : i32 to index
        %swap3A_448 = arith.constant 416 : index
        %swap3A_449 = tpu.vector_load %arg4[%swap3A_447, %swap3A_448] {strides = array<i32>} : memref<16x1024xf32, #tpu.memory_space<vmem>>, vector<1x16xf32>,
        %swap3A_450 = vector.shape_cast %swap3A_449 : vector<1x16xf32> to vector<16xf32>
        %swap3A_451 = vector.shape_cast %mul3A_446 : vector<16xf32> to vector<1x16xf32>
        tpu.vector_store %arg4[%swap3A_447, %swap3A_448], %swap3A_451 {strides = array<i32>} : memref<16x1024xf32, #tpu.memory_space<vmem>>, vector<1x16xf32>,
        %get3A_452 = arith.index_cast %scan3A_129 : i32 to index
        %get3A_453 = arith.constant 432 : index
        %get3A_454 = tpu.vector_load %arg4[%get3A_452, %get3A_453] {strides = array<i32>} : memref<16x1024xf32, #tpu.memory_space<vmem>>, vector<1x16xf32>,
        %get3A_455 = vector.shape_cast %get3A_454 : vector<1x16xf32> to vector<16xf32>
        %mul3A_456 = arith.constant 3.125000e-02 : f32
        %mul3A_457 = vector.broadcast %mul3A_456 : f32 to vector<16xf32>
        %mul3A_458 = arith.mulf %get3A_455, %mul3A_457 : vector<16xf32>
        %swap3A_459 = arith.index_cast %scan3A_129 : i32 to index
        %swap3A_460 = arith.constant 432 : index
        %swap3A_461 = tpu.vector_load %arg4[%swap3A_459, %swap3A_460] {strides = array<i32>} : memref<16x1024xf32, #tpu.memory_space<vmem>>, vector<1x16xf32>,
        %swap3A_462 = vector.shape_cast %swap3A_461 : vector<1x16xf32> to vector<16xf32>
        %swap3A_463 = vector.shape_cast %mul3A_458 : vector<16xf32> to vector<1x16xf32>
        tpu.vector_store %arg4[%swap3A_459, %swap3A_460], %swap3A_463 {strides = array<i32>} : memref<16x1024xf32, #tpu.memory_space<vmem>>, vector<1x16xf32>,
        %get3A_464 = arith.index_cast %scan3A_129 : i32 to index
        %get3A_465 = arith.constant 448 : index
        %get3A_466 = tpu.vector_load %arg4[%get3A_464, %get3A_465] {strides = array<i32>} : memref<16x1024xf32, #tpu.memory_space<vmem>>, vector<1x16xf32>,
        %get3A_467 = vector.shape_cast %get3A_466 : vector<1x16xf32> to vector<16xf32>
        %mul3A_468 = arith.constant 3.125000e-02 : f32
        %mul3A_469 = vector.broadcast %mul3A_468 : f32 to vector<16xf32>
        %mul3A_470 = arith.mulf %get3A_467, %mul3A_469 : vector<16xf32>
        %swap3A_471 = arith.index_cast %scan3A_129 : i32 to index
        %swap3A_472 = arith.constant 448 : index
        %swap3A_473 = tpu.vector_load %arg4[%swap3A_471, %swap3A_472] {strides = array<i32>} : memref<16x1024xf32, #tpu.memory_space<vmem>>, vector<1x16xf32>,
        %swap3A_474 = vector.shape_cast %swap3A_473 : vector<1x16xf32> to vector<16xf32>
        %swap3A_475 = vector.shape_cast %mul3A_470 : vector<16xf32> to vector<1x16xf32>
        tpu.vector_store %arg4[%swap3A_471, %swap3A_472], %swap3A_475 {strides = array<i32>} : memref<16x1024xf32, #tpu.memory_space<vmem>>, vector<1x16xf32>,
        %get3A_476 = arith.index_cast %scan3A_129 : i32 to index
        %get3A_477 = arith.constant 464 : index
        %get3A_478 = tpu.vector_load %arg4[%get3A_476, %get3A_477] {strides = array<i32>} : memref<16x1024xf32, #tpu.memory_space<vmem>>, vector<1x16xf32>,
        %get3A_479 = vector.shape_cast %get3A_478 : vector<1x16xf32> to vector<16xf32>
        %mul3A_480 = arith.constant 3.125000e-02 : f32
        %mul3A_481 = vector.broadcast %mul3A_480 : f32 to vector<16xf32>
        %mul3A_482 = arith.mulf %get3A_479, %mul3A_481 : vector<16xf32>
        %swap3A_483 = arith.index_cast %scan3A_129 : i32 to index
        %swap3A_484 = arith.constant 464 : index
        %swap3A_485 = tpu.vector_load %arg4[%swap3A_483, %swap3A_484] {strides = array<i32>} : memref<16x1024xf32, #tpu.memory_space<vmem>>, vector<1x16xf32>,
        %swap3A_486 = vector.shape_cast %swap3A_485 : vector<1x16xf32> to vector<16xf32>
        %swap3A_487 = vector.shape_cast %mul3A_482 : vector<16xf32> to vector<1x16xf32>
        tpu.vector_store %arg4[%swap3A_483, %swap3A_484], %swap3A_487 {strides = array<i32>} : memref<16x1024xf32, #tpu.memory_space<vmem>>, vector<1x16xf32>,
        %get3A_488 = arith.index_cast %scan3A_129 : i32 to index
        %get3A_489 = arith.constant 480 : index
        %get3A_490 = tpu.vector_load %arg4[%get3A_488, %get3A_489] {strides = array<i32>} : memref<16x1024xf32, #tpu.memory_space<vmem>>, vector<1x16xf32>,
        %get3A_491 = vector.shape_cast %get3A_490 : vector<1x16xf32> to vector<16xf32>
        %mul3A_492 = arith.constant 3.125000e-02 : f32
        %mul3A_493 = vector.broadcast %mul3A_492 : f32 to vector<16xf32>
        %mul3A_494 = arith.mulf %get3A_491, %mul3A_493 : vector<16xf32>
        %swap3A_495 = arith.index_cast %scan3A_129 : i32 to index
        %swap3A_496 = arith.constant 480 : index
        %swap3A_497 = tpu.vector_load %arg4[%swap3A_495, %swap3A_496] {strides = array<i32>} : memref<16x1024xf32, #tpu.memory_space<vmem>>, vector<1x16xf32>,
        %swap3A_498 = vector.shape_cast %swap3A_497 : vector<1x16xf32> to vector<16xf32>
        %swap3A_499 = vector.shape_cast %mul3A_494 : vector<16xf32> to vector<1x16xf32>
        tpu.vector_store %arg4[%swap3A_495, %swap3A_496], %swap3A_499 {strides = array<i32>} : memref<16x1024xf32, #tpu.memory_space<vmem>>, vector<1x16xf32>,
        %get3A_500 = arith.index_cast %scan3A_129 : i32 to index
        %get3A_501 = arith.constant 496 : index
        %get3A_502 = tpu.vector_load %arg4[%get3A_500, %get3A_501] {strides = array<i32>} : memref<16x1024xf32, #tpu.memory_space<vmem>>, vector<1x16xf32>,
        %get3A_503 = vector.shape_cast %get3A_502 : vector<1x16xf32> to vector<16xf32>
        %mul3A_504 = arith.constant 3.125000e-02 : f32
        %mul3A_505 = vector.broadcast %mul3A_504 : f32 to vector<16xf32>
        %mul3A_506 = arith.mulf %get3A_503, %mul3A_505 : vector<16xf32>
        %swap3A_507 = arith.index_cast %scan3A_129 : i32 to index
        %swap3A_508 = arith.constant 496 : index
        %swap3A_509 = tpu.vector_load %arg4[%swap3A_507, %swap3A_508] {strides = array<i32>} : memref<16x1024xf32, #tpu.memory_space<vmem>>, vector<1x16xf32>,
        %swap3A_510 = vector.shape_cast %swap3A_509 : vector<1x16xf32> to vector<16xf32>
        %swap3A_511 = vector.shape_cast %mul3A_506 : vector<16xf32> to vector<1x16xf32>
        tpu.vector_store %arg4[%swap3A_507, %swap3A_508], %swap3A_511 {strides = array<i32>} : memref<16x1024xf32, #tpu.memory_space<vmem>>, vector<1x16xf32>,
        %get3A_512 = arith.index_cast %scan3A_129 : i32 to index
        %get3A_513 = arith.constant 512 : index
        %get3A_514 = tpu.vector_load %arg4[%get3A_512, %get3A_513] {strides = array<i32>} : memref<16x1024xf32, #tpu.memory_space<vmem>>, vector<1x16xf32>,
        %get3A_515 = vector.shape_cast %get3A_514 : vector<1x16xf32> to vector<16xf32>
        %mul3A_516 = arith.constant 3.125000e-02 : f32
        %mul3A_517 = vector.broadcast %mul3A_516 : f32 to vector<16xf32>
        %mul3A_518 = arith.mulf %get3A_515, %mul3A_517 : vector<16xf32>
        %swap3A_519 = arith.index_cast %scan3A_129 : i32 to index
        %swap3A_520 = arith.constant 512 : index
        %swap3A_521 = tpu.vector_load %arg4[%swap3A_519, %swap3A_520] {strides = array<i32>} : memref<16x1024xf32, #tpu.memory_space<vmem>>, vector<1x16xf32>,
        %swap3A_522 = vector.shape_cast %swap3A_521 : vector<1x16xf32> to vector<16xf32>
        %swap3A_523 = vector.shape_cast %mul3A_518 : vector<16xf32> to vector<1x16xf32>
        tpu.vector_store %arg4[%swap3A_519, %swap3A_520], %swap3A_523 {strides = array<i32>} : memref<16x1024xf32, #tpu.memory_space<vmem>>, vector<1x16xf32>,
        %get3A_524 = arith.index_cast %scan3A_129 : i32 to index
        %get3A_525 = arith.constant 528 : index
        %get3A_526 = tpu.vector_load %arg4[%get3A_524, %get3A_525] {strides = array<i32>} : memref<16x1024xf32, #tpu.memory_space<vmem>>, vector<1x16xf32>,
        %get3A_527 = vector.shape_cast %get3A_526 : vector<1x16xf32> to vector<16xf32>
        %mul3A_528 = arith.constant 3.125000e-02 : f32
        %mul3A_529 = vector.broadcast %mul3A_528 : f32 to vector<16xf32>
        %mul3A_530 = arith.mulf %get3A_527, %mul3A_529 : vector<16xf32>
        %swap3A_531 = arith.index_cast %scan3A_129 : i32 to index
        %swap3A_532 = arith.constant 528 : index
        %swap3A_533 = tpu.vector_load %arg4[%swap3A_531, %swap3A_532] {strides = array<i32>} : memref<16x1024xf32, #tpu.memory_space<vmem>>, vector<1x16xf32>,
        %swap3A_534 = vector.shape_cast %swap3A_533 : vector<1x16xf32> to vector<16xf32>
        %swap3A_535 = vector.shape_cast %mul3A_530 : vector<16xf32> to vector<1x16xf32>
        tpu.vector_store %arg4[%swap3A_531, %swap3A_532], %swap3A_535 {strides = array<i32>} : memref<16x1024xf32, #tpu.memory_space<vmem>>, vector<1x16xf32>,
        %get3A_536 = arith.index_cast %scan3A_129 : i32 to index
        %get3A_537 = arith.constant 544 : index
        %get3A_538 = tpu.vector_load %arg4[%get3A_536, %get3A_537] {strides = array<i32>} : memref<16x1024xf32, #tpu.memory_space<vmem>>, vector<1x16xf32>,
        %get3A_539 = vector.shape_cast %get3A_538 : vector<1x16xf32> to vector<16xf32>
        %mul3A_540 = arith.constant 3.125000e-02 : f32
        %mul3A_541 = vector.broadcast %mul3A_540 : f32 to vector<16xf32>
        %mul3A_542 = arith.mulf %get3A_539, %mul3A_541 : vector<16xf32>
        %swap3A_543 = arith.index_cast %scan3A_129 : i32 to index
        %swap3A_544 = arith.constant 544 : index
        %swap3A_545 = tpu.vector_load %arg4[%swap3A_543, %swap3A_544] {strides = array<i32>} : memref<16x1024xf32, #tpu.memory_space<vmem>>, vector<1x16xf32>,
        %swap3A_546 = vector.shape_cast %swap3A_545 : vector<1x16xf32> to vector<16xf32>
        %swap3A_547 = vector.shape_cast %mul3A_542 : vector<16xf32> to vector<1x16xf32>
        tpu.vector_store %arg4[%swap3A_543, %swap3A_544], %swap3A_547 {strides = array<i32>} : memref<16x1024xf32, #tpu.memory_space<vmem>>, vector<1x16xf32>,
        %get3A_548 = arith.index_cast %scan3A_129 : i32 to index
        %get3A_549 = arith.constant 560 : index
        %get3A_550 = tpu.vector_load %arg4[%get3A_548, %get3A_549] {strides = array<i32>} : memref<16x1024xf32, #tpu.memory_space<vmem>>, vector<1x16xf32>,
        %get3A_551 = vector.shape_cast %get3A_550 : vector<1x16xf32> to vector<16xf32>
        %mul3A_552 = arith.constant 3.125000e-02 : f32
        %mul3A_553 = vector.broadcast %mul3A_552 : f32 to vector<16xf32>
        %mul3A_554 = arith.mulf %get3A_551, %mul3A_553 : vector<16xf32>
        %swap3A_555 = arith.index_cast %scan3A_129 : i32 to index
        %swap3A_556 = arith.constant 560 : index
        %swap3A_557 = tpu.vector_load %arg4[%swap3A_555, %swap3A_556] {strides = array<i32>} : memref<16x1024xf32, #tpu.memory_space<vmem>>, vector<1x16xf32>,
        %swap3A_558 = vector.shape_cast %swap3A_557 : vector<1x16xf32> to vector<16xf32>
        %swap3A_559 = vector.shape_cast %mul3A_554 : vector<16xf32> to vector<1x16xf32>
        tpu.vector_store %arg4[%swap3A_555, %swap3A_556], %swap3A_559 {strides = array<i32>} : memref<16x1024xf32, #tpu.memory_space<vmem>>, vector<1x16xf32>,
        %get3A_560 = arith.index_cast %scan3A_129 : i32 to index
        %get3A_561 = arith.constant 576 : index
        %get3A_562 = tpu.vector_load %arg4[%get3A_560, %get3A_561] {strides = array<i32>} : memref<16x1024xf32, #tpu.memory_space<vmem>>, vector<1x16xf32>,
        %get3A_563 = vector.shape_cast %get3A_562 : vector<1x16xf32> to vector<16xf32>
        %mul3A_564 = arith.constant 3.125000e-02 : f32
        %mul3A_565 = vector.broadcast %mul3A_564 : f32 to vector<16xf32>
        %mul3A_566 = arith.mulf %get3A_563, %mul3A_565 : vector<16xf32>
        %swap3A_567 = arith.index_cast %scan3A_129 : i32 to index
        %swap3A_568 = arith.constant 576 : index
        %swap3A_569 = tpu.vector_load %arg4[%swap3A_567, %swap3A_568] {strides = array<i32>} : memref<16x1024xf32, #tpu.memory_space<vmem>>, vector<1x16xf32>,
        %swap3A_570 = vector.shape_cast %swap3A_569 : vector<1x16xf32> to vector<16xf32>
        %swap3A_571 = vector.shape_cast %mul3A_566 : vector<16xf32> to vector<1x16xf32>
        tpu.vector_store %arg4[%swap3A_567, %swap3A_568], %swap3A_571 {strides = array<i32>} : memref<16x1024xf32, #tpu.memory_space<vmem>>, vector<1x16xf32>,
        %get3A_572 = arith.index_cast %scan3A_129 : i32 to index
        %get3A_573 = arith.constant 592 : index
        %get3A_574 = tpu.vector_load %arg4[%get3A_572, %get3A_573] {strides = array<i32>} : memref<16x1024xf32, #tpu.memory_space<vmem>>, vector<1x16xf32>,
        %get3A_575 = vector.shape_cast %get3A_574 : vector<1x16xf32> to vector<16xf32>
        %mul3A_576 = arith.constant 3.125000e-02 : f32
        %mul3A_577 = vector.broadcast %mul3A_576 : f32 to vector<16xf32>
        %mul3A_578 = arith.mulf %get3A_575, %mul3A_577 : vector<16xf32>
        %swap3A_579 = arith.index_cast %scan3A_129 : i32 to index
        %swap3A_580 = arith.constant 592 : index
        %swap3A_581 = tpu.vector_load %arg4[%swap3A_579, %swap3A_580] {strides = array<i32>} : memref<16x1024xf32, #tpu.memory_space<vmem>>, vector<1x16xf32>,
        %swap3A_582 = vector.shape_cast %swap3A_581 : vector<1x16xf32> to vector<16xf32>
        %swap3A_583 = vector.shape_cast %mul3A_578 : vector<16xf32> to vector<1x16xf32>
        tpu.vector_store %arg4[%swap3A_579, %swap3A_580], %swap3A_583 {strides = array<i32>} : memref<16x1024xf32, #tpu.memory_space<vmem>>, vector<1x16xf32>,
        %get3A_584 = arith.index_cast %scan3A_129 : i32 to index
        %get3A_585 = arith.constant 608 : index
        %get3A_586 = tpu.vector_load %arg4[%get3A_584, %get3A_585] {strides = array<i32>} : memref<16x1024xf32, #tpu.memory_space<vmem>>, vector<1x16xf32>,
        %get3A_587 = vector.shape_cast %get3A_586 : vector<1x16xf32> to vector<16xf32>
        %mul3A_588 = arith.constant 3.125000e-02 : f32
        %mul3A_589 = vector.broadcast %mul3A_588 : f32 to vector<16xf32>
        %mul3A_590 = arith.mulf %get3A_587, %mul3A_589 : vector<16xf32>
        %swap3A_591 = arith.index_cast %scan3A_129 : i32 to index
        %swap3A_592 = arith.constant 608 : index
        %swap3A_593 = tpu.vector_load %arg4[%swap3A_591, %swap3A_592] {strides = array<i32>} : memref<16x1024xf32, #tpu.memory_space<vmem>>, vector<1x16xf32>,
        %swap3A_594 = vector.shape_cast %swap3A_593 : vector<1x16xf32> to vector<16xf32>
        %swap3A_595 = vector.shape_cast %mul3A_590 : vector<16xf32> to vector<1x16xf32>
        tpu.vector_store %arg4[%swap3A_591, %swap3A_592], %swap3A_595 {strides = array<i32>} : memref<16x1024xf32, #tpu.memory_space<vmem>>, vector<1x16xf32>,
        %get3A_596 = arith.index_cast %scan3A_129 : i32 to index
        %get3A_597 = arith.constant 624 : index
        %get3A_598 = tpu.vector_load %arg4[%get3A_596, %get3A_597] {strides = array<i32>} : memref<16x1024xf32, #tpu.memory_space<vmem>>, vector<1x16xf32>,
        %get3A_599 = vector.shape_cast %get3A_598 : vector<1x16xf32> to vector<16xf32>
        %mul3A_600 = arith.constant 3.125000e-02 : f32
        %mul3A_601 = vector.broadcast %mul3A_600 : f32 to vector<16xf32>
        %mul3A_602 = arith.mulf %get3A_599, %mul3A_601 : vector<16xf32>
        %swap3A_603 = arith.index_cast %scan3A_129 : i32 to index
        %swap3A_604 = arith.constant 624 : index
        %swap3A_605 = tpu.vector_load %arg4[%swap3A_603, %swap3A_604] {strides = array<i32>} : memref<16x1024xf32, #tpu.memory_space<vmem>>, vector<1x16xf32>,
        %swap3A_606 = vector.shape_cast %swap3A_605 : vector<1x16xf32> to vector<16xf32>
        %swap3A_607 = vector.shape_cast %mul3A_602 : vector<16xf32> to vector<1x16xf32>
        tpu.vector_store %arg4[%swap3A_603, %swap3A_604], %swap3A_607 {strides = array<i32>} : memref<16x1024xf32, #tpu.memory_space<vmem>>, vector<1x16xf32>,
        %get3A_608 = arith.index_cast %scan3A_129 : i32 to index
        %get3A_609 = arith.constant 640 : index
        %get3A_610 = tpu.vector_load %arg4[%get3A_608, %get3A_609] {strides = array<i32>} : memref<16x1024xf32, #tpu.memory_space<vmem>>, vector<1x16xf32>,
        %get3A_611 = vector.shape_cast %get3A_610 : vector<1x16xf32> to vector<16xf32>
        %mul3A_612 = arith.constant 3.125000e-02 : f32
        %mul3A_613 = vector.broadcast %mul3A_612 : f32 to vector<16xf32>
        %mul3A_614 = arith.mulf %get3A_611, %mul3A_613 : vector<16xf32>
        %swap3A_615 = arith.index_cast %scan3A_129 : i32 to index
        %swap3A_616 = arith.constant 640 : index
        %swap3A_617 = tpu.vector_load %arg4[%swap3A_615, %swap3A_616] {strides = array<i32>} : memref<16x1024xf32, #tpu.memory_space<vmem>>, vector<1x16xf32>,
        %swap3A_618 = vector.shape_cast %swap3A_617 : vector<1x16xf32> to vector<16xf32>
        %swap3A_619 = vector.shape_cast %mul3A_614 : vector<16xf32> to vector<1x16xf32>
        tpu.vector_store %arg4[%swap3A_615, %swap3A_616], %swap3A_619 {strides = array<i32>} : memref<16x1024xf32, #tpu.memory_space<vmem>>, vector<1x16xf32>,
        %get3A_620 = arith.index_cast %scan3A_129 : i32 to index
        %get3A_621 = arith.constant 656 : index
        %get3A_622 = tpu.vector_load %arg4[%get3A_620, %get3A_621] {strides = array<i32>} : memref<16x1024xf32, #tpu.memory_space<vmem>>, vector<1x16xf32>,
        %get3A_623 = vector.shape_cast %get3A_622 : vector<1x16xf32> to vector<16xf32>
        %mul3A_624 = arith.constant 3.125000e-02 : f32
        %mul3A_625 = vector.broadcast %mul3A_624 : f32 to vector<16xf32>
        %mul3A_626 = arith.mulf %get3A_623, %mul3A_625 : vector<16xf32>
        %swap3A_627 = arith.index_cast %scan3A_129 : i32 to index
        %swap3A_628 = arith.constant 656 : index
        %swap3A_629 = tpu.vector_load %arg4[%swap3A_627, %swap3A_628] {strides = array<i32>} : memref<16x1024xf32, #tpu.memory_space<vmem>>, vector<1x16xf32>,
        %swap3A_630 = vector.shape_cast %swap3A_629 : vector<1x16xf32> to vector<16xf32>
        %swap3A_631 = vector.shape_cast %mul3A_626 : vector<16xf32> to vector<1x16xf32>
        tpu.vector_store %arg4[%swap3A_627, %swap3A_628], %swap3A_631 {strides = array<i32>} : memref<16x1024xf32, #tpu.memory_space<vmem>>, vector<1x16xf32>,
        %get3A_632 = arith.index_cast %scan3A_129 : i32 to index
        %get3A_633 = arith.constant 672 : index
        %get3A_634 = tpu.vector_load %arg4[%get3A_632, %get3A_633] {strides = array<i32>} : memref<16x1024xf32, #tpu.memory_space<vmem>>, vector<1x16xf32>,
        %get3A_635 = vector.shape_cast %get3A_634 : vector<1x16xf32> to vector<16xf32>
        %mul3A_636 = arith.constant 3.125000e-02 : f32
        %mul3A_637 = vector.broadcast %mul3A_636 : f32 to vector<16xf32>
        %mul3A_638 = arith.mulf %get3A_635, %mul3A_637 : vector<16xf32>
        %swap3A_639 = arith.index_cast %scan3A_129 : i32 to index
        %swap3A_640 = arith.constant 672 : index
        %swap3A_641 = tpu.vector_load %arg4[%swap3A_639, %swap3A_640] {strides = array<i32>} : memref<16x1024xf32, #tpu.memory_space<vmem>>, vector<1x16xf32>,
        %swap3A_642 = vector.shape_cast %swap3A_641 : vector<1x16xf32> to vector<16xf32>
        %swap3A_643 = vector.shape_cast %mul3A_638 : vector<16xf32> to vector<1x16xf32>
        tpu.vector_store %arg4[%swap3A_639, %swap3A_640], %swap3A_643 {strides = array<i32>} : memref<16x1024xf32, #tpu.memory_space<vmem>>, vector<1x16xf32>,
        %get3A_644 = arith.index_cast %scan3A_129 : i32 to index
        %get3A_645 = arith.constant 688 : index
        %get3A_646 = tpu.vector_load %arg4[%get3A_644, %get3A_645] {strides = array<i32>} : memref<16x1024xf32, #tpu.memory_space<vmem>>, vector<1x16xf32>,
        %get3A_647 = vector.shape_cast %get3A_646 : vector<1x16xf32> to vector<16xf32>
        %mul3A_648 = arith.constant 3.125000e-02 : f32
        %mul3A_649 = vector.broadcast %mul3A_648 : f32 to vector<16xf32>
        %mul3A_650 = arith.mulf %get3A_647, %mul3A_649 : vector<16xf32>
        %swap3A_651 = arith.index_cast %scan3A_129 : i32 to index
        %swap3A_652 = arith.constant 688 : index
        %swap3A_653 = tpu.vector_load %arg4[%swap3A_651, %swap3A_652] {strides = array<i32>} : memref<16x1024xf32, #tpu.memory_space<vmem>>, vector<1x16xf32>,
        %swap3A_654 = vector.shape_cast %swap3A_653 : vector<1x16xf32> to vector<16xf32>
        %swap3A_655 = vector.shape_cast %mul3A_650 : vector<16xf32> to vector<1x16xf32>
        tpu.vector_store %arg4[%swap3A_651, %swap3A_652], %swap3A_655 {strides = array<i32>} : memref<16x1024xf32, #tpu.memory_space<vmem>>, vector<1x16xf32>,
        %get3A_656 = arith.index_cast %scan3A_129 : i32 to index
        %get3A_657 = arith.constant 704 : index
        %get3A_658 = tpu.vector_load %arg4[%get3A_656, %get3A_657] {strides = array<i32>} : memref<16x1024xf32, #tpu.memory_space<vmem>>, vector<1x16xf32>,
        %get3A_659 = vector.shape_cast %get3A_658 : vector<1x16xf32> to vector<16xf32>
        %mul3A_660 = arith.constant 3.125000e-02 : f32
        %mul3A_661 = vector.broadcast %mul3A_660 : f32 to vector<16xf32>
        %mul3A_662 = arith.mulf %get3A_659, %mul3A_661 : vector<16xf32>
        %swap3A_663 = arith.index_cast %scan3A_129 : i32 to index
        %swap3A_664 = arith.constant 704 : index
        %swap3A_665 = tpu.vector_load %arg4[%swap3A_663, %swap3A_664] {strides = array<i32>} : memref<16x1024xf32, #tpu.memory_space<vmem>>, vector<1x16xf32>,
        %swap3A_666 = vector.shape_cast %swap3A_665 : vector<1x16xf32> to vector<16xf32>
        %swap3A_667 = vector.shape_cast %mul3A_662 : vector<16xf32> to vector<1x16xf32>
        tpu.vector_store %arg4[%swap3A_663, %swap3A_664], %swap3A_667 {strides = array<i32>} : memref<16x1024xf32, #tpu.memory_space<vmem>>, vector<1x16xf32>,
        %get3A_668 = arith.index_cast %scan3A_129 : i32 to index
        %get3A_669 = arith.constant 720 : index
        %get3A_670 = tpu.vector_load %arg4[%get3A_668, %get3A_669] {strides = array<i32>} : memref<16x1024xf32, #tpu.memory_space<vmem>>, vector<1x16xf32>,
        %get3A_671 = vector.shape_cast %get3A_670 : vector<1x16xf32> to vector<16xf32>
        %mul3A_672 = arith.constant 3.125000e-02 : f32
        %mul3A_673 = vector.broadcast %mul3A_672 : f32 to vector<16xf32>
        %mul3A_674 = arith.mulf %get3A_671, %mul3A_673 : vector<16xf32>
        %swap3A_675 = arith.index_cast %scan3A_129 : i32 to index
        %swap3A_676 = arith.constant 720 : index
        %swap3A_677 = tpu.vector_load %arg4[%swap3A_675, %swap3A_676] {strides = array<i32>} : memref<16x1024xf32, #tpu.memory_space<vmem>>, vector<1x16xf32>,
        %swap3A_678 = vector.shape_cast %swap3A_677 : vector<1x16xf32> to vector<16xf32>
        %swap3A_679 = vector.shape_cast %mul3A_674 : vector<16xf32> to vector<1x16xf32>
        tpu.vector_store %arg4[%swap3A_675, %swap3A_676], %swap3A_679 {strides = array<i32>} : memref<16x1024xf32, #tpu.memory_space<vmem>>, vector<1x16xf32>,
        %get3A_680 = arith.index_cast %scan3A_129 : i32 to index
        %get3A_681 = arith.constant 736 : index
        %get3A_682 = tpu.vector_load %arg4[%get3A_680, %get3A_681] {strides = array<i32>} : memref<16x1024xf32, #tpu.memory_space<vmem>>, vector<1x16xf32>,
        %get3A_683 = vector.shape_cast %get3A_682 : vector<1x16xf32> to vector<16xf32>
        %mul3A_684 = arith.constant 3.125000e-02 : f32
        %mul3A_685 = vector.broadcast %mul3A_684 : f32 to vector<16xf32>
        %mul3A_686 = arith.mulf %get3A_683, %mul3A_685 : vector<16xf32>
        %swap3A_687 = arith.index_cast %scan3A_129 : i32 to index
        %swap3A_688 = arith.constant 736 : index
        %swap3A_689 = tpu.vector_load %arg4[%swap3A_687, %swap3A_688] {strides = array<i32>} : memref<16x1024xf32, #tpu.memory_space<vmem>>, vector<1x16xf32>,
        %swap3A_690 = vector.shape_cast %swap3A_689 : vector<1x16xf32> to vector<16xf32>
        %swap3A_691 = vector.shape_cast %mul3A_686 : vector<16xf32> to vector<1x16xf32>
        tpu.vector_store %arg4[%swap3A_687, %swap3A_688], %swap3A_691 {strides = array<i32>} : memref<16x1024xf32, #tpu.memory_space<vmem>>, vector<1x16xf32>,
        %get3A_692 = arith.index_cast %scan3A_129 : i32 to index
        %get3A_693 = arith.constant 752 : index
        %get3A_694 = tpu.vector_load %arg4[%get3A_692, %get3A_693] {strides = array<i32>} : memref<16x1024xf32, #tpu.memory_space<vmem>>, vector<1x16xf32>,
        %get3A_695 = vector.shape_cast %get3A_694 : vector<1x16xf32> to vector<16xf32>
        %mul3A_696 = arith.constant 3.125000e-02 : f32
        %mul3A_697 = vector.broadcast %mul3A_696 : f32 to vector<16xf32>
        %mul3A_698 = arith.mulf %get3A_695, %mul3A_697 : vector<16xf32>
        %swap3A_699 = arith.index_cast %scan3A_129 : i32 to index
        %swap3A_700 = arith.constant 752 : index
        %swap3A_701 = tpu.vector_load %arg4[%swap3A_699, %swap3A_700] {strides = array<i32>} : memref<16x1024xf32, #tpu.memory_space<vmem>>, vector<1x16xf32>,
        %swap3A_702 = vector.shape_cast %swap3A_701 : vector<1x16xf32> to vector<16xf32>
        %swap3A_703 = vector.shape_cast %mul3A_698 : vector<16xf32> to vector<1x16xf32>
        tpu.vector_store %arg4[%swap3A_699, %swap3A_700], %swap3A_703 {strides = array<i32>} : memref<16x1024xf32, #tpu.memory_space<vmem>>, vector<1x16xf32>,
        %get3A_704 = arith.index_cast %scan3A_129 : i32 to index
        %get3A_705 = arith.constant 768 : index
        %get3A_706 = tpu.vector_load %arg4[%get3A_704, %get3A_705] {strides = array<i32>} : memref<16x1024xf32, #tpu.memory_space<vmem>>, vector<1x16xf32>,
        %get3A_707 = vector.shape_cast %get3A_706 : vector<1x16xf32> to vector<16xf32>
        %mul3A_708 = arith.constant 3.125000e-02 : f32
        %mul3A_709 = vector.broadcast %mul3A_708 : f32 to vector<16xf32>
        %mul3A_710 = arith.mulf %get3A_707, %mul3A_709 : vector<16xf32>
        %swap3A_711 = arith.index_cast %scan3A_129 : i32 to index
        %swap3A_712 = arith.constant 768 : index
        %swap3A_713 = tpu.vector_load %arg4[%swap3A_711, %swap3A_712] {strides = array<i32>} : memref<16x1024xf32, #tpu.memory_space<vmem>>, vector<1x16xf32>,
        %swap3A_714 = vector.shape_cast %swap3A_713 : vector<1x16xf32> to vector<16xf32>
        %swap3A_715 = vector.shape_cast %mul3A_710 : vector<16xf32> to vector<1x16xf32>
        tpu.vector_store %arg4[%swap3A_711, %swap3A_712], %swap3A_715 {strides = array<i32>} : memref<16x1024xf32, #tpu.memory_space<vmem>>, vector<1x16xf32>,
        %get3A_716 = arith.index_cast %scan3A_129 : i32 to index
        %get3A_717 = arith.constant 784 : index
        %get3A_718 = tpu.vector_load %arg4[%get3A_716, %get3A_717] {strides = array<i32>} : memref<16x1024xf32, #tpu.memory_space<vmem>>, vector<1x16xf32>,
        %get3A_719 = vector.shape_cast %get3A_718 : vector<1x16xf32> to vector<16xf32>
        %mul3A_720 = arith.constant 3.125000e-02 : f32
        %mul3A_721 = vector.broadcast %mul3A_720 : f32 to vector<16xf32>
        %mul3A_722 = arith.mulf %get3A_719, %mul3A_721 : vector<16xf32>
        %swap3A_723 = arith.index_cast %scan3A_129 : i32 to index
        %swap3A_724 = arith.constant 784 : index
        %swap3A_725 = tpu.vector_load %arg4[%swap3A_723, %swap3A_724] {strides = array<i32>} : memref<16x1024xf32, #tpu.memory_space<vmem>>, vector<1x16xf32>,
        %swap3A_726 = vector.shape_cast %swap3A_725 : vector<1x16xf32> to vector<16xf32>
        %swap3A_727 = vector.shape_cast %mul3A_722 : vector<16xf32> to vector<1x16xf32>
        tpu.vector_store %arg4[%swap3A_723, %swap3A_724], %swap3A_727 {strides = array<i32>} : memref<16x1024xf32, #tpu.memory_space<vmem>>, vector<1x16xf32>,
        %get3A_728 = arith.index_cast %scan3A_129 : i32 to index
        %get3A_729 = arith.constant 800 : index
        %get3A_730 = tpu.vector_load %arg4[%get3A_728, %get3A_729] {strides = array<i32>} : memref<16x1024xf32, #tpu.memory_space<vmem>>, vector<1x16xf32>,
        %get3A_731 = vector.shape_cast %get3A_730 : vector<1x16xf32> to vector<16xf32>
        %mul3A_732 = arith.constant 3.125000e-02 : f32
        %mul3A_733 = vector.broadcast %mul3A_732 : f32 to vector<16xf32>
        %mul3A_734 = arith.mulf %get3A_731, %mul3A_733 : vector<16xf32>
        %swap3A_735 = arith.index_cast %scan3A_129 : i32 to index
        %swap3A_736 = arith.constant 800 : index
        %swap3A_737 = tpu.vector_load %arg4[%swap3A_735, %swap3A_736] {strides = array<i32>} : memref<16x1024xf32, #tpu.memory_space<vmem>>, vector<1x16xf32>,
        %swap3A_738 = vector.shape_cast %swap3A_737 : vector<1x16xf32> to vector<16xf32>
        %swap3A_739 = vector.shape_cast %mul3A_734 : vector<16xf32> to vector<1x16xf32>
        tpu.vector_store %arg4[%swap3A_735, %swap3A_736], %swap3A_739 {strides = array<i32>} : memref<16x1024xf32, #tpu.memory_space<vmem>>, vector<1x16xf32>,
        %get3A_740 = arith.index_cast %scan3A_129 : i32 to index
        %get3A_741 = arith.constant 816 : index
        %get3A_742 = tpu.vector_load %arg4[%get3A_740, %get3A_741] {strides = array<i32>} : memref<16x1024xf32, #tpu.memory_space<vmem>>, vector<1x16xf32>,
        %get3A_743 = vector.shape_cast %get3A_742 : vector<1x16xf32> to vector<16xf32>
        %mul3A_744 = arith.constant 3.125000e-02 : f32
        %mul3A_745 = vector.broadcast %mul3A_744 : f32 to vector<16xf32>
        %mul3A_746 = arith.mulf %get3A_743, %mul3A_745 : vector<16xf32>
        %swap3A_747 = arith.index_cast %scan3A_129 : i32 to index
        %swap3A_748 = arith.constant 816 : index
        %swap3A_749 = tpu.vector_load %arg4[%swap3A_747, %swap3A_748] {strides = array<i32>} : memref<16x1024xf32, #tpu.memory_space<vmem>>, vector<1x16xf32>,
        %swap3A_750 = vector.shape_cast %swap3A_749 : vector<1x16xf32> to vector<16xf32>
        %swap3A_751 = vector.shape_cast %mul3A_746 : vector<16xf32> to vector<1x16xf32>
        tpu.vector_store %arg4[%swap3A_747, %swap3A_748], %swap3A_751 {strides = array<i32>} : memref<16x1024xf32, #tpu.memory_space<vmem>>, vector<1x16xf32>,
        %get3A_752 = arith.index_cast %scan3A_129 : i32 to index
        %get3A_753 = arith.constant 832 : index
        %get3A_754 = tpu.vector_load %arg4[%get3A_752, %get3A_753] {strides = array<i32>} : memref<16x1024xf32, #tpu.memory_space<vmem>>, vector<1x16xf32>,
        %get3A_755 = vector.shape_cast %get3A_754 : vector<1x16xf32> to vector<16xf32>
        %mul3A_756 = arith.constant 3.125000e-02 : f32
        %mul3A_757 = vector.broadcast %mul3A_756 : f32 to vector<16xf32>
        %mul3A_758 = arith.mulf %get3A_755, %mul3A_757 : vector<16xf32>
        %swap3A_759 = arith.index_cast %scan3A_129 : i32 to index
        %swap3A_760 = arith.constant 832 : index
        %swap3A_761 = tpu.vector_load %arg4[%swap3A_759, %swap3A_760] {strides = array<i32>} : memref<16x1024xf32, #tpu.memory_space<vmem>>, vector<1x16xf32>,
        %swap3A_762 = vector.shape_cast %swap3A_761 : vector<1x16xf32> to vector<16xf32>
        %swap3A_763 = vector.shape_cast %mul3A_758 : vector<16xf32> to vector<1x16xf32>
        tpu.vector_store %arg4[%swap3A_759, %swap3A_760], %swap3A_763 {strides = array<i32>} : memref<16x1024xf32, #tpu.memory_space<vmem>>, vector<1x16xf32>,
        %get3A_764 = arith.index_cast %scan3A_129 : i32 to index
        %get3A_765 = arith.constant 848 : index
        %get3A_766 = tpu.vector_load %arg4[%get3A_764, %get3A_765] {strides = array<i32>} : memref<16x1024xf32, #tpu.memory_space<vmem>>, vector<1x16xf32>,
        %get3A_767 = vector.shape_cast %get3A_766 : vector<1x16xf32> to vector<16xf32>
        %mul3A_768 = arith.constant 3.125000e-02 : f32
        %mul3A_769 = vector.broadcast %mul3A_768 : f32 to vector<16xf32>
        %mul3A_770 = arith.mulf %get3A_767, %mul3A_769 : vector<16xf32>
        %swap3A_771 = arith.index_cast %scan3A_129 : i32 to index
        %swap3A_772 = arith.constant 848 : index
        %swap3A_773 = tpu.vector_load %arg4[%swap3A_771, %swap3A_772] {strides = array<i32>} : memref<16x1024xf32, #tpu.memory_space<vmem>>, vector<1x16xf32>,
        %swap3A_774 = vector.shape_cast %swap3A_773 : vector<1x16xf32> to vector<16xf32>
        %swap3A_775 = vector.shape_cast %mul3A_770 : vector<16xf32> to vector<1x16xf32>
        tpu.vector_store %arg4[%swap3A_771, %swap3A_772], %swap3A_775 {strides = array<i32>} : memref<16x1024xf32, #tpu.memory_space<vmem>>, vector<1x16xf32>,
        %get3A_776 = arith.index_cast %scan3A_129 : i32 to index
        %get3A_777 = arith.constant 864 : index
        %get3A_778 = tpu.vector_load %arg4[%get3A_776, %get3A_777] {strides = array<i32>} : memref<16x1024xf32, #tpu.memory_space<vmem>>, vector<1x16xf32>,
        %get3A_779 = vector.shape_cast %get3A_778 : vector<1x16xf32> to vector<16xf32>
        %mul3A_780 = arith.constant 3.125000e-02 : f32
        %mul3A_781 = vector.broadcast %mul3A_780 : f32 to vector<16xf32>
        %mul3A_782 = arith.mulf %get3A_779, %mul3A_781 : vector<16xf32>
        %swap3A_783 = arith.index_cast %scan3A_129 : i32 to index
        %swap3A_784 = arith.constant 864 : index
        %swap3A_785 = tpu.vector_load %arg4[%swap3A_783, %swap3A_784] {strides = array<i32>} : memref<16x1024xf32, #tpu.memory_space<vmem>>, vector<1x16xf32>,
        %swap3A_786 = vector.shape_cast %swap3A_785 : vector<1x16xf32> to vector<16xf32>
        %swap3A_787 = vector.shape_cast %mul3A_782 : vector<16xf32> to vector<1x16xf32>
        tpu.vector_store %arg4[%swap3A_783, %swap3A_784], %swap3A_787 {strides = array<i32>} : memref<16x1024xf32, #tpu.memory_space<vmem>>, vector<1x16xf32>,
        %get3A_788 = arith.index_cast %scan3A_129 : i32 to index
        %get3A_789 = arith.constant 880 : index
        %get3A_790 = tpu.vector_load %arg4[%get3A_788, %get3A_789] {strides = array<i32>} : memref<16x1024xf32, #tpu.memory_space<vmem>>, vector<1x16xf32>,
        %get3A_791 = vector.shape_cast %get3A_790 : vector<1x16xf32> to vector<16xf32>
        %mul3A_792 = arith.constant 3.125000e-02 : f32
        %mul3A_793 = vector.broadcast %mul3A_792 : f32 to vector<16xf32>
        %mul3A_794 = arith.mulf %get3A_791, %mul3A_793 : vector<16xf32>
        %swap3A_795 = arith.index_cast %scan3A_129 : i32 to index
        %swap3A_796 = arith.constant 880 : index
        %swap3A_797 = tpu.vector_load %arg4[%swap3A_795, %swap3A_796] {strides = array<i32>} : memref<16x1024xf32, #tpu.memory_space<vmem>>, vector<1x16xf32>,
        %swap3A_798 = vector.shape_cast %swap3A_797 : vector<1x16xf32> to vector<16xf32>
        %swap3A_799 = vector.shape_cast %mul3A_794 : vector<16xf32> to vector<1x16xf32>
        tpu.vector_store %arg4[%swap3A_795, %swap3A_796], %swap3A_799 {strides = array<i32>} : memref<16x1024xf32, #tpu.memory_space<vmem>>, vector<1x16xf32>,
        %get3A_800 = arith.index_cast %scan3A_129 : i32 to index
        %get3A_801 = arith.constant 896 : index
        %get3A_802 = tpu.vector_load %arg4[%get3A_800, %get3A_801] {strides = array<i32>} : memref<16x1024xf32, #tpu.memory_space<vmem>>, vector<1x16xf32>,
        %get3A_803 = vector.shape_cast %get3A_802 : vector<1x16xf32> to vector<16xf32>
        %mul3A_804 = arith.constant 3.125000e-02 : f32
        %mul3A_805 = vector.broadcast %mul3A_804 : f32 to vector<16xf32>
        %mul3A_806 = arith.mulf %get3A_803, %mul3A_805 : vector<16xf32>
        %swap3A_807 = arith.index_cast %scan3A_129 : i32 to index
        %swap3A_808 = arith.constant 896 : index
        %swap3A_809 = tpu.vector_load %arg4[%swap3A_807, %swap3A_808] {strides = array<i32>} : memref<16x1024xf32, #tpu.memory_space<vmem>>, vector<1x16xf32>,
        %swap3A_810 = vector.shape_cast %swap3A_809 : vector<1x16xf32> to vector<16xf32>
        %swap3A_811 = vector.shape_cast %mul3A_806 : vector<16xf32> to vector<1x16xf32>
        tpu.vector_store %arg4[%swap3A_807, %swap3A_808], %swap3A_811 {strides = array<i32>} : memref<16x1024xf32, #tpu.memory_space<vmem>>, vector<1x16xf32>,
        %get3A_812 = arith.index_cast %scan3A_129 : i32 to index
        %get3A_813 = arith.constant 912 : index
        %get3A_814 = tpu.vector_load %arg4[%get3A_812, %get3A_813] {strides = array<i32>} : memref<16x1024xf32, #tpu.memory_space<vmem>>, vector<1x16xf32>,
        %get3A_815 = vector.shape_cast %get3A_814 : vector<1x16xf32> to vector<16xf32>
        %mul3A_816 = arith.constant 3.125000e-02 : f32
        %mul3A_817 = vector.broadcast %mul3A_816 : f32 to vector<16xf32>
        %mul3A_818 = arith.mulf %get3A_815, %mul3A_817 : vector<16xf32>
        %swap3A_819 = arith.index_cast %scan3A_129 : i32 to index
        %swap3A_820 = arith.constant 912 : index
        %swap3A_821 = tpu.vector_load %arg4[%swap3A_819, %swap3A_820] {strides = array<i32>} : memref<16x1024xf32, #tpu.memory_space<vmem>>, vector<1x16xf32>,
        %swap3A_822 = vector.shape_cast %swap3A_821 : vector<1x16xf32> to vector<16xf32>
        %swap3A_823 = vector.shape_cast %mul3A_818 : vector<16xf32> to vector<1x16xf32>
        tpu.vector_store %arg4[%swap3A_819, %swap3A_820], %swap3A_823 {strides = array<i32>} : memref<16x1024xf32, #tpu.memory_space<vmem>>, vector<1x16xf32>,
        %get3A_824 = arith.index_cast %scan3A_129 : i32 to index
        %get3A_825 = arith.constant 928 : index
        %get3A_826 = tpu.vector_load %arg4[%get3A_824, %get3A_825] {strides = array<i32>} : memref<16x1024xf32, #tpu.memory_space<vmem>>, vector<1x16xf32>,
        %get3A_827 = vector.shape_cast %get3A_826 : vector<1x16xf32> to vector<16xf32>
        %mul3A_828 = arith.constant 3.125000e-02 : f32
        %mul3A_829 = vector.broadcast %mul3A_828 : f32 to vector<16xf32>
        %mul3A_830 = arith.mulf %get3A_827, %mul3A_829 : vector<16xf32>
        %swap3A_831 = arith.index_cast %scan3A_129 : i32 to index
        %swap3A_832 = arith.constant 928 : index
        %swap3A_833 = tpu.vector_load %arg4[%swap3A_831, %swap3A_832] {strides = array<i32>} : memref<16x1024xf32, #tpu.memory_space<vmem>>, vector<1x16xf32>,
        %swap3A_834 = vector.shape_cast %swap3A_833 : vector<1x16xf32> to vector<16xf32>
        %swap3A_835 = vector.shape_cast %mul3A_830 : vector<16xf32> to vector<1x16xf32>
        tpu.vector_store %arg4[%swap3A_831, %swap3A_832], %swap3A_835 {strides = array<i32>} : memref<16x1024xf32, #tpu.memory_space<vmem>>, vector<1x16xf32>,
        %get3A_836 = arith.index_cast %scan3A_129 : i32 to index
        %get3A_837 = arith.constant 944 : index
        %get3A_838 = tpu.vector_load %arg4[%get3A_836, %get3A_837] {strides = array<i32>} : memref<16x1024xf32, #tpu.memory_space<vmem>>, vector<1x16xf32>,
        %get3A_839 = vector.shape_cast %get3A_838 : vector<1x16xf32> to vector<16xf32>
        %mul3A_840 = arith.constant 3.125000e-02 : f32
        %mul3A_841 = vector.broadcast %mul3A_840 : f32 to vector<16xf32>
        %mul3A_842 = arith.mulf %get3A_839, %mul3A_841 : vector<16xf32>
        %swap3A_843 = arith.index_cast %scan3A_129 : i32 to index
        %swap3A_844 = arith.constant 944 : index
        %swap3A_845 = tpu.vector_load %arg4[%swap3A_843, %swap3A_844] {strides = array<i32>} : memref<16x1024xf32, #tpu.memory_space<vmem>>, vector<1x16xf32>,
        %swap3A_846 = vector.shape_cast %swap3A_845 : vector<1x16xf32> to vector<16xf32>
        %swap3A_847 = vector.shape_cast %mul3A_842 : vector<16xf32> to vector<1x16xf32>
        tpu.vector_store %arg4[%swap3A_843, %swap3A_844], %swap3A_847 {strides = array<i32>} : memref<16x1024xf32, #tpu.memory_space<vmem>>, vector<1x16xf32>,
        %get3A_848 = arith.index_cast %scan3A_129 : i32 to index
        %get3A_849 = arith.constant 960 : index
        %get3A_850 = tpu.vector_load %arg4[%get3A_848, %get3A_849] {strides = array<i32>} : memref<16x1024xf32, #tpu.memory_space<vmem>>, vector<1x16xf32>,
        %get3A_851 = vector.shape_cast %get3A_850 : vector<1x16xf32> to vector<16xf32>
        %mul3A_852 = arith.constant 3.125000e-02 : f32
        %mul3A_853 = vector.broadcast %mul3A_852 : f32 to vector<16xf32>
        %mul3A_854 = arith.mulf %get3A_851, %mul3A_853 : vector<16xf32>
        %swap3A_855 = arith.index_cast %scan3A_129 : i32 to index
        %swap3A_856 = arith.constant 960 : index
        %swap3A_857 = tpu.vector_load %arg4[%swap3A_855, %swap3A_856] {strides = array<i32>} : memref<16x1024xf32, #tpu.memory_space<vmem>>, vector<1x16xf32>,
        %swap3A_858 = vector.shape_cast %swap3A_857 : vector<1x16xf32> to vector<16xf32>
        %swap3A_859 = vector.shape_cast %mul3A_854 : vector<16xf32> to vector<1x16xf32>
        tpu.vector_store %arg4[%swap3A_855, %swap3A_856], %swap3A_859 {strides = array<i32>} : memref<16x1024xf32, #tpu.memory_space<vmem>>, vector<1x16xf32>,
        %get3A_860 = arith.index_cast %scan3A_129 : i32 to index
        %get3A_861 = arith.constant 976 : index
        %get3A_862 = tpu.vector_load %arg4[%get3A_860, %get3A_861] {strides = array<i32>} : memref<16x1024xf32, #tpu.memory_space<vmem>>, vector<1x16xf32>,
        %get3A_863 = vector.shape_cast %get3A_862 : vector<1x16xf32> to vector<16xf32>
        %mul3A_864 = arith.constant 3.125000e-02 : f32
        %mul3A_865 = vector.broadcast %mul3A_864 : f32 to vector<16xf32>
        %mul3A_866 = arith.mulf %get3A_863, %mul3A_865 : vector<16xf32>
        %swap3A_867 = arith.index_cast %scan3A_129 : i32 to index
        %swap3A_868 = arith.constant 976 : index
        %swap3A_869 = tpu.vector_load %arg4[%swap3A_867, %swap3A_868] {strides = array<i32>} : memref<16x1024xf32, #tpu.memory_space<vmem>>, vector<1x16xf32>,
        %swap3A_870 = vector.shape_cast %swap3A_869 : vector<1x16xf32> to vector<16xf32>
        %swap3A_871 = vector.shape_cast %mul3A_866 : vector<16xf32> to vector<1x16xf32>
        tpu.vector_store %arg4[%swap3A_867, %swap3A_868], %swap3A_871 {strides = array<i32>} : memref<16x1024xf32, #tpu.memory_space<vmem>>, vector<1x16xf32>,
        %get3A_872 = arith.index_cast %scan3A_129 : i32 to index
        %get3A_873 = arith.constant 992 : index
        %get3A_874 = tpu.vector_load %arg4[%get3A_872, %get3A_873] {strides = array<i32>} : memref<16x1024xf32, #tpu.memory_space<vmem>>, vector<1x16xf32>,
        %get3A_875 = vector.shape_cast %get3A_874 : vector<1x16xf32> to vector<16xf32>
        %mul3A_876 = arith.constant 3.125000e-02 : f32
        %mul3A_877 = vector.broadcast %mul3A_876 : f32 to vector<16xf32>
        %mul3A_878 = arith.mulf %get3A_875, %mul3A_877 : vector<16xf32>
        %swap3A_879 = arith.index_cast %scan3A_129 : i32 to index
        %swap3A_880 = arith.constant 992 : index
        %swap3A_881 = tpu.vector_load %arg4[%swap3A_879, %swap3A_880] {strides = array<i32>} : memref<16x1024xf32, #tpu.memory_space<vmem>>, vector<1x16xf32>,
        %swap3A_882 = vector.shape_cast %swap3A_881 : vector<1x16xf32> to vector<16xf32>
        %swap3A_883 = vector.shape_cast %mul3A_878 : vector<16xf32> to vector<1x16xf32>
        tpu.vector_store %arg4[%swap3A_879, %swap3A_880], %swap3A_883 {strides = array<i32>} : memref<16x1024xf32, #tpu.memory_space<vmem>>, vector<1x16xf32>,
        %get3A_884 = arith.index_cast %scan3A_129 : i32 to index
        %get3A_885 = arith.constant 1008 : index
        %get3A_886 = tpu.vector_load %arg4[%get3A_884, %get3A_885] {strides = array<i32>} : memref<16x1024xf32, #tpu.memory_space<vmem>>, vector<1x16xf32>,
        %get3A_887 = vector.shape_cast %get3A_886 : vector<1x16xf32> to vector<16xf32>
        %mul3A_888 = arith.constant 3.125000e-02 : f32
        %mul3A_889 = vector.broadcast %mul3A_888 : f32 to vector<16xf32>
        %mul3A_890 = arith.mulf %get3A_887, %mul3A_889 : vector<16xf32>
        %swap3A_891 = arith.index_cast %scan3A_129 : i32 to index
        %swap3A_892 = arith.constant 1008 : index
        %swap3A_893 = tpu.vector_load %arg4[%swap3A_891, %swap3A_892] {strides = array<i32>} : memref<16x1024xf32, #tpu.memory_space<vmem>>, vector<1x16xf32>,
        %swap3A_894 = vector.shape_cast %swap3A_893 : vector<1x16xf32> to vector<16xf32>
        %swap3A_895 = vector.shape_cast %mul3A_890 : vector<16xf32> to vector<1x16xf32>
        tpu.vector_store %arg4[%swap3A_891, %swap3A_892], %swap3A_895 {strides = array<i32>} : memref<16x1024xf32, #tpu.memory_space<vmem>>, vector<1x16xf32>,
      }
      %scan3A_70 = arith.constant 16 : i32
      %add3A_71 = arith.constant 0 : i32
      %add3A_72 = arith.addi %mul3A_60, %add3A_71 : i32
      %mul3A_73 = arith.constant 16 : i32
      %mul3A_74 = arith.muli %add3A_72, %mul3A_73 : i32
      %add3A_75 = arith.addi %mul3A_2, %mul3A_74 : i32
      %dma_start3A_76 = arith.constant 0 : i32
      %dma_start3A_77 = tpu.memref_slice %arg3[%add3A_75, %dma_start3A_76] : memref<4096x1024xf32, #tpu.memory_space<hbm>> -> memref<16x1024xf32, #tpu.memory_space<hbm>>
      %dma_start3A_78 = arith.constant 0 : i32
      %dma_start3A_79 = tpu.memref_slice %arg3[%add3A_75, %dma_start3A_78] : memref<4096x1024xf32, #tpu.memory_space<hbm>> -> memref<16x1024xf32, #tpu.memory_space<hbm>>
      tpu.enqueue_dma source(%arg4 : memref<16x1024xf32, #tpu.memory_space<vmem>>) target(%dma_start3A_79 : memref<16x1024xf32, #tpu.memory_space<hbm>>) target_semaphore(%arg8 : memref<!tpu.dma_semaphore, #tpu.memory_space<semaphore_mem>>)
      %dma_wait3A_80 = arith.constant 0 : i32
      %dma_wait3A_81 = tpu.memref_slice %arg2[%mul3A_2, %dma_wait3A_80] : memref<8192x1024xf32, #tpu.memory_space<hbm>> -> memref<16x1024xf32, #tpu.memory_space<hbm>>
      %dma_wait3A_82 = arith.constant 0 : i32
      %dma_wait3A_83 = tpu.memref_slice %arg2[%mul3A_2, %dma_wait3A_82] : memref<8192x1024xf32, #tpu.memory_space<hbm>> -> memref<16x1024xf32, #tpu.memory_space<hbm>>
      tpu.wait_dma2 semaphore(%arg7 : memref<!tpu.dma_semaphore, #tpu.memory_space<semaphore_mem>>) src(%dma_wait3A_83 : memref<16x1024xf32, #tpu.memory_space<hbm>>) dst(%arg5 : memref<16x1024xf32, #tpu.memory_space<vmem>>)
      %scan3A_84 = arith.constant 0 : i32
      %scan3A_85 = arith.constant 0 : i32
      %scan3A_86 = arith.constant 16 : i32
      %scan3A_87 = arith.addi %scan3A_85, %scan3A_86 : i32
      %scan3A_88 = arith.constant 1 : i32
      scf.for %scan3A_129 = %scan3A_85 to %scan3A_87 step %scan3A_88  : i32 {
        %get3A = arith.index_cast %scan3A_129 : i32 to index
        %get3A_130 = arith.constant 0 : index
        %get3A_131 = tpu.vector_load %arg5[%get3A, %get3A_130] {strides = array<i32>} : memref<16x1024xf32, #tpu.memory_space<vmem>>, vector<1x16xf32>,
        %get3A_132 = vector.shape_cast %get3A_131 : vector<1x16xf32> to vector<16xf32>
        %mul3A_133 = arith.constant 3.125000e-02 : f32
        %mul3A_134 = vector.broadcast %mul3A_133 : f32 to vector<16xf32>
        %mul3A_135 = arith.mulf %get3A_132, %mul3A_134 : vector<16xf32>
        %swap3A = arith.index_cast %scan3A_129 : i32 to index
        %swap3A_136 = arith.constant 0 : index
        %swap3A_137 = tpu.vector_load %arg5[%swap3A, %swap3A_136] {strides = array<i32>} : memref<16x1024xf32, #tpu.memory_space<vmem>>, vector<1x16xf32>,
        %swap3A_138 = vector.shape_cast %swap3A_137 : vector<1x16xf32> to vector<16xf32>
        %swap3A_139 = vector.shape_cast %mul3A_135 : vector<16xf32> to vector<1x16xf32>
        tpu.vector_store %arg5[%swap3A, %swap3A_136], %swap3A_139 {strides = array<i32>} : memref<16x1024xf32, #tpu.memory_space<vmem>>, vector<1x16xf32>,
        %get3A_140 = arith.index_cast %scan3A_129 : i32 to index
        %get3A_141 = arith.constant 16 : index
        %get3A_142 = tpu.vector_load %arg5[%get3A_140, %get3A_141] {strides = array<i32>} : memref<16x1024xf32, #tpu.memory_space<vmem>>, vector<1x16xf32>,
        %get3A_143 = vector.shape_cast %get3A_142 : vector<1x16xf32> to vector<16xf32>
        %mul3A_144 = arith.constant 3.125000e-02 : f32
        %mul3A_145 = vector.broadcast %mul3A_144 : f32 to vector<16xf32>
        %mul3A_146 = arith.mulf %get3A_143, %mul3A_145 : vector<16xf32>
        %swap3A_147 = arith.index_cast %scan3A_129 : i32 to index
        %swap3A_148 = arith.constant 16 : index
        %swap3A_149 = tpu.vector_load %arg5[%swap3A_147, %swap3A_148] {strides = array<i32>} : memref<16x1024xf32, #tpu.memory_space<vmem>>, vector<1x16xf32>,
        %swap3A_150 = vector.shape_cast %swap3A_149 : vector<1x16xf32> to vector<16xf32>
        %swap3A_151 = vector.shape_cast %mul3A_146 : vector<16xf32> to vector<1x16xf32>
        tpu.vector_store %arg5[%swap3A_147, %swap3A_148], %swap3A_151 {strides = array<i32>} : memref<16x1024xf32, #tpu.memory_space<vmem>>, vector<1x16xf32>,
        %get3A_152 = arith.index_cast %scan3A_129 : i32 to index
        %get3A_153 = arith.constant 32 : index
        %get3A_154 = tpu.vector_load %arg5[%get3A_152, %get3A_153] {strides = array<i32>} : memref<16x1024xf32, #tpu.memory_space<vmem>>, vector<1x16xf32>,
        %get3A_155 = vector.shape_cast %get3A_154 : vector<1x16xf32> to vector<16xf32>
        %mul3A_156 = arith.constant 3.125000e-02 : f32
        %mul3A_157 = vector.broadcast %mul3A_156 : f32 to vector<16xf32>
        %mul3A_158 = arith.mulf %get3A_155, %mul3A_157 : vector<16xf32>
        %swap3A_159 = arith.index_cast %scan3A_129 : i32 to index
        %swap3A_160 = arith.constant 32 : index
        %swap3A_161 = tpu.vector_load %arg5[%swap3A_159, %swap3A_160] {strides = array<i32>} : memref<16x1024xf32, #tpu.memory_space<vmem>>, vector<1x16xf32>,
        %swap3A_162 = vector.shape_cast %swap3A_161 : vector<1x16xf32> to vector<16xf32>
        %swap3A_163 = vector.shape_cast %mul3A_158 : vector<16xf32> to vector<1x16xf32>
        tpu.vector_store %arg5[%swap3A_159, %swap3A_160], %swap3A_163 {strides = array<i32>} : memref<16x1024xf32, #tpu.memory_space<vmem>>, vector<1x16xf32>,
        %get3A_164 = arith.index_cast %scan3A_129 : i32 to index
        %get3A_165 = arith.constant 48 : index
        %get3A_166 = tpu.vector_load %arg5[%get3A_164, %get3A_165] {strides = array<i32>} : memref<16x1024xf32, #tpu.memory_space<vmem>>, vector<1x16xf32>,
        %get3A_167 = vector.shape_cast %get3A_166 : vector<1x16xf32> to vector<16xf32>
        %mul3A_168 = arith.constant 3.125000e-02 : f32
        %mul3A_169 = vector.broadcast %mul3A_168 : f32 to vector<16xf32>
        %mul3A_170 = arith.mulf %get3A_167, %mul3A_169 : vector<16xf32>
        %swap3A_171 = arith.index_cast %scan3A_129 : i32 to index
        %swap3A_172 = arith.constant 48 : index
        %swap3A_173 = tpu.vector_load %arg5[%swap3A_171, %swap3A_172] {strides = array<i32>} : memref<16x1024xf32, #tpu.memory_space<vmem>>, vector<1x16xf32>,
        %swap3A_174 = vector.shape_cast %swap3A_173 : vector<1x16xf32> to vector<16xf32>
        %swap3A_175 = vector.shape_cast %mul3A_170 : vector<16xf32> to vector<1x16xf32>
        tpu.vector_store %arg5[%swap3A_171, %swap3A_172], %swap3A_175 {strides = array<i32>} : memref<16x1024xf32, #tpu.memory_space<vmem>>, vector<1x16xf32>,
        %get3A_176 = arith.index_cast %scan3A_129 : i32 to index
        %get3A_177 = arith.constant 64 : index
        %get3A_178 = tpu.vector_load %arg5[%get3A_176, %get3A_177] {strides = array<i32>} : memref<16x1024xf32, #tpu.memory_space<vmem>>, vector<1x16xf32>,
        %get3A_179 = vector.shape_cast %get3A_178 : vector<1x16xf32> to vector<16xf32>
        %mul3A_180 = arith.constant 3.125000e-02 : f32
        %mul3A_181 = vector.broadcast %mul3A_180 : f32 to vector<16xf32>
        %mul3A_182 = arith.mulf %get3A_179, %mul3A_181 : vector<16xf32>
        %swap3A_183 = arith.index_cast %scan3A_129 : i32 to index
        %swap3A_184 = arith.constant 64 : index
        %swap3A_185 = tpu.vector_load %arg5[%swap3A_183, %swap3A_184] {strides = array<i32>} : memref<16x1024xf32, #tpu.memory_space<vmem>>, vector<1x16xf32>,
        %swap3A_186 = vector.shape_cast %swap3A_185 : vector<1x16xf32> to vector<16xf32>
        %swap3A_187 = vector.shape_cast %mul3A_182 : vector<16xf32> to vector<1x16xf32>
        tpu.vector_store %arg5[%swap3A_183, %swap3A_184], %swap3A_187 {strides = array<i32>} : memref<16x1024xf32, #tpu.memory_space<vmem>>, vector<1x16xf32>,
        %get3A_188 = arith.index_cast %scan3A_129 : i32 to index
        %get3A_189 = arith.constant 80 : index
        %get3A_190 = tpu.vector_load %arg5[%get3A_188, %get3A_189] {strides = array<i32>} : memref<16x1024xf32, #tpu.memory_space<vmem>>, vector<1x16xf32>,
        %get3A_191 = vector.shape_cast %get3A_190 : vector<1x16xf32> to vector<16xf32>
        %mul3A_192 = arith.constant 3.125000e-02 : f32
        %mul3A_193 = vector.broadcast %mul3A_192 : f32 to vector<16xf32>
        %mul3A_194 = arith.mulf %get3A_191, %mul3A_193 : vector<16xf32>
        %swap3A_195 = arith.index_cast %scan3A_129 : i32 to index
        %swap3A_196 = arith.constant 80 : index
        %swap3A_197 = tpu.vector_load %arg5[%swap3A_195, %swap3A_196] {strides = array<i32>} : memref<16x1024xf32, #tpu.memory_space<vmem>>, vector<1x16xf32>,
        %swap3A_198 = vector.shape_cast %swap3A_197 : vector<1x16xf32> to vector<16xf32>
        %swap3A_199 = vector.shape_cast %mul3A_194 : vector<16xf32> to vector<1x16xf32>
        tpu.vector_store %arg5[%swap3A_195, %swap3A_196], %swap3A_199 {strides = array<i32>} : memref<16x1024xf32, #tpu.memory_space<vmem>>, vector<1x16xf32>,
        %get3A_200 = arith.index_cast %scan3A_129 : i32 to index
        %get3A_201 = arith.constant 96 : index
        %get3A_202 = tpu.vector_load %arg5[%get3A_200, %get3A_201] {strides = array<i32>} : memref<16x1024xf32, #tpu.memory_space<vmem>>, vector<1x16xf32>,
        %get3A_203 = vector.shape_cast %get3A_202 : vector<1x16xf32> to vector<16xf32>
        %mul3A_204 = arith.constant 3.125000e-02 : f32
        %mul3A_205 = vector.broadcast %mul3A_204 : f32 to vector<16xf32>
        %mul3A_206 = arith.mulf %get3A_203, %mul3A_205 : vector<16xf32>
        %swap3A_207 = arith.index_cast %scan3A_129 : i32 to index
        %swap3A_208 = arith.constant 96 : index
        %swap3A_209 = tpu.vector_load %arg5[%swap3A_207, %swap3A_208] {strides = array<i32>} : memref<16x1024xf32, #tpu.memory_space<vmem>>, vector<1x16xf32>,
        %swap3A_210 = vector.shape_cast %swap3A_209 : vector<1x16xf32> to vector<16xf32>
        %swap3A_211 = vector.shape_cast %mul3A_206 : vector<16xf32> to vector<1x16xf32>
        tpu.vector_store %arg5[%swap3A_207, %swap3A_208], %swap3A_211 {strides = array<i32>} : memref<16x1024xf32, #tpu.memory_space<vmem>>, vector<1x16xf32>,
        %get3A_212 = arith.index_cast %scan3A_129 : i32 to index
        %get3A_213 = arith.constant 112 : index
        %get3A_214 = tpu.vector_load %arg5[%get3A_212, %get3A_213] {strides = array<i32>} : memref<16x1024xf32, #tpu.memory_space<vmem>>, vector<1x16xf32>,
        %get3A_215 = vector.shape_cast %get3A_214 : vector<1x16xf32> to vector<16xf32>
        %mul3A_216 = arith.constant 3.125000e-02 : f32
        %mul3A_217 = vector.broadcast %mul3A_216 : f32 to vector<16xf32>
        %mul3A_218 = arith.mulf %get3A_215, %mul3A_217 : vector<16xf32>
        %swap3A_219 = arith.index_cast %scan3A_129 : i32 to index
        %swap3A_220 = arith.constant 112 : index
        %swap3A_221 = tpu.vector_load %arg5[%swap3A_219, %swap3A_220] {strides = array<i32>} : memref<16x1024xf32, #tpu.memory_space<vmem>>, vector<1x16xf32>,
        %swap3A_222 = vector.shape_cast %swap3A_221 : vector<1x16xf32> to vector<16xf32>
        %swap3A_223 = vector.shape_cast %mul3A_218 : vector<16xf32> to vector<1x16xf32>
        tpu.vector_store %arg5[%swap3A_219, %swap3A_220], %swap3A_223 {strides = array<i32>} : memref<16x1024xf32, #tpu.memory_space<vmem>>, vector<1x16xf32>,
        %get3A_224 = arith.index_cast %scan3A_129 : i32 to index
        %get3A_225 = arith.constant 128 : index
        %get3A_226 = tpu.vector_load %arg5[%get3A_224, %get3A_225] {strides = array<i32>} : memref<16x1024xf32, #tpu.memory_space<vmem>>, vector<1x16xf32>,
        %get3A_227 = vector.shape_cast %get3A_226 : vector<1x16xf32> to vector<16xf32>
        %mul3A_228 = arith.constant 3.125000e-02 : f32
        %mul3A_229 = vector.broadcast %mul3A_228 : f32 to vector<16xf32>
        %mul3A_230 = arith.mulf %get3A_227, %mul3A_229 : vector<16xf32>
        %swap3A_231 = arith.index_cast %scan3A_129 : i32 to index
        %swap3A_232 = arith.constant 128 : index
        %swap3A_233 = tpu.vector_load %arg5[%swap3A_231, %swap3A_232] {strides = array<i32>} : memref<16x1024xf32, #tpu.memory_space<vmem>>, vector<1x16xf32>,
        %swap3A_234 = vector.shape_cast %swap3A_233 : vector<1x16xf32> to vector<16xf32>
        %swap3A_235 = vector.shape_cast %mul3A_230 : vector<16xf32> to vector<1x16xf32>
        tpu.vector_store %arg5[%swap3A_231, %swap3A_232], %swap3A_235 {strides = array<i32>} : memref<16x1024xf32, #tpu.memory_space<vmem>>, vector<1x16xf32>,
        %get3A_236 = arith.index_cast %scan3A_129 : i32 to index
        %get3A_237 = arith.constant 144 : index
        %get3A_238 = tpu.vector_load %arg5[%get3A_236, %get3A_237] {strides = array<i32>} : memref<16x1024xf32, #tpu.memory_space<vmem>>, vector<1x16xf32>,
        %get3A_239 = vector.shape_cast %get3A_238 : vector<1x16xf32> to vector<16xf32>
        %mul3A_240 = arith.constant 3.125000e-02 : f32
        %mul3A_241 = vector.broadcast %mul3A_240 : f32 to vector<16xf32>
        %mul3A_242 = arith.mulf %get3A_239, %mul3A_241 : vector<16xf32>
        %swap3A_243 = arith.index_cast %scan3A_129 : i32 to index
        %swap3A_244 = arith.constant 144 : index
        %swap3A_245 = tpu.vector_load %arg5[%swap3A_243, %swap3A_244] {strides = array<i32>} : memref<16x1024xf32, #tpu.memory_space<vmem>>, vector<1x16xf32>,
        %swap3A_246 = vector.shape_cast %swap3A_245 : vector<1x16xf32> to vector<16xf32>
        %swap3A_247 = vector.shape_cast %mul3A_242 : vector<16xf32> to vector<1x16xf32>
        tpu.vector_store %arg5[%swap3A_243, %swap3A_244], %swap3A_247 {strides = array<i32>} : memref<16x1024xf32, #tpu.memory_space<vmem>>, vector<1x16xf32>,
        %get3A_248 = arith.index_cast %scan3A_129 : i32 to index
        %get3A_249 = arith.constant 160 : index
        %get3A_250 = tpu.vector_load %arg5[%get3A_248, %get3A_249] {strides = array<i32>} : memref<16x1024xf32, #tpu.memory_space<vmem>>, vector<1x16xf32>,
        %get3A_251 = vector.shape_cast %get3A_250 : vector<1x16xf32> to vector<16xf32>
        %mul3A_252 = arith.constant 3.125000e-02 : f32
        %mul3A_253 = vector.broadcast %mul3A_252 : f32 to vector<16xf32>
        %mul3A_254 = arith.mulf %get3A_251, %mul3A_253 : vector<16xf32>
        %swap3A_255 = arith.index_cast %scan3A_129 : i32 to index
        %swap3A_256 = arith.constant 160 : index
        %swap3A_257 = tpu.vector_load %arg5[%swap3A_255, %swap3A_256] {strides = array<i32>} : memref<16x1024xf32, #tpu.memory_space<vmem>>, vector<1x16xf32>,
        %swap3A_258 = vector.shape_cast %swap3A_257 : vector<1x16xf32> to vector<16xf32>
        %swap3A_259 = vector.shape_cast %mul3A_254 : vector<16xf32> to vector<1x16xf32>
        tpu.vector_store %arg5[%swap3A_255, %swap3A_256], %swap3A_259 {strides = array<i32>} : memref<16x1024xf32, #tpu.memory_space<vmem>>, vector<1x16xf32>,
        %get3A_260 = arith.index_cast %scan3A_129 : i32 to index
        %get3A_261 = arith.constant 176 : index
        %get3A_262 = tpu.vector_load %arg5[%get3A_260, %get3A_261] {strides = array<i32>} : memref<16x1024xf32, #tpu.memory_space<vmem>>, vector<1x16xf32>,
        %get3A_263 = vector.shape_cast %get3A_262 : vector<1x16xf32> to vector<16xf32>
        %mul3A_264 = arith.constant 3.125000e-02 : f32
        %mul3A_265 = vector.broadcast %mul3A_264 : f32 to vector<16xf32>
        %mul3A_266 = arith.mulf %get3A_263, %mul3A_265 : vector<16xf32>
        %swap3A_267 = arith.index_cast %scan3A_129 : i32 to index
        %swap3A_268 = arith.constant 176 : index
        %swap3A_269 = tpu.vector_load %arg5[%swap3A_267, %swap3A_268] {strides = array<i32>} : memref<16x1024xf32, #tpu.memory_space<vmem>>, vector<1x16xf32>,
        %swap3A_270 = vector.shape_cast %swap3A_269 : vector<1x16xf32> to vector<16xf32>
        %swap3A_271 = vector.shape_cast %mul3A_266 : vector<16xf32> to vector<1x16xf32>
        tpu.vector_store %arg5[%swap3A_267, %swap3A_268], %swap3A_271 {strides = array<i32>} : memref<16x1024xf32, #tpu.memory_space<vmem>>, vector<1x16xf32>,
        %get3A_272 = arith.index_cast %scan3A_129 : i32 to index
        %get3A_273 = arith.constant 192 : index
        %get3A_274 = tpu.vector_load %arg5[%get3A_272, %get3A_273] {strides = array<i32>} : memref<16x1024xf32, #tpu.memory_space<vmem>>, vector<1x16xf32>,
        %get3A_275 = vector.shape_cast %get3A_274 : vector<1x16xf32> to vector<16xf32>
        %mul3A_276 = arith.constant 3.125000e-02 : f32
        %mul3A_277 = vector.broadcast %mul3A_276 : f32 to vector<16xf32>
        %mul3A_278 = arith.mulf %get3A_275, %mul3A_277 : vector<16xf32>
        %swap3A_279 = arith.index_cast %scan3A_129 : i32 to index
        %swap3A_280 = arith.constant 192 : index
        %swap3A_281 = tpu.vector_load %arg5[%swap3A_279, %swap3A_280] {strides = array<i32>} : memref<16x1024xf32, #tpu.memory_space<vmem>>, vector<1x16xf32>,
        %swap3A_282 = vector.shape_cast %swap3A_281 : vector<1x16xf32> to vector<16xf32>
        %swap3A_283 = vector.shape_cast %mul3A_278 : vector<16xf32> to vector<1x16xf32>
        tpu.vector_store %arg5[%swap3A_279, %swap3A_280], %swap3A_283 {strides = array<i32>} : memref<16x1024xf32, #tpu.memory_space<vmem>>, vector<1x16xf32>,
        %get3A_284 = arith.index_cast %scan3A_129 : i32 to index
        %get3A_285 = arith.constant 208 : index
        %get3A_286 = tpu.vector_load %arg5[%get3A_284, %get3A_285] {strides = array<i32>} : memref<16x1024xf32, #tpu.memory_space<vmem>>, vector<1x16xf32>,
        %get3A_287 = vector.shape_cast %get3A_286 : vector<1x16xf32> to vector<16xf32>
        %mul3A_288 = arith.constant 3.125000e-02 : f32
        %mul3A_289 = vector.broadcast %mul3A_288 : f32 to vector<16xf32>
        %mul3A_290 = arith.mulf %get3A_287, %mul3A_289 : vector<16xf32>
        %swap3A_291 = arith.index_cast %scan3A_129 : i32 to index
        %swap3A_292 = arith.constant 208 : index
        %swap3A_293 = tpu.vector_load %arg5[%swap3A_291, %swap3A_292] {strides = array<i32>} : memref<16x1024xf32, #tpu.memory_space<vmem>>, vector<1x16xf32>,
        %swap3A_294 = vector.shape_cast %swap3A_293 : vector<1x16xf32> to vector<16xf32>
        %swap3A_295 = vector.shape_cast %mul3A_290 : vector<16xf32> to vector<1x16xf32>
        tpu.vector_store %arg5[%swap3A_291, %swap3A_292], %swap3A_295 {strides = array<i32>} : memref<16x1024xf32, #tpu.memory_space<vmem>>, vector<1x16xf32>,
        %get3A_296 = arith.index_cast %scan3A_129 : i32 to index
        %get3A_297 = arith.constant 224 : index
        %get3A_298 = tpu.vector_load %arg5[%get3A_296, %get3A_297] {strides = array<i32>} : memref<16x1024xf32, #tpu.memory_space<vmem>>, vector<1x16xf32>,
        %get3A_299 = vector.shape_cast %get3A_298 : vector<1x16xf32> to vector<16xf32>
        %mul3A_300 = arith.constant 3.125000e-02 : f32
        %mul3A_301 = vector.broadcast %mul3A_300 : f32 to vector<16xf32>
        %mul3A_302 = arith.mulf %get3A_299, %mul3A_301 : vector<16xf32>
        %swap3A_303 = arith.index_cast %scan3A_129 : i32 to index
        %swap3A_304 = arith.constant 224 : index
        %swap3A_305 = tpu.vector_load %arg5[%swap3A_303, %swap3A_304] {strides = array<i32>} : memref<16x1024xf32, #tpu.memory_space<vmem>>, vector<1x16xf32>,
        %swap3A_306 = vector.shape_cast %swap3A_305 : vector<1x16xf32> to vector<16xf32>
        %swap3A_307 = vector.shape_cast %mul3A_302 : vector<16xf32> to vector<1x16xf32>
        tpu.vector_store %arg5[%swap3A_303, %swap3A_304], %swap3A_307 {strides = array<i32>} : memref<16x1024xf32, #tpu.memory_space<vmem>>, vector<1x16xf32>,
        %get3A_308 = arith.index_cast %scan3A_129 : i32 to index
        %get3A_309 = arith.constant 240 : index
        %get3A_310 = tpu.vector_load %arg5[%get3A_308, %get3A_309] {strides = array<i32>} : memref<16x1024xf32, #tpu.memory_space<vmem>>, vector<1x16xf32>,
        %get3A_311 = vector.shape_cast %get3A_310 : vector<1x16xf32> to vector<16xf32>
        %mul3A_312 = arith.constant 3.125000e-02 : f32
        %mul3A_313 = vector.broadcast %mul3A_312 : f32 to vector<16xf32>
        %mul3A_314 = arith.mulf %get3A_311, %mul3A_313 : vector<16xf32>
        %swap3A_315 = arith.index_cast %scan3A_129 : i32 to index
        %swap3A_316 = arith.constant 240 : index
        %swap3A_317 = tpu.vector_load %arg5[%swap3A_315, %swap3A_316] {strides = array<i32>} : memref<16x1024xf32, #tpu.memory_space<vmem>>, vector<1x16xf32>,
        %swap3A_318 = vector.shape_cast %swap3A_317 : vector<1x16xf32> to vector<16xf32>
        %swap3A_319 = vector.shape_cast %mul3A_314 : vector<16xf32> to vector<1x16xf32>
        tpu.vector_store %arg5[%swap3A_315, %swap3A_316], %swap3A_319 {strides = array<i32>} : memref<16x1024xf32, #tpu.memory_space<vmem>>, vector<1x16xf32>,
        %get3A_320 = arith.index_cast %scan3A_129 : i32 to index
        %get3A_321 = arith.constant 256 : index
        %get3A_322 = tpu.vector_load %arg5[%get3A_320, %get3A_321] {strides = array<i32>} : memref<16x1024xf32, #tpu.memory_space<vmem>>, vector<1x16xf32>,
        %get3A_323 = vector.shape_cast %get3A_322 : vector<1x16xf32> to vector<16xf32>
        %mul3A_324 = arith.constant 3.125000e-02 : f32
        %mul3A_325 = vector.broadcast %mul3A_324 : f32 to vector<16xf32>
        %mul3A_326 = arith.mulf %get3A_323, %mul3A_325 : vector<16xf32>
        %swap3A_327 = arith.index_cast %scan3A_129 : i32 to index
        %swap3A_328 = arith.constant 256 : index
        %swap3A_329 = tpu.vector_load %arg5[%swap3A_327, %swap3A_328] {strides = array<i32>} : memref<16x1024xf32, #tpu.memory_space<vmem>>, vector<1x16xf32>,
        %swap3A_330 = vector.shape_cast %swap3A_329 : vector<1x16xf32> to vector<16xf32>
        %swap3A_331 = vector.shape_cast %mul3A_326 : vector<16xf32> to vector<1x16xf32>
        tpu.vector_store %arg5[%swap3A_327, %swap3A_328], %swap3A_331 {strides = array<i32>} : memref<16x1024xf32, #tpu.memory_space<vmem>>, vector<1x16xf32>,
        %get3A_332 = arith.index_cast %scan3A_129 : i32 to index
        %get3A_333 = arith.constant 272 : index
        %get3A_334 = tpu.vector_load %arg5[%get3A_332, %get3A_333] {strides = array<i32>} : memref<16x1024xf32, #tpu.memory_space<vmem>>, vector<1x16xf32>,
        %get3A_335 = vector.shape_cast %get3A_334 : vector<1x16xf32> to vector<16xf32>
        %mul3A_336 = arith.constant 3.125000e-02 : f32
        %mul3A_337 = vector.broadcast %mul3A_336 : f32 to vector<16xf32>
        %mul3A_338 = arith.mulf %get3A_335, %mul3A_337 : vector<16xf32>
        %swap3A_339 = arith.index_cast %scan3A_129 : i32 to index
        %swap3A_340 = arith.constant 272 : index
        %swap3A_341 = tpu.vector_load %arg5[%swap3A_339, %swap3A_340] {strides = array<i32>} : memref<16x1024xf32, #tpu.memory_space<vmem>>, vector<1x16xf32>,
        %swap3A_342 = vector.shape_cast %swap3A_341 : vector<1x16xf32> to vector<16xf32>
        %swap3A_343 = vector.shape_cast %mul3A_338 : vector<16xf32> to vector<1x16xf32>
        tpu.vector_store %arg5[%swap3A_339, %swap3A_340], %swap3A_343 {strides = array<i32>} : memref<16x1024xf32, #tpu.memory_space<vmem>>, vector<1x16xf32>,
        %get3A_344 = arith.index_cast %scan3A_129 : i32 to index
        %get3A_345 = arith.constant 288 : index
        %get3A_346 = tpu.vector_load %arg5[%get3A_344, %get3A_345] {strides = array<i32>} : memref<16x1024xf32, #tpu.memory_space<vmem>>, vector<1x16xf32>,
        %get3A_347 = vector.shape_cast %get3A_346 : vector<1x16xf32> to vector<16xf32>
        %mul3A_348 = arith.constant 3.125000e-02 : f32
        %mul3A_349 = vector.broadcast %mul3A_348 : f32 to vector<16xf32>
        %mul3A_350 = arith.mulf %get3A_347, %mul3A_349 : vector<16xf32>
        %swap3A_351 = arith.index_cast %scan3A_129 : i32 to index
        %swap3A_352 = arith.constant 288 : index
        %swap3A_353 = tpu.vector_load %arg5[%swap3A_351, %swap3A_352] {strides = array<i32>} : memref<16x1024xf32, #tpu.memory_space<vmem>>, vector<1x16xf32>,
        %swap3A_354 = vector.shape_cast %swap3A_353 : vector<1x16xf32> to vector<16xf32>
        %swap3A_355 = vector.shape_cast %mul3A_350 : vector<16xf32> to vector<1x16xf32>
        tpu.vector_store %arg5[%swap3A_351, %swap3A_352], %swap3A_355 {strides = array<i32>} : memref<16x1024xf32, #tpu.memory_space<vmem>>, vector<1x16xf32>,
        %get3A_356 = arith.index_cast %scan3A_129 : i32 to index
        %get3A_357 = arith.constant 304 : index
        %get3A_358 = tpu.vector_load %arg5[%get3A_356, %get3A_357] {strides = array<i32>} : memref<16x1024xf32, #tpu.memory_space<vmem>>, vector<1x16xf32>,
        %get3A_359 = vector.shape_cast %get3A_358 : vector<1x16xf32> to vector<16xf32>
        %mul3A_360 = arith.constant 3.125000e-02 : f32
        %mul3A_361 = vector.broadcast %mul3A_360 : f32 to vector<16xf32>
        %mul3A_362 = arith.mulf %get3A_359, %mul3A_361 : vector<16xf32>
        %swap3A_363 = arith.index_cast %scan3A_129 : i32 to index
        %swap3A_364 = arith.constant 304 : index
        %swap3A_365 = tpu.vector_load %arg5[%swap3A_363, %swap3A_364] {strides = array<i32>} : memref<16x1024xf32, #tpu.memory_space<vmem>>, vector<1x16xf32>,
        %swap3A_366 = vector.shape_cast %swap3A_365 : vector<1x16xf32> to vector<16xf32>
        %swap3A_367 = vector.shape_cast %mul3A_362 : vector<16xf32> to vector<1x16xf32>
        tpu.vector_store %arg5[%swap3A_363, %swap3A_364], %swap3A_367 {strides = array<i32>} : memref<16x1024xf32, #tpu.memory_space<vmem>>, vector<1x16xf32>,
        %get3A_368 = arith.index_cast %scan3A_129 : i32 to index
        %get3A_369 = arith.constant 320 : index
        %get3A_370 = tpu.vector_load %arg5[%get3A_368, %get3A_369] {strides = array<i32>} : memref<16x1024xf32, #tpu.memory_space<vmem>>, vector<1x16xf32>,
        %get3A_371 = vector.shape_cast %get3A_370 : vector<1x16xf32> to vector<16xf32>
        %mul3A_372 = arith.constant 3.125000e-02 : f32
        %mul3A_373 = vector.broadcast %mul3A_372 : f32 to vector<16xf32>
        %mul3A_374 = arith.mulf %get3A_371, %mul3A_373 : vector<16xf32>
        %swap3A_375 = arith.index_cast %scan3A_129 : i32 to index
        %swap3A_376 = arith.constant 320 : index
        %swap3A_377 = tpu.vector_load %arg5[%swap3A_375, %swap3A_376] {strides = array<i32>} : memref<16x1024xf32, #tpu.memory_space<vmem>>, vector<1x16xf32>,
        %swap3A_378 = vector.shape_cast %swap3A_377 : vector<1x16xf32> to vector<16xf32>
        %swap3A_379 = vector.shape_cast %mul3A_374 : vector<16xf32> to vector<1x16xf32>
        tpu.vector_store %arg5[%swap3A_375, %swap3A_376], %swap3A_379 {strides = array<i32>} : memref<16x1024xf32, #tpu.memory_space<vmem>>, vector<1x16xf32>,
        %get3A_380 = arith.index_cast %scan3A_129 : i32 to index
        %get3A_381 = arith.constant 336 : index
        %get3A_382 = tpu.vector_load %arg5[%get3A_380, %get3A_381] {strides = array<i32>} : memref<16x1024xf32, #tpu.memory_space<vmem>>, vector<1x16xf32>,
        %get3A_383 = vector.shape_cast %get3A_382 : vector<1x16xf32> to vector<16xf32>
        %mul3A_384 = arith.constant 3.125000e-02 : f32
        %mul3A_385 = vector.broadcast %mul3A_384 : f32 to vector<16xf32>
        %mul3A_386 = arith.mulf %get3A_383, %mul3A_385 : vector<16xf32>
        %swap3A_387 = arith.index_cast %scan3A_129 : i32 to index
        %swap3A_388 = arith.constant 336 : index
        %swap3A_389 = tpu.vector_load %arg5[%swap3A_387, %swap3A_388] {strides = array<i32>} : memref<16x1024xf32, #tpu.memory_space<vmem>>, vector<1x16xf32>,
        %swap3A_390 = vector.shape_cast %swap3A_389 : vector<1x16xf32> to vector<16xf32>
        %swap3A_391 = vector.shape_cast %mul3A_386 : vector<16xf32> to vector<1x16xf32>
        tpu.vector_store %arg5[%swap3A_387, %swap3A_388], %swap3A_391 {strides = array<i32>} : memref<16x1024xf32, #tpu.memory_space<vmem>>, vector<1x16xf32>,
        %get3A_392 = arith.index_cast %scan3A_129 : i32 to index
        %get3A_393 = arith.constant 352 : index
        %get3A_394 = tpu.vector_load %arg5[%get3A_392, %get3A_393] {strides = array<i32>} : memref<16x1024xf32, #tpu.memory_space<vmem>>, vector<1x16xf32>,
        %get3A_395 = vector.shape_cast %get3A_394 : vector<1x16xf32> to vector<16xf32>
        %mul3A_396 = arith.constant 3.125000e-02 : f32
        %mul3A_397 = vector.broadcast %mul3A_396 : f32 to vector<16xf32>
        %mul3A_398 = arith.mulf %get3A_395, %mul3A_397 : vector<16xf32>
        %swap3A_399 = arith.index_cast %scan3A_129 : i32 to index
        %swap3A_400 = arith.constant 352 : index
        %swap3A_401 = tpu.vector_load %arg5[%swap3A_399, %swap3A_400] {strides = array<i32>} : memref<16x1024xf32, #tpu.memory_space<vmem>>, vector<1x16xf32>,
        %swap3A_402 = vector.shape_cast %swap3A_401 : vector<1x16xf32> to vector<16xf32>
        %swap3A_403 = vector.shape_cast %mul3A_398 : vector<16xf32> to vector<1x16xf32>
        tpu.vector_store %arg5[%swap3A_399, %swap3A_400], %swap3A_403 {strides = array<i32>} : memref<16x1024xf32, #tpu.memory_space<vmem>>, vector<1x16xf32>,
        %get3A_404 = arith.index_cast %scan3A_129 : i32 to index
        %get3A_405 = arith.constant 368 : index
        %get3A_406 = tpu.vector_load %arg5[%get3A_404, %get3A_405] {strides = array<i32>} : memref<16x1024xf32, #tpu.memory_space<vmem>>, vector<1x16xf32>,
        %get3A_407 = vector.shape_cast %get3A_406 : vector<1x16xf32> to vector<16xf32>
        %mul3A_408 = arith.constant 3.125000e-02 : f32
        %mul3A_409 = vector.broadcast %mul3A_408 : f32 to vector<16xf32>
        %mul3A_410 = arith.mulf %get3A_407, %mul3A_409 : vector<16xf32>
        %swap3A_411 = arith.index_cast %scan3A_129 : i32 to index
        %swap3A_412 = arith.constant 368 : index
        %swap3A_413 = tpu.vector_load %arg5[%swap3A_411, %swap3A_412] {strides = array<i32>} : memref<16x1024xf32, #tpu.memory_space<vmem>>, vector<1x16xf32>,
        %swap3A_414 = vector.shape_cast %swap3A_413 : vector<1x16xf32> to vector<16xf32>
        %swap3A_415 = vector.shape_cast %mul3A_410 : vector<16xf32> to vector<1x16xf32>
        tpu.vector_store %arg5[%swap3A_411, %swap3A_412], %swap3A_415 {strides = array<i32>} : memref<16x1024xf32, #tpu.memory_space<vmem>>, vector<1x16xf32>,
        %get3A_416 = arith.index_cast %scan3A_129 : i32 to index
        %get3A_417 = arith.constant 384 : index
        %get3A_418 = tpu.vector_load %arg5[%get3A_416, %get3A_417] {strides = array<i32>} : memref<16x1024xf32, #tpu.memory_space<vmem>>, vector<1x16xf32>,
        %get3A_419 = vector.shape_cast %get3A_418 : vector<1x16xf32> to vector<16xf32>
        %mul3A_420 = arith.constant 3.125000e-02 : f32
        %mul3A_421 = vector.broadcast %mul3A_420 : f32 to vector<16xf32>
        %mul3A_422 = arith.mulf %get3A_419, %mul3A_421 : vector<16xf32>
        %swap3A_423 = arith.index_cast %scan3A_129 : i32 to index
        %swap3A_424 = arith.constant 384 : index
        %swap3A_425 = tpu.vector_load %arg5[%swap3A_423, %swap3A_424] {strides = array<i32>} : memref<16x1024xf32, #tpu.memory_space<vmem>>, vector<1x16xf32>,
        %swap3A_426 = vector.shape_cast %swap3A_425 : vector<1x16xf32> to vector<16xf32>
        %swap3A_427 = vector.shape_cast %mul3A_422 : vector<16xf32> to vector<1x16xf32>
        tpu.vector_store %arg5[%swap3A_423, %swap3A_424], %swap3A_427 {strides = array<i32>} : memref<16x1024xf32, #tpu.memory_space<vmem>>, vector<1x16xf32>,
        %get3A_428 = arith.index_cast %scan3A_129 : i32 to index
        %get3A_429 = arith.constant 400 : index
        %get3A_430 = tpu.vector_load %arg5[%get3A_428, %get3A_429] {strides = array<i32>} : memref<16x1024xf32, #tpu.memory_space<vmem>>, vector<1x16xf32>,
        %get3A_431 = vector.shape_cast %get3A_430 : vector<1x16xf32> to vector<16xf32>
        %mul3A_432 = arith.constant 3.125000e-02 : f32
        %mul3A_433 = vector.broadcast %mul3A_432 : f32 to vector<16xf32>
        %mul3A_434 = arith.mulf %get3A_431, %mul3A_433 : vector<16xf32>
        %swap3A_435 = arith.index_cast %scan3A_129 : i32 to index
        %swap3A_436 = arith.constant 400 : index
        %swap3A_437 = tpu.vector_load %arg5[%swap3A_435, %swap3A_436] {strides = array<i32>} : memref<16x1024xf32, #tpu.memory_space<vmem>>, vector<1x16xf32>,
        %swap3A_438 = vector.shape_cast %swap3A_437 : vector<1x16xf32> to vector<16xf32>
        %swap3A_439 = vector.shape_cast %mul3A_434 : vector<16xf32> to vector<1x16xf32>
        tpu.vector_store %arg5[%swap3A_435, %swap3A_436], %swap3A_439 {strides = array<i32>} : memref<16x1024xf32, #tpu.memory_space<vmem>>, vector<1x16xf32>,
        %get3A_440 = arith.index_cast %scan3A_129 : i32 to index
        %get3A_441 = arith.constant 416 : index
        %get3A_442 = tpu.vector_load %arg5[%get3A_440, %get3A_441] {strides = array<i32>} : memref<16x1024xf32, #tpu.memory_space<vmem>>, vector<1x16xf32>,
        %get3A_443 = vector.shape_cast %get3A_442 : vector<1x16xf32> to vector<16xf32>
        %mul3A_444 = arith.constant 3.125000e-02 : f32
        %mul3A_445 = vector.broadcast %mul3A_444 : f32 to vector<16xf32>
        %mul3A_446 = arith.mulf %get3A_443, %mul3A_445 : vector<16xf32>
        %swap3A_447 = arith.index_cast %scan3A_129 : i32 to index
        %swap3A_448 = arith.constant 416 : index
        %swap3A_449 = tpu.vector_load %arg5[%swap3A_447, %swap3A_448] {strides = array<i32>} : memref<16x1024xf32, #tpu.memory_space<vmem>>, vector<1x16xf32>,
        %swap3A_450 = vector.shape_cast %swap3A_449 : vector<1x16xf32> to vector<16xf32>
        %swap3A_451 = vector.shape_cast %mul3A_446 : vector<16xf32> to vector<1x16xf32>
        tpu.vector_store %arg5[%swap3A_447, %swap3A_448], %swap3A_451 {strides = array<i32>} : memref<16x1024xf32, #tpu.memory_space<vmem>>, vector<1x16xf32>,
        %get3A_452 = arith.index_cast %scan3A_129 : i32 to index
        %get3A_453 = arith.constant 432 : index
        %get3A_454 = tpu.vector_load %arg5[%get3A_452, %get3A_453] {strides = array<i32>} : memref<16x1024xf32, #tpu.memory_space<vmem>>, vector<1x16xf32>,
        %get3A_455 = vector.shape_cast %get3A_454 : vector<1x16xf32> to vector<16xf32>
        %mul3A_456 = arith.constant 3.125000e-02 : f32
        %mul3A_457 = vector.broadcast %mul3A_456 : f32 to vector<16xf32>
        %mul3A_458 = arith.mulf %get3A_455, %mul3A_457 : vector<16xf32>
        %swap3A_459 = arith.index_cast %scan3A_129 : i32 to index
        %swap3A_460 = arith.constant 432 : index
        %swap3A_461 = tpu.vector_load %arg5[%swap3A_459, %swap3A_460] {strides = array<i32>} : memref<16x1024xf32, #tpu.memory_space<vmem>>, vector<1x16xf32>,
        %swap3A_462 = vector.shape_cast %swap3A_461 : vector<1x16xf32> to vector<16xf32>
        %swap3A_463 = vector.shape_cast %mul3A_458 : vector<16xf32> to vector<1x16xf32>
        tpu.vector_store %arg5[%swap3A_459, %swap3A_460], %swap3A_463 {strides = array<i32>} : memref<16x1024xf32, #tpu.memory_space<vmem>>, vector<1x16xf32>,
        %get3A_464 = arith.index_cast %scan3A_129 : i32 to index
        %get3A_465 = arith.constant 448 : index
        %get3A_466 = tpu.vector_load %arg5[%get3A_464, %get3A_465] {strides = array<i32>} : memref<16x1024xf32, #tpu.memory_space<vmem>>, vector<1x16xf32>,
        %get3A_467 = vector.shape_cast %get3A_466 : vector<1x16xf32> to vector<16xf32>
        %mul3A_468 = arith.constant 3.125000e-02 : f32
        %mul3A_469 = vector.broadcast %mul3A_468 : f32 to vector<16xf32>
        %mul3A_470 = arith.mulf %get3A_467, %mul3A_469 : vector<16xf32>
        %swap3A_471 = arith.index_cast %scan3A_129 : i32 to index
        %swap3A_472 = arith.constant 448 : index
        %swap3A_473 = tpu.vector_load %arg5[%swap3A_471, %swap3A_472] {strides = array<i32>} : memref<16x1024xf32, #tpu.memory_space<vmem>>, vector<1x16xf32>,
        %swap3A_474 = vector.shape_cast %swap3A_473 : vector<1x16xf32> to vector<16xf32>
        %swap3A_475 = vector.shape_cast %mul3A_470 : vector<16xf32> to vector<1x16xf32>
        tpu.vector_store %arg5[%swap3A_471, %swap3A_472], %swap3A_475 {strides = array<i32>} : memref<16x1024xf32, #tpu.memory_space<vmem>>, vector<1x16xf32>,
        %get3A_476 = arith.index_cast %scan3A_129 : i32 to index
        %get3A_477 = arith.constant 464 : index
        %get3A_478 = tpu.vector_load %arg5[%get3A_476, %get3A_477] {strides = array<i32>} : memref<16x1024xf32, #tpu.memory_space<vmem>>, vector<1x16xf32>,
        %get3A_479 = vector.shape_cast %get3A_478 : vector<1x16xf32> to vector<16xf32>
        %mul3A_480 = arith.constant 3.125000e-02 : f32
        %mul3A_481 = vector.broadcast %mul3A_480 : f32 to vector<16xf32>
        %mul3A_482 = arith.mulf %get3A_479, %mul3A_481 : vector<16xf32>
        %swap3A_483 = arith.index_cast %scan3A_129 : i32 to index
        %swap3A_484 = arith.constant 464 : index
        %swap3A_485 = tpu.vector_load %arg5[%swap3A_483, %swap3A_484] {strides = array<i32>} : memref<16x1024xf32, #tpu.memory_space<vmem>>, vector<1x16xf32>,
        %swap3A_486 = vector.shape_cast %swap3A_485 : vector<1x16xf32> to vector<16xf32>
        %swap3A_487 = vector.shape_cast %mul3A_482 : vector<16xf32> to vector<1x16xf32>
        tpu.vector_store %arg5[%swap3A_483, %swap3A_484], %swap3A_487 {strides = array<i32>} : memref<16x1024xf32, #tpu.memory_space<vmem>>, vector<1x16xf32>,
        %get3A_488 = arith.index_cast %scan3A_129 : i32 to index
        %get3A_489 = arith.constant 480 : index
        %get3A_490 = tpu.vector_load %arg5[%get3A_488, %get3A_489] {strides = array<i32>} : memref<16x1024xf32, #tpu.memory_space<vmem>>, vector<1x16xf32>,
        %get3A_491 = vector.shape_cast %get3A_490 : vector<1x16xf32> to vector<16xf32>
        %mul3A_492 = arith.constant 3.125000e-02 : f32
        %mul3A_493 = vector.broadcast %mul3A_492 : f32 to vector<16xf32>
        %mul3A_494 = arith.mulf %get3A_491, %mul3A_493 : vector<16xf32>
        %swap3A_495 = arith.index_cast %scan3A_129 : i32 to index
        %swap3A_496 = arith.constant 480 : index
        %swap3A_497 = tpu.vector_load %arg5[%swap3A_495, %swap3A_496] {strides = array<i32>} : memref<16x1024xf32, #tpu.memory_space<vmem>>, vector<1x16xf32>,
        %swap3A_498 = vector.shape_cast %swap3A_497 : vector<1x16xf32> to vector<16xf32>
        %swap3A_499 = vector.shape_cast %mul3A_494 : vector<16xf32> to vector<1x16xf32>
        tpu.vector_store %arg5[%swap3A_495, %swap3A_496], %swap3A_499 {strides = array<i32>} : memref<16x1024xf32, #tpu.memory_space<vmem>>, vector<1x16xf32>,
        %get3A_500 = arith.index_cast %scan3A_129 : i32 to index
        %get3A_501 = arith.constant 496 : index
        %get3A_502 = tpu.vector_load %arg5[%get3A_500, %get3A_501] {strides = array<i32>} : memref<16x1024xf32, #tpu.memory_space<vmem>>, vector<1x16xf32>,
        %get3A_503 = vector.shape_cast %get3A_502 : vector<1x16xf32> to vector<16xf32>
        %mul3A_504 = arith.constant 3.125000e-02 : f32
        %mul3A_505 = vector.broadcast %mul3A_504 : f32 to vector<16xf32>
        %mul3A_506 = arith.mulf %get3A_503, %mul3A_505 : vector<16xf32>
        %swap3A_507 = arith.index_cast %scan3A_129 : i32 to index
        %swap3A_508 = arith.constant 496 : index
        %swap3A_509 = tpu.vector_load %arg5[%swap3A_507, %swap3A_508] {strides = array<i32>} : memref<16x1024xf32, #tpu.memory_space<vmem>>, vector<1x16xf32>,
        %swap3A_510 = vector.shape_cast %swap3A_509 : vector<1x16xf32> to vector<16xf32>
        %swap3A_511 = vector.shape_cast %mul3A_506 : vector<16xf32> to vector<1x16xf32>
        tpu.vector_store %arg5[%swap3A_507, %swap3A_508], %swap3A_511 {strides = array<i32>} : memref<16x1024xf32, #tpu.memory_space<vmem>>, vector<1x16xf32>,
        %get3A_512 = arith.index_cast %scan3A_129 : i32 to index
        %get3A_513 = arith.constant 512 : index
        %get3A_514 = tpu.vector_load %arg5[%get3A_512, %get3A_513] {strides = array<i32>} : memref<16x1024xf32, #tpu.memory_space<vmem>>, vector<1x16xf32>,
        %get3A_515 = vector.shape_cast %get3A_514 : vector<1x16xf32> to vector<16xf32>
        %mul3A_516 = arith.constant 3.125000e-02 : f32
        %mul3A_517 = vector.broadcast %mul3A_516 : f32 to vector<16xf32>
        %mul3A_518 = arith.mulf %get3A_515, %mul3A_517 : vector<16xf32>
        %swap3A_519 = arith.index_cast %scan3A_129 : i32 to index
        %swap3A_520 = arith.constant 512 : index
        %swap3A_521 = tpu.vector_load %arg5[%swap3A_519, %swap3A_520] {strides = array<i32>} : memref<16x1024xf32, #tpu.memory_space<vmem>>, vector<1x16xf32>,
        %swap3A_522 = vector.shape_cast %swap3A_521 : vector<1x16xf32> to vector<16xf32>
        %swap3A_523 = vector.shape_cast %mul3A_518 : vector<16xf32> to vector<1x16xf32>
        tpu.vector_store %arg5[%swap3A_519, %swap3A_520], %swap3A_523 {strides = array<i32>} : memref<16x1024xf32, #tpu.memory_space<vmem>>, vector<1x16xf32>,
        %get3A_524 = arith.index_cast %scan3A_129 : i32 to index
        %get3A_525 = arith.constant 528 : index
        %get3A_526 = tpu.vector_load %arg5[%get3A_524, %get3A_525] {strides = array<i32>} : memref<16x1024xf32, #tpu.memory_space<vmem>>, vector<1x16xf32>,
        %get3A_527 = vector.shape_cast %get3A_526 : vector<1x16xf32> to vector<16xf32>
        %mul3A_528 = arith.constant 3.125000e-02 : f32
        %mul3A_529 = vector.broadcast %mul3A_528 : f32 to vector<16xf32>
        %mul3A_530 = arith.mulf %get3A_527, %mul3A_529 : vector<16xf32>
        %swap3A_531 = arith.index_cast %scan3A_129 : i32 to index
        %swap3A_532 = arith.constant 528 : index
        %swap3A_533 = tpu.vector_load %arg5[%swap3A_531, %swap3A_532] {strides = array<i32>} : memref<16x1024xf32, #tpu.memory_space<vmem>>, vector<1x16xf32>,
        %swap3A_534 = vector.shape_cast %swap3A_533 : vector<1x16xf32> to vector<16xf32>
        %swap3A_535 = vector.shape_cast %mul3A_530 : vector<16xf32> to vector<1x16xf32>
        tpu.vector_store %arg5[%swap3A_531, %swap3A_532], %swap3A_535 {strides = array<i32>} : memref<16x1024xf32, #tpu.memory_space<vmem>>, vector<1x16xf32>,
        %get3A_536 = arith.index_cast %scan3A_129 : i32 to index
        %get3A_537 = arith.constant 544 : index
        %get3A_538 = tpu.vector_load %arg5[%get3A_536, %get3A_537] {strides = array<i32>} : memref<16x1024xf32, #tpu.memory_space<vmem>>, vector<1x16xf32>,
        %get3A_539 = vector.shape_cast %get3A_538 : vector<1x16xf32> to vector<16xf32>
        %mul3A_540 = arith.constant 3.125000e-02 : f32
        %mul3A_541 = vector.broadcast %mul3A_540 : f32 to vector<16xf32>
        %mul3A_542 = arith.mulf %get3A_539, %mul3A_541 : vector<16xf32>
        %swap3A_543 = arith.index_cast %scan3A_129 : i32 to index
        %swap3A_544 = arith.constant 544 : index
        %swap3A_545 = tpu.vector_load %arg5[%swap3A_543, %swap3A_544] {strides = array<i32>} : memref<16x1024xf32, #tpu.memory_space<vmem>>, vector<1x16xf32>,
        %swap3A_546 = vector.shape_cast %swap3A_545 : vector<1x16xf32> to vector<16xf32>
        %swap3A_547 = vector.shape_cast %mul3A_542 : vector<16xf32> to vector<1x16xf32>
        tpu.vector_store %arg5[%swap3A_543, %swap3A_544], %swap3A_547 {strides = array<i32>} : memref<16x1024xf32, #tpu.memory_space<vmem>>, vector<1x16xf32>,
        %get3A_548 = arith.index_cast %scan3A_129 : i32 to index
        %get3A_549 = arith.constant 560 : index
        %get3A_550 = tpu.vector_load %arg5[%get3A_548, %get3A_549] {strides = array<i32>} : memref<16x1024xf32, #tpu.memory_space<vmem>>, vector<1x16xf32>,
        %get3A_551 = vector.shape_cast %get3A_550 : vector<1x16xf32> to vector<16xf32>
        %mul3A_552 = arith.constant 3.125000e-02 : f32
        %mul3A_553 = vector.broadcast %mul3A_552 : f32 to vector<16xf32>
        %mul3A_554 = arith.mulf %get3A_551, %mul3A_553 : vector<16xf32>
        %swap3A_555 = arith.index_cast %scan3A_129 : i32 to index
        %swap3A_556 = arith.constant 560 : index
        %swap3A_557 = tpu.vector_load %arg5[%swap3A_555, %swap3A_556] {strides = array<i32>} : memref<16x1024xf32, #tpu.memory_space<vmem>>, vector<1x16xf32>,
        %swap3A_558 = vector.shape_cast %swap3A_557 : vector<1x16xf32> to vector<16xf32>
        %swap3A_559 = vector.shape_cast %mul3A_554 : vector<16xf32> to vector<1x16xf32>
        tpu.vector_store %arg5[%swap3A_555, %swap3A_556], %swap3A_559 {strides = array<i32>} : memref<16x1024xf32, #tpu.memory_space<vmem>>, vector<1x16xf32>,
        %get3A_560 = arith.index_cast %scan3A_129 : i32 to index
        %get3A_561 = arith.constant 576 : index
        %get3A_562 = tpu.vector_load %arg5[%get3A_560, %get3A_561] {strides = array<i32>} : memref<16x1024xf32, #tpu.memory_space<vmem>>, vector<1x16xf32>,
        %get3A_563 = vector.shape_cast %get3A_562 : vector<1x16xf32> to vector<16xf32>
        %mul3A_564 = arith.constant 3.125000e-02 : f32
        %mul3A_565 = vector.broadcast %mul3A_564 : f32 to vector<16xf32>
        %mul3A_566 = arith.mulf %get3A_563, %mul3A_565 : vector<16xf32>
        %swap3A_567 = arith.index_cast %scan3A_129 : i32 to index
        %swap3A_568 = arith.constant 576 : index
        %swap3A_569 = tpu.vector_load %arg5[%swap3A_567, %swap3A_568] {strides = array<i32>} : memref<16x1024xf32, #tpu.memory_space<vmem>>, vector<1x16xf32>,
        %swap3A_570 = vector.shape_cast %swap3A_569 : vector<1x16xf32> to vector<16xf32>
        %swap3A_571 = vector.shape_cast %mul3A_566 : vector<16xf32> to vector<1x16xf32>
        tpu.vector_store %arg5[%swap3A_567, %swap3A_568], %swap3A_571 {strides = array<i32>} : memref<16x1024xf32, #tpu.memory_space<vmem>>, vector<1x16xf32>,
        %get3A_572 = arith.index_cast %scan3A_129 : i32 to index
        %get3A_573 = arith.constant 592 : index
        %get3A_574 = tpu.vector_load %arg5[%get3A_572, %get3A_573] {strides = array<i32>} : memref<16x1024xf32, #tpu.memory_space<vmem>>, vector<1x16xf32>,
        %get3A_575 = vector.shape_cast %get3A_574 : vector<1x16xf32> to vector<16xf32>
        %mul3A_576 = arith.constant 3.125000e-02 : f32
        %mul3A_577 = vector.broadcast %mul3A_576 : f32 to vector<16xf32>
        %mul3A_578 = arith.mulf %get3A_575, %mul3A_577 : vector<16xf32>
        %swap3A_579 = arith.index_cast %scan3A_129 : i32 to index
        %swap3A_580 = arith.constant 592 : index
        %swap3A_581 = tpu.vector_load %arg5[%swap3A_579, %swap3A_580] {strides = array<i32>} : memref<16x1024xf32, #tpu.memory_space<vmem>>, vector<1x16xf32>,
        %swap3A_582 = vector.shape_cast %swap3A_581 : vector<1x16xf32> to vector<16xf32>
        %swap3A_583 = vector.shape_cast %mul3A_578 : vector<16xf32> to vector<1x16xf32>
        tpu.vector_store %arg5[%swap3A_579, %swap3A_580], %swap3A_583 {strides = array<i32>} : memref<16x1024xf32, #tpu.memory_space<vmem>>, vector<1x16xf32>,
        %get3A_584 = arith.index_cast %scan3A_129 : i32 to index
        %get3A_585 = arith.constant 608 : index
        %get3A_586 = tpu.vector_load %arg5[%get3A_584, %get3A_585] {strides = array<i32>} : memref<16x1024xf32, #tpu.memory_space<vmem>>, vector<1x16xf32>,
        %get3A_587 = vector.shape_cast %get3A_586 : vector<1x16xf32> to vector<16xf32>
        %mul3A_588 = arith.constant 3.125000e-02 : f32
        %mul3A_589 = vector.broadcast %mul3A_588 : f32 to vector<16xf32>
        %mul3A_590 = arith.mulf %get3A_587, %mul3A_589 : vector<16xf32>
        %swap3A_591 = arith.index_cast %scan3A_129 : i32 to index
        %swap3A_592 = arith.constant 608 : index
        %swap3A_593 = tpu.vector_load %arg5[%swap3A_591, %swap3A_592] {strides = array<i32>} : memref<16x1024xf32, #tpu.memory_space<vmem>>, vector<1x16xf32>,
        %swap3A_594 = vector.shape_cast %swap3A_593 : vector<1x16xf32> to vector<16xf32>
        %swap3A_595 = vector.shape_cast %mul3A_590 : vector<16xf32> to vector<1x16xf32>
        tpu.vector_store %arg5[%swap3A_591, %swap3A_592], %swap3A_595 {strides = array<i32>} : memref<16x1024xf32, #tpu.memory_space<vmem>>, vector<1x16xf32>,
        %get3A_596 = arith.index_cast %scan3A_129 : i32 to index
        %get3A_597 = arith.constant 624 : index
        %get3A_598 = tpu.vector_load %arg5[%get3A_596, %get3A_597] {strides = array<i32>} : memref<16x1024xf32, #tpu.memory_space<vmem>>, vector<1x16xf32>,
        %get3A_599 = vector.shape_cast %get3A_598 : vector<1x16xf32> to vector<16xf32>
        %mul3A_600 = arith.constant 3.125000e-02 : f32
        %mul3A_601 = vector.broadcast %mul3A_600 : f32 to vector<16xf32>
        %mul3A_602 = arith.mulf %get3A_599, %mul3A_601 : vector<16xf32>
        %swap3A_603 = arith.index_cast %scan3A_129 : i32 to index
        %swap3A_604 = arith.constant 624 : index
        %swap3A_605 = tpu.vector_load %arg5[%swap3A_603, %swap3A_604] {strides = array<i32>} : memref<16x1024xf32, #tpu.memory_space<vmem>>, vector<1x16xf32>,
        %swap3A_606 = vector.shape_cast %swap3A_605 : vector<1x16xf32> to vector<16xf32>
        %swap3A_607 = vector.shape_cast %mul3A_602 : vector<16xf32> to vector<1x16xf32>
        tpu.vector_store %arg5[%swap3A_603, %swap3A_604], %swap3A_607 {strides = array<i32>} : memref<16x1024xf32, #tpu.memory_space<vmem>>, vector<1x16xf32>,
        %get3A_608 = arith.index_cast %scan3A_129 : i32 to index
        %get3A_609 = arith.constant 640 : index
        %get3A_610 = tpu.vector_load %arg5[%get3A_608, %get3A_609] {strides = array<i32>} : memref<16x1024xf32, #tpu.memory_space<vmem>>, vector<1x16xf32>,
        %get3A_611 = vector.shape_cast %get3A_610 : vector<1x16xf32> to vector<16xf32>
        %mul3A_612 = arith.constant 3.125000e-02 : f32
        %mul3A_613 = vector.broadcast %mul3A_612 : f32 to vector<16xf32>
        %mul3A_614 = arith.mulf %get3A_611, %mul3A_613 : vector<16xf32>
        %swap3A_615 = arith.index_cast %scan3A_129 : i32 to index
        %swap3A_616 = arith.constant 640 : index
        %swap3A_617 = tpu.vector_load %arg5[%swap3A_615, %swap3A_616] {strides = array<i32>} : memref<16x1024xf32, #tpu.memory_space<vmem>>, vector<1x16xf32>,
        %swap3A_618 = vector.shape_cast %swap3A_617 : vector<1x16xf32> to vector<16xf32>
        %swap3A_619 = vector.shape_cast %mul3A_614 : vector<16xf32> to vector<1x16xf32>
        tpu.vector_store %arg5[%swap3A_615, %swap3A_616], %swap3A_619 {strides = array<i32>} : memref<16x1024xf32, #tpu.memory_space<vmem>>, vector<1x16xf32>,
        %get3A_620 = arith.index_cast %scan3A_129 : i32 to index
        %get3A_621 = arith.constant 656 : index
        %get3A_622 = tpu.vector_load %arg5[%get3A_620, %get3A_621] {strides = array<i32>} : memref<16x1024xf32, #tpu.memory_space<vmem>>, vector<1x16xf32>,
        %get3A_623 = vector.shape_cast %get3A_622 : vector<1x16xf32> to vector<16xf32>
        %mul3A_624 = arith.constant 3.125000e-02 : f32
        %mul3A_625 = vector.broadcast %mul3A_624 : f32 to vector<16xf32>
        %mul3A_626 = arith.mulf %get3A_623, %mul3A_625 : vector<16xf32>
        %swap3A_627 = arith.index_cast %scan3A_129 : i32 to index
        %swap3A_628 = arith.constant 656 : index
        %swap3A_629 = tpu.vector_load %arg5[%swap3A_627, %swap3A_628] {strides = array<i32>} : memref<16x1024xf32, #tpu.memory_space<vmem>>, vector<1x16xf32>,
        %swap3A_630 = vector.shape_cast %swap3A_629 : vector<1x16xf32> to vector<16xf32>
        %swap3A_631 = vector.shape_cast %mul3A_626 : vector<16xf32> to vector<1x16xf32>
        tpu.vector_store %arg5[%swap3A_627, %swap3A_628], %swap3A_631 {strides = array<i32>} : memref<16x1024xf32, #tpu.memory_space<vmem>>, vector<1x16xf32>,
        %get3A_632 = arith.index_cast %scan3A_129 : i32 to index
        %get3A_633 = arith.constant 672 : index
        %get3A_634 = tpu.vector_load %arg5[%get3A_632, %get3A_633] {strides = array<i32>} : memref<16x1024xf32, #tpu.memory_space<vmem>>, vector<1x16xf32>,
        %get3A_635 = vector.shape_cast %get3A_634 : vector<1x16xf32> to vector<16xf32>
        %mul3A_636 = arith.constant 3.125000e-02 : f32
        %mul3A_637 = vector.broadcast %mul3A_636 : f32 to vector<16xf32>
        %mul3A_638 = arith.mulf %get3A_635, %mul3A_637 : vector<16xf32>
        %swap3A_639 = arith.index_cast %scan3A_129 : i32 to index
        %swap3A_640 = arith.constant 672 : index
        %swap3A_641 = tpu.vector_load %arg5[%swap3A_639, %swap3A_640] {strides = array<i32>} : memref<16x1024xf32, #tpu.memory_space<vmem>>, vector<1x16xf32>,
        %swap3A_642 = vector.shape_cast %swap3A_641 : vector<1x16xf32> to vector<16xf32>
        %swap3A_643 = vector.shape_cast %mul3A_638 : vector<16xf32> to vector<1x16xf32>
        tpu.vector_store %arg5[%swap3A_639, %swap3A_640], %swap3A_643 {strides = array<i32>} : memref<16x1024xf32, #tpu.memory_space<vmem>>, vector<1x16xf32>,
        %get3A_644 = arith.index_cast %scan3A_129 : i32 to index
        %get3A_645 = arith.constant 688 : index
        %get3A_646 = tpu.vector_load %arg5[%get3A_644, %get3A_645] {strides = array<i32>} : memref<16x1024xf32, #tpu.memory_space<vmem>>, vector<1x16xf32>,
        %get3A_647 = vector.shape_cast %get3A_646 : vector<1x16xf32> to vector<16xf32>
        %mul3A_648 = arith.constant 3.125000e-02 : f32
        %mul3A_649 = vector.broadcast %mul3A_648 : f32 to vector<16xf32>
        %mul3A_650 = arith.mulf %get3A_647, %mul3A_649 : vector<16xf32>
        %swap3A_651 = arith.index_cast %scan3A_129 : i32 to index
        %swap3A_652 = arith.constant 688 : index
        %swap3A_653 = tpu.vector_load %arg5[%swap3A_651, %swap3A_652] {strides = array<i32>} : memref<16x1024xf32, #tpu.memory_space<vmem>>, vector<1x16xf32>,
        %swap3A_654 = vector.shape_cast %swap3A_653 : vector<1x16xf32> to vector<16xf32>
        %swap3A_655 = vector.shape_cast %mul3A_650 : vector<16xf32> to vector<1x16xf32>
        tpu.vector_store %arg5[%swap3A_651, %swap3A_652], %swap3A_655 {strides = array<i32>} : memref<16x1024xf32, #tpu.memory_space<vmem>>, vector<1x16xf32>,
        %get3A_656 = arith.index_cast %scan3A_129 : i32 to index
        %get3A_657 = arith.constant 704 : index
        %get3A_658 = tpu.vector_load %arg5[%get3A_656, %get3A_657] {strides = array<i32>} : memref<16x1024xf32, #tpu.memory_space<vmem>>, vector<1x16xf32>,
        %get3A_659 = vector.shape_cast %get3A_658 : vector<1x16xf32> to vector<16xf32>
        %mul3A_660 = arith.constant 3.125000e-02 : f32
        %mul3A_661 = vector.broadcast %mul3A_660 : f32 to vector<16xf32>
        %mul3A_662 = arith.mulf %get3A_659, %mul3A_661 : vector<16xf32>
        %swap3A_663 = arith.index_cast %scan3A_129 : i32 to index
        %swap3A_664 = arith.constant 704 : index
        %swap3A_665 = tpu.vector_load %arg5[%swap3A_663, %swap3A_664] {strides = array<i32>} : memref<16x1024xf32, #tpu.memory_space<vmem>>, vector<1x16xf32>,
        %swap3A_666 = vector.shape_cast %swap3A_665 : vector<1x16xf32> to vector<16xf32>
        %swap3A_667 = vector.shape_cast %mul3A_662 : vector<16xf32> to vector<1x16xf32>
        tpu.vector_store %arg5[%swap3A_663, %swap3A_664], %swap3A_667 {strides = array<i32>} : memref<16x1024xf32, #tpu.memory_space<vmem>>, vector<1x16xf32>,
        %get3A_668 = arith.index_cast %scan3A_129 : i32 to index
        %get3A_669 = arith.constant 720 : index
        %get3A_670 = tpu.vector_load %arg5[%get3A_668, %get3A_669] {strides = array<i32>} : memref<16x1024xf32, #tpu.memory_space<vmem>>, vector<1x16xf32>,
        %get3A_671 = vector.shape_cast %get3A_670 : vector<1x16xf32> to vector<16xf32>
        %mul3A_672 = arith.constant 3.125000e-02 : f32
        %mul3A_673 = vector.broadcast %mul3A_672 : f32 to vector<16xf32>
        %mul3A_674 = arith.mulf %get3A_671, %mul3A_673 : vector<16xf32>
        %swap3A_675 = arith.index_cast %scan3A_129 : i32 to index
        %swap3A_676 = arith.constant 720 : index
        %swap3A_677 = tpu.vector_load %arg5[%swap3A_675, %swap3A_676] {strides = array<i32>} : memref<16x1024xf32, #tpu.memory_space<vmem>>, vector<1x16xf32>,
        %swap3A_678 = vector.shape_cast %swap3A_677 : vector<1x16xf32> to vector<16xf32>
        %swap3A_679 = vector.shape_cast %mul3A_674 : vector<16xf32> to vector<1x16xf32>
        tpu.vector_store %arg5[%swap3A_675, %swap3A_676], %swap3A_679 {strides = array<i32>} : memref<16x1024xf32, #tpu.memory_space<vmem>>, vector<1x16xf32>,
        %get3A_680 = arith.index_cast %scan3A_129 : i32 to index
        %get3A_681 = arith.constant 736 : index
        %get3A_682 = tpu.vector_load %arg5[%get3A_680, %get3A_681] {strides = array<i32>} : memref<16x1024xf32, #tpu.memory_space<vmem>>, vector<1x16xf32>,
        %get3A_683 = vector.shape_cast %get3A_682 : vector<1x16xf32> to vector<16xf32>
        %mul3A_684 = arith.constant 3.125000e-02 : f32
        %mul3A_685 = vector.broadcast %mul3A_684 : f32 to vector<16xf32>
        %mul3A_686 = arith.mulf %get3A_683, %mul3A_685 : vector<16xf32>
        %swap3A_687 = arith.index_cast %scan3A_129 : i32 to index
        %swap3A_688 = arith.constant 736 : index
        %swap3A_689 = tpu.vector_load %arg5[%swap3A_687, %swap3A_688] {strides = array<i32>} : memref<16x1024xf32, #tpu.memory_space<vmem>>, vector<1x16xf32>,
        %swap3A_690 = vector.shape_cast %swap3A_689 : vector<1x16xf32> to vector<16xf32>
        %swap3A_691 = vector.shape_cast %mul3A_686 : vector<16xf32> to vector<1x16xf32>
        tpu.vector_store %arg5[%swap3A_687, %swap3A_688], %swap3A_691 {strides = array<i32>} : memref<16x1024xf32, #tpu.memory_space<vmem>>, vector<1x16xf32>,
        %get3A_692 = arith.index_cast %scan3A_129 : i32 to index
        %get3A_693 = arith.constant 752 : index
        %get3A_694 = tpu.vector_load %arg5[%get3A_692, %get3A_693] {strides = array<i32>} : memref<16x1024xf32, #tpu.memory_space<vmem>>, vector<1x16xf32>,
        %get3A_695 = vector.shape_cast %get3A_694 : vector<1x16xf32> to vector<16xf32>
        %mul3A_696 = arith.constant 3.125000e-02 : f32
        %mul3A_697 = vector.broadcast %mul3A_696 : f32 to vector<16xf32>
        %mul3A_698 = arith.mulf %get3A_695, %mul3A_697 : vector<16xf32>
        %swap3A_699 = arith.index_cast %scan3A_129 : i32 to index
        %swap3A_700 = arith.constant 752 : index
        %swap3A_701 = tpu.vector_load %arg5[%swap3A_699, %swap3A_700] {strides = array<i32>} : memref<16x1024xf32, #tpu.memory_space<vmem>>, vector<1x16xf32>,
        %swap3A_702 = vector.shape_cast %swap3A_701 : vector<1x16xf32> to vector<16xf32>
        %swap3A_703 = vector.shape_cast %mul3A_698 : vector<16xf32> to vector<1x16xf32>
        tpu.vector_store %arg5[%swap3A_699, %swap3A_700], %swap3A_703 {strides = array<i32>} : memref<16x1024xf32, #tpu.memory_space<vmem>>, vector<1x16xf32>,
        %get3A_704 = arith.index_cast %scan3A_129 : i32 to index
        %get3A_705 = arith.constant 768 : index
        %get3A_706 = tpu.vector_load %arg5[%get3A_704, %get3A_705] {strides = array<i32>} : memref<16x1024xf32, #tpu.memory_space<vmem>>, vector<1x16xf32>,
        %get3A_707 = vector.shape_cast %get3A_706 : vector<1x16xf32> to vector<16xf32>
        %mul3A_708 = arith.constant 3.125000e-02 : f32
        %mul3A_709 = vector.broadcast %mul3A_708 : f32 to vector<16xf32>
        %mul3A_710 = arith.mulf %get3A_707, %mul3A_709 : vector<16xf32>
        %swap3A_711 = arith.index_cast %scan3A_129 : i32 to index
        %swap3A_712 = arith.constant 768 : index
        %swap3A_713 = tpu.vector_load %arg5[%swap3A_711, %swap3A_712] {strides = array<i32>} : memref<16x1024xf32, #tpu.memory_space<vmem>>, vector<1x16xf32>,
        %swap3A_714 = vector.shape_cast %swap3A_713 : vector<1x16xf32> to vector<16xf32>
        %swap3A_715 = vector.shape_cast %mul3A_710 : vector<16xf32> to vector<1x16xf32>
        tpu.vector_store %arg5[%swap3A_711, %swap3A_712], %swap3A_715 {strides = array<i32>} : memref<16x1024xf32, #tpu.memory_space<vmem>>, vector<1x16xf32>,
        %get3A_716 = arith.index_cast %scan3A_129 : i32 to index
        %get3A_717 = arith.constant 784 : index
        %get3A_718 = tpu.vector_load %arg5[%get3A_716, %get3A_717] {strides = array<i32>} : memref<16x1024xf32, #tpu.memory_space<vmem>>, vector<1x16xf32>,
        %get3A_719 = vector.shape_cast %get3A_718 : vector<1x16xf32> to vector<16xf32>
        %mul3A_720 = arith.constant 3.125000e-02 : f32
        %mul3A_721 = vector.broadcast %mul3A_720 : f32 to vector<16xf32>
        %mul3A_722 = arith.mulf %get3A_719, %mul3A_721 : vector<16xf32>
        %swap3A_723 = arith.index_cast %scan3A_129 : i32 to index
        %swap3A_724 = arith.constant 784 : index
        %swap3A_725 = tpu.vector_load %arg5[%swap3A_723, %swap3A_724] {strides = array<i32>} : memref<16x1024xf32, #tpu.memory_space<vmem>>, vector<1x16xf32>,
        %swap3A_726 = vector.shape_cast %swap3A_725 : vector<1x16xf32> to vector<16xf32>
        %swap3A_727 = vector.shape_cast %mul3A_722 : vector<16xf32> to vector<1x16xf32>
        tpu.vector_store %arg5[%swap3A_723, %swap3A_724], %swap3A_727 {strides = array<i32>} : memref<16x1024xf32, #tpu.memory_space<vmem>>, vector<1x16xf32>,
        %get3A_728 = arith.index_cast %scan3A_129 : i32 to index
        %get3A_729 = arith.constant 800 : index
        %get3A_730 = tpu.vector_load %arg5[%get3A_728, %get3A_729] {strides = array<i32>} : memref<16x1024xf32, #tpu.memory_space<vmem>>, vector<1x16xf32>,
        %get3A_731 = vector.shape_cast %get3A_730 : vector<1x16xf32> to vector<16xf32>
        %mul3A_732 = arith.constant 3.125000e-02 : f32
        %mul3A_733 = vector.broadcast %mul3A_732 : f32 to vector<16xf32>
        %mul3A_734 = arith.mulf %get3A_731, %mul3A_733 : vector<16xf32>
        %swap3A_735 = arith.index_cast %scan3A_129 : i32 to index
        %swap3A_736 = arith.constant 800 : index
        %swap3A_737 = tpu.vector_load %arg5[%swap3A_735, %swap3A_736] {strides = array<i32>} : memref<16x1024xf32, #tpu.memory_space<vmem>>, vector<1x16xf32>,
        %swap3A_738 = vector.shape_cast %swap3A_737 : vector<1x16xf32> to vector<16xf32>
        %swap3A_739 = vector.shape_cast %mul3A_734 : vector<16xf32> to vector<1x16xf32>
        tpu.vector_store %arg5[%swap3A_735, %swap3A_736], %swap3A_739 {strides = array<i32>} : memref<16x1024xf32, #tpu.memory_space<vmem>>, vector<1x16xf32>,
        %get3A_740 = arith.index_cast %scan3A_129 : i32 to index
        %get3A_741 = arith.constant 816 : index
        %get3A_742 = tpu.vector_load %arg5[%get3A_740, %get3A_741] {strides = array<i32>} : memref<16x1024xf32, #tpu.memory_space<vmem>>, vector<1x16xf32>,
        %get3A_743 = vector.shape_cast %get3A_742 : vector<1x16xf32> to vector<16xf32>
        %mul3A_744 = arith.constant 3.125000e-02 : f32
        %mul3A_745 = vector.broadcast %mul3A_744 : f32 to vector<16xf32>
        %mul3A_746 = arith.mulf %get3A_743, %mul3A_745 : vector<16xf32>
        %swap3A_747 = arith.index_cast %scan3A_129 : i32 to index
        %swap3A_748 = arith.constant 816 : index
        %swap3A_749 = tpu.vector_load %arg5[%swap3A_747, %swap3A_748] {strides = array<i32>} : memref<16x1024xf32, #tpu.memory_space<vmem>>, vector<1x16xf32>,
        %swap3A_750 = vector.shape_cast %swap3A_749 : vector<1x16xf32> to vector<16xf32>
        %swap3A_751 = vector.shape_cast %mul3A_746 : vector<16xf32> to vector<1x16xf32>
        tpu.vector_store %arg5[%swap3A_747, %swap3A_748], %swap3A_751 {strides = array<i32>} : memref<16x1024xf32, #tpu.memory_space<vmem>>, vector<1x16xf32>,
        %get3A_752 = arith.index_cast %scan3A_129 : i32 to index
        %get3A_753 = arith.constant 832 : index
        %get3A_754 = tpu.vector_load %arg5[%get3A_752, %get3A_753] {strides = array<i32>} : memref<16x1024xf32, #tpu.memory_space<vmem>>, vector<1x16xf32>,
        %get3A_755 = vector.shape_cast %get3A_754 : vector<1x16xf32> to vector<16xf32>
        %mul3A_756 = arith.constant 3.125000e-02 : f32
        %mul3A_757 = vector.broadcast %mul3A_756 : f32 to vector<16xf32>
        %mul3A_758 = arith.mulf %get3A_755, %mul3A_757 : vector<16xf32>
        %swap3A_759 = arith.index_cast %scan3A_129 : i32 to index
        %swap3A_760 = arith.constant 832 : index
        %swap3A_761 = tpu.vector_load %arg5[%swap3A_759, %swap3A_760] {strides = array<i32>} : memref<16x1024xf32, #tpu.memory_space<vmem>>, vector<1x16xf32>,
        %swap3A_762 = vector.shape_cast %swap3A_761 : vector<1x16xf32> to vector<16xf32>
        %swap3A_763 = vector.shape_cast %mul3A_758 : vector<16xf32> to vector<1x16xf32>
        tpu.vector_store %arg5[%swap3A_759, %swap3A_760], %swap3A_763 {strides = array<i32>} : memref<16x1024xf32, #tpu.memory_space<vmem>>, vector<1x16xf32>,
        %get3A_764 = arith.index_cast %scan3A_129 : i32 to index
        %get3A_765 = arith.constant 848 : index
        %get3A_766 = tpu.vector_load %arg5[%get3A_764, %get3A_765] {strides = array<i32>} : memref<16x1024xf32, #tpu.memory_space<vmem>>, vector<1x16xf32>,
        %get3A_767 = vector.shape_cast %get3A_766 : vector<1x16xf32> to vector<16xf32>
        %mul3A_768 = arith.constant 3.125000e-02 : f32
        %mul3A_769 = vector.broadcast %mul3A_768 : f32 to vector<16xf32>
        %mul3A_770 = arith.mulf %get3A_767, %mul3A_769 : vector<16xf32>
        %swap3A_771 = arith.index_cast %scan3A_129 : i32 to index
        %swap3A_772 = arith.constant 848 : index
        %swap3A_773 = tpu.vector_load %arg5[%swap3A_771, %swap3A_772] {strides = array<i32>} : memref<16x1024xf32, #tpu.memory_space<vmem>>, vector<1x16xf32>,
        %swap3A_774 = vector.shape_cast %swap3A_773 : vector<1x16xf32> to vector<16xf32>
        %swap3A_775 = vector.shape_cast %mul3A_770 : vector<16xf32> to vector<1x16xf32>
        tpu.vector_store %arg5[%swap3A_771, %swap3A_772], %swap3A_775 {strides = array<i32>} : memref<16x1024xf32, #tpu.memory_space<vmem>>, vector<1x16xf32>,
        %get3A_776 = arith.index_cast %scan3A_129 : i32 to index
        %get3A_777 = arith.constant 864 : index
        %get3A_778 = tpu.vector_load %arg5[%get3A_776, %get3A_777] {strides = array<i32>} : memref<16x1024xf32, #tpu.memory_space<vmem>>, vector<1x16xf32>,
        %get3A_779 = vector.shape_cast %get3A_778 : vector<1x16xf32> to vector<16xf32>
        %mul3A_780 = arith.constant 3.125000e-02 : f32
        %mul3A_781 = vector.broadcast %mul3A_780 : f32 to vector<16xf32>
        %mul3A_782 = arith.mulf %get3A_779, %mul3A_781 : vector<16xf32>
        %swap3A_783 = arith.index_cast %scan3A_129 : i32 to index
        %swap3A_784 = arith.constant 864 : index
        %swap3A_785 = tpu.vector_load %arg5[%swap3A_783, %swap3A_784] {strides = array<i32>} : memref<16x1024xf32, #tpu.memory_space<vmem>>, vector<1x16xf32>,
        %swap3A_786 = vector.shape_cast %swap3A_785 : vector<1x16xf32> to vector<16xf32>
        %swap3A_787 = vector.shape_cast %mul3A_782 : vector<16xf32> to vector<1x16xf32>
        tpu.vector_store %arg5[%swap3A_783, %swap3A_784], %swap3A_787 {strides = array<i32>} : memref<16x1024xf32, #tpu.memory_space<vmem>>, vector<1x16xf32>,
        %get3A_788 = arith.index_cast %scan3A_129 : i32 to index
        %get3A_789 = arith.constant 880 : index
        %get3A_790 = tpu.vector_load %arg5[%get3A_788, %get3A_789] {strides = array<i32>} : memref<16x1024xf32, #tpu.memory_space<vmem>>, vector<1x16xf32>,
        %get3A_791 = vector.shape_cast %get3A_790 : vector<1x16xf32> to vector<16xf32>
        %mul3A_792 = arith.constant 3.125000e-02 : f32
        %mul3A_793 = vector.broadcast %mul3A_792 : f32 to vector<16xf32>
        %mul3A_794 = arith.mulf %get3A_791, %mul3A_793 : vector<16xf32>
        %swap3A_795 = arith.index_cast %scan3A_129 : i32 to index
        %swap3A_796 = arith.constant 880 : index
        %swap3A_797 = tpu.vector_load %arg5[%swap3A_795, %swap3A_796] {strides = array<i32>} : memref<16x1024xf32, #tpu.memory_space<vmem>>, vector<1x16xf32>,
        %swap3A_798 = vector.shape_cast %swap3A_797 : vector<1x16xf32> to vector<16xf32>
        %swap3A_799 = vector.shape_cast %mul3A_794 : vector<16xf32> to vector<1x16xf32>
        tpu.vector_store %arg5[%swap3A_795, %swap3A_796], %swap3A_799 {strides = array<i32>} : memref<16x1024xf32, #tpu.memory_space<vmem>>, vector<1x16xf32>,
        %get3A_800 = arith.index_cast %scan3A_129 : i32 to index
        %get3A_801 = arith.constant 896 : index
        %get3A_802 = tpu.vector_load %arg5[%get3A_800, %get3A_801] {strides = array<i32>} : memref<16x1024xf32, #tpu.memory_space<vmem>>, vector<1x16xf32>,
        %get3A_803 = vector.shape_cast %get3A_802 : vector<1x16xf32> to vector<16xf32>
        %mul3A_804 = arith.constant 3.125000e-02 : f32
        %mul3A_805 = vector.broadcast %mul3A_804 : f32 to vector<16xf32>
        %mul3A_806 = arith.mulf %get3A_803, %mul3A_805 : vector<16xf32>
        %swap3A_807 = arith.index_cast %scan3A_129 : i32 to index
        %swap3A_808 = arith.constant 896 : index
        %swap3A_809 = tpu.vector_load %arg5[%swap3A_807, %swap3A_808] {strides = array<i32>} : memref<16x1024xf32, #tpu.memory_space<vmem>>, vector<1x16xf32>,
        %swap3A_810 = vector.shape_cast %swap3A_809 : vector<1x16xf32> to vector<16xf32>
        %swap3A_811 = vector.shape_cast %mul3A_806 : vector<16xf32> to vector<1x16xf32>
        tpu.vector_store %arg5[%swap3A_807, %swap3A_808], %swap3A_811 {strides = array<i32>} : memref<16x1024xf32, #tpu.memory_space<vmem>>, vector<1x16xf32>,
        %get3A_812 = arith.index_cast %scan3A_129 : i32 to index
        %get3A_813 = arith.constant 912 : index
        %get3A_814 = tpu.vector_load %arg5[%get3A_812, %get3A_813] {strides = array<i32>} : memref<16x1024xf32, #tpu.memory_space<vmem>>, vector<1x16xf32>,
        %get3A_815 = vector.shape_cast %get3A_814 : vector<1x16xf32> to vector<16xf32>
        %mul3A_816 = arith.constant 3.125000e-02 : f32
        %mul3A_817 = vector.broadcast %mul3A_816 : f32 to vector<16xf32>
        %mul3A_818 = arith.mulf %get3A_815, %mul3A_817 : vector<16xf32>
        %swap3A_819 = arith.index_cast %scan3A_129 : i32 to index
        %swap3A_820 = arith.constant 912 : index
        %swap3A_821 = tpu.vector_load %arg5[%swap3A_819, %swap3A_820] {strides = array<i32>} : memref<16x1024xf32, #tpu.memory_space<vmem>>, vector<1x16xf32>,
        %swap3A_822 = vector.shape_cast %swap3A_821 : vector<1x16xf32> to vector<16xf32>
        %swap3A_823 = vector.shape_cast %mul3A_818 : vector<16xf32> to vector<1x16xf32>
        tpu.vector_store %arg5[%swap3A_819, %swap3A_820], %swap3A_823 {strides = array<i32>} : memref<16x1024xf32, #tpu.memory_space<vmem>>, vector<1x16xf32>,
        %get3A_824 = arith.index_cast %scan3A_129 : i32 to index
        %get3A_825 = arith.constant 928 : index
        %get3A_826 = tpu.vector_load %arg5[%get3A_824, %get3A_825] {strides = array<i32>} : memref<16x1024xf32, #tpu.memory_space<vmem>>, vector<1x16xf32>,
        %get3A_827 = vector.shape_cast %get3A_826 : vector<1x16xf32> to vector<16xf32>
        %mul3A_828 = arith.constant 3.125000e-02 : f32
        %mul3A_829 = vector.broadcast %mul3A_828 : f32 to vector<16xf32>
        %mul3A_830 = arith.mulf %get3A_827, %mul3A_829 : vector<16xf32>
        %swap3A_831 = arith.index_cast %scan3A_129 : i32 to index
        %swap3A_832 = arith.constant 928 : index
        %swap3A_833 = tpu.vector_load %arg5[%swap3A_831, %swap3A_832] {strides = array<i32>} : memref<16x1024xf32, #tpu.memory_space<vmem>>, vector<1x16xf32>,
        %swap3A_834 = vector.shape_cast %swap3A_833 : vector<1x16xf32> to vector<16xf32>
        %swap3A_835 = vector.shape_cast %mul3A_830 : vector<16xf32> to vector<1x16xf32>
        tpu.vector_store %arg5[%swap3A_831, %swap3A_832], %swap3A_835 {strides = array<i32>} : memref<16x1024xf32, #tpu.memory_space<vmem>>, vector<1x16xf32>,
        %get3A_836 = arith.index_cast %scan3A_129 : i32 to index
        %get3A_837 = arith.constant 944 : index
        %get3A_838 = tpu.vector_load %arg5[%get3A_836, %get3A_837] {strides = array<i32>} : memref<16x1024xf32, #tpu.memory_space<vmem>>, vector<1x16xf32>,
        %get3A_839 = vector.shape_cast %get3A_838 : vector<1x16xf32> to vector<16xf32>
        %mul3A_840 = arith.constant 3.125000e-02 : f32
        %mul3A_841 = vector.broadcast %mul3A_840 : f32 to vector<16xf32>
        %mul3A_842 = arith.mulf %get3A_839, %mul3A_841 : vector<16xf32>
        %swap3A_843 = arith.index_cast %scan3A_129 : i32 to index
        %swap3A_844 = arith.constant 944 : index
        %swap3A_845 = tpu.vector_load %arg5[%swap3A_843, %swap3A_844] {strides = array<i32>} : memref<16x1024xf32, #tpu.memory_space<vmem>>, vector<1x16xf32>,
        %swap3A_846 = vector.shape_cast %swap3A_845 : vector<1x16xf32> to vector<16xf32>
        %swap3A_847 = vector.shape_cast %mul3A_842 : vector<16xf32> to vector<1x16xf32>
        tpu.vector_store %arg5[%swap3A_843, %swap3A_844], %swap3A_847 {strides = array<i32>} : memref<16x1024xf32, #tpu.memory_space<vmem>>, vector<1x16xf32>,
        %get3A_848 = arith.index_cast %scan3A_129 : i32 to index
        %get3A_849 = arith.constant 960 : index
        %get3A_850 = tpu.vector_load %arg5[%get3A_848, %get3A_849] {strides = array<i32>} : memref<16x1024xf32, #tpu.memory_space<vmem>>, vector<1x16xf32>,
        %get3A_851 = vector.shape_cast %get3A_850 : vector<1x16xf32> to vector<16xf32>
        %mul3A_852 = arith.constant 3.125000e-02 : f32
        %mul3A_853 = vector.broadcast %mul3A_852 : f32 to vector<16xf32>
        %mul3A_854 = arith.mulf %get3A_851, %mul3A_853 : vector<16xf32>
        %swap3A_855 = arith.index_cast %scan3A_129 : i32 to index
        %swap3A_856 = arith.constant 960 : index
        %swap3A_857 = tpu.vector_load %arg5[%swap3A_855, %swap3A_856] {strides = array<i32>} : memref<16x1024xf32, #tpu.memory_space<vmem>>, vector<1x16xf32>,
        %swap3A_858 = vector.shape_cast %swap3A_857 : vector<1x16xf32> to vector<16xf32>
        %swap3A_859 = vector.shape_cast %mul3A_854 : vector<16xf32> to vector<1x16xf32>
        tpu.vector_store %arg5[%swap3A_855, %swap3A_856], %swap3A_859 {strides = array<i32>} : memref<16x1024xf32, #tpu.memory_space<vmem>>, vector<1x16xf32>,
        %get3A_860 = arith.index_cast %scan3A_129 : i32 to index
        %get3A_861 = arith.constant 976 : index
        %get3A_862 = tpu.vector_load %arg5[%get3A_860, %get3A_861] {strides = array<i32>} : memref<16x1024xf32, #tpu.memory_space<vmem>>, vector<1x16xf32>,
        %get3A_863 = vector.shape_cast %get3A_862 : vector<1x16xf32> to vector<16xf32>
        %mul3A_864 = arith.constant 3.125000e-02 : f32
        %mul3A_865 = vector.broadcast %mul3A_864 : f32 to vector<16xf32>
        %mul3A_866 = arith.mulf %get3A_863, %mul3A_865 : vector<16xf32>
        %swap3A_867 = arith.index_cast %scan3A_129 : i32 to index
        %swap3A_868 = arith.constant 976 : index
        %swap3A_869 = tpu.vector_load %arg5[%swap3A_867, %swap3A_868] {strides = array<i32>} : memref<16x1024xf32, #tpu.memory_space<vmem>>, vector<1x16xf32>,
        %swap3A_870 = vector.shape_cast %swap3A_869 : vector<1x16xf32> to vector<16xf32>
        %swap3A_871 = vector.shape_cast %mul3A_866 : vector<16xf32> to vector<1x16xf32>
        tpu.vector_store %arg5[%swap3A_867, %swap3A_868], %swap3A_871 {strides = array<i32>} : memref<16x1024xf32, #tpu.memory_space<vmem>>, vector<1x16xf32>,
        %get3A_872 = arith.index_cast %scan3A_129 : i32 to index
        %get3A_873 = arith.constant 992 : index
        %get3A_874 = tpu.vector_load %arg5[%get3A_872, %get3A_873] {strides = array<i32>} : memref<16x1024xf32, #tpu.memory_space<vmem>>, vector<1x16xf32>,
        %get3A_875 = vector.shape_cast %get3A_874 : vector<1x16xf32> to vector<16xf32>
        %mul3A_876 = arith.constant 3.125000e-02 : f32
        %mul3A_877 = vector.broadcast %mul3A_876 : f32 to vector<16xf32>
        %mul3A_878 = arith.mulf %get3A_875, %mul3A_877 : vector<16xf32>
        %swap3A_879 = arith.index_cast %scan3A_129 : i32 to index
        %swap3A_880 = arith.constant 992 : index
        %swap3A_881 = tpu.vector_load %arg5[%swap3A_879, %swap3A_880] {strides = array<i32>} : memref<16x1024xf32, #tpu.memory_space<vmem>>, vector<1x16xf32>,
        %swap3A_882 = vector.shape_cast %swap3A_881 : vector<1x16xf32> to vector<16xf32>
        %swap3A_883 = vector.shape_cast %mul3A_878 : vector<16xf32> to vector<1x16xf32>
        tpu.vector_store %arg5[%swap3A_879, %swap3A_880], %swap3A_883 {strides = array<i32>} : memref<16x1024xf32, #tpu.memory_space<vmem>>, vector<1x16xf32>,
        %get3A_884 = arith.index_cast %scan3A_129 : i32 to index
        %get3A_885 = arith.constant 1008 : index
        %get3A_886 = tpu.vector_load %arg5[%get3A_884, %get3A_885] {strides = array<i32>} : memref<16x1024xf32, #tpu.memory_space<vmem>>, vector<1x16xf32>,
        %get3A_887 = vector.shape_cast %get3A_886 : vector<1x16xf32> to vector<16xf32>
        %mul3A_888 = arith.constant 3.125000e-02 : f32
        %mul3A_889 = vector.broadcast %mul3A_888 : f32 to vector<16xf32>
        %mul3A_890 = arith.mulf %get3A_887, %mul3A_889 : vector<16xf32>
        %swap3A_891 = arith.index_cast %scan3A_129 : i32 to index
        %swap3A_892 = arith.constant 1008 : index
        %swap3A_893 = tpu.vector_load %arg5[%swap3A_891, %swap3A_892] {strides = array<i32>} : memref<16x1024xf32, #tpu.memory_space<vmem>>, vector<1x16xf32>,
        %swap3A_894 = vector.shape_cast %swap3A_893 : vector<1x16xf32> to vector<16xf32>
        %swap3A_895 = vector.shape_cast %mul3A_890 : vector<16xf32> to vector<1x16xf32>
        tpu.vector_store %arg5[%swap3A_891, %swap3A_892], %swap3A_895 {strides = array<i32>} : memref<16x1024xf32, #tpu.memory_space<vmem>>, vector<1x16xf32>,
      }
      %scan3A_89 = arith.constant 16 : i32
      %add3A_90 = arith.constant 1 : i32
      %add3A_91 = arith.addi %mul3A_60, %add3A_90 : i32
      %mul3A_92 = arith.constant 16 : i32
      %mul3A_93 = arith.muli %add3A_91, %mul3A_92 : i32
      %add3A_94 = arith.addi %mul3A_2, %mul3A_93 : i32
      %dma_start3A_95 = arith.constant 0 : i32
      %dma_start3A_96 = tpu.memref_slice %arg3[%add3A_94, %dma_start3A_95] : memref<4096x1024xf32, #tpu.memory_space<hbm>> -> memref<16x1024xf32, #tpu.memory_space<hbm>>
      %dma_start3A_97 = arith.constant 0 : i32
      %dma_start3A_98 = tpu.memref_slice %arg3[%add3A_94, %dma_start3A_97] : memref<4096x1024xf32, #tpu.memory_space<hbm>> -> memref<16x1024xf32, #tpu.memory_space<hbm>>
      tpu.enqueue_dma source(%arg5 : memref<16x1024xf32, #tpu.memory_space<vmem>>) target(%dma_start3A_98 : memref<16x1024xf32, #tpu.memory_space<hbm>>) target_semaphore(%arg9 : memref<!tpu.dma_semaphore, #tpu.memory_space<semaphore_mem>>)
      %dma_wait3A_99 = arith.constant 0 : i32
      %dma_wait3A_100 = tpu.memref_slice %arg3[%mul3A_2, %dma_wait3A_99] : memref<4096x1024xf32, #tpu.memory_space<hbm>> -> memref<16x1024xf32, #tpu.memory_space<hbm>>
      %dma_wait3A_101 = arith.constant 0 : i32
      %dma_wait3A_102 = tpu.memref_slice %arg3[%mul3A_2, %dma_wait3A_101] : memref<4096x1024xf32, #tpu.memory_space<hbm>> -> memref<16x1024xf32, #tpu.memory_space<hbm>>
      tpu.wait_dma2 semaphore(%arg8 : memref<!tpu.dma_semaphore, #tpu.memory_space<semaphore_mem>>) src(%arg4 : memref<16x1024xf32, #tpu.memory_space<vmem>>) dst(%dma_wait3A_102 : memref<16x1024xf32, #tpu.memory_space<hbm>>)
      %add3A_103 = arith.constant 2 : i32
      %add3A_104 = arith.addi %mul3A_60, %add3A_103 : i32
      %add3A_105 = arith.constant 0 : i32
      %add3A_106 = arith.addi %add3A_104, %add3A_105 : i32
      %mul3A_107 = arith.constant 16 : i32
      %mul3A_108 = arith.muli %add3A_106, %mul3A_107 : i32
      %add3A_109 = arith.addi %mul3A_2, %mul3A_108 : i32
      %dma_start3A_110 = arith.constant 0 : i32
      %dma_start3A_111 = tpu.memref_slice %arg2[%add3A_109, %dma_start3A_110] : memref<8192x1024xf32, #tpu.memory_space<hbm>> -> memref<16x1024xf32, #tpu.memory_space<hbm>>
      %dma_start3A_112 = arith.constant 0 : i32
      %dma_start3A_113 = tpu.memref_slice %arg2[%add3A_109, %dma_start3A_112] : memref<8192x1024xf32, #tpu.memory_space<hbm>> -> memref<16x1024xf32, #tpu.memory_space<hbm>>
      tpu.enqueue_dma source(%dma_start3A_113 : memref<16x1024xf32, #tpu.memory_space<hbm>>) target(%arg4 : memref<16x1024xf32, #tpu.memory_space<vmem>>) target_semaphore(%arg6 : memref<!tpu.dma_semaphore, #tpu.memory_space<semaphore_mem>>)
      %dma_wait3A_114 = arith.constant 0 : i32
      %dma_wait3A_115 = tpu.memref_slice %arg3[%mul3A_2, %dma_wait3A_114] : memref<4096x1024xf32, #tpu.memory_space<hbm>> -> memref<16x1024xf32, #tpu.memory_space<hbm>>
      %dma_wait3A_116 = arith.constant 0 : i32
      %dma_wait3A_117 = tpu.memref_slice %arg3[%mul3A_2, %dma_wait3A_116] : memref<4096x1024xf32, #tpu.memory_space<hbm>> -> memref<16x1024xf32, #tpu.memory_space<hbm>>
      tpu.wait_dma2 semaphore(%arg9 : memref<!tpu.dma_semaphore, #tpu.memory_space<semaphore_mem>>) src(%arg5 : memref<16x1024xf32, #tpu.memory_space<vmem>>) dst(%dma_wait3A_117 : memref<16x1024xf32, #tpu.memory_space<hbm>>)
      %add3A_118 = arith.constant 2 : i32
      %add3A_119 = arith.addi %mul3A_60, %add3A_118 : i32
      %add3A_120 = arith.constant 1 : i32
      %add3A_121 = arith.addi %add3A_119, %add3A_120 : i32
      %mul3A_122 = arith.constant 16 : i32
      %mul3A_123 = arith.muli %add3A_121, %mul3A_122 : i32
      %add3A_124 = arith.addi %mul3A_2, %mul3A_123 : i32
      %dma_start3A_125 = arith.constant 0 : i32
      %dma_start3A_126 = tpu.memref_slice %arg2[%add3A_124, %dma_start3A_125] : memref<8192x1024xf32, #tpu.memory_space<hbm>> -> memref<16x1024xf32, #tpu.memory_space<hbm>>
      %dma_start3A_127 = arith.constant 0 : i32
      %dma_start3A_128 = tpu.memref_slice %arg2[%add3A_124, %dma_start3A_127] : memref<8192x1024xf32, #tpu.memory_space<hbm>> -> memref<16x1024xf32, #tpu.memory_space<hbm>>
      tpu.enqueue_dma source(%dma_start3A_128 : memref<16x1024xf32, #tpu.memory_space<hbm>>) target(%arg5 : memref<16x1024xf32, #tpu.memory_space<vmem>>) target_semaphore(%arg7 : memref<!tpu.dma_semaphore, #tpu.memory_space<semaphore_mem>>)
    }
    %scan3A_18 = arith.constant 3 : i32
    %dma_wait3A = arith.constant 0 : i32
    %dma_wait3A_19 = tpu.memref_slice %arg2[%mul3A_2, %dma_wait3A] : memref<8192x1024xf32, #tpu.memory_space<hbm>> -> memref<16x1024xf32, #tpu.memory_space<hbm>>
    %dma_wait3A_20 = arith.constant 0 : i32
    %dma_wait3A_21 = tpu.memref_slice %arg2[%mul3A_2, %dma_wait3A_20] : memref<8192x1024xf32, #tpu.memory_space<hbm>> -> memref<16x1024xf32, #tpu.memory_space<hbm>>
    tpu.wait_dma2 semaphore(%arg6 : memref<!tpu.dma_semaphore, #tpu.memory_space<semaphore_mem>>) src(%dma_wait3A_21 : memref<16x1024xf32, #tpu.memory_space<hbm>>) dst(%arg4 : memref<16x1024xf32, #tpu.memory_space<vmem>>)
    %scan3A_22 = arith.constant 0 : i32
    %scan3A_23 = arith.constant 0 : i32
    %scan3A_24 = arith.constant 16 : i32
    %scan3A_25 = arith.addi %scan3A_23, %scan3A_24 : i32
    %scan3A_26 = arith.constant 1 : i32
    scf.for %scan3A_58 = %scan3A_23 to %scan3A_25 step %scan3A_26  : i32 {
      %get3A = arith.index_cast %scan3A_58 : i32 to index
      %get3A_59 = arith.constant 0 : index
      %get3A_60 = tpu.vector_load %arg4[%get3A, %get3A_59] {strides = array<i32>} : memref<16x1024xf32, #tpu.memory_space<vmem>>, vector<1x16xf32>,
      %get3A_61 = vector.shape_cast %get3A_60 : vector<1x16xf32> to vector<16xf32>
      %mul3A_62 = arith.constant 3.125000e-02 : f32
      %mul3A_63 = vector.broadcast %mul3A_62 : f32 to vector<16xf32>
      %mul3A_64 = arith.mulf %get3A_61, %mul3A_63 : vector<16xf32>
      %swap3A = arith.index_cast %scan3A_58 : i32 to index
      %swap3A_65 = arith.constant 0 : index
      %swap3A_66 = tpu.vector_load %arg4[%swap3A, %swap3A_65] {strides = array<i32>} : memref<16x1024xf32, #tpu.memory_space<vmem>>, vector<1x16xf32>,
      %swap3A_67 = vector.shape_cast %swap3A_66 : vector<1x16xf32> to vector<16xf32>
      %swap3A_68 = vector.shape_cast %mul3A_64 : vector<16xf32> to vector<1x16xf32>
      tpu.vector_store %arg4[%swap3A, %swap3A_65], %swap3A_68 {strides = array<i32>} : memref<16x1024xf32, #tpu.memory_space<vmem>>, vector<1x16xf32>,
      %get3A_69 = arith.index_cast %scan3A_58 : i32 to index
      %get3A_70 = arith.constant 16 : index
      %get3A_71 = tpu.vector_load %arg4[%get3A_69, %get3A_70] {strides = array<i32>} : memref<16x1024xf32, #tpu.memory_space<vmem>>, vector<1x16xf32>,
      %get3A_72 = vector.shape_cast %get3A_71 : vector<1x16xf32> to vector<16xf32>
      %mul3A_73 = arith.constant 3.125000e-02 : f32
      %mul3A_74 = vector.broadcast %mul3A_73 : f32 to vector<16xf32>
      %mul3A_75 = arith.mulf %get3A_72, %mul3A_74 : vector<16xf32>
      %swap3A_76 = arith.index_cast %scan3A_58 : i32 to index
      %swap3A_77 = arith.constant 16 : index
      %swap3A_78 = tpu.vector_load %arg4[%swap3A_76, %swap3A_77] {strides = array<i32>} : memref<16x1024xf32, #tpu.memory_space<vmem>>, vector<1x16xf32>,
      %swap3A_79 = vector.shape_cast %swap3A_78 : vector<1x16xf32> to vector<16xf32>
      %swap3A_80 = vector.shape_cast %mul3A_75 : vector<16xf32> to vector<1x16xf32>
      tpu.vector_store %arg4[%swap3A_76, %swap3A_77], %swap3A_80 {strides = array<i32>} : memref<16x1024xf32, #tpu.memory_space<vmem>>, vector<1x16xf32>,
      %get3A_81 = arith.index_cast %scan3A_58 : i32 to index
      %get3A_82 = arith.constant 32 : index
      %get3A_83 = tpu.vector_load %arg4[%get3A_81, %get3A_82] {strides = array<i32>} : memref<16x1024xf32, #tpu.memory_space<vmem>>, vector<1x16xf32>,
      %get3A_84 = vector.shape_cast %get3A_83 : vector<1x16xf32> to vector<16xf32>
      %mul3A_85 = arith.constant 3.125000e-02 : f32
      %mul3A_86 = vector.broadcast %mul3A_85 : f32 to vector<16xf32>
      %mul3A_87 = arith.mulf %get3A_84, %mul3A_86 : vector<16xf32>
      %swap3A_88 = arith.index_cast %scan3A_58 : i32 to index
      %swap3A_89 = arith.constant 32 : index
      %swap3A_90 = tpu.vector_load %arg4[%swap3A_88, %swap3A_89] {strides = array<i32>} : memref<16x1024xf32, #tpu.memory_space<vmem>>, vector<1x16xf32>,
      %swap3A_91 = vector.shape_cast %swap3A_90 : vector<1x16xf32> to vector<16xf32>
      %swap3A_92 = vector.shape_cast %mul3A_87 : vector<16xf32> to vector<1x16xf32>
      tpu.vector_store %arg4[%swap3A_88, %swap3A_89], %swap3A_92 {strides = array<i32>} : memref<16x1024xf32, #tpu.memory_space<vmem>>, vector<1x16xf32>,
      %get3A_93 = arith.index_cast %scan3A_58 : i32 to index
      %get3A_94 = arith.constant 48 : index
      %get3A_95 = tpu.vector_load %arg4[%get3A_93, %get3A_94] {strides = array<i32>} : memref<16x1024xf32, #tpu.memory_space<vmem>>, vector<1x16xf32>,
      %get3A_96 = vector.shape_cast %get3A_95 : vector<1x16xf32> to vector<16xf32>
      %mul3A_97 = arith.constant 3.125000e-02 : f32
      %mul3A_98 = vector.broadcast %mul3A_97 : f32 to vector<16xf32>
      %mul3A_99 = arith.mulf %get3A_96, %mul3A_98 : vector<16xf32>
      %swap3A_100 = arith.index_cast %scan3A_58 : i32 to index
      %swap3A_101 = arith.constant 48 : index
      %swap3A_102 = tpu.vector_load %arg4[%swap3A_100, %swap3A_101] {strides = array<i32>} : memref<16x1024xf32, #tpu.memory_space<vmem>>, vector<1x16xf32>,
      %swap3A_103 = vector.shape_cast %swap3A_102 : vector<1x16xf32> to vector<16xf32>
      %swap3A_104 = vector.shape_cast %mul3A_99 : vector<16xf32> to vector<1x16xf32>
      tpu.vector_store %arg4[%swap3A_100, %swap3A_101], %swap3A_104 {strides = array<i32>} : memref<16x1024xf32, #tpu.memory_space<vmem>>, vector<1x16xf32>,
      %get3A_105 = arith.index_cast %scan3A_58 : i32 to index
      %get3A_106 = arith.constant 64 : index
      %get3A_107 = tpu.vector_load %arg4[%get3A_105, %get3A_106] {strides = array<i32>} : memref<16x1024xf32, #tpu.memory_space<vmem>>, vector<1x16xf32>,
      %get3A_108 = vector.shape_cast %get3A_107 : vector<1x16xf32> to vector<16xf32>
      %mul3A_109 = arith.constant 3.125000e-02 : f32
      %mul3A_110 = vector.broadcast %mul3A_109 : f32 to vector<16xf32>
      %mul3A_111 = arith.mulf %get3A_108, %mul3A_110 : vector<16xf32>
      %swap3A_112 = arith.index_cast %scan3A_58 : i32 to index
      %swap3A_113 = arith.constant 64 : index
      %swap3A_114 = tpu.vector_load %arg4[%swap3A_112, %swap3A_113] {strides = array<i32>} : memref<16x1024xf32, #tpu.memory_space<vmem>>, vector<1x16xf32>,
      %swap3A_115 = vector.shape_cast %swap3A_114 : vector<1x16xf32> to vector<16xf32>
      %swap3A_116 = vector.shape_cast %mul3A_111 : vector<16xf32> to vector<1x16xf32>
      tpu.vector_store %arg4[%swap3A_112, %swap3A_113], %swap3A_116 {strides = array<i32>} : memref<16x1024xf32, #tpu.memory_space<vmem>>, vector<1x16xf32>,
      %get3A_117 = arith.index_cast %scan3A_58 : i32 to index
      %get3A_118 = arith.constant 80 : index
      %get3A_119 = tpu.vector_load %arg4[%get3A_117, %get3A_118] {strides = array<i32>} : memref<16x1024xf32, #tpu.memory_space<vmem>>, vector<1x16xf32>,
      %get3A_120 = vector.shape_cast %get3A_119 : vector<1x16xf32> to vector<16xf32>
      %mul3A_121 = arith.constant 3.125000e-02 : f32
      %mul3A_122 = vector.broadcast %mul3A_121 : f32 to vector<16xf32>
      %mul3A_123 = arith.mulf %get3A_120, %mul3A_122 : vector<16xf32>
      %swap3A_124 = arith.index_cast %scan3A_58 : i32 to index
      %swap3A_125 = arith.constant 80 : index
      %swap3A_126 = tpu.vector_load %arg4[%swap3A_124, %swap3A_125] {strides = array<i32>} : memref<16x1024xf32, #tpu.memory_space<vmem>>, vector<1x16xf32>,
      %swap3A_127 = vector.shape_cast %swap3A_126 : vector<1x16xf32> to vector<16xf32>
      %swap3A_128 = vector.shape_cast %mul3A_123 : vector<16xf32> to vector<1x16xf32>
      tpu.vector_store %arg4[%swap3A_124, %swap3A_125], %swap3A_128 {strides = array<i32>} : memref<16x1024xf32, #tpu.memory_space<vmem>>, vector<1x16xf32>,
      %get3A_129 = arith.index_cast %scan3A_58 : i32 to index
      %get3A_130 = arith.constant 96 : index
      %get3A_131 = tpu.vector_load %arg4[%get3A_129, %get3A_130] {strides = array<i32>} : memref<16x1024xf32, #tpu.memory_space<vmem>>, vector<1x16xf32>,
      %get3A_132 = vector.shape_cast %get3A_131 : vector<1x16xf32> to vector<16xf32>
      %mul3A_133 = arith.constant 3.125000e-02 : f32
      %mul3A_134 = vector.broadcast %mul3A_133 : f32 to vector<16xf32>
      %mul3A_135 = arith.mulf %get3A_132, %mul3A_134 : vector<16xf32>
      %swap3A_136 = arith.index_cast %scan3A_58 : i32 to index
      %swap3A_137 = arith.constant 96 : index
      %swap3A_138 = tpu.vector_load %arg4[%swap3A_136, %swap3A_137] {strides = array<i32>} : memref<16x1024xf32, #tpu.memory_space<vmem>>, vector<1x16xf32>,
      %swap3A_139 = vector.shape_cast %swap3A_138 : vector<1x16xf32> to vector<16xf32>
      %swap3A_140 = vector.shape_cast %mul3A_135 : vector<16xf32> to vector<1x16xf32>
      tpu.vector_store %arg4[%swap3A_136, %swap3A_137], %swap3A_140 {strides = array<i32>} : memref<16x1024xf32, #tpu.memory_space<vmem>>, vector<1x16xf32>,
      %get3A_141 = arith.index_cast %scan3A_58 : i32 to index
      %get3A_142 = arith.constant 112 : index
      %get3A_143 = tpu.vector_load %arg4[%get3A_141, %get3A_142] {strides = array<i32>} : memref<16x1024xf32, #tpu.memory_space<vmem>>, vector<1x16xf32>,
      %get3A_144 = vector.shape_cast %get3A_143 : vector<1x16xf32> to vector<16xf32>
      %mul3A_145 = arith.constant 3.125000e-02 : f32
      %mul3A_146 = vector.broadcast %mul3A_145 : f32 to vector<16xf32>
      %mul3A_147 = arith.mulf %get3A_144, %mul3A_146 : vector<16xf32>
      %swap3A_148 = arith.index_cast %scan3A_58 : i32 to index
      %swap3A_149 = arith.constant 112 : index
      %swap3A_150 = tpu.vector_load %arg4[%swap3A_148, %swap3A_149] {strides = array<i32>} : memref<16x1024xf32, #tpu.memory_space<vmem>>, vector<1x16xf32>,
      %swap3A_151 = vector.shape_cast %swap3A_150 : vector<1x16xf32> to vector<16xf32>
      %swap3A_152 = vector.shape_cast %mul3A_147 : vector<16xf32> to vector<1x16xf32>
      tpu.vector_store %arg4[%swap3A_148, %swap3A_149], %swap3A_152 {strides = array<i32>} : memref<16x1024xf32, #tpu.memory_space<vmem>>, vector<1x16xf32>,
      %get3A_153 = arith.index_cast %scan3A_58 : i32 to index
      %get3A_154 = arith.constant 128 : index
      %get3A_155 = tpu.vector_load %arg4[%get3A_153, %get3A_154] {strides = array<i32>} : memref<16x1024xf32, #tpu.memory_space<vmem>>, vector<1x16xf32>,
      %get3A_156 = vector.shape_cast %get3A_155 : vector<1x16xf32> to vector<16xf32>
      %mul3A_157 = arith.constant 3.125000e-02 : f32
      %mul3A_158 = vector.broadcast %mul3A_157 : f32 to vector<16xf32>
      %mul3A_159 = arith.mulf %get3A_156, %mul3A_158 : vector<16xf32>
      %swap3A_160 = arith.index_cast %scan3A_58 : i32 to index
      %swap3A_161 = arith.constant 128 : index
      %swap3A_162 = tpu.vector_load %arg4[%swap3A_160, %swap3A_161] {strides = array<i32>} : memref<16x1024xf32, #tpu.memory_space<vmem>>, vector<1x16xf32>,
      %swap3A_163 = vector.shape_cast %swap3A_162 : vector<1x16xf32> to vector<16xf32>
      %swap3A_164 = vector.shape_cast %mul3A_159 : vector<16xf32> to vector<1x16xf32>
      tpu.vector_store %arg4[%swap3A_160, %swap3A_161], %swap3A_164 {strides = array<i32>} : memref<16x1024xf32, #tpu.memory_space<vmem>>, vector<1x16xf32>,
      %get3A_165 = arith.index_cast %scan3A_58 : i32 to index
      %get3A_166 = arith.constant 144 : index
      %get3A_167 = tpu.vector_load %arg4[%get3A_165, %get3A_166] {strides = array<i32>} : memref<16x1024xf32, #tpu.memory_space<vmem>>, vector<1x16xf32>,
      %get3A_168 = vector.shape_cast %get3A_167 : vector<1x16xf32> to vector<16xf32>
      %mul3A_169 = arith.constant 3.125000e-02 : f32
      %mul3A_170 = vector.broadcast %mul3A_169 : f32 to vector<16xf32>
      %mul3A_171 = arith.mulf %get3A_168, %mul3A_170 : vector<16xf32>
      %swap3A_172 = arith.index_cast %scan3A_58 : i32 to index
      %swap3A_173 = arith.constant 144 : index
      %swap3A_174 = tpu.vector_load %arg4[%swap3A_172, %swap3A_173] {strides = array<i32>} : memref<16x1024xf32, #tpu.memory_space<vmem>>, vector<1x16xf32>,
      %swap3A_175 = vector.shape_cast %swap3A_174 : vector<1x16xf32> to vector<16xf32>
      %swap3A_176 = vector.shape_cast %mul3A_171 : vector<16xf32> to vector<1x16xf32>
      tpu.vector_store %arg4[%swap3A_172, %swap3A_173], %swap3A_176 {strides = array<i32>} : memref<16x1024xf32, #tpu.memory_space<vmem>>, vector<1x16xf32>,
      %get3A_177 = arith.index_cast %scan3A_58 : i32 to index
      %get3A_178 = arith.constant 160 : index
      %get3A_179 = tpu.vector_load %arg4[%get3A_177, %get3A_178] {strides = array<i32>} : memref<16x1024xf32, #tpu.memory_space<vmem>>, vector<1x16xf32>,
      %get3A_180 = vector.shape_cast %get3A_179 : vector<1x16xf32> to vector<16xf32>
      %mul3A_181 = arith.constant 3.125000e-02 : f32
      %mul3A_182 = vector.broadcast %mul3A_181 : f32 to vector<16xf32>
      %mul3A_183 = arith.mulf %get3A_180, %mul3A_182 : vector<16xf32>
      %swap3A_184 = arith.index_cast %scan3A_58 : i32 to index
      %swap3A_185 = arith.constant 160 : index
      %swap3A_186 = tpu.vector_load %arg4[%swap3A_184, %swap3A_185] {strides = array<i32>} : memref<16x1024xf32, #tpu.memory_space<vmem>>, vector<1x16xf32>,
      %swap3A_187 = vector.shape_cast %swap3A_186 : vector<1x16xf32> to vector<16xf32>
      %swap3A_188 = vector.shape_cast %mul3A_183 : vector<16xf32> to vector<1x16xf32>
      tpu.vector_store %arg4[%swap3A_184, %swap3A_185], %swap3A_188 {strides = array<i32>} : memref<16x1024xf32, #tpu.memory_space<vmem>>, vector<1x16xf32>,
      %get3A_189 = arith.index_cast %scan3A_58 : i32 to index
      %get3A_190 = arith.constant 176 : index
      %get3A_191 = tpu.vector_load %arg4[%get3A_189, %get3A_190] {strides = array<i32>} : memref<16x1024xf32, #tpu.memory_space<vmem>>, vector<1x16xf32>,
      %get3A_192 = vector.shape_cast %get3A_191 : vector<1x16xf32> to vector<16xf32>
      %mul3A_193 = arith.constant 3.125000e-02 : f32
      %mul3A_194 = vector.broadcast %mul3A_193 : f32 to vector<16xf32>
      %mul3A_195 = arith.mulf %get3A_192, %mul3A_194 : vector<16xf32>
      %swap3A_196 = arith.index_cast %scan3A_58 : i32 to index
      %swap3A_197 = arith.constant 176 : index
      %swap3A_198 = tpu.vector_load %arg4[%swap3A_196, %swap3A_197] {strides = array<i32>} : memref<16x1024xf32, #tpu.memory_space<vmem>>, vector<1x16xf32>,
      %swap3A_199 = vector.shape_cast %swap3A_198 : vector<1x16xf32> to vector<16xf32>
      %swap3A_200 = vector.shape_cast %mul3A_195 : vector<16xf32> to vector<1x16xf32>
      tpu.vector_store %arg4[%swap3A_196, %swap3A_197], %swap3A_200 {strides = array<i32>} : memref<16x1024xf32, #tpu.memory_space<vmem>>, vector<1x16xf32>,
      %get3A_201 = arith.index_cast %scan3A_58 : i32 to index
      %get3A_202 = arith.constant 192 : index
      %get3A_203 = tpu.vector_load %arg4[%get3A_201, %get3A_202] {strides = array<i32>} : memref<16x1024xf32, #tpu.memory_space<vmem>>, vector<1x16xf32>,
      %get3A_204 = vector.shape_cast %get3A_203 : vector<1x16xf32> to vector<16xf32>
      %mul3A_205 = arith.constant 3.125000e-02 : f32
      %mul3A_206 = vector.broadcast %mul3A_205 : f32 to vector<16xf32>
      %mul3A_207 = arith.mulf %get3A_204, %mul3A_206 : vector<16xf32>
      %swap3A_208 = arith.index_cast %scan3A_58 : i32 to index
      %swap3A_209 = arith.constant 192 : index
      %swap3A_210 = tpu.vector_load %arg4[%swap3A_208, %swap3A_209] {strides = array<i32>} : memref<16x1024xf32, #tpu.memory_space<vmem>>, vector<1x16xf32>,
      %swap3A_211 = vector.shape_cast %swap3A_210 : vector<1x16xf32> to vector<16xf32>
      %swap3A_212 = vector.shape_cast %mul3A_207 : vector<16xf32> to vector<1x16xf32>
      tpu.vector_store %arg4[%swap3A_208, %swap3A_209], %swap3A_212 {strides = array<i32>} : memref<16x1024xf32, #tpu.memory_space<vmem>>, vector<1x16xf32>,
      %get3A_213 = arith.index_cast %scan3A_58 : i32 to index
      %get3A_214 = arith.constant 208 : index
      %get3A_215 = tpu.vector_load %arg4[%get3A_213, %get3A_214] {strides = array<i32>} : memref<16x1024xf32, #tpu.memory_space<vmem>>, vector<1x16xf32>,
      %get3A_216 = vector.shape_cast %get3A_215 : vector<1x16xf32> to vector<16xf32>
      %mul3A_217 = arith.constant 3.125000e-02 : f32
      %mul3A_218 = vector.broadcast %mul3A_217 : f32 to vector<16xf32>
      %mul3A_219 = arith.mulf %get3A_216, %mul3A_218 : vector<16xf32>
      %swap3A_220 = arith.index_cast %scan3A_58 : i32 to index
      %swap3A_221 = arith.constant 208 : index
      %swap3A_222 = tpu.vector_load %arg4[%swap3A_220, %swap3A_221] {strides = array<i32>} : memref<16x1024xf32, #tpu.memory_space<vmem>>, vector<1x16xf32>,
      %swap3A_223 = vector.shape_cast %swap3A_222 : vector<1x16xf32> to vector<16xf32>
      %swap3A_224 = vector.shape_cast %mul3A_219 : vector<16xf32> to vector<1x16xf32>
      tpu.vector_store %arg4[%swap3A_220, %swap3A_221], %swap3A_224 {strides = array<i32>} : memref<16x1024xf32, #tpu.memory_space<vmem>>, vector<1x16xf32>,
      %get3A_225 = arith.index_cast %scan3A_58 : i32 to index
      %get3A_226 = arith.constant 224 : index
      %get3A_227 = tpu.vector_load %arg4[%get3A_225, %get3A_226] {strides = array<i32>} : memref<16x1024xf32, #tpu.memory_space<vmem>>, vector<1x16xf32>,
      %get3A_228 = vector.shape_cast %get3A_227 : vector<1x16xf32> to vector<16xf32>
      %mul3A_229 = arith.constant 3.125000e-02 : f32
      %mul3A_230 = vector.broadcast %mul3A_229 : f32 to vector<16xf32>
      %mul3A_231 = arith.mulf %get3A_228, %mul3A_230 : vector<16xf32>
      %swap3A_232 = arith.index_cast %scan3A_58 : i32 to index
      %swap3A_233 = arith.constant 224 : index
      %swap3A_234 = tpu.vector_load %arg4[%swap3A_232, %swap3A_233] {strides = array<i32>} : memref<16x1024xf32, #tpu.memory_space<vmem>>, vector<1x16xf32>,
      %swap3A_235 = vector.shape_cast %swap3A_234 : vector<1x16xf32> to vector<16xf32>
      %swap3A_236 = vector.shape_cast %mul3A_231 : vector<16xf32> to vector<1x16xf32>
      tpu.vector_store %arg4[%swap3A_232, %swap3A_233], %swap3A_236 {strides = array<i32>} : memref<16x1024xf32, #tpu.memory_space<vmem>>, vector<1x16xf32>,
      %get3A_237 = arith.index_cast %scan3A_58 : i32 to index
      %get3A_238 = arith.constant 240 : index
      %get3A_239 = tpu.vector_load %arg4[%get3A_237, %get3A_238] {strides = array<i32>} : memref<16x1024xf32, #tpu.memory_space<vmem>>, vector<1x16xf32>,
      %get3A_240 = vector.shape_cast %get3A_239 : vector<1x16xf32> to vector<16xf32>
      %mul3A_241 = arith.constant 3.125000e-02 : f32
      %mul3A_242 = vector.broadcast %mul3A_241 : f32 to vector<16xf32>
      %mul3A_243 = arith.mulf %get3A_240, %mul3A_242 : vector<16xf32>
      %swap3A_244 = arith.index_cast %scan3A_58 : i32 to index
      %swap3A_245 = arith.constant 240 : index
      %swap3A_246 = tpu.vector_load %arg4[%swap3A_244, %swap3A_245] {strides = array<i32>} : memref<16x1024xf32, #tpu.memory_space<vmem>>, vector<1x16xf32>,
      %swap3A_247 = vector.shape_cast %swap3A_246 : vector<1x16xf32> to vector<16xf32>
      %swap3A_248 = vector.shape_cast %mul3A_243 : vector<16xf32> to vector<1x16xf32>
      tpu.vector_store %arg4[%swap3A_244, %swap3A_245], %swap3A_248 {strides = array<i32>} : memref<16x1024xf32, #tpu.memory_space<vmem>>, vector<1x16xf32>,
      %get3A_249 = arith.index_cast %scan3A_58 : i32 to index
      %get3A_250 = arith.constant 256 : index
      %get3A_251 = tpu.vector_load %arg4[%get3A_249, %get3A_250] {strides = array<i32>} : memref<16x1024xf32, #tpu.memory_space<vmem>>, vector<1x16xf32>,
      %get3A_252 = vector.shape_cast %get3A_251 : vector<1x16xf32> to vector<16xf32>
      %mul3A_253 = arith.constant 3.125000e-02 : f32
      %mul3A_254 = vector.broadcast %mul3A_253 : f32 to vector<16xf32>
      %mul3A_255 = arith.mulf %get3A_252, %mul3A_254 : vector<16xf32>
      %swap3A_256 = arith.index_cast %scan3A_58 : i32 to index
      %swap3A_257 = arith.constant 256 : index
      %swap3A_258 = tpu.vector_load %arg4[%swap3A_256, %swap3A_257] {strides = array<i32>} : memref<16x1024xf32, #tpu.memory_space<vmem>>, vector<1x16xf32>,
      %swap3A_259 = vector.shape_cast %swap3A_258 : vector<1x16xf32> to vector<16xf32>
      %swap3A_260 = vector.shape_cast %mul3A_255 : vector<16xf32> to vector<1x16xf32>
      tpu.vector_store %arg4[%swap3A_256, %swap3A_257], %swap3A_260 {strides = array<i32>} : memref<16x1024xf32, #tpu.memory_space<vmem>>, vector<1x16xf32>,
      %get3A_261 = arith.index_cast %scan3A_58 : i32 to index
      %get3A_262 = arith.constant 272 : index
      %get3A_263 = tpu.vector_load %arg4[%get3A_261, %get3A_262] {strides = array<i32>} : memref<16x1024xf32, #tpu.memory_space<vmem>>, vector<1x16xf32>,
      %get3A_264 = vector.shape_cast %get3A_263 : vector<1x16xf32> to vector<16xf32>
      %mul3A_265 = arith.constant 3.125000e-02 : f32
      %mul3A_266 = vector.broadcast %mul3A_265 : f32 to vector<16xf32>
      %mul3A_267 = arith.mulf %get3A_264, %mul3A_266 : vector<16xf32>
      %swap3A_268 = arith.index_cast %scan3A_58 : i32 to index
      %swap3A_269 = arith.constant 272 : index
      %swap3A_270 = tpu.vector_load %arg4[%swap3A_268, %swap3A_269] {strides = array<i32>} : memref<16x1024xf32, #tpu.memory_space<vmem>>, vector<1x16xf32>,
      %swap3A_271 = vector.shape_cast %swap3A_270 : vector<1x16xf32> to vector<16xf32>
      %swap3A_272 = vector.shape_cast %mul3A_267 : vector<16xf32> to vector<1x16xf32>
      tpu.vector_store %arg4[%swap3A_268, %swap3A_269], %swap3A_272 {strides = array<i32>} : memref<16x1024xf32, #tpu.memory_space<vmem>>, vector<1x16xf32>,
      %get3A_273 = arith.index_cast %scan3A_58 : i32 to index
      %get3A_274 = arith.constant 288 : index
      %get3A_275 = tpu.vector_load %arg4[%get3A_273, %get3A_274] {strides = array<i32>} : memref<16x1024xf32, #tpu.memory_space<vmem>>, vector<1x16xf32>,
      %get3A_276 = vector.shape_cast %get3A_275 : vector<1x16xf32> to vector<16xf32>
      %mul3A_277 = arith.constant 3.125000e-02 : f32
      %mul3A_278 = vector.broadcast %mul3A_277 : f32 to vector<16xf32>
      %mul3A_279 = arith.mulf %get3A_276, %mul3A_278 : vector<16xf32>
      %swap3A_280 = arith.index_cast %scan3A_58 : i32 to index
      %swap3A_281 = arith.constant 288 : index
      %swap3A_282 = tpu.vector_load %arg4[%swap3A_280, %swap3A_281] {strides = array<i32>} : memref<16x1024xf32, #tpu.memory_space<vmem>>, vector<1x16xf32>,
      %swap3A_283 = vector.shape_cast %swap3A_282 : vector<1x16xf32> to vector<16xf32>
      %swap3A_284 = vector.shape_cast %mul3A_279 : vector<16xf32> to vector<1x16xf32>
      tpu.vector_store %arg4[%swap3A_280, %swap3A_281], %swap3A_284 {strides = array<i32>} : memref<16x1024xf32, #tpu.memory_space<vmem>>, vector<1x16xf32>,
      %get3A_285 = arith.index_cast %scan3A_58 : i32 to index
      %get3A_286 = arith.constant 304 : index
      %get3A_287 = tpu.vector_load %arg4[%get3A_285, %get3A_286] {strides = array<i32>} : memref<16x1024xf32, #tpu.memory_space<vmem>>, vector<1x16xf32>,
      %get3A_288 = vector.shape_cast %get3A_287 : vector<1x16xf32> to vector<16xf32>
      %mul3A_289 = arith.constant 3.125000e-02 : f32
      %mul3A_290 = vector.broadcast %mul3A_289 : f32 to vector<16xf32>
      %mul3A_291 = arith.mulf %get3A_288, %mul3A_290 : vector<16xf32>
      %swap3A_292 = arith.index_cast %scan3A_58 : i32 to index
      %swap3A_293 = arith.constant 304 : index
      %swap3A_294 = tpu.vector_load %arg4[%swap3A_292, %swap3A_293] {strides = array<i32>} : memref<16x1024xf32, #tpu.memory_space<vmem>>, vector<1x16xf32>,
      %swap3A_295 = vector.shape_cast %swap3A_294 : vector<1x16xf32> to vector<16xf32>
      %swap3A_296 = vector.shape_cast %mul3A_291 : vector<16xf32> to vector<1x16xf32>
      tpu.vector_store %arg4[%swap3A_292, %swap3A_293], %swap3A_296 {strides = array<i32>} : memref<16x1024xf32, #tpu.memory_space<vmem>>, vector<1x16xf32>,
      %get3A_297 = arith.index_cast %scan3A_58 : i32 to index
      %get3A_298 = arith.constant 320 : index
      %get3A_299 = tpu.vector_load %arg4[%get3A_297, %get3A_298] {strides = array<i32>} : memref<16x1024xf32, #tpu.memory_space<vmem>>, vector<1x16xf32>,
      %get3A_300 = vector.shape_cast %get3A_299 : vector<1x16xf32> to vector<16xf32>
      %mul3A_301 = arith.constant 3.125000e-02 : f32
      %mul3A_302 = vector.broadcast %mul3A_301 : f32 to vector<16xf32>
      %mul3A_303 = arith.mulf %get3A_300, %mul3A_302 : vector<16xf32>
      %swap3A_304 = arith.index_cast %scan3A_58 : i32 to index
      %swap3A_305 = arith.constant 320 : index
      %swap3A_306 = tpu.vector_load %arg4[%swap3A_304, %swap3A_305] {strides = array<i32>} : memref<16x1024xf32, #tpu.memory_space<vmem>>, vector<1x16xf32>,
      %swap3A_307 = vector.shape_cast %swap3A_306 : vector<1x16xf32> to vector<16xf32>
      %swap3A_308 = vector.shape_cast %mul3A_303 : vector<16xf32> to vector<1x16xf32>
      tpu.vector_store %arg4[%swap3A_304, %swap3A_305], %swap3A_308 {strides = array<i32>} : memref<16x1024xf32, #tpu.memory_space<vmem>>, vector<1x16xf32>,
      %get3A_309 = arith.index_cast %scan3A_58 : i32 to index
      %get3A_310 = arith.constant 336 : index
      %get3A_311 = tpu.vector_load %arg4[%get3A_309, %get3A_310] {strides = array<i32>} : memref<16x1024xf32, #tpu.memory_space<vmem>>, vector<1x16xf32>,
      %get3A_312 = vector.shape_cast %get3A_311 : vector<1x16xf32> to vector<16xf32>
      %mul3A_313 = arith.constant 3.125000e-02 : f32
      %mul3A_314 = vector.broadcast %mul3A_313 : f32 to vector<16xf32>
      %mul3A_315 = arith.mulf %get3A_312, %mul3A_314 : vector<16xf32>
      %swap3A_316 = arith.index_cast %scan3A_58 : i32 to index
      %swap3A_317 = arith.constant 336 : index
      %swap3A_318 = tpu.vector_load %arg4[%swap3A_316, %swap3A_317] {strides = array<i32>} : memref<16x1024xf32, #tpu.memory_space<vmem>>, vector<1x16xf32>,
      %swap3A_319 = vector.shape_cast %swap3A_318 : vector<1x16xf32> to vector<16xf32>
      %swap3A_320 = vector.shape_cast %mul3A_315 : vector<16xf32> to vector<1x16xf32>
      tpu.vector_store %arg4[%swap3A_316, %swap3A_317], %swap3A_320 {strides = array<i32>} : memref<16x1024xf32, #tpu.memory_space<vmem>>, vector<1x16xf32>,
      %get3A_321 = arith.index_cast %scan3A_58 : i32 to index
      %get3A_322 = arith.constant 352 : index
      %get3A_323 = tpu.vector_load %arg4[%get3A_321, %get3A_322] {strides = array<i32>} : memref<16x1024xf32, #tpu.memory_space<vmem>>, vector<1x16xf32>,
      %get3A_324 = vector.shape_cast %get3A_323 : vector<1x16xf32> to vector<16xf32>
      %mul3A_325 = arith.constant 3.125000e-02 : f32
      %mul3A_326 = vector.broadcast %mul3A_325 : f32 to vector<16xf32>
      %mul3A_327 = arith.mulf %get3A_324, %mul3A_326 : vector<16xf32>
      %swap3A_328 = arith.index_cast %scan3A_58 : i32 to index
      %swap3A_329 = arith.constant 352 : index
      %swap3A_330 = tpu.vector_load %arg4[%swap3A_328, %swap3A_329] {strides = array<i32>} : memref<16x1024xf32, #tpu.memory_space<vmem>>, vector<1x16xf32>,
      %swap3A_331 = vector.shape_cast %swap3A_330 : vector<1x16xf32> to vector<16xf32>
      %swap3A_332 = vector.shape_cast %mul3A_327 : vector<16xf32> to vector<1x16xf32>
      tpu.vector_store %arg4[%swap3A_328, %swap3A_329], %swap3A_332 {strides = array<i32>} : memref<16x1024xf32, #tpu.memory_space<vmem>>, vector<1x16xf32>,
      %get3A_333 = arith.index_cast %scan3A_58 : i32 to index
      %get3A_334 = arith.constant 368 : index
      %get3A_335 = tpu.vector_load %arg4[%get3A_333, %get3A_334] {strides = array<i32>} : memref<16x1024xf32, #tpu.memory_space<vmem>>, vector<1x16xf32>,
      %get3A_336 = vector.shape_cast %get3A_335 : vector<1x16xf32> to vector<16xf32>
      %mul3A_337 = arith.constant 3.125000e-02 : f32
      %mul3A_338 = vector.broadcast %mul3A_337 : f32 to vector<16xf32>
      %mul3A_339 = arith.mulf %get3A_336, %mul3A_338 : vector<16xf32>
      %swap3A_340 = arith.index_cast %scan3A_58 : i32 to index
      %swap3A_341 = arith.constant 368 : index
      %swap3A_342 = tpu.vector_load %arg4[%swap3A_340, %swap3A_341] {strides = array<i32>} : memref<16x1024xf32, #tpu.memory_space<vmem>>, vector<1x16xf32>,
      %swap3A_343 = vector.shape_cast %swap3A_342 : vector<1x16xf32> to vector<16xf32>
      %swap3A_344 = vector.shape_cast %mul3A_339 : vector<16xf32> to vector<1x16xf32>
      tpu.vector_store %arg4[%swap3A_340, %swap3A_341], %swap3A_344 {strides = array<i32>} : memref<16x1024xf32, #tpu.memory_space<vmem>>, vector<1x16xf32>,
      %get3A_345 = arith.index_cast %scan3A_58 : i32 to index
      %get3A_346 = arith.constant 384 : index
      %get3A_347 = tpu.vector_load %arg4[%get3A_345, %get3A_346] {strides = array<i32>} : memref<16x1024xf32, #tpu.memory_space<vmem>>, vector<1x16xf32>,
      %get3A_348 = vector.shape_cast %get3A_347 : vector<1x16xf32> to vector<16xf32>
      %mul3A_349 = arith.constant 3.125000e-02 : f32
      %mul3A_350 = vector.broadcast %mul3A_349 : f32 to vector<16xf32>
      %mul3A_351 = arith.mulf %get3A_348, %mul3A_350 : vector<16xf32>
      %swap3A_352 = arith.index_cast %scan3A_58 : i32 to index
      %swap3A_353 = arith.constant 384 : index
      %swap3A_354 = tpu.vector_load %arg4[%swap3A_352, %swap3A_353] {strides = array<i32>} : memref<16x1024xf32, #tpu.memory_space<vmem>>, vector<1x16xf32>,
      %swap3A_355 = vector.shape_cast %swap3A_354 : vector<1x16xf32> to vector<16xf32>
      %swap3A_356 = vector.shape_cast %mul3A_351 : vector<16xf32> to vector<1x16xf32>
      tpu.vector_store %arg4[%swap3A_352, %swap3A_353], %swap3A_356 {strides = array<i32>} : memref<16x1024xf32, #tpu.memory_space<vmem>>, vector<1x16xf32>,
      %get3A_357 = arith.index_cast %scan3A_58 : i32 to index
      %get3A_358 = arith.constant 400 : index
      %get3A_359 = tpu.vector_load %arg4[%get3A_357, %get3A_358] {strides = array<i32>} : memref<16x1024xf32, #tpu.memory_space<vmem>>, vector<1x16xf32>,
      %get3A_360 = vector.shape_cast %get3A_359 : vector<1x16xf32> to vector<16xf32>
      %mul3A_361 = arith.constant 3.125000e-02 : f32
      %mul3A_362 = vector.broadcast %mul3A_361 : f32 to vector<16xf32>
      %mul3A_363 = arith.mulf %get3A_360, %mul3A_362 : vector<16xf32>
      %swap3A_364 = arith.index_cast %scan3A_58 : i32 to index
      %swap3A_365 = arith.constant 400 : index
      %swap3A_366 = tpu.vector_load %arg4[%swap3A_364, %swap3A_365] {strides = array<i32>} : memref<16x1024xf32, #tpu.memory_space<vmem>>, vector<1x16xf32>,
      %swap3A_367 = vector.shape_cast %swap3A_366 : vector<1x16xf32> to vector<16xf32>
      %swap3A_368 = vector.shape_cast %mul3A_363 : vector<16xf32> to vector<1x16xf32>
      tpu.vector_store %arg4[%swap3A_364, %swap3A_365], %swap3A_368 {strides = array<i32>} : memref<16x1024xf32, #tpu.memory_space<vmem>>, vector<1x16xf32>,
      %get3A_369 = arith.index_cast %scan3A_58 : i32 to index
      %get3A_370 = arith.constant 416 : index
      %get3A_371 = tpu.vector_load %arg4[%get3A_369, %get3A_370] {strides = array<i32>} : memref<16x1024xf32, #tpu.memory_space<vmem>>, vector<1x16xf32>,
      %get3A_372 = vector.shape_cast %get3A_371 : vector<1x16xf32> to vector<16xf32>
      %mul3A_373 = arith.constant 3.125000e-02 : f32
      %mul3A_374 = vector.broadcast %mul3A_373 : f32 to vector<16xf32>
      %mul3A_375 = arith.mulf %get3A_372, %mul3A_374 : vector<16xf32>
      %swap3A_376 = arith.index_cast %scan3A_58 : i32 to index
      %swap3A_377 = arith.constant 416 : index
      %swap3A_378 = tpu.vector_load %arg4[%swap3A_376, %swap3A_377] {strides = array<i32>} : memref<16x1024xf32, #tpu.memory_space<vmem>>, vector<1x16xf32>,
      %swap3A_379 = vector.shape_cast %swap3A_378 : vector<1x16xf32> to vector<16xf32>
      %swap3A_380 = vector.shape_cast %mul3A_375 : vector<16xf32> to vector<1x16xf32>
      tpu.vector_store %arg4[%swap3A_376, %swap3A_377], %swap3A_380 {strides = array<i32>} : memref<16x1024xf32, #tpu.memory_space<vmem>>, vector<1x16xf32>,
      %get3A_381 = arith.index_cast %scan3A_58 : i32 to index
      %get3A_382 = arith.constant 432 : index
      %get3A_383 = tpu.vector_load %arg4[%get3A_381, %get3A_382] {strides = array<i32>} : memref<16x1024xf32, #tpu.memory_space<vmem>>, vector<1x16xf32>,
      %get3A_384 = vector.shape_cast %get3A_383 : vector<1x16xf32> to vector<16xf32>
      %mul3A_385 = arith.constant 3.125000e-02 : f32
      %mul3A_386 = vector.broadcast %mul3A_385 : f32 to vector<16xf32>
      %mul3A_387 = arith.mulf %get3A_384, %mul3A_386 : vector<16xf32>
      %swap3A_388 = arith.index_cast %scan3A_58 : i32 to index
      %swap3A_389 = arith.constant 432 : index
      %swap3A_390 = tpu.vector_load %arg4[%swap3A_388, %swap3A_389] {strides = array<i32>} : memref<16x1024xf32, #tpu.memory_space<vmem>>, vector<1x16xf32>,
      %swap3A_391 = vector.shape_cast %swap3A_390 : vector<1x16xf32> to vector<16xf32>
      %swap3A_392 = vector.shape_cast %mul3A_387 : vector<16xf32> to vector<1x16xf32>
      tpu.vector_store %arg4[%swap3A_388, %swap3A_389], %swap3A_392 {strides = array<i32>} : memref<16x1024xf32, #tpu.memory_space<vmem>>, vector<1x16xf32>,
      %get3A_393 = arith.index_cast %scan3A_58 : i32 to index
      %get3A_394 = arith.constant 448 : index
      %get3A_395 = tpu.vector_load %arg4[%get3A_393, %get3A_394] {strides = array<i32>} : memref<16x1024xf32, #tpu.memory_space<vmem>>, vector<1x16xf32>,
      %get3A_396 = vector.shape_cast %get3A_395 : vector<1x16xf32> to vector<16xf32>
      %mul3A_397 = arith.constant 3.125000e-02 : f32
      %mul3A_398 = vector.broadcast %mul3A_397 : f32 to vector<16xf32>
      %mul3A_399 = arith.mulf %get3A_396, %mul3A_398 : vector<16xf32>
      %swap3A_400 = arith.index_cast %scan3A_58 : i32 to index
      %swap3A_401 = arith.constant 448 : index
      %swap3A_402 = tpu.vector_load %arg4[%swap3A_400, %swap3A_401] {strides = array<i32>} : memref<16x1024xf32, #tpu.memory_space<vmem>>, vector<1x16xf32>,
      %swap3A_403 = vector.shape_cast %swap3A_402 : vector<1x16xf32> to vector<16xf32>
      %swap3A_404 = vector.shape_cast %mul3A_399 : vector<16xf32> to vector<1x16xf32>
      tpu.vector_store %arg4[%swap3A_400, %swap3A_401], %swap3A_404 {strides = array<i32>} : memref<16x1024xf32, #tpu.memory_space<vmem>>, vector<1x16xf32>,
      %get3A_405 = arith.index_cast %scan3A_58 : i32 to index
      %get3A_406 = arith.constant 464 : index
      %get3A_407 = tpu.vector_load %arg4[%get3A_405, %get3A_406] {strides = array<i32>} : memref<16x1024xf32, #tpu.memory_space<vmem>>, vector<1x16xf32>,
      %get3A_408 = vector.shape_cast %get3A_407 : vector<1x16xf32> to vector<16xf32>
      %mul3A_409 = arith.constant 3.125000e-02 : f32
      %mul3A_410 = vector.broadcast %mul3A_409 : f32 to vector<16xf32>
      %mul3A_411 = arith.mulf %get3A_408, %mul3A_410 : vector<16xf32>
      %swap3A_412 = arith.index_cast %scan3A_58 : i32 to index
      %swap3A_413 = arith.constant 464 : index
      %swap3A_414 = tpu.vector_load %arg4[%swap3A_412, %swap3A_413] {strides = array<i32>} : memref<16x1024xf32, #tpu.memory_space<vmem>>, vector<1x16xf32>,
      %swap3A_415 = vector.shape_cast %swap3A_414 : vector<1x16xf32> to vector<16xf32>
      %swap3A_416 = vector.shape_cast %mul3A_411 : vector<16xf32> to vector<1x16xf32>
      tpu.vector_store %arg4[%swap3A_412, %swap3A_413], %swap3A_416 {strides = array<i32>} : memref<16x1024xf32, #tpu.memory_space<vmem>>, vector<1x16xf32>,
      %get3A_417 = arith.index_cast %scan3A_58 : i32 to index
      %get3A_418 = arith.constant 480 : index
      %get3A_419 = tpu.vector_load %arg4[%get3A_417, %get3A_418] {strides = array<i32>} : memref<16x1024xf32, #tpu.memory_space<vmem>>, vector<1x16xf32>,
      %get3A_420 = vector.shape_cast %get3A_419 : vector<1x16xf32> to vector<16xf32>
      %mul3A_421 = arith.constant 3.125000e-02 : f32
      %mul3A_422 = vector.broadcast %mul3A_421 : f32 to vector<16xf32>
      %mul3A_423 = arith.mulf %get3A_420, %mul3A_422 : vector<16xf32>
      %swap3A_424 = arith.index_cast %scan3A_58 : i32 to index
      %swap3A_425 = arith.constant 480 : index
      %swap3A_426 = tpu.vector_load %arg4[%swap3A_424, %swap3A_425] {strides = array<i32>} : memref<16x1024xf32, #tpu.memory_space<vmem>>, vector<1x16xf32>,
      %swap3A_427 = vector.shape_cast %swap3A_426 : vector<1x16xf32> to vector<16xf32>
      %swap3A_428 = vector.shape_cast %mul3A_423 : vector<16xf32> to vector<1x16xf32>
      tpu.vector_store %arg4[%swap3A_424, %swap3A_425], %swap3A_428 {strides = array<i32>} : memref<16x1024xf32, #tpu.memory_space<vmem>>, vector<1x16xf32>,
      %get3A_429 = arith.index_cast %scan3A_58 : i32 to index
      %get3A_430 = arith.constant 496 : index
      %get3A_431 = tpu.vector_load %arg4[%get3A_429, %get3A_430] {strides = array<i32>} : memref<16x1024xf32, #tpu.memory_space<vmem>>, vector<1x16xf32>,
      %get3A_432 = vector.shape_cast %get3A_431 : vector<1x16xf32> to vector<16xf32>
      %mul3A_433 = arith.constant 3.125000e-02 : f32
      %mul3A_434 = vector.broadcast %mul3A_433 : f32 to vector<16xf32>
      %mul3A_435 = arith.mulf %get3A_432, %mul3A_434 : vector<16xf32>
      %swap3A_436 = arith.index_cast %scan3A_58 : i32 to index
      %swap3A_437 = arith.constant 496 : index
      %swap3A_438 = tpu.vector_load %arg4[%swap3A_436, %swap3A_437] {strides = array<i32>} : memref<16x1024xf32, #tpu.memory_space<vmem>>, vector<1x16xf32>,
      %swap3A_439 = vector.shape_cast %swap3A_438 : vector<1x16xf32> to vector<16xf32>
      %swap3A_440 = vector.shape_cast %mul3A_435 : vector<16xf32> to vector<1x16xf32>
      tpu.vector_store %arg4[%swap3A_436, %swap3A_437], %swap3A_440 {strides = array<i32>} : memref<16x1024xf32, #tpu.memory_space<vmem>>, vector<1x16xf32>,
      %get3A_441 = arith.index_cast %scan3A_58 : i32 to index
      %get3A_442 = arith.constant 512 : index
      %get3A_443 = tpu.vector_load %arg4[%get3A_441, %get3A_442] {strides = array<i32>} : memref<16x1024xf32, #tpu.memory_space<vmem>>, vector<1x16xf32>,
      %get3A_444 = vector.shape_cast %get3A_443 : vector<1x16xf32> to vector<16xf32>
      %mul3A_445 = arith.constant 3.125000e-02 : f32
      %mul3A_446 = vector.broadcast %mul3A_445 : f32 to vector<16xf32>
      %mul3A_447 = arith.mulf %get3A_444, %mul3A_446 : vector<16xf32>
      %swap3A_448 = arith.index_cast %scan3A_58 : i32 to index
      %swap3A_449 = arith.constant 512 : index
      %swap3A_450 = tpu.vector_load %arg4[%swap3A_448, %swap3A_449] {strides = array<i32>} : memref<16x1024xf32, #tpu.memory_space<vmem>>, vector<1x16xf32>,
      %swap3A_451 = vector.shape_cast %swap3A_450 : vector<1x16xf32> to vector<16xf32>
      %swap3A_452 = vector.shape_cast %mul3A_447 : vector<16xf32> to vector<1x16xf32>
      tpu.vector_store %arg4[%swap3A_448, %swap3A_449], %swap3A_452 {strides = array<i32>} : memref<16x1024xf32, #tpu.memory_space<vmem>>, vector<1x16xf32>,
      %get3A_453 = arith.index_cast %scan3A_58 : i32 to index
      %get3A_454 = arith.constant 528 : index
      %get3A_455 = tpu.vector_load %arg4[%get3A_453, %get3A_454] {strides = array<i32>} : memref<16x1024xf32, #tpu.memory_space<vmem>>, vector<1x16xf32>,
      %get3A_456 = vector.shape_cast %get3A_455 : vector<1x16xf32> to vector<16xf32>
      %mul3A_457 = arith.constant 3.125000e-02 : f32
      %mul3A_458 = vector.broadcast %mul3A_457 : f32 to vector<16xf32>
      %mul3A_459 = arith.mulf %get3A_456, %mul3A_458 : vector<16xf32>
      %swap3A_460 = arith.index_cast %scan3A_58 : i32 to index
      %swap3A_461 = arith.constant 528 : index
      %swap3A_462 = tpu.vector_load %arg4[%swap3A_460, %swap3A_461] {strides = array<i32>} : memref<16x1024xf32, #tpu.memory_space<vmem>>, vector<1x16xf32>,
      %swap3A_463 = vector.shape_cast %swap3A_462 : vector<1x16xf32> to vector<16xf32>
      %swap3A_464 = vector.shape_cast %mul3A_459 : vector<16xf32> to vector<1x16xf32>
      tpu.vector_store %arg4[%swap3A_460, %swap3A_461], %swap3A_464 {strides = array<i32>} : memref<16x1024xf32, #tpu.memory_space<vmem>>, vector<1x16xf32>,
      %get3A_465 = arith.index_cast %scan3A_58 : i32 to index
      %get3A_466 = arith.constant 544 : index
      %get3A_467 = tpu.vector_load %arg4[%get3A_465, %get3A_466] {strides = array<i32>} : memref<16x1024xf32, #tpu.memory_space<vmem>>, vector<1x16xf32>,
      %get3A_468 = vector.shape_cast %get3A_467 : vector<1x16xf32> to vector<16xf32>
      %mul3A_469 = arith.constant 3.125000e-02 : f32
      %mul3A_470 = vector.broadcast %mul3A_469 : f32 to vector<16xf32>
      %mul3A_471 = arith.mulf %get3A_468, %mul3A_470 : vector<16xf32>
      %swap3A_472 = arith.index_cast %scan3A_58 : i32 to index
      %swap3A_473 = arith.constant 544 : index
      %swap3A_474 = tpu.vector_load %arg4[%swap3A_472, %swap3A_473] {strides = array<i32>} : memref<16x1024xf32, #tpu.memory_space<vmem>>, vector<1x16xf32>,
      %swap3A_475 = vector.shape_cast %swap3A_474 : vector<1x16xf32> to vector<16xf32>
      %swap3A_476 = vector.shape_cast %mul3A_471 : vector<16xf32> to vector<1x16xf32>
      tpu.vector_store %arg4[%swap3A_472, %swap3A_473], %swap3A_476 {strides = array<i32>} : memref<16x1024xf32, #tpu.memory_space<vmem>>, vector<1x16xf32>,
      %get3A_477 = arith.index_cast %scan3A_58 : i32 to index
      %get3A_478 = arith.constant 560 : index
      %get3A_479 = tpu.vector_load %arg4[%get3A_477, %get3A_478] {strides = array<i32>} : memref<16x1024xf32, #tpu.memory_space<vmem>>, vector<1x16xf32>,
      %get3A_480 = vector.shape_cast %get3A_479 : vector<1x16xf32> to vector<16xf32>
      %mul3A_481 = arith.constant 3.125000e-02 : f32
      %mul3A_482 = vector.broadcast %mul3A_481 : f32 to vector<16xf32>
      %mul3A_483 = arith.mulf %get3A_480, %mul3A_482 : vector<16xf32>
      %swap3A_484 = arith.index_cast %scan3A_58 : i32 to index
      %swap3A_485 = arith.constant 560 : index
      %swap3A_486 = tpu.vector_load %arg4[%swap3A_484, %swap3A_485] {strides = array<i32>} : memref<16x1024xf32, #tpu.memory_space<vmem>>, vector<1x16xf32>,
      %swap3A_487 = vector.shape_cast %swap3A_486 : vector<1x16xf32> to vector<16xf32>
      %swap3A_488 = vector.shape_cast %mul3A_483 : vector<16xf32> to vector<1x16xf32>
      tpu.vector_store %arg4[%swap3A_484, %swap3A_485], %swap3A_488 {strides = array<i32>} : memref<16x1024xf32, #tpu.memory_space<vmem>>, vector<1x16xf32>,
      %get3A_489 = arith.index_cast %scan3A_58 : i32 to index
      %get3A_490 = arith.constant 576 : index
      %get3A_491 = tpu.vector_load %arg4[%get3A_489, %get3A_490] {strides = array<i32>} : memref<16x1024xf32, #tpu.memory_space<vmem>>, vector<1x16xf32>,
      %get3A_492 = vector.shape_cast %get3A_491 : vector<1x16xf32> to vector<16xf32>
      %mul3A_493 = arith.constant 3.125000e-02 : f32
      %mul3A_494 = vector.broadcast %mul3A_493 : f32 to vector<16xf32>
      %mul3A_495 = arith.mulf %get3A_492, %mul3A_494 : vector<16xf32>
      %swap3A_496 = arith.index_cast %scan3A_58 : i32 to index
      %swap3A_497 = arith.constant 576 : index
      %swap3A_498 = tpu.vector_load %arg4[%swap3A_496, %swap3A_497] {strides = array<i32>} : memref<16x1024xf32, #tpu.memory_space<vmem>>, vector<1x16xf32>,
      %swap3A_499 = vector.shape_cast %swap3A_498 : vector<1x16xf32> to vector<16xf32>
      %swap3A_500 = vector.shape_cast %mul3A_495 : vector<16xf32> to vector<1x16xf32>
      tpu.vector_store %arg4[%swap3A_496, %swap3A_497], %swap3A_500 {strides = array<i32>} : memref<16x1024xf32, #tpu.memory_space<vmem>>, vector<1x16xf32>,
      %get3A_501 = arith.index_cast %scan3A_58 : i32 to index
      %get3A_502 = arith.constant 592 : index
      %get3A_503 = tpu.vector_load %arg4[%get3A_501, %get3A_502] {strides = array<i32>} : memref<16x1024xf32, #tpu.memory_space<vmem>>, vector<1x16xf32>,
      %get3A_504 = vector.shape_cast %get3A_503 : vector<1x16xf32> to vector<16xf32>
      %mul3A_505 = arith.constant 3.125000e-02 : f32
      %mul3A_506 = vector.broadcast %mul3A_505 : f32 to vector<16xf32>
      %mul3A_507 = arith.mulf %get3A_504, %mul3A_506 : vector<16xf32>
      %swap3A_508 = arith.index_cast %scan3A_58 : i32 to index
      %swap3A_509 = arith.constant 592 : index
      %swap3A_510 = tpu.vector_load %arg4[%swap3A_508, %swap3A_509] {strides = array<i32>} : memref<16x1024xf32, #tpu.memory_space<vmem>>, vector<1x16xf32>,
      %swap3A_511 = vector.shape_cast %swap3A_510 : vector<1x16xf32> to vector<16xf32>
      %swap3A_512 = vector.shape_cast %mul3A_507 : vector<16xf32> to vector<1x16xf32>
      tpu.vector_store %arg4[%swap3A_508, %swap3A_509], %swap3A_512 {strides = array<i32>} : memref<16x1024xf32, #tpu.memory_space<vmem>>, vector<1x16xf32>,
      %get3A_513 = arith.index_cast %scan3A_58 : i32 to index
      %get3A_514 = arith.constant 608 : index
      %get3A_515 = tpu.vector_load %arg4[%get3A_513, %get3A_514] {strides = array<i32>} : memref<16x1024xf32, #tpu.memory_space<vmem>>, vector<1x16xf32>,
      %get3A_516 = vector.shape_cast %get3A_515 : vector<1x16xf32> to vector<16xf32>
      %mul3A_517 = arith.constant 3.125000e-02 : f32
      %mul3A_518 = vector.broadcast %mul3A_517 : f32 to vector<16xf32>
      %mul3A_519 = arith.mulf %get3A_516, %mul3A_518 : vector<16xf32>
      %swap3A_520 = arith.index_cast %scan3A_58 : i32 to index
      %swap3A_521 = arith.constant 608 : index
      %swap3A_522 = tpu.vector_load %arg4[%swap3A_520, %swap3A_521] {strides = array<i32>} : memref<16x1024xf32, #tpu.memory_space<vmem>>, vector<1x16xf32>,
      %swap3A_523 = vector.shape_cast %swap3A_522 : vector<1x16xf32> to vector<16xf32>
      %swap3A_524 = vector.shape_cast %mul3A_519 : vector<16xf32> to vector<1x16xf32>
      tpu.vector_store %arg4[%swap3A_520, %swap3A_521], %swap3A_524 {strides = array<i32>} : memref<16x1024xf32, #tpu.memory_space<vmem>>, vector<1x16xf32>,
      %get3A_525 = arith.index_cast %scan3A_58 : i32 to index
      %get3A_526 = arith.constant 624 : index
      %get3A_527 = tpu.vector_load %arg4[%get3A_525, %get3A_526] {strides = array<i32>} : memref<16x1024xf32, #tpu.memory_space<vmem>>, vector<1x16xf32>,
      %get3A_528 = vector.shape_cast %get3A_527 : vector<1x16xf32> to vector<16xf32>
      %mul3A_529 = arith.constant 3.125000e-02 : f32
      %mul3A_530 = vector.broadcast %mul3A_529 : f32 to vector<16xf32>
      %mul3A_531 = arith.mulf %get3A_528, %mul3A_530 : vector<16xf32>
      %swap3A_532 = arith.index_cast %scan3A_58 : i32 to index
      %swap3A_533 = arith.constant 624 : index
      %swap3A_534 = tpu.vector_load %arg4[%swap3A_532, %swap3A_533] {strides = array<i32>} : memref<16x1024xf32, #tpu.memory_space<vmem>>, vector<1x16xf32>,
      %swap3A_535 = vector.shape_cast %swap3A_534 : vector<1x16xf32> to vector<16xf32>
      %swap3A_536 = vector.shape_cast %mul3A_531 : vector<16xf32> to vector<1x16xf32>
      tpu.vector_store %arg4[%swap3A_532, %swap3A_533], %swap3A_536 {strides = array<i32>} : memref<16x1024xf32, #tpu.memory_space<vmem>>, vector<1x16xf32>,
      %get3A_537 = arith.index_cast %scan3A_58 : i32 to index
      %get3A_538 = arith.constant 640 : index
      %get3A_539 = tpu.vector_load %arg4[%get3A_537, %get3A_538] {strides = array<i32>} : memref<16x1024xf32, #tpu.memory_space<vmem>>, vector<1x16xf32>,
      %get3A_540 = vector.shape_cast %get3A_539 : vector<1x16xf32> to vector<16xf32>
      %mul3A_541 = arith.constant 3.125000e-02 : f32
      %mul3A_542 = vector.broadcast %mul3A_541 : f32 to vector<16xf32>
      %mul3A_543 = arith.mulf %get3A_540, %mul3A_542 : vector<16xf32>
      %swap3A_544 = arith.index_cast %scan3A_58 : i32 to index
      %swap3A_545 = arith.constant 640 : index
      %swap3A_546 = tpu.vector_load %arg4[%swap3A_544, %swap3A_545] {strides = array<i32>} : memref<16x1024xf32, #tpu.memory_space<vmem>>, vector<1x16xf32>,
      %swap3A_547 = vector.shape_cast %swap3A_546 : vector<1x16xf32> to vector<16xf32>
      %swap3A_548 = vector.shape_cast %mul3A_543 : vector<16xf32> to vector<1x16xf32>
      tpu.vector_store %arg4[%swap3A_544, %swap3A_545], %swap3A_548 {strides = array<i32>} : memref<16x1024xf32, #tpu.memory_space<vmem>>, vector<1x16xf32>,
      %get3A_549 = arith.index_cast %scan3A_58 : i32 to index
      %get3A_550 = arith.constant 656 : index
      %get3A_551 = tpu.vector_load %arg4[%get3A_549, %get3A_550] {strides = array<i32>} : memref<16x1024xf32, #tpu.memory_space<vmem>>, vector<1x16xf32>,
      %get3A_552 = vector.shape_cast %get3A_551 : vector<1x16xf32> to vector<16xf32>
      %mul3A_553 = arith.constant 3.125000e-02 : f32
      %mul3A_554 = vector.broadcast %mul3A_553 : f32 to vector<16xf32>
      %mul3A_555 = arith.mulf %get3A_552, %mul3A_554 : vector<16xf32>
      %swap3A_556 = arith.index_cast %scan3A_58 : i32 to index
      %swap3A_557 = arith.constant 656 : index
      %swap3A_558 = tpu.vector_load %arg4[%swap3A_556, %swap3A_557] {strides = array<i32>} : memref<16x1024xf32, #tpu.memory_space<vmem>>, vector<1x16xf32>,
      %swap3A_559 = vector.shape_cast %swap3A_558 : vector<1x16xf32> to vector<16xf32>
      %swap3A_560 = vector.shape_cast %mul3A_555 : vector<16xf32> to vector<1x16xf32>
      tpu.vector_store %arg4[%swap3A_556, %swap3A_557], %swap3A_560 {strides = array<i32>} : memref<16x1024xf32, #tpu.memory_space<vmem>>, vector<1x16xf32>,
      %get3A_561 = arith.index_cast %scan3A_58 : i32 to index
      %get3A_562 = arith.constant 672 : index
      %get3A_563 = tpu.vector_load %arg4[%get3A_561, %get3A_562] {strides = array<i32>} : memref<16x1024xf32, #tpu.memory_space<vmem>>, vector<1x16xf32>,
      %get3A_564 = vector.shape_cast %get3A_563 : vector<1x16xf32> to vector<16xf32>
      %mul3A_565 = arith.constant 3.125000e-02 : f32
      %mul3A_566 = vector.broadcast %mul3A_565 : f32 to vector<16xf32>
      %mul3A_567 = arith.mulf %get3A_564, %mul3A_566 : vector<16xf32>
      %swap3A_568 = arith.index_cast %scan3A_58 : i32 to index
      %swap3A_569 = arith.constant 672 : index
      %swap3A_570 = tpu.vector_load %arg4[%swap3A_568, %swap3A_569] {strides = array<i32>} : memref<16x1024xf32, #tpu.memory_space<vmem>>, vector<1x16xf32>,
      %swap3A_571 = vector.shape_cast %swap3A_570 : vector<1x16xf32> to vector<16xf32>
      %swap3A_572 = vector.shape_cast %mul3A_567 : vector<16xf32> to vector<1x16xf32>
      tpu.vector_store %arg4[%swap3A_568, %swap3A_569], %swap3A_572 {strides = array<i32>} : memref<16x1024xf32, #tpu.memory_space<vmem>>, vector<1x16xf32>,
      %get3A_573 = arith.index_cast %scan3A_58 : i32 to index
      %get3A_574 = arith.constant 688 : index
      %get3A_575 = tpu.vector_load %arg4[%get3A_573, %get3A_574] {strides = array<i32>} : memref<16x1024xf32, #tpu.memory_space<vmem>>, vector<1x16xf32>,
      %get3A_576 = vector.shape_cast %get3A_575 : vector<1x16xf32> to vector<16xf32>
      %mul3A_577 = arith.constant 3.125000e-02 : f32
      %mul3A_578 = vector.broadcast %mul3A_577 : f32 to vector<16xf32>
      %mul3A_579 = arith.mulf %get3A_576, %mul3A_578 : vector<16xf32>
      %swap3A_580 = arith.index_cast %scan3A_58 : i32 to index
      %swap3A_581 = arith.constant 688 : index
      %swap3A_582 = tpu.vector_load %arg4[%swap3A_580, %swap3A_581] {strides = array<i32>} : memref<16x1024xf32, #tpu.memory_space<vmem>>, vector<1x16xf32>,
      %swap3A_583 = vector.shape_cast %swap3A_582 : vector<1x16xf32> to vector<16xf32>
      %swap3A_584 = vector.shape_cast %mul3A_579 : vector<16xf32> to vector<1x16xf32>
      tpu.vector_store %arg4[%swap3A_580, %swap3A_581], %swap3A_584 {strides = array<i32>} : memref<16x1024xf32, #tpu.memory_space<vmem>>, vector<1x16xf32>,
      %get3A_585 = arith.index_cast %scan3A_58 : i32 to index
      %get3A_586 = arith.constant 704 : index
      %get3A_587 = tpu.vector_load %arg4[%get3A_585, %get3A_586] {strides = array<i32>} : memref<16x1024xf32, #tpu.memory_space<vmem>>, vector<1x16xf32>,
      %get3A_588 = vector.shape_cast %get3A_587 : vector<1x16xf32> to vector<16xf32>
      %mul3A_589 = arith.constant 3.125000e-02 : f32
      %mul3A_590 = vector.broadcast %mul3A_589 : f32 to vector<16xf32>
      %mul3A_591 = arith.mulf %get3A_588, %mul3A_590 : vector<16xf32>
      %swap3A_592 = arith.index_cast %scan3A_58 : i32 to index
      %swap3A_593 = arith.constant 704 : index
      %swap3A_594 = tpu.vector_load %arg4[%swap3A_592, %swap3A_593] {strides = array<i32>} : memref<16x1024xf32, #tpu.memory_space<vmem>>, vector<1x16xf32>,
      %swap3A_595 = vector.shape_cast %swap3A_594 : vector<1x16xf32> to vector<16xf32>
      %swap3A_596 = vector.shape_cast %mul3A_591 : vector<16xf32> to vector<1x16xf32>
      tpu.vector_store %arg4[%swap3A_592, %swap3A_593], %swap3A_596 {strides = array<i32>} : memref<16x1024xf32, #tpu.memory_space<vmem>>, vector<1x16xf32>,
      %get3A_597 = arith.index_cast %scan3A_58 : i32 to index
      %get3A_598 = arith.constant 720 : index
      %get3A_599 = tpu.vector_load %arg4[%get3A_597, %get3A_598] {strides = array<i32>} : memref<16x1024xf32, #tpu.memory_space<vmem>>, vector<1x16xf32>,
      %get3A_600 = vector.shape_cast %get3A_599 : vector<1x16xf32> to vector<16xf32>
      %mul3A_601 = arith.constant 3.125000e-02 : f32
      %mul3A_602 = vector.broadcast %mul3A_601 : f32 to vector<16xf32>
      %mul3A_603 = arith.mulf %get3A_600, %mul3A_602 : vector<16xf32>
      %swap3A_604 = arith.index_cast %scan3A_58 : i32 to index
      %swap3A_605 = arith.constant 720 : index
      %swap3A_606 = tpu.vector_load %arg4[%swap3A_604, %swap3A_605] {strides = array<i32>} : memref<16x1024xf32, #tpu.memory_space<vmem>>, vector<1x16xf32>,
      %swap3A_607 = vector.shape_cast %swap3A_606 : vector<1x16xf32> to vector<16xf32>
      %swap3A_608 = vector.shape_cast %mul3A_603 : vector<16xf32> to vector<1x16xf32>
      tpu.vector_store %arg4[%swap3A_604, %swap3A_605], %swap3A_608 {strides = array<i32>} : memref<16x1024xf32, #tpu.memory_space<vmem>>, vector<1x16xf32>,
      %get3A_609 = arith.index_cast %scan3A_58 : i32 to index
      %get3A_610 = arith.constant 736 : index
      %get3A_611 = tpu.vector_load %arg4[%get3A_609, %get3A_610] {strides = array<i32>} : memref<16x1024xf32, #tpu.memory_space<vmem>>, vector<1x16xf32>,
      %get3A_612 = vector.shape_cast %get3A_611 : vector<1x16xf32> to vector<16xf32>
      %mul3A_613 = arith.constant 3.125000e-02 : f32
      %mul3A_614 = vector.broadcast %mul3A_613 : f32 to vector<16xf32>
      %mul3A_615 = arith.mulf %get3A_612, %mul3A_614 : vector<16xf32>
      %swap3A_616 = arith.index_cast %scan3A_58 : i32 to index
      %swap3A_617 = arith.constant 736 : index
      %swap3A_618 = tpu.vector_load %arg4[%swap3A_616, %swap3A_617] {strides = array<i32>} : memref<16x1024xf32, #tpu.memory_space<vmem>>, vector<1x16xf32>,
      %swap3A_619 = vector.shape_cast %swap3A_618 : vector<1x16xf32> to vector<16xf32>
      %swap3A_620 = vector.shape_cast %mul3A_615 : vector<16xf32> to vector<1x16xf32>
      tpu.vector_store %arg4[%swap3A_616, %swap3A_617], %swap3A_620 {strides = array<i32>} : memref<16x1024xf32, #tpu.memory_space<vmem>>, vector<1x16xf32>,
      %get3A_621 = arith.index_cast %scan3A_58 : i32 to index
      %get3A_622 = arith.constant 752 : index
      %get3A_623 = tpu.vector_load %arg4[%get3A_621, %get3A_622] {strides = array<i32>} : memref<16x1024xf32, #tpu.memory_space<vmem>>, vector<1x16xf32>,
      %get3A_624 = vector.shape_cast %get3A_623 : vector<1x16xf32> to vector<16xf32>
      %mul3A_625 = arith.constant 3.125000e-02 : f32
      %mul3A_626 = vector.broadcast %mul3A_625 : f32 to vector<16xf32>
      %mul3A_627 = arith.mulf %get3A_624, %mul3A_626 : vector<16xf32>
      %swap3A_628 = arith.index_cast %scan3A_58 : i32 to index
      %swap3A_629 = arith.constant 752 : index
      %swap3A_630 = tpu.vector_load %arg4[%swap3A_628, %swap3A_629] {strides = array<i32>} : memref<16x1024xf32, #tpu.memory_space<vmem>>, vector<1x16xf32>,
      %swap3A_631 = vector.shape_cast %swap3A_630 : vector<1x16xf32> to vector<16xf32>
      %swap3A_632 = vector.shape_cast %mul3A_627 : vector<16xf32> to vector<1x16xf32>
      tpu.vector_store %arg4[%swap3A_628, %swap3A_629], %swap3A_632 {strides = array<i32>} : memref<16x1024xf32, #tpu.memory_space<vmem>>, vector<1x16xf32>,
      %get3A_633 = arith.index_cast %scan3A_58 : i32 to index
      %get3A_634 = arith.constant 768 : index
      %get3A_635 = tpu.vector_load %arg4[%get3A_633, %get3A_634] {strides = array<i32>} : memref<16x1024xf32, #tpu.memory_space<vmem>>, vector<1x16xf32>,
      %get3A_636 = vector.shape_cast %get3A_635 : vector<1x16xf32> to vector<16xf32>
      %mul3A_637 = arith.constant 3.125000e-02 : f32
      %mul3A_638 = vector.broadcast %mul3A_637 : f32 to vector<16xf32>
      %mul3A_639 = arith.mulf %get3A_636, %mul3A_638 : vector<16xf32>
      %swap3A_640 = arith.index_cast %scan3A_58 : i32 to index
      %swap3A_641 = arith.constant 768 : index
      %swap3A_642 = tpu.vector_load %arg4[%swap3A_640, %swap3A_641] {strides = array<i32>} : memref<16x1024xf32, #tpu.memory_space<vmem>>, vector<1x16xf32>,
      %swap3A_643 = vector.shape_cast %swap3A_642 : vector<1x16xf32> to vector<16xf32>
      %swap3A_644 = vector.shape_cast %mul3A_639 : vector<16xf32> to vector<1x16xf32>
      tpu.vector_store %arg4[%swap3A_640, %swap3A_641], %swap3A_644 {strides = array<i32>} : memref<16x1024xf32, #tpu.memory_space<vmem>>, vector<1x16xf32>,
      %get3A_645 = arith.index_cast %scan3A_58 : i32 to index
      %get3A_646 = arith.constant 784 : index
      %get3A_647 = tpu.vector_load %arg4[%get3A_645, %get3A_646] {strides = array<i32>} : memref<16x1024xf32, #tpu.memory_space<vmem>>, vector<1x16xf32>,
      %get3A_648 = vector.shape_cast %get3A_647 : vector<1x16xf32> to vector<16xf32>
      %mul3A_649 = arith.constant 3.125000e-02 : f32
      %mul3A_650 = vector.broadcast %mul3A_649 : f32 to vector<16xf32>
      %mul3A_651 = arith.mulf %get3A_648, %mul3A_650 : vector<16xf32>
      %swap3A_652 = arith.index_cast %scan3A_58 : i32 to index
      %swap3A_653 = arith.constant 784 : index
      %swap3A_654 = tpu.vector_load %arg4[%swap3A_652, %swap3A_653] {strides = array<i32>} : memref<16x1024xf32, #tpu.memory_space<vmem>>, vector<1x16xf32>,
      %swap3A_655 = vector.shape_cast %swap3A_654 : vector<1x16xf32> to vector<16xf32>
      %swap3A_656 = vector.shape_cast %mul3A_651 : vector<16xf32> to vector<1x16xf32>
      tpu.vector_store %arg4[%swap3A_652, %swap3A_653], %swap3A_656 {strides = array<i32>} : memref<16x1024xf32, #tpu.memory_space<vmem>>, vector<1x16xf32>,
      %get3A_657 = arith.index_cast %scan3A_58 : i32 to index
      %get3A_658 = arith.constant 800 : index
      %get3A_659 = tpu.vector_load %arg4[%get3A_657, %get3A_658] {strides = array<i32>} : memref<16x1024xf32, #tpu.memory_space<vmem>>, vector<1x16xf32>,
      %get3A_660 = vector.shape_cast %get3A_659 : vector<1x16xf32> to vector<16xf32>
      %mul3A_661 = arith.constant 3.125000e-02 : f32
      %mul3A_662 = vector.broadcast %mul3A_661 : f32 to vector<16xf32>
      %mul3A_663 = arith.mulf %get3A_660, %mul3A_662 : vector<16xf32>
      %swap3A_664 = arith.index_cast %scan3A_58 : i32 to index
      %swap3A_665 = arith.constant 800 : index
      %swap3A_666 = tpu.vector_load %arg4[%swap3A_664, %swap3A_665] {strides = array<i32>} : memref<16x1024xf32, #tpu.memory_space<vmem>>, vector<1x16xf32>,
      %swap3A_667 = vector.shape_cast %swap3A_666 : vector<1x16xf32> to vector<16xf32>
      %swap3A_668 = vector.shape_cast %mul3A_663 : vector<16xf32> to vector<1x16xf32>
      tpu.vector_store %arg4[%swap3A_664, %swap3A_665], %swap3A_668 {strides = array<i32>} : memref<16x1024xf32, #tpu.memory_space<vmem>>, vector<1x16xf32>,
      %get3A_669 = arith.index_cast %scan3A_58 : i32 to index
      %get3A_670 = arith.constant 816 : index
      %get3A_671 = tpu.vector_load %arg4[%get3A_669, %get3A_670] {strides = array<i32>} : memref<16x1024xf32, #tpu.memory_space<vmem>>, vector<1x16xf32>,
      %get3A_672 = vector.shape_cast %get3A_671 : vector<1x16xf32> to vector<16xf32>
      %mul3A_673 = arith.constant 3.125000e-02 : f32
      %mul3A_674 = vector.broadcast %mul3A_673 : f32 to vector<16xf32>
      %mul3A_675 = arith.mulf %get3A_672, %mul3A_674 : vector<16xf32>
      %swap3A_676 = arith.index_cast %scan3A_58 : i32 to index
      %swap3A_677 = arith.constant 816 : index
      %swap3A_678 = tpu.vector_load %arg4[%swap3A_676, %swap3A_677] {strides = array<i32>} : memref<16x1024xf32, #tpu.memory_space<vmem>>, vector<1x16xf32>,
      %swap3A_679 = vector.shape_cast %swap3A_678 : vector<1x16xf32> to vector<16xf32>
      %swap3A_680 = vector.shape_cast %mul3A_675 : vector<16xf32> to vector<1x16xf32>
      tpu.vector_store %arg4[%swap3A_676, %swap3A_677], %swap3A_680 {strides = array<i32>} : memref<16x1024xf32, #tpu.memory_space<vmem>>, vector<1x16xf32>,
      %get3A_681 = arith.index_cast %scan3A_58 : i32 to index
      %get3A_682 = arith.constant 832 : index
      %get3A_683 = tpu.vector_load %arg4[%get3A_681, %get3A_682] {strides = array<i32>} : memref<16x1024xf32, #tpu.memory_space<vmem>>, vector<1x16xf32>,
      %get3A_684 = vector.shape_cast %get3A_683 : vector<1x16xf32> to vector<16xf32>
      %mul3A_685 = arith.constant 3.125000e-02 : f32
      %mul3A_686 = vector.broadcast %mul3A_685 : f32 to vector<16xf32>
      %mul3A_687 = arith.mulf %get3A_684, %mul3A_686 : vector<16xf32>
      %swap3A_688 = arith.index_cast %scan3A_58 : i32 to index
      %swap3A_689 = arith.constant 832 : index
      %swap3A_690 = tpu.vector_load %arg4[%swap3A_688, %swap3A_689] {strides = array<i32>} : memref<16x1024xf32, #tpu.memory_space<vmem>>, vector<1x16xf32>,
      %swap3A_691 = vector.shape_cast %swap3A_690 : vector<1x16xf32> to vector<16xf32>
      %swap3A_692 = vector.shape_cast %mul3A_687 : vector<16xf32> to vector<1x16xf32>
      tpu.vector_store %arg4[%swap3A_688, %swap3A_689], %swap3A_692 {strides = array<i32>} : memref<16x1024xf32, #tpu.memory_space<vmem>>, vector<1x16xf32>,
      %get3A_693 = arith.index_cast %scan3A_58 : i32 to index
      %get3A_694 = arith.constant 848 : index
      %get3A_695 = tpu.vector_load %arg4[%get3A_693, %get3A_694] {strides = array<i32>} : memref<16x1024xf32, #tpu.memory_space<vmem>>, vector<1x16xf32>,
      %get3A_696 = vector.shape_cast %get3A_695 : vector<1x16xf32> to vector<16xf32>
      %mul3A_697 = arith.constant 3.125000e-02 : f32
      %mul3A_698 = vector.broadcast %mul3A_697 : f32 to vector<16xf32>
      %mul3A_699 = arith.mulf %get3A_696, %mul3A_698 : vector<16xf32>
      %swap3A_700 = arith.index_cast %scan3A_58 : i32 to index
      %swap3A_701 = arith.constant 848 : index
      %swap3A_702 = tpu.vector_load %arg4[%swap3A_700, %swap3A_701] {strides = array<i32>} : memref<16x1024xf32, #tpu.memory_space<vmem>>, vector<1x16xf32>,
      %swap3A_703 = vector.shape_cast %swap3A_702 : vector<1x16xf32> to vector<16xf32>
      %swap3A_704 = vector.shape_cast %mul3A_699 : vector<16xf32> to vector<1x16xf32>
      tpu.vector_store %arg4[%swap3A_700, %swap3A_701], %swap3A_704 {strides = array<i32>} : memref<16x1024xf32, #tpu.memory_space<vmem>>, vector<1x16xf32>,
      %get3A_705 = arith.index_cast %scan3A_58 : i32 to index
      %get3A_706 = arith.constant 864 : index
      %get3A_707 = tpu.vector_load %arg4[%get3A_705, %get3A_706] {strides = array<i32>} : memref<16x1024xf32, #tpu.memory_space<vmem>>, vector<1x16xf32>,
      %get3A_708 = vector.shape_cast %get3A_707 : vector<1x16xf32> to vector<16xf32>
      %mul3A_709 = arith.constant 3.125000e-02 : f32
      %mul3A_710 = vector.broadcast %mul3A_709 : f32 to vector<16xf32>
      %mul3A_711 = arith.mulf %get3A_708, %mul3A_710 : vector<16xf32>
      %swap3A_712 = arith.index_cast %scan3A_58 : i32 to index
      %swap3A_713 = arith.constant 864 : index
      %swap3A_714 = tpu.vector_load %arg4[%swap3A_712, %swap3A_713] {strides = array<i32>} : memref<16x1024xf32, #tpu.memory_space<vmem>>, vector<1x16xf32>,
      %swap3A_715 = vector.shape_cast %swap3A_714 : vector<1x16xf32> to vector<16xf32>
      %swap3A_716 = vector.shape_cast %mul3A_711 : vector<16xf32> to vector<1x16xf32>
      tpu.vector_store %arg4[%swap3A_712, %swap3A_713], %swap3A_716 {strides = array<i32>} : memref<16x1024xf32, #tpu.memory_space<vmem>>, vector<1x16xf32>,
      %get3A_717 = arith.index_cast %scan3A_58 : i32 to index
      %get3A_718 = arith.constant 880 : index
      %get3A_719 = tpu.vector_load %arg4[%get3A_717, %get3A_718] {strides = array<i32>} : memref<16x1024xf32, #tpu.memory_space<vmem>>, vector<1x16xf32>,
      %get3A_720 = vector.shape_cast %get3A_719 : vector<1x16xf32> to vector<16xf32>
      %mul3A_721 = arith.constant 3.125000e-02 : f32
      %mul3A_722 = vector.broadcast %mul3A_721 : f32 to vector<16xf32>
      %mul3A_723 = arith.mulf %get3A_720, %mul3A_722 : vector<16xf32>
      %swap3A_724 = arith.index_cast %scan3A_58 : i32 to index
      %swap3A_725 = arith.constant 880 : index
      %swap3A_726 = tpu.vector_load %arg4[%swap3A_724, %swap3A_725] {strides = array<i32>} : memref<16x1024xf32, #tpu.memory_space<vmem>>, vector<1x16xf32>,
      %swap3A_727 = vector.shape_cast %swap3A_726 : vector<1x16xf32> to vector<16xf32>
      %swap3A_728 = vector.shape_cast %mul3A_723 : vector<16xf32> to vector<1x16xf32>
      tpu.vector_store %arg4[%swap3A_724, %swap3A_725], %swap3A_728 {strides = array<i32>} : memref<16x1024xf32, #tpu.memory_space<vmem>>, vector<1x16xf32>,
      %get3A_729 = arith.index_cast %scan3A_58 : i32 to index
      %get3A_730 = arith.constant 896 : index
      %get3A_731 = tpu.vector_load %arg4[%get3A_729, %get3A_730] {strides = array<i32>} : memref<16x1024xf32, #tpu.memory_space<vmem>>, vector<1x16xf32>,
      %get3A_732 = vector.shape_cast %get3A_731 : vector<1x16xf32> to vector<16xf32>
      %mul3A_733 = arith.constant 3.125000e-02 : f32
      %mul3A_734 = vector.broadcast %mul3A_733 : f32 to vector<16xf32>
      %mul3A_735 = arith.mulf %get3A_732, %mul3A_734 : vector<16xf32>
      %swap3A_736 = arith.index_cast %scan3A_58 : i32 to index
      %swap3A_737 = arith.constant 896 : index
      %swap3A_738 = tpu.vector_load %arg4[%swap3A_736, %swap3A_737] {strides = array<i32>} : memref<16x1024xf32, #tpu.memory_space<vmem>>, vector<1x16xf32>,
      %swap3A_739 = vector.shape_cast %swap3A_738 : vector<1x16xf32> to vector<16xf32>
      %swap3A_740 = vector.shape_cast %mul3A_735 : vector<16xf32> to vector<1x16xf32>
      tpu.vector_store %arg4[%swap3A_736, %swap3A_737], %swap3A_740 {strides = array<i32>} : memref<16x1024xf32, #tpu.memory_space<vmem>>, vector<1x16xf32>,
      %get3A_741 = arith.index_cast %scan3A_58 : i32 to index
      %get3A_742 = arith.constant 912 : index
      %get3A_743 = tpu.vector_load %arg4[%get3A_741, %get3A_742] {strides = array<i32>} : memref<16x1024xf32, #tpu.memory_space<vmem>>, vector<1x16xf32>,
      %get3A_744 = vector.shape_cast %get3A_743 : vector<1x16xf32> to vector<16xf32>
      %mul3A_745 = arith.constant 3.125000e-02 : f32
      %mul3A_746 = vector.broadcast %mul3A_745 : f32 to vector<16xf32>
      %mul3A_747 = arith.mulf %get3A_744, %mul3A_746 : vector<16xf32>
      %swap3A_748 = arith.index_cast %scan3A_58 : i32 to index
      %swap3A_749 = arith.constant 912 : index
      %swap3A_750 = tpu.vector_load %arg4[%swap3A_748, %swap3A_749] {strides = array<i32>} : memref<16x1024xf32, #tpu.memory_space<vmem>>, vector<1x16xf32>,
      %swap3A_751 = vector.shape_cast %swap3A_750 : vector<1x16xf32> to vector<16xf32>
      %swap3A_752 = vector.shape_cast %mul3A_747 : vector<16xf32> to vector<1x16xf32>
      tpu.vector_store %arg4[%swap3A_748, %swap3A_749], %swap3A_752 {strides = array<i32>} : memref<16x1024xf32, #tpu.memory_space<vmem>>, vector<1x16xf32>,
      %get3A_753 = arith.index_cast %scan3A_58 : i32 to index
      %get3A_754 = arith.constant 928 : index
      %get3A_755 = tpu.vector_load %arg4[%get3A_753, %get3A_754] {strides = array<i32>} : memref<16x1024xf32, #tpu.memory_space<vmem>>, vector<1x16xf32>,
      %get3A_756 = vector.shape_cast %get3A_755 : vector<1x16xf32> to vector<16xf32>
      %mul3A_757 = arith.constant 3.125000e-02 : f32
      %mul3A_758 = vector.broadcast %mul3A_757 : f32 to vector<16xf32>
      %mul3A_759 = arith.mulf %get3A_756, %mul3A_758 : vector<16xf32>
      %swap3A_760 = arith.index_cast %scan3A_58 : i32 to index
      %swap3A_761 = arith.constant 928 : index
      %swap3A_762 = tpu.vector_load %arg4[%swap3A_760, %swap3A_761] {strides = array<i32>} : memref<16x1024xf32, #tpu.memory_space<vmem>>, vector<1x16xf32>,
      %swap3A_763 = vector.shape_cast %swap3A_762 : vector<1x16xf32> to vector<16xf32>
      %swap3A_764 = vector.shape_cast %mul3A_759 : vector<16xf32> to vector<1x16xf32>
      tpu.vector_store %arg4[%swap3A_760, %swap3A_761], %swap3A_764 {strides = array<i32>} : memref<16x1024xf32, #tpu.memory_space<vmem>>, vector<1x16xf32>,
      %get3A_765 = arith.index_cast %scan3A_58 : i32 to index
      %get3A_766 = arith.constant 944 : index
      %get3A_767 = tpu.vector_load %arg4[%get3A_765, %get3A_766] {strides = array<i32>} : memref<16x1024xf32, #tpu.memory_space<vmem>>, vector<1x16xf32>,
      %get3A_768 = vector.shape_cast %get3A_767 : vector<1x16xf32> to vector<16xf32>
      %mul3A_769 = arith.constant 3.125000e-02 : f32
      %mul3A_770 = vector.broadcast %mul3A_769 : f32 to vector<16xf32>
      %mul3A_771 = arith.mulf %get3A_768, %mul3A_770 : vector<16xf32>
      %swap3A_772 = arith.index_cast %scan3A_58 : i32 to index
      %swap3A_773 = arith.constant 944 : index
      %swap3A_774 = tpu.vector_load %arg4[%swap3A_772, %swap3A_773] {strides = array<i32>} : memref<16x1024xf32, #tpu.memory_space<vmem>>, vector<1x16xf32>,
      %swap3A_775 = vector.shape_cast %swap3A_774 : vector<1x16xf32> to vector<16xf32>
      %swap3A_776 = vector.shape_cast %mul3A_771 : vector<16xf32> to vector<1x16xf32>
      tpu.vector_store %arg4[%swap3A_772, %swap3A_773], %swap3A_776 {strides = array<i32>} : memref<16x1024xf32, #tpu.memory_space<vmem>>, vector<1x16xf32>,
      %get3A_777 = arith.index_cast %scan3A_58 : i32 to index
      %get3A_778 = arith.constant 960 : index
      %get3A_779 = tpu.vector_load %arg4[%get3A_777, %get3A_778] {strides = array<i32>} : memref<16x1024xf32, #tpu.memory_space<vmem>>, vector<1x16xf32>,
      %get3A_780 = vector.shape_cast %get3A_779 : vector<1x16xf32> to vector<16xf32>
      %mul3A_781 = arith.constant 3.125000e-02 : f32
      %mul3A_782 = vector.broadcast %mul3A_781 : f32 to vector<16xf32>
      %mul3A_783 = arith.mulf %get3A_780, %mul3A_782 : vector<16xf32>
      %swap3A_784 = arith.index_cast %scan3A_58 : i32 to index
      %swap3A_785 = arith.constant 960 : index
      %swap3A_786 = tpu.vector_load %arg4[%swap3A_784, %swap3A_785] {strides = array<i32>} : memref<16x1024xf32, #tpu.memory_space<vmem>>, vector<1x16xf32>,
      %swap3A_787 = vector.shape_cast %swap3A_786 : vector<1x16xf32> to vector<16xf32>
      %swap3A_788 = vector.shape_cast %mul3A_783 : vector<16xf32> to vector<1x16xf32>
      tpu.vector_store %arg4[%swap3A_784, %swap3A_785], %swap3A_788 {strides = array<i32>} : memref<16x1024xf32, #tpu.memory_space<vmem>>, vector<1x16xf32>,
      %get3A_789 = arith.index_cast %scan3A_58 : i32 to index
      %get3A_790 = arith.constant 976 : index
      %get3A_791 = tpu.vector_load %arg4[%get3A_789, %get3A_790] {strides = array<i32>} : memref<16x1024xf32, #tpu.memory_space<vmem>>, vector<1x16xf32>,
      %get3A_792 = vector.shape_cast %get3A_791 : vector<1x16xf32> to vector<16xf32>
      %mul3A_793 = arith.constant 3.125000e-02 : f32
      %mul3A_794 = vector.broadcast %mul3A_793 : f32 to vector<16xf32>
      %mul3A_795 = arith.mulf %get3A_792, %mul3A_794 : vector<16xf32>
      %swap3A_796 = arith.index_cast %scan3A_58 : i32 to index
      %swap3A_797 = arith.constant 976 : index
      %swap3A_798 = tpu.vector_load %arg4[%swap3A_796, %swap3A_797] {strides = array<i32>} : memref<16x1024xf32, #tpu.memory_space<vmem>>, vector<1x16xf32>,
      %swap3A_799 = vector.shape_cast %swap3A_798 : vector<1x16xf32> to vector<16xf32>
      %swap3A_800 = vector.shape_cast %mul3A_795 : vector<16xf32> to vector<1x16xf32>
      tpu.vector_store %arg4[%swap3A_796, %swap3A_797], %swap3A_800 {strides = array<i32>} : memref<16x1024xf32, #tpu.memory_space<vmem>>, vector<1x16xf32>,
      %get3A_801 = arith.index_cast %scan3A_58 : i32 to index
      %get3A_802 = arith.constant 992 : index
      %get3A_803 = tpu.vector_load %arg4[%get3A_801, %get3A_802] {strides = array<i32>} : memref<16x1024xf32, #tpu.memory_space<vmem>>, vector<1x16xf32>,
      %get3A_804 = vector.shape_cast %get3A_803 : vector<1x16xf32> to vector<16xf32>
      %mul3A_805 = arith.constant 3.125000e-02 : f32
      %mul3A_806 = vector.broadcast %mul3A_805 : f32 to vector<16xf32>
      %mul3A_807 = arith.mulf %get3A_804, %mul3A_806 : vector<16xf32>
      %swap3A_808 = arith.index_cast %scan3A_58 : i32 to index
      %swap3A_809 = arith.constant 992 : index
      %swap3A_810 = tpu.vector_load %arg4[%swap3A_808, %swap3A_809] {strides = array<i32>} : memref<16x1024xf32, #tpu.memory_space<vmem>>, vector<1x16xf32>,
      %swap3A_811 = vector.shape_cast %swap3A_810 : vector<1x16xf32> to vector<16xf32>
      %swap3A_812 = vector.shape_cast %mul3A_807 : vector<16xf32> to vector<1x16xf32>
      tpu.vector_store %arg4[%swap3A_808, %swap3A_809], %swap3A_812 {strides = array<i32>} : memref<16x1024xf32, #tpu.memory_space<vmem>>, vector<1x16xf32>,
      %get3A_813 = arith.index_cast %scan3A_58 : i32 to index
      %get3A_814 = arith.constant 1008 : index
      %get3A_815 = tpu.vector_load %arg4[%get3A_813, %get3A_814] {strides = array<i32>} : memref<16x1024xf32, #tpu.memory_space<vmem>>, vector<1x16xf32>,
      %get3A_816 = vector.shape_cast %get3A_815 : vector<1x16xf32> to vector<16xf32>
      %mul3A_817 = arith.constant 3.125000e-02 : f32
      %mul3A_818 = vector.broadcast %mul3A_817 : f32 to vector<16xf32>
      %mul3A_819 = arith.mulf %get3A_816, %mul3A_818 : vector<16xf32>
      %swap3A_820 = arith.index_cast %scan3A_58 : i32 to index
      %swap3A_821 = arith.constant 1008 : index
      %swap3A_822 = tpu.vector_load %arg4[%swap3A_820, %swap3A_821] {strides = array<i32>} : memref<16x1024xf32, #tpu.memory_space<vmem>>, vector<1x16xf32>,
      %swap3A_823 = vector.shape_cast %swap3A_822 : vector<1x16xf32> to vector<16xf32>
      %swap3A_824 = vector.shape_cast %mul3A_819 : vector<16xf32> to vector<1x16xf32>
      tpu.vector_store %arg4[%swap3A_820, %swap3A_821], %swap3A_824 {strides = array<i32>} : memref<16x1024xf32, #tpu.memory_space<vmem>>, vector<1x16xf32>,
    }
    %scan3A_27 = arith.constant 16 : i32
    %add3A_28 = arith.constant 96 : i32
    %add3A_29 = arith.addi %mul3A_2, %add3A_28 : i32
    %dma_start3A_30 = arith.constant 0 : i32
    %dma_start3A_31 = tpu.memref_slice %arg3[%add3A_29, %dma_start3A_30] : memref<4096x1024xf32, #tpu.memory_space<hbm>> -> memref<16x1024xf32, #tpu.memory_space<hbm>>
    %dma_start3A_32 = arith.constant 0 : i32
    %dma_start3A_33 = tpu.memref_slice %arg3[%add3A_29, %dma_start3A_32] : memref<4096x1024xf32, #tpu.memory_space<hbm>> -> memref<16x1024xf32, #tpu.memory_space<hbm>>
    tpu.enqueue_dma source(%arg4 : memref<16x1024xf32, #tpu.memory_space<vmem>>) target(%dma_start3A_33 : memref<16x1024xf32, #tpu.memory_space<hbm>>) target_semaphore(%arg8 : memref<!tpu.dma_semaphore, #tpu.memory_space<semaphore_mem>>)
    %dma_wait3A_34 = arith.constant 0 : i32
    %dma_wait3A_35 = tpu.memref_slice %arg2[%mul3A_2, %dma_wait3A_34] : memref<8192x1024xf32, #tpu.memory_space<hbm>> -> memref<16x1024xf32, #tpu.memory_space<hbm>>
    %dma_wait3A_36 = arith.constant 0 : i32
    %dma_wait3A_37 = tpu.memref_slice %arg2[%mul3A_2, %dma_wait3A_36] : memref<8192x1024xf32, #tpu.memory_space<hbm>> -> memref<16x1024xf32, #tpu.memory_space<hbm>>
    tpu.wait_dma2 semaphore(%arg7 : memref<!tpu.dma_semaphore, #tpu.memory_space<semaphore_mem>>) src(%dma_wait3A_37 : memref<16x1024xf32, #tpu.memory_space<hbm>>) dst(%arg5 : memref<16x1024xf32, #tpu.memory_space<vmem>>)
    %scan3A_38 = arith.constant 0 : i32
    %scan3A_39 = arith.constant 0 : i32
    %scan3A_40 = arith.constant 16 : i32
    %scan3A_41 = arith.addi %scan3A_39, %scan3A_40 : i32
    %scan3A_42 = arith.constant 1 : i32
    scf.for %scan3A_58 = %scan3A_39 to %scan3A_41 step %scan3A_42  : i32 {
      %get3A = arith.index_cast %scan3A_58 : i32 to index
      %get3A_59 = arith.constant 0 : index
      %get3A_60 = tpu.vector_load %arg5[%get3A, %get3A_59] {strides = array<i32>} : memref<16x1024xf32, #tpu.memory_space<vmem>>, vector<1x16xf32>,
      %get3A_61 = vector.shape_cast %get3A_60 : vector<1x16xf32> to vector<16xf32>
      %mul3A_62 = arith.constant 3.125000e-02 : f32
      %mul3A_63 = vector.broadcast %mul3A_62 : f32 to vector<16xf32>
      %mul3A_64 = arith.mulf %get3A_61, %mul3A_63 : vector<16xf32>
      %swap3A = arith.index_cast %scan3A_58 : i32 to index
      %swap3A_65 = arith.constant 0 : index
      %swap3A_66 = tpu.vector_load %arg5[%swap3A, %swap3A_65] {strides = array<i32>} : memref<16x1024xf32, #tpu.memory_space<vmem>>, vector<1x16xf32>,
      %swap3A_67 = vector.shape_cast %swap3A_66 : vector<1x16xf32> to vector<16xf32>
      %swap3A_68 = vector.shape_cast %mul3A_64 : vector<16xf32> to vector<1x16xf32>
      tpu.vector_store %arg5[%swap3A, %swap3A_65], %swap3A_68 {strides = array<i32>} : memref<16x1024xf32, #tpu.memory_space<vmem>>, vector<1x16xf32>,
      %get3A_69 = arith.index_cast %scan3A_58 : i32 to index
      %get3A_70 = arith.constant 16 : index
      %get3A_71 = tpu.vector_load %arg5[%get3A_69, %get3A_70] {strides = array<i32>} : memref<16x1024xf32, #tpu.memory_space<vmem>>, vector<1x16xf32>,
      %get3A_72 = vector.shape_cast %get3A_71 : vector<1x16xf32> to vector<16xf32>
      %mul3A_73 = arith.constant 3.125000e-02 : f32
      %mul3A_74 = vector.broadcast %mul3A_73 : f32 to vector<16xf32>
      %mul3A_75 = arith.mulf %get3A_72, %mul3A_74 : vector<16xf32>
      %swap3A_76 = arith.index_cast %scan3A_58 : i32 to index
      %swap3A_77 = arith.constant 16 : index
      %swap3A_78 = tpu.vector_load %arg5[%swap3A_76, %swap3A_77] {strides = array<i32>} : memref<16x1024xf32, #tpu.memory_space<vmem>>, vector<1x16xf32>,
      %swap3A_79 = vector.shape_cast %swap3A_78 : vector<1x16xf32> to vector<16xf32>
      %swap3A_80 = vector.shape_cast %mul3A_75 : vector<16xf32> to vector<1x16xf32>
      tpu.vector_store %arg5[%swap3A_76, %swap3A_77], %swap3A_80 {strides = array<i32>} : memref<16x1024xf32, #tpu.memory_space<vmem>>, vector<1x16xf32>,
      %get3A_81 = arith.index_cast %scan3A_58 : i32 to index
      %get3A_82 = arith.constant 32 : index
      %get3A_83 = tpu.vector_load %arg5[%get3A_81, %get3A_82] {strides = array<i32>} : memref<16x1024xf32, #tpu.memory_space<vmem>>, vector<1x16xf32>,
      %get3A_84 = vector.shape_cast %get3A_83 : vector<1x16xf32> to vector<16xf32>
      %mul3A_85 = arith.constant 3.125000e-02 : f32
      %mul3A_86 = vector.broadcast %mul3A_85 : f32 to vector<16xf32>
      %mul3A_87 = arith.mulf %get3A_84, %mul3A_86 : vector<16xf32>
      %swap3A_88 = arith.index_cast %scan3A_58 : i32 to index
      %swap3A_89 = arith.constant 32 : index
      %swap3A_90 = tpu.vector_load %arg5[%swap3A_88, %swap3A_89] {strides = array<i32>} : memref<16x1024xf32, #tpu.memory_space<vmem>>, vector<1x16xf32>,
      %swap3A_91 = vector.shape_cast %swap3A_90 : vector<1x16xf32> to vector<16xf32>
      %swap3A_92 = vector.shape_cast %mul3A_87 : vector<16xf32> to vector<1x16xf32>
      tpu.vector_store %arg5[%swap3A_88, %swap3A_89], %swap3A_92 {strides = array<i32>} : memref<16x1024xf32, #tpu.memory_space<vmem>>, vector<1x16xf32>,
      %get3A_93 = arith.index_cast %scan3A_58 : i32 to index
      %get3A_94 = arith.constant 48 : index
      %get3A_95 = tpu.vector_load %arg5[%get3A_93, %get3A_94] {strides = array<i32>} : memref<16x1024xf32, #tpu.memory_space<vmem>>, vector<1x16xf32>,
      %get3A_96 = vector.shape_cast %get3A_95 : vector<1x16xf32> to vector<16xf32>
      %mul3A_97 = arith.constant 3.125000e-02 : f32
      %mul3A_98 = vector.broadcast %mul3A_97 : f32 to vector<16xf32>
      %mul3A_99 = arith.mulf %get3A_96, %mul3A_98 : vector<16xf32>
      %swap3A_100 = arith.index_cast %scan3A_58 : i32 to index
      %swap3A_101 = arith.constant 48 : index
      %swap3A_102 = tpu.vector_load %arg5[%swap3A_100, %swap3A_101] {strides = array<i32>} : memref<16x1024xf32, #tpu.memory_space<vmem>>, vector<1x16xf32>,
      %swap3A_103 = vector.shape_cast %swap3A_102 : vector<1x16xf32> to vector<16xf32>
      %swap3A_104 = vector.shape_cast %mul3A_99 : vector<16xf32> to vector<1x16xf32>
      tpu.vector_store %arg5[%swap3A_100, %swap3A_101], %swap3A_104 {strides = array<i32>} : memref<16x1024xf32, #tpu.memory_space<vmem>>, vector<1x16xf32>,
      %get3A_105 = arith.index_cast %scan3A_58 : i32 to index
      %get3A_106 = arith.constant 64 : index
      %get3A_107 = tpu.vector_load %arg5[%get3A_105, %get3A_106] {strides = array<i32>} : memref<16x1024xf32, #tpu.memory_space<vmem>>, vector<1x16xf32>,
      %get3A_108 = vector.shape_cast %get3A_107 : vector<1x16xf32> to vector<16xf32>
      %mul3A_109 = arith.constant 3.125000e-02 : f32
      %mul3A_110 = vector.broadcast %mul3A_109 : f32 to vector<16xf32>
      %mul3A_111 = arith.mulf %get3A_108, %mul3A_110 : vector<16xf32>
      %swap3A_112 = arith.index_cast %scan3A_58 : i32 to index
      %swap3A_113 = arith.constant 64 : index
      %swap3A_114 = tpu.vector_load %arg5[%swap3A_112, %swap3A_113] {strides = array<i32>} : memref<16x1024xf32, #tpu.memory_space<vmem>>, vector<1x16xf32>,
      %swap3A_115 = vector.shape_cast %swap3A_114 : vector<1x16xf32> to vector<16xf32>
      %swap3A_116 = vector.shape_cast %mul3A_111 : vector<16xf32> to vector<1x16xf32>
      tpu.vector_store %arg5[%swap3A_112, %swap3A_113], %swap3A_116 {strides = array<i32>} : memref<16x1024xf32, #tpu.memory_space<vmem>>, vector<1x16xf32>,
      %get3A_117 = arith.index_cast %scan3A_58 : i32 to index
      %get3A_118 = arith.constant 80 : index
      %get3A_119 = tpu.vector_load %arg5[%get3A_117, %get3A_118] {strides = array<i32>} : memref<16x1024xf32, #tpu.memory_space<vmem>>, vector<1x16xf32>,
      %get3A_120 = vector.shape_cast %get3A_119 : vector<1x16xf32> to vector<16xf32>
      %mul3A_121 = arith.constant 3.125000e-02 : f32
      %mul3A_122 = vector.broadcast %mul3A_121 : f32 to vector<16xf32>
      %mul3A_123 = arith.mulf %get3A_120, %mul3A_122 : vector<16xf32>
      %swap3A_124 = arith.index_cast %scan3A_58 : i32 to index
      %swap3A_125 = arith.constant 80 : index
      %swap3A_126 = tpu.vector_load %arg5[%swap3A_124, %swap3A_125] {strides = array<i32>} : memref<16x1024xf32, #tpu.memory_space<vmem>>, vector<1x16xf32>,
      %swap3A_127 = vector.shape_cast %swap3A_126 : vector<1x16xf32> to vector<16xf32>
      %swap3A_128 = vector.shape_cast %mul3A_123 : vector<16xf32> to vector<1x16xf32>
      tpu.vector_store %arg5[%swap3A_124, %swap3A_125], %swap3A_128 {strides = array<i32>} : memref<16x1024xf32, #tpu.memory_space<vmem>>, vector<1x16xf32>,
      %get3A_129 = arith.index_cast %scan3A_58 : i32 to index
      %get3A_130 = arith.constant 96 : index
      %get3A_131 = tpu.vector_load %arg5[%get3A_129, %get3A_130] {strides = array<i32>} : memref<16x1024xf32, #tpu.memory_space<vmem>>, vector<1x16xf32>,
      %get3A_132 = vector.shape_cast %get3A_131 : vector<1x16xf32> to vector<16xf32>
      %mul3A_133 = arith.constant 3.125000e-02 : f32
      %mul3A_134 = vector.broadcast %mul3A_133 : f32 to vector<16xf32>
      %mul3A_135 = arith.mulf %get3A_132, %mul3A_134 : vector<16xf32>
      %swap3A_136 = arith.index_cast %scan3A_58 : i32 to index
      %swap3A_137 = arith.constant 96 : index
      %swap3A_138 = tpu.vector_load %arg5[%swap3A_136, %swap3A_137] {strides = array<i32>} : memref<16x1024xf32, #tpu.memory_space<vmem>>, vector<1x16xf32>,
      %swap3A_139 = vector.shape_cast %swap3A_138 : vector<1x16xf32> to vector<16xf32>
      %swap3A_140 = vector.shape_cast %mul3A_135 : vector<16xf32> to vector<1x16xf32>
      tpu.vector_store %arg5[%swap3A_136, %swap3A_137], %swap3A_140 {strides = array<i32>} : memref<16x1024xf32, #tpu.memory_space<vmem>>, vector<1x16xf32>,
      %get3A_141 = arith.index_cast %scan3A_58 : i32 to index
      %get3A_142 = arith.constant 112 : index
      %get3A_143 = tpu.vector_load %arg5[%get3A_141, %get3A_142] {strides = array<i32>} : memref<16x1024xf32, #tpu.memory_space<vmem>>, vector<1x16xf32>,
      %get3A_144 = vector.shape_cast %get3A_143 : vector<1x16xf32> to vector<16xf32>
      %mul3A_145 = arith.constant 3.125000e-02 : f32
      %mul3A_146 = vector.broadcast %mul3A_145 : f32 to vector<16xf32>
      %mul3A_147 = arith.mulf %get3A_144, %mul3A_146 : vector<16xf32>
      %swap3A_148 = arith.index_cast %scan3A_58 : i32 to index
      %swap3A_149 = arith.constant 112 : index
      %swap3A_150 = tpu.vector_load %arg5[%swap3A_148, %swap3A_149] {strides = array<i32>} : memref<16x1024xf32, #tpu.memory_space<vmem>>, vector<1x16xf32>,
      %swap3A_151 = vector.shape_cast %swap3A_150 : vector<1x16xf32> to vector<16xf32>
      %swap3A_152 = vector.shape_cast %mul3A_147 : vector<16xf32> to vector<1x16xf32>
      tpu.vector_store %arg5[%swap3A_148, %swap3A_149], %swap3A_152 {strides = array<i32>} : memref<16x1024xf32, #tpu.memory_space<vmem>>, vector<1x16xf32>,
      %get3A_153 = arith.index_cast %scan3A_58 : i32 to index
      %get3A_154 = arith.constant 128 : index
      %get3A_155 = tpu.vector_load %arg5[%get3A_153, %get3A_154] {strides = array<i32>} : memref<16x1024xf32, #tpu.memory_space<vmem>>, vector<1x16xf32>,
      %get3A_156 = vector.shape_cast %get3A_155 : vector<1x16xf32> to vector<16xf32>
      %mul3A_157 = arith.constant 3.125000e-02 : f32
      %mul3A_158 = vector.broadcast %mul3A_157 : f32 to vector<16xf32>
      %mul3A_159 = arith.mulf %get3A_156, %mul3A_158 : vector<16xf32>
      %swap3A_160 = arith.index_cast %scan3A_58 : i32 to index
      %swap3A_161 = arith.constant 128 : index
      %swap3A_162 = tpu.vector_load %arg5[%swap3A_160, %swap3A_161] {strides = array<i32>} : memref<16x1024xf32, #tpu.memory_space<vmem>>, vector<1x16xf32>,
      %swap3A_163 = vector.shape_cast %swap3A_162 : vector<1x16xf32> to vector<16xf32>
      %swap3A_164 = vector.shape_cast %mul3A_159 : vector<16xf32> to vector<1x16xf32>
      tpu.vector_store %arg5[%swap3A_160, %swap3A_161], %swap3A_164 {strides = array<i32>} : memref<16x1024xf32, #tpu.memory_space<vmem>>, vector<1x16xf32>,
      %get3A_165 = arith.index_cast %scan3A_58 : i32 to index
      %get3A_166 = arith.constant 144 : index
      %get3A_167 = tpu.vector_load %arg5[%get3A_165, %get3A_166] {strides = array<i32>} : memref<16x1024xf32, #tpu.memory_space<vmem>>, vector<1x16xf32>,
      %get3A_168 = vector.shape_cast %get3A_167 : vector<1x16xf32> to vector<16xf32>
      %mul3A_169 = arith.constant 3.125000e-02 : f32
      %mul3A_170 = vector.broadcast %mul3A_169 : f32 to vector<16xf32>
      %mul3A_171 = arith.mulf %get3A_168, %mul3A_170 : vector<16xf32>
      %swap3A_172 = arith.index_cast %scan3A_58 : i32 to index
      %swap3A_173 = arith.constant 144 : index
      %swap3A_174 = tpu.vector_load %arg5[%swap3A_172, %swap3A_173] {strides = array<i32>} : memref<16x1024xf32, #tpu.memory_space<vmem>>, vector<1x16xf32>,
      %swap3A_175 = vector.shape_cast %swap3A_174 : vector<1x16xf32> to vector<16xf32>
      %swap3A_176 = vector.shape_cast %mul3A_171 : vector<16xf32> to vector<1x16xf32>
      tpu.vector_store %arg5[%swap3A_172, %swap3A_173], %swap3A_176 {strides = array<i32>} : memref<16x1024xf32, #tpu.memory_space<vmem>>, vector<1x16xf32>,
      %get3A_177 = arith.index_cast %scan3A_58 : i32 to index
      %get3A_178 = arith.constant 160 : index
      %get3A_179 = tpu.vector_load %arg5[%get3A_177, %get3A_178] {strides = array<i32>} : memref<16x1024xf32, #tpu.memory_space<vmem>>, vector<1x16xf32>,
      %get3A_180 = vector.shape_cast %get3A_179 : vector<1x16xf32> to vector<16xf32>
      %mul3A_181 = arith.constant 3.125000e-02 : f32
      %mul3A_182 = vector.broadcast %mul3A_181 : f32 to vector<16xf32>
      %mul3A_183 = arith.mulf %get3A_180, %mul3A_182 : vector<16xf32>
      %swap3A_184 = arith.index_cast %scan3A_58 : i32 to index
      %swap3A_185 = arith.constant 160 : index
      %swap3A_186 = tpu.vector_load %arg5[%swap3A_184, %swap3A_185] {strides = array<i32>} : memref<16x1024xf32, #tpu.memory_space<vmem>>, vector<1x16xf32>,
      %swap3A_187 = vector.shape_cast %swap3A_186 : vector<1x16xf32> to vector<16xf32>
      %swap3A_188 = vector.shape_cast %mul3A_183 : vector<16xf32> to vector<1x16xf32>
      tpu.vector_store %arg5[%swap3A_184, %swap3A_185], %swap3A_188 {strides = array<i32>} : memref<16x1024xf32, #tpu.memory_space<vmem>>, vector<1x16xf32>,
      %get3A_189 = arith.index_cast %scan3A_58 : i32 to index
      %get3A_190 = arith.constant 176 : index
      %get3A_191 = tpu.vector_load %arg5[%get3A_189, %get3A_190] {strides = array<i32>} : memref<16x1024xf32, #tpu.memory_space<vmem>>, vector<1x16xf32>,
      %get3A_192 = vector.shape_cast %get3A_191 : vector<1x16xf32> to vector<16xf32>
      %mul3A_193 = arith.constant 3.125000e-02 : f32
      %mul3A_194 = vector.broadcast %mul3A_193 : f32 to vector<16xf32>
      %mul3A_195 = arith.mulf %get3A_192, %mul3A_194 : vector<16xf32>
      %swap3A_196 = arith.index_cast %scan3A_58 : i32 to index
      %swap3A_197 = arith.constant 176 : index
      %swap3A_198 = tpu.vector_load %arg5[%swap3A_196, %swap3A_197] {strides = array<i32>} : memref<16x1024xf32, #tpu.memory_space<vmem>>, vector<1x16xf32>,
      %swap3A_199 = vector.shape_cast %swap3A_198 : vector<1x16xf32> to vector<16xf32>
      %swap3A_200 = vector.shape_cast %mul3A_195 : vector<16xf32> to vector<1x16xf32>
      tpu.vector_store %arg5[%swap3A_196, %swap3A_197], %swap3A_200 {strides = array<i32>} : memref<16x1024xf32, #tpu.memory_space<vmem>>, vector<1x16xf32>,
      %get3A_201 = arith.index_cast %scan3A_58 : i32 to index
      %get3A_202 = arith.constant 192 : index
      %get3A_203 = tpu.vector_load %arg5[%get3A_201, %get3A_202] {strides = array<i32>} : memref<16x1024xf32, #tpu.memory_space<vmem>>, vector<1x16xf32>,
      %get3A_204 = vector.shape_cast %get3A_203 : vector<1x16xf32> to vector<16xf32>
      %mul3A_205 = arith.constant 3.125000e-02 : f32
      %mul3A_206 = vector.broadcast %mul3A_205 : f32 to vector<16xf32>
      %mul3A_207 = arith.mulf %get3A_204, %mul3A_206 : vector<16xf32>
      %swap3A_208 = arith.index_cast %scan3A_58 : i32 to index
      %swap3A_209 = arith.constant 192 : index
      %swap3A_210 = tpu.vector_load %arg5[%swap3A_208, %swap3A_209] {strides = array<i32>} : memref<16x1024xf32, #tpu.memory_space<vmem>>, vector<1x16xf32>,
      %swap3A_211 = vector.shape_cast %swap3A_210 : vector<1x16xf32> to vector<16xf32>
      %swap3A_212 = vector.shape_cast %mul3A_207 : vector<16xf32> to vector<1x16xf32>
      tpu.vector_store %arg5[%swap3A_208, %swap3A_209], %swap3A_212 {strides = array<i32>} : memref<16x1024xf32, #tpu.memory_space<vmem>>, vector<1x16xf32>,
      %get3A_213 = arith.index_cast %scan3A_58 : i32 to index
      %get3A_214 = arith.constant 208 : index
      %get3A_215 = tpu.vector_load %arg5[%get3A_213, %get3A_214] {strides = array<i32>} : memref<16x1024xf32, #tpu.memory_space<vmem>>, vector<1x16xf32>,
      %get3A_216 = vector.shape_cast %get3A_215 : vector<1x16xf32> to vector<16xf32>
      %mul3A_217 = arith.constant 3.125000e-02 : f32
      %mul3A_218 = vector.broadcast %mul3A_217 : f32 to vector<16xf32>
      %mul3A_219 = arith.mulf %get3A_216, %mul3A_218 : vector<16xf32>
      %swap3A_220 = arith.index_cast %scan3A_58 : i32 to index
      %swap3A_221 = arith.constant 208 : index
      %swap3A_222 = tpu.vector_load %arg5[%swap3A_220, %swap3A_221] {strides = array<i32>} : memref<16x1024xf32, #tpu.memory_space<vmem>>, vector<1x16xf32>,
      %swap3A_223 = vector.shape_cast %swap3A_222 : vector<1x16xf32> to vector<16xf32>
      %swap3A_224 = vector.shape_cast %mul3A_219 : vector<16xf32> to vector<1x16xf32>
      tpu.vector_store %arg5[%swap3A_220, %swap3A_221], %swap3A_224 {strides = array<i32>} : memref<16x1024xf32, #tpu.memory_space<vmem>>, vector<1x16xf32>,
      %get3A_225 = arith.index_cast %scan3A_58 : i32 to index
      %get3A_226 = arith.constant 224 : index
      %get3A_227 = tpu.vector_load %arg5[%get3A_225, %get3A_226] {strides = array<i32>} : memref<16x1024xf32, #tpu.memory_space<vmem>>, vector<1x16xf32>,
      %get3A_228 = vector.shape_cast %get3A_227 : vector<1x16xf32> to vector<16xf32>
      %mul3A_229 = arith.constant 3.125000e-02 : f32
      %mul3A_230 = vector.broadcast %mul3A_229 : f32 to vector<16xf32>
      %mul3A_231 = arith.mulf %get3A_228, %mul3A_230 : vector<16xf32>
      %swap3A_232 = arith.index_cast %scan3A_58 : i32 to index
      %swap3A_233 = arith.constant 224 : index
      %swap3A_234 = tpu.vector_load %arg5[%swap3A_232, %swap3A_233] {strides = array<i32>} : memref<16x1024xf32, #tpu.memory_space<vmem>>, vector<1x16xf32>,
      %swap3A_235 = vector.shape_cast %swap3A_234 : vector<1x16xf32> to vector<16xf32>
      %swap3A_236 = vector.shape_cast %mul3A_231 : vector<16xf32> to vector<1x16xf32>
      tpu.vector_store %arg5[%swap3A_232, %swap3A_233], %swap3A_236 {strides = array<i32>} : memref<16x1024xf32, #tpu.memory_space<vmem>>, vector<1x16xf32>,
      %get3A_237 = arith.index_cast %scan3A_58 : i32 to index
      %get3A_238 = arith.constant 240 : index
      %get3A_239 = tpu.vector_load %arg5[%get3A_237, %get3A_238] {strides = array<i32>} : memref<16x1024xf32, #tpu.memory_space<vmem>>, vector<1x16xf32>,
      %get3A_240 = vector.shape_cast %get3A_239 : vector<1x16xf32> to vector<16xf32>
      %mul3A_241 = arith.constant 3.125000e-02 : f32
      %mul3A_242 = vector.broadcast %mul3A_241 : f32 to vector<16xf32>
      %mul3A_243 = arith.mulf %get3A_240, %mul3A_242 : vector<16xf32>
      %swap3A_244 = arith.index_cast %scan3A_58 : i32 to index
      %swap3A_245 = arith.constant 240 : index
      %swap3A_246 = tpu.vector_load %arg5[%swap3A_244, %swap3A_245] {strides = array<i32>} : memref<16x1024xf32, #tpu.memory_space<vmem>>, vector<1x16xf32>,
      %swap3A_247 = vector.shape_cast %swap3A_246 : vector<1x16xf32> to vector<16xf32>
      %swap3A_248 = vector.shape_cast %mul3A_243 : vector<16xf32> to vector<1x16xf32>
      tpu.vector_store %arg5[%swap3A_244, %swap3A_245], %swap3A_248 {strides = array<i32>} : memref<16x1024xf32, #tpu.memory_space<vmem>>, vector<1x16xf32>,
      %get3A_249 = arith.index_cast %scan3A_58 : i32 to index
      %get3A_250 = arith.constant 256 : index
      %get3A_251 = tpu.vector_load %arg5[%get3A_249, %get3A_250] {strides = array<i32>} : memref<16x1024xf32, #tpu.memory_space<vmem>>, vector<1x16xf32>,
      %get3A_252 = vector.shape_cast %get3A_251 : vector<1x16xf32> to vector<16xf32>
      %mul3A_253 = arith.constant 3.125000e-02 : f32
      %mul3A_254 = vector.broadcast %mul3A_253 : f32 to vector<16xf32>
      %mul3A_255 = arith.mulf %get3A_252, %mul3A_254 : vector<16xf32>
      %swap3A_256 = arith.index_cast %scan3A_58 : i32 to index
      %swap3A_257 = arith.constant 256 : index
      %swap3A_258 = tpu.vector_load %arg5[%swap3A_256, %swap3A_257] {strides = array<i32>} : memref<16x1024xf32, #tpu.memory_space<vmem>>, vector<1x16xf32>,
      %swap3A_259 = vector.shape_cast %swap3A_258 : vector<1x16xf32> to vector<16xf32>
      %swap3A_260 = vector.shape_cast %mul3A_255 : vector<16xf32> to vector<1x16xf32>
      tpu.vector_store %arg5[%swap3A_256, %swap3A_257], %swap3A_260 {strides = array<i32>} : memref<16x1024xf32, #tpu.memory_space<vmem>>, vector<1x16xf32>,
      %get3A_261 = arith.index_cast %scan3A_58 : i32 to index
      %get3A_262 = arith.constant 272 : index
      %get3A_263 = tpu.vector_load %arg5[%get3A_261, %get3A_262] {strides = array<i32>} : memref<16x1024xf32, #tpu.memory_space<vmem>>, vector<1x16xf32>,
      %get3A_264 = vector.shape_cast %get3A_263 : vector<1x16xf32> to vector<16xf32>
      %mul3A_265 = arith.constant 3.125000e-02 : f32
      %mul3A_266 = vector.broadcast %mul3A_265 : f32 to vector<16xf32>
      %mul3A_267 = arith.mulf %get3A_264, %mul3A_266 : vector<16xf32>
      %swap3A_268 = arith.index_cast %scan3A_58 : i32 to index
      %swap3A_269 = arith.constant 272 : index
      %swap3A_270 = tpu.vector_load %arg5[%swap3A_268, %swap3A_269] {strides = array<i32>} : memref<16x1024xf32, #tpu.memory_space<vmem>>, vector<1x16xf32>,
      %swap3A_271 = vector.shape_cast %swap3A_270 : vector<1x16xf32> to vector<16xf32>
      %swap3A_272 = vector.shape_cast %mul3A_267 : vector<16xf32> to vector<1x16xf32>
      tpu.vector_store %arg5[%swap3A_268, %swap3A_269], %swap3A_272 {strides = array<i32>} : memref<16x1024xf32, #tpu.memory_space<vmem>>, vector<1x16xf32>,
      %get3A_273 = arith.index_cast %scan3A_58 : i32 to index
      %get3A_274 = arith.constant 288 : index
      %get3A_275 = tpu.vector_load %arg5[%get3A_273, %get3A_274] {strides = array<i32>} : memref<16x1024xf32, #tpu.memory_space<vmem>>, vector<1x16xf32>,
      %get3A_276 = vector.shape_cast %get3A_275 : vector<1x16xf32> to vector<16xf32>
      %mul3A_277 = arith.constant 3.125000e-02 : f32
      %mul3A_278 = vector.broadcast %mul3A_277 : f32 to vector<16xf32>
      %mul3A_279 = arith.mulf %get3A_276, %mul3A_278 : vector<16xf32>
      %swap3A_280 = arith.index_cast %scan3A_58 : i32 to index
      %swap3A_281 = arith.constant 288 : index
      %swap3A_282 = tpu.vector_load %arg5[%swap3A_280, %swap3A_281] {strides = array<i32>} : memref<16x1024xf32, #tpu.memory_space<vmem>>, vector<1x16xf32>,
      %swap3A_283 = vector.shape_cast %swap3A_282 : vector<1x16xf32> to vector<16xf32>
      %swap3A_284 = vector.shape_cast %mul3A_279 : vector<16xf32> to vector<1x16xf32>
      tpu.vector_store %arg5[%swap3A_280, %swap3A_281], %swap3A_284 {strides = array<i32>} : memref<16x1024xf32, #tpu.memory_space<vmem>>, vector<1x16xf32>,
      %get3A_285 = arith.index_cast %scan3A_58 : i32 to index
      %get3A_286 = arith.constant 304 : index
      %get3A_287 = tpu.vector_load %arg5[%get3A_285, %get3A_286] {strides = array<i32>} : memref<16x1024xf32, #tpu.memory_space<vmem>>, vector<1x16xf32>,
      %get3A_288 = vector.shape_cast %get3A_287 : vector<1x16xf32> to vector<16xf32>
      %mul3A_289 = arith.constant 3.125000e-02 : f32
      %mul3A_290 = vector.broadcast %mul3A_289 : f32 to vector<16xf32>
      %mul3A_291 = arith.mulf %get3A_288, %mul3A_290 : vector<16xf32>
      %swap3A_292 = arith.index_cast %scan3A_58 : i32 to index
      %swap3A_293 = arith.constant 304 : index
      %swap3A_294 = tpu.vector_load %arg5[%swap3A_292, %swap3A_293] {strides = array<i32>} : memref<16x1024xf32, #tpu.memory_space<vmem>>, vector<1x16xf32>,
      %swap3A_295 = vector.shape_cast %swap3A_294 : vector<1x16xf32> to vector<16xf32>
      %swap3A_296 = vector.shape_cast %mul3A_291 : vector<16xf32> to vector<1x16xf32>
      tpu.vector_store %arg5[%swap3A_292, %swap3A_293], %swap3A_296 {strides = array<i32>} : memref<16x1024xf32, #tpu.memory_space<vmem>>, vector<1x16xf32>,
      %get3A_297 = arith.index_cast %scan3A_58 : i32 to index
      %get3A_298 = arith.constant 320 : index
      %get3A_299 = tpu.vector_load %arg5[%get3A_297, %get3A_298] {strides = array<i32>} : memref<16x1024xf32, #tpu.memory_space<vmem>>, vector<1x16xf32>,
      %get3A_300 = vector.shape_cast %get3A_299 : vector<1x16xf32> to vector<16xf32>
      %mul3A_301 = arith.constant 3.125000e-02 : f32
      %mul3A_302 = vector.broadcast %mul3A_301 : f32 to vector<16xf32>
      %mul3A_303 = arith.mulf %get3A_300, %mul3A_302 : vector<16xf32>
      %swap3A_304 = arith.index_cast %scan3A_58 : i32 to index
      %swap3A_305 = arith.constant 320 : index
      %swap3A_306 = tpu.vector_load %arg5[%swap3A_304, %swap3A_305] {strides = array<i32>} : memref<16x1024xf32, #tpu.memory_space<vmem>>, vector<1x16xf32>,
      %swap3A_307 = vector.shape_cast %swap3A_306 : vector<1x16xf32> to vector<16xf32>
      %swap3A_308 = vector.shape_cast %mul3A_303 : vector<16xf32> to vector<1x16xf32>
      tpu.vector_store %arg5[%swap3A_304, %swap3A_305], %swap3A_308 {strides = array<i32>} : memref<16x1024xf32, #tpu.memory_space<vmem>>, vector<1x16xf32>,
      %get3A_309 = arith.index_cast %scan3A_58 : i32 to index
      %get3A_310 = arith.constant 336 : index
      %get3A_311 = tpu.vector_load %arg5[%get3A_309, %get3A_310] {strides = array<i32>} : memref<16x1024xf32, #tpu.memory_space<vmem>>, vector<1x16xf32>,
      %get3A_312 = vector.shape_cast %get3A_311 : vector<1x16xf32> to vector<16xf32>
      %mul3A_313 = arith.constant 3.125000e-02 : f32
      %mul3A_314 = vector.broadcast %mul3A_313 : f32 to vector<16xf32>
      %mul3A_315 = arith.mulf %get3A_312, %mul3A_314 : vector<16xf32>
      %swap3A_316 = arith.index_cast %scan3A_58 : i32 to index
      %swap3A_317 = arith.constant 336 : index
      %swap3A_318 = tpu.vector_load %arg5[%swap3A_316, %swap3A_317] {strides = array<i32>} : memref<16x1024xf32, #tpu.memory_space<vmem>>, vector<1x16xf32>,
      %swap3A_319 = vector.shape_cast %swap3A_318 : vector<1x16xf32> to vector<16xf32>
      %swap3A_320 = vector.shape_cast %mul3A_315 : vector<16xf32> to vector<1x16xf32>
      tpu.vector_store %arg5[%swap3A_316, %swap3A_317], %swap3A_320 {strides = array<i32>} : memref<16x1024xf32, #tpu.memory_space<vmem>>, vector<1x16xf32>,
      %get3A_321 = arith.index_cast %scan3A_58 : i32 to index
      %get3A_322 = arith.constant 352 : index
      %get3A_323 = tpu.vector_load %arg5[%get3A_321, %get3A_322] {strides = array<i32>} : memref<16x1024xf32, #tpu.memory_space<vmem>>, vector<1x16xf32>,
      %get3A_324 = vector.shape_cast %get3A_323 : vector<1x16xf32> to vector<16xf32>
      %mul3A_325 = arith.constant 3.125000e-02 : f32
      %mul3A_326 = vector.broadcast %mul3A_325 : f32 to vector<16xf32>
      %mul3A_327 = arith.mulf %get3A_324, %mul3A_326 : vector<16xf32>
      %swap3A_328 = arith.index_cast %scan3A_58 : i32 to index
      %swap3A_329 = arith.constant 352 : index
      %swap3A_330 = tpu.vector_load %arg5[%swap3A_328, %swap3A_329] {strides = array<i32>} : memref<16x1024xf32, #tpu.memory_space<vmem>>, vector<1x16xf32>,
      %swap3A_331 = vector.shape_cast %swap3A_330 : vector<1x16xf32> to vector<16xf32>
      %swap3A_332 = vector.shape_cast %mul3A_327 : vector<16xf32> to vector<1x16xf32>
      tpu.vector_store %arg5[%swap3A_328, %swap3A_329], %swap3A_332 {strides = array<i32>} : memref<16x1024xf32, #tpu.memory_space<vmem>>, vector<1x16xf32>,
      %get3A_333 = arith.index_cast %scan3A_58 : i32 to index
      %get3A_334 = arith.constant 368 : index
      %get3A_335 = tpu.vector_load %arg5[%get3A_333, %get3A_334] {strides = array<i32>} : memref<16x1024xf32, #tpu.memory_space<vmem>>, vector<1x16xf32>,
      %get3A_336 = vector.shape_cast %get3A_335 : vector<1x16xf32> to vector<16xf32>
      %mul3A_337 = arith.constant 3.125000e-02 : f32
      %mul3A_338 = vector.broadcast %mul3A_337 : f32 to vector<16xf32>
      %mul3A_339 = arith.mulf %get3A_336, %mul3A_338 : vector<16xf32>
      %swap3A_340 = arith.index_cast %scan3A_58 : i32 to index
      %swap3A_341 = arith.constant 368 : index
      %swap3A_342 = tpu.vector_load %arg5[%swap3A_340, %swap3A_341] {strides = array<i32>} : memref<16x1024xf32, #tpu.memory_space<vmem>>, vector<1x16xf32>,
      %swap3A_343 = vector.shape_cast %swap3A_342 : vector<1x16xf32> to vector<16xf32>
      %swap3A_344 = vector.shape_cast %mul3A_339 : vector<16xf32> to vector<1x16xf32>
      tpu.vector_store %arg5[%swap3A_340, %swap3A_341], %swap3A_344 {strides = array<i32>} : memref<16x1024xf32, #tpu.memory_space<vmem>>, vector<1x16xf32>,
      %get3A_345 = arith.index_cast %scan3A_58 : i32 to index
      %get3A_346 = arith.constant 384 : index
      %get3A_347 = tpu.vector_load %arg5[%get3A_345, %get3A_346] {strides = array<i32>} : memref<16x1024xf32, #tpu.memory_space<vmem>>, vector<1x16xf32>,
      %get3A_348 = vector.shape_cast %get3A_347 : vector<1x16xf32> to vector<16xf32>
      %mul3A_349 = arith.constant 3.125000e-02 : f32
      %mul3A_350 = vector.broadcast %mul3A_349 : f32 to vector<16xf32>
      %mul3A_351 = arith.mulf %get3A_348, %mul3A_350 : vector<16xf32>
      %swap3A_352 = arith.index_cast %scan3A_58 : i32 to index
      %swap3A_353 = arith.constant 384 : index
      %swap3A_354 = tpu.vector_load %arg5[%swap3A_352, %swap3A_353] {strides = array<i32>} : memref<16x1024xf32, #tpu.memory_space<vmem>>, vector<1x16xf32>,
      %swap3A_355 = vector.shape_cast %swap3A_354 : vector<1x16xf32> to vector<16xf32>
      %swap3A_356 = vector.shape_cast %mul3A_351 : vector<16xf32> to vector<1x16xf32>
      tpu.vector_store %arg5[%swap3A_352, %swap3A_353], %swap3A_356 {strides = array<i32>} : memref<16x1024xf32, #tpu.memory_space<vmem>>, vector<1x16xf32>,
      %get3A_357 = arith.index_cast %scan3A_58 : i32 to index
      %get3A_358 = arith.constant 400 : index
      %get3A_359 = tpu.vector_load %arg5[%get3A_357, %get3A_358] {strides = array<i32>} : memref<16x1024xf32, #tpu.memory_space<vmem>>, vector<1x16xf32>,
      %get3A_360 = vector.shape_cast %get3A_359 : vector<1x16xf32> to vector<16xf32>
      %mul3A_361 = arith.constant 3.125000e-02 : f32
      %mul3A_362 = vector.broadcast %mul3A_361 : f32 to vector<16xf32>
      %mul3A_363 = arith.mulf %get3A_360, %mul3A_362 : vector<16xf32>
      %swap3A_364 = arith.index_cast %scan3A_58 : i32 to index
      %swap3A_365 = arith.constant 400 : index
      %swap3A_366 = tpu.vector_load %arg5[%swap3A_364, %swap3A_365] {strides = array<i32>} : memref<16x1024xf32, #tpu.memory_space<vmem>>, vector<1x16xf32>,
      %swap3A_367 = vector.shape_cast %swap3A_366 : vector<1x16xf32> to vector<16xf32>
      %swap3A_368 = vector.shape_cast %mul3A_363 : vector<16xf32> to vector<1x16xf32>
      tpu.vector_store %arg5[%swap3A_364, %swap3A_365], %swap3A_368 {strides = array<i32>} : memref<16x1024xf32, #tpu.memory_space<vmem>>, vector<1x16xf32>,
      %get3A_369 = arith.index_cast %scan3A_58 : i32 to index
      %get3A_370 = arith.constant 416 : index
      %get3A_371 = tpu.vector_load %arg5[%get3A_369, %get3A_370] {strides = array<i32>} : memref<16x1024xf32, #tpu.memory_space<vmem>>, vector<1x16xf32>,
      %get3A_372 = vector.shape_cast %get3A_371 : vector<1x16xf32> to vector<16xf32>
      %mul3A_373 = arith.constant 3.125000e-02 : f32
      %mul3A_374 = vector.broadcast %mul3A_373 : f32 to vector<16xf32>
      %mul3A_375 = arith.mulf %get3A_372, %mul3A_374 : vector<16xf32>
      %swap3A_376 = arith.index_cast %scan3A_58 : i32 to index
      %swap3A_377 = arith.constant 416 : index
      %swap3A_378 = tpu.vector_load %arg5[%swap3A_376, %swap3A_377] {strides = array<i32>} : memref<16x1024xf32, #tpu.memory_space<vmem>>, vector<1x16xf32>,
      %swap3A_379 = vector.shape_cast %swap3A_378 : vector<1x16xf32> to vector<16xf32>
      %swap3A_380 = vector.shape_cast %mul3A_375 : vector<16xf32> to vector<1x16xf32>
      tpu.vector_store %arg5[%swap3A_376, %swap3A_377], %swap3A_380 {strides = array<i32>} : memref<16x1024xf32, #tpu.memory_space<vmem>>, vector<1x16xf32>,
      %get3A_381 = arith.index_cast %scan3A_58 : i32 to index
      %get3A_382 = arith.constant 432 : index
      %get3A_383 = tpu.vector_load %arg5[%get3A_381, %get3A_382] {strides = array<i32>} : memref<16x1024xf32, #tpu.memory_space<vmem>>, vector<1x16xf32>,
      %get3A_384 = vector.shape_cast %get3A_383 : vector<1x16xf32> to vector<16xf32>
      %mul3A_385 = arith.constant 3.125000e-02 : f32
      %mul3A_386 = vector.broadcast %mul3A_385 : f32 to vector<16xf32>
      %mul3A_387 = arith.mulf %get3A_384, %mul3A_386 : vector<16xf32>
      %swap3A_388 = arith.index_cast %scan3A_58 : i32 to index
      %swap3A_389 = arith.constant 432 : index
      %swap3A_390 = tpu.vector_load %arg5[%swap3A_388, %swap3A_389] {strides = array<i32>} : memref<16x1024xf32, #tpu.memory_space<vmem>>, vector<1x16xf32>,
      %swap3A_391 = vector.shape_cast %swap3A_390 : vector<1x16xf32> to vector<16xf32>
      %swap3A_392 = vector.shape_cast %mul3A_387 : vector<16xf32> to vector<1x16xf32>
      tpu.vector_store %arg5[%swap3A_388, %swap3A_389], %swap3A_392 {strides = array<i32>} : memref<16x1024xf32, #tpu.memory_space<vmem>>, vector<1x16xf32>,
      %get3A_393 = arith.index_cast %scan3A_58 : i32 to index
      %get3A_394 = arith.constant 448 : index
      %get3A_395 = tpu.vector_load %arg5[%get3A_393, %get3A_394] {strides = array<i32>} : memref<16x1024xf32, #tpu.memory_space<vmem>>, vector<1x16xf32>,
      %get3A_396 = vector.shape_cast %get3A_395 : vector<1x16xf32> to vector<16xf32>
      %mul3A_397 = arith.constant 3.125000e-02 : f32
      %mul3A_398 = vector.broadcast %mul3A_397 : f32 to vector<16xf32>
      %mul3A_399 = arith.mulf %get3A_396, %mul3A_398 : vector<16xf32>
      %swap3A_400 = arith.index_cast %scan3A_58 : i32 to index
      %swap3A_401 = arith.constant 448 : index
      %swap3A_402 = tpu.vector_load %arg5[%swap3A_400, %swap3A_401] {strides = array<i32>} : memref<16x1024xf32, #tpu.memory_space<vmem>>, vector<1x16xf32>,
      %swap3A_403 = vector.shape_cast %swap3A_402 : vector<1x16xf32> to vector<16xf32>
      %swap3A_404 = vector.shape_cast %mul3A_399 : vector<16xf32> to vector<1x16xf32>
      tpu.vector_store %arg5[%swap3A_400, %swap3A_401], %swap3A_404 {strides = array<i32>} : memref<16x1024xf32, #tpu.memory_space<vmem>>, vector<1x16xf32>,
      %get3A_405 = arith.index_cast %scan3A_58 : i32 to index
      %get3A_406 = arith.constant 464 : index
      %get3A_407 = tpu.vector_load %arg5[%get3A_405, %get3A_406] {strides = array<i32>} : memref<16x1024xf32, #tpu.memory_space<vmem>>, vector<1x16xf32>,
      %get3A_408 = vector.shape_cast %get3A_407 : vector<1x16xf32> to vector<16xf32>
      %mul3A_409 = arith.constant 3.125000e-02 : f32
      %mul3A_410 = vector.broadcast %mul3A_409 : f32 to vector<16xf32>
      %mul3A_411 = arith.mulf %get3A_408, %mul3A_410 : vector<16xf32>
      %swap3A_412 = arith.index_cast %scan3A_58 : i32 to index
      %swap3A_413 = arith.constant 464 : index
      %swap3A_414 = tpu.vector_load %arg5[%swap3A_412, %swap3A_413] {strides = array<i32>} : memref<16x1024xf32, #tpu.memory_space<vmem>>, vector<1x16xf32>,
      %swap3A_415 = vector.shape_cast %swap3A_414 : vector<1x16xf32> to vector<16xf32>
      %swap3A_416 = vector.shape_cast %mul3A_411 : vector<16xf32> to vector<1x16xf32>
      tpu.vector_store %arg5[%swap3A_412, %swap3A_413], %swap3A_416 {strides = array<i32>} : memref<16x1024xf32, #tpu.memory_space<vmem>>, vector<1x16xf32>,
      %get3A_417 = arith.index_cast %scan3A_58 : i32 to index
      %get3A_418 = arith.constant 480 : index
      %get3A_419 = tpu.vector_load %arg5[%get3A_417, %get3A_418] {strides = array<i32>} : memref<16x1024xf32, #tpu.memory_space<vmem>>, vector<1x16xf32>,
      %get3A_420 = vector.shape_cast %get3A_419 : vector<1x16xf32> to vector<16xf32>
      %mul3A_421 = arith.constant 3.125000e-02 : f32
      %mul3A_422 = vector.broadcast %mul3A_421 : f32 to vector<16xf32>
      %mul3A_423 = arith.mulf %get3A_420, %mul3A_422 : vector<16xf32>
      %swap3A_424 = arith.index_cast %scan3A_58 : i32 to index
      %swap3A_425 = arith.constant 480 : index
      %swap3A_426 = tpu.vector_load %arg5[%swap3A_424, %swap3A_425] {strides = array<i32>} : memref<16x1024xf32, #tpu.memory_space<vmem>>, vector<1x16xf32>,
      %swap3A_427 = vector.shape_cast %swap3A_426 : vector<1x16xf32> to vector<16xf32>
      %swap3A_428 = vector.shape_cast %mul3A_423 : vector<16xf32> to vector<1x16xf32>
      tpu.vector_store %arg5[%swap3A_424, %swap3A_425], %swap3A_428 {strides = array<i32>} : memref<16x1024xf32, #tpu.memory_space<vmem>>, vector<1x16xf32>,
      %get3A_429 = arith.index_cast %scan3A_58 : i32 to index
      %get3A_430 = arith.constant 496 : index
      %get3A_431 = tpu.vector_load %arg5[%get3A_429, %get3A_430] {strides = array<i32>} : memref<16x1024xf32, #tpu.memory_space<vmem>>, vector<1x16xf32>,
      %get3A_432 = vector.shape_cast %get3A_431 : vector<1x16xf32> to vector<16xf32>
      %mul3A_433 = arith.constant 3.125000e-02 : f32
      %mul3A_434 = vector.broadcast %mul3A_433 : f32 to vector<16xf32>
      %mul3A_435 = arith.mulf %get3A_432, %mul3A_434 : vector<16xf32>
      %swap3A_436 = arith.index_cast %scan3A_58 : i32 to index
      %swap3A_437 = arith.constant 496 : index
      %swap3A_438 = tpu.vector_load %arg5[%swap3A_436, %swap3A_437] {strides = array<i32>} : memref<16x1024xf32, #tpu.memory_space<vmem>>, vector<1x16xf32>,
      %swap3A_439 = vector.shape_cast %swap3A_438 : vector<1x16xf32> to vector<16xf32>
      %swap3A_440 = vector.shape_cast %mul3A_435 : vector<16xf32> to vector<1x16xf32>
      tpu.vector_store %arg5[%swap3A_436, %swap3A_437], %swap3A_440 {strides = array<i32>} : memref<16x1024xf32, #tpu.memory_space<vmem>>, vector<1x16xf32>,
      %get3A_441 = arith.index_cast %scan3A_58 : i32 to index
      %get3A_442 = arith.constant 512 : index
      %get3A_443 = tpu.vector_load %arg5[%get3A_441, %get3A_442] {strides = array<i32>} : memref<16x1024xf32, #tpu.memory_space<vmem>>, vector<1x16xf32>,
      %get3A_444 = vector.shape_cast %get3A_443 : vector<1x16xf32> to vector<16xf32>
      %mul3A_445 = arith.constant 3.125000e-02 : f32
      %mul3A_446 = vector.broadcast %mul3A_445 : f32 to vector<16xf32>
      %mul3A_447 = arith.mulf %get3A_444, %mul3A_446 : vector<16xf32>
      %swap3A_448 = arith.index_cast %scan3A_58 : i32 to index
      %swap3A_449 = arith.constant 512 : index
      %swap3A_450 = tpu.vector_load %arg5[%swap3A_448, %swap3A_449] {strides = array<i32>} : memref<16x1024xf32, #tpu.memory_space<vmem>>, vector<1x16xf32>,
      %swap3A_451 = vector.shape_cast %swap3A_450 : vector<1x16xf32> to vector<16xf32>
      %swap3A_452 = vector.shape_cast %mul3A_447 : vector<16xf32> to vector<1x16xf32>
      tpu.vector_store %arg5[%swap3A_448, %swap3A_449], %swap3A_452 {strides = array<i32>} : memref<16x1024xf32, #tpu.memory_space<vmem>>, vector<1x16xf32>,
      %get3A_453 = arith.index_cast %scan3A_58 : i32 to index
      %get3A_454 = arith.constant 528 : index
      %get3A_455 = tpu.vector_load %arg5[%get3A_453, %get3A_454] {strides = array<i32>} : memref<16x1024xf32, #tpu.memory_space<vmem>>, vector<1x16xf32>,
      %get3A_456 = vector.shape_cast %get3A_455 : vector<1x16xf32> to vector<16xf32>
      %mul3A_457 = arith.constant 3.125000e-02 : f32
      %mul3A_458 = vector.broadcast %mul3A_457 : f32 to vector<16xf32>
      %mul3A_459 = arith.mulf %get3A_456, %mul3A_458 : vector<16xf32>
      %swap3A_460 = arith.index_cast %scan3A_58 : i32 to index
      %swap3A_461 = arith.constant 528 : index
      %swap3A_462 = tpu.vector_load %arg5[%swap3A_460, %swap3A_461] {strides = array<i32>} : memref<16x1024xf32, #tpu.memory_space<vmem>>, vector<1x16xf32>,
      %swap3A_463 = vector.shape_cast %swap3A_462 : vector<1x16xf32> to vector<16xf32>
      %swap3A_464 = vector.shape_cast %mul3A_459 : vector<16xf32> to vector<1x16xf32>
      tpu.vector_store %arg5[%swap3A_460, %swap3A_461], %swap3A_464 {strides = array<i32>} : memref<16x1024xf32, #tpu.memory_space<vmem>>, vector<1x16xf32>,
      %get3A_465 = arith.index_cast %scan3A_58 : i32 to index
      %get3A_466 = arith.constant 544 : index
      %get3A_467 = tpu.vector_load %arg5[%get3A_465, %get3A_466] {strides = array<i32>} : memref<16x1024xf32, #tpu.memory_space<vmem>>, vector<1x16xf32>,
      %get3A_468 = vector.shape_cast %get3A_467 : vector<1x16xf32> to vector<16xf32>
      %mul3A_469 = arith.constant 3.125000e-02 : f32
      %mul3A_470 = vector.broadcast %mul3A_469 : f32 to vector<16xf32>
      %mul3A_471 = arith.mulf %get3A_468, %mul3A_470 : vector<16xf32>
      %swap3A_472 = arith.index_cast %scan3A_58 : i32 to index
      %swap3A_473 = arith.constant 544 : index
      %swap3A_474 = tpu.vector_load %arg5[%swap3A_472, %swap3A_473] {strides = array<i32>} : memref<16x1024xf32, #tpu.memory_space<vmem>>, vector<1x16xf32>,
      %swap3A_475 = vector.shape_cast %swap3A_474 : vector<1x16xf32> to vector<16xf32>
      %swap3A_476 = vector.shape_cast %mul3A_471 : vector<16xf32> to vector<1x16xf32>
      tpu.vector_store %arg5[%swap3A_472, %swap3A_473], %swap3A_476 {strides = array<i32>} : memref<16x1024xf32, #tpu.memory_space<vmem>>, vector<1x16xf32>,
      %get3A_477 = arith.index_cast %scan3A_58 : i32 to index
      %get3A_478 = arith.constant 560 : index
      %get3A_479 = tpu.vector_load %arg5[%get3A_477, %get3A_478] {strides = array<i32>} : memref<16x1024xf32, #tpu.memory_space<vmem>>, vector<1x16xf32>,
      %get3A_480 = vector.shape_cast %get3A_479 : vector<1x16xf32> to vector<16xf32>
      %mul3A_481 = arith.constant 3.125000e-02 : f32
      %mul3A_482 = vector.broadcast %mul3A_481 : f32 to vector<16xf32>
      %mul3A_483 = arith.mulf %get3A_480, %mul3A_482 : vector<16xf32>
      %swap3A_484 = arith.index_cast %scan3A_58 : i32 to index
      %swap3A_485 = arith.constant 560 : index
      %swap3A_486 = tpu.vector_load %arg5[%swap3A_484, %swap3A_485] {strides = array<i32>} : memref<16x1024xf32, #tpu.memory_space<vmem>>, vector<1x16xf32>,
      %swap3A_487 = vector.shape_cast %swap3A_486 : vector<1x16xf32> to vector<16xf32>
      %swap3A_488 = vector.shape_cast %mul3A_483 : vector<16xf32> to vector<1x16xf32>
      tpu.vector_store %arg5[%swap3A_484, %swap3A_485], %swap3A_488 {strides = array<i32>} : memref<16x1024xf32, #tpu.memory_space<vmem>>, vector<1x16xf32>,
      %get3A_489 = arith.index_cast %scan3A_58 : i32 to index
      %get3A_490 = arith.constant 576 : index
      %get3A_491 = tpu.vector_load %arg5[%get3A_489, %get3A_490] {strides = array<i32>} : memref<16x1024xf32, #tpu.memory_space<vmem>>, vector<1x16xf32>,
      %get3A_492 = vector.shape_cast %get3A_491 : vector<1x16xf32> to vector<16xf32>
      %mul3A_493 = arith.constant 3.125000e-02 : f32
      %mul3A_494 = vector.broadcast %mul3A_493 : f32 to vector<16xf32>
      %mul3A_495 = arith.mulf %get3A_492, %mul3A_494 : vector<16xf32>
      %swap3A_496 = arith.index_cast %scan3A_58 : i32 to index
      %swap3A_497 = arith.constant 576 : index
      %swap3A_498 = tpu.vector_load %arg5[%swap3A_496, %swap3A_497] {strides = array<i32>} : memref<16x1024xf32, #tpu.memory_space<vmem>>, vector<1x16xf32>,
      %swap3A_499 = vector.shape_cast %swap3A_498 : vector<1x16xf32> to vector<16xf32>
      %swap3A_500 = vector.shape_cast %mul3A_495 : vector<16xf32> to vector<1x16xf32>
      tpu.vector_store %arg5[%swap3A_496, %swap3A_497], %swap3A_500 {strides = array<i32>} : memref<16x1024xf32, #tpu.memory_space<vmem>>, vector<1x16xf32>,
      %get3A_501 = arith.index_cast %scan3A_58 : i32 to index
      %get3A_502 = arith.constant 592 : index
      %get3A_503 = tpu.vector_load %arg5[%get3A_501, %get3A_502] {strides = array<i32>} : memref<16x1024xf32, #tpu.memory_space<vmem>>, vector<1x16xf32>,
      %get3A_504 = vector.shape_cast %get3A_503 : vector<1x16xf32> to vector<16xf32>
      %mul3A_505 = arith.constant 3.125000e-02 : f32
      %mul3A_506 = vector.broadcast %mul3A_505 : f32 to vector<16xf32>
      %mul3A_507 = arith.mulf %get3A_504, %mul3A_506 : vector<16xf32>
      %swap3A_508 = arith.index_cast %scan3A_58 : i32 to index
      %swap3A_509 = arith.constant 592 : index
      %swap3A_510 = tpu.vector_load %arg5[%swap3A_508, %swap3A_509] {strides = array<i32>} : memref<16x1024xf32, #tpu.memory_space<vmem>>, vector<1x16xf32>,
      %swap3A_511 = vector.shape_cast %swap3A_510 : vector<1x16xf32> to vector<16xf32>
      %swap3A_512 = vector.shape_cast %mul3A_507 : vector<16xf32> to vector<1x16xf32>
      tpu.vector_store %arg5[%swap3A_508, %swap3A_509], %swap3A_512 {strides = array<i32>} : memref<16x1024xf32, #tpu.memory_space<vmem>>, vector<1x16xf32>,
      %get3A_513 = arith.index_cast %scan3A_58 : i32 to index
      %get3A_514 = arith.constant 608 : index
      %get3A_515 = tpu.vector_load %arg5[%get3A_513, %get3A_514] {strides = array<i32>} : memref<16x1024xf32, #tpu.memory_space<vmem>>, vector<1x16xf32>,
      %get3A_516 = vector.shape_cast %get3A_515 : vector<1x16xf32> to vector<16xf32>
      %mul3A_517 = arith.constant 3.125000e-02 : f32
      %mul3A_518 = vector.broadcast %mul3A_517 : f32 to vector<16xf32>
      %mul3A_519 = arith.mulf %get3A_516, %mul3A_518 : vector<16xf32>
      %swap3A_520 = arith.index_cast %scan3A_58 : i32 to index
      %swap3A_521 = arith.constant 608 : index
      %swap3A_522 = tpu.vector_load %arg5[%swap3A_520, %swap3A_521] {strides = array<i32>} : memref<16x1024xf32, #tpu.memory_space<vmem>>, vector<1x16xf32>,
      %swap3A_523 = vector.shape_cast %swap3A_522 : vector<1x16xf32> to vector<16xf32>
      %swap3A_524 = vector.shape_cast %mul3A_519 : vector<16xf32> to vector<1x16xf32>
      tpu.vector_store %arg5[%swap3A_520, %swap3A_521], %swap3A_524 {strides = array<i32>} : memref<16x1024xf32, #tpu.memory_space<vmem>>, vector<1x16xf32>,
      %get3A_525 = arith.index_cast %scan3A_58 : i32 to index
      %get3A_526 = arith.constant 624 : index
      %get3A_527 = tpu.vector_load %arg5[%get3A_525, %get3A_526] {strides = array<i32>} : memref<16x1024xf32, #tpu.memory_space<vmem>>, vector<1x16xf32>,
      %get3A_528 = vector.shape_cast %get3A_527 : vector<1x16xf32> to vector<16xf32>
      %mul3A_529 = arith.constant 3.125000e-02 : f32
      %mul3A_530 = vector.broadcast %mul3A_529 : f32 to vector<16xf32>
      %mul3A_531 = arith.mulf %get3A_528, %mul3A_530 : vector<16xf32>
      %swap3A_532 = arith.index_cast %scan3A_58 : i32 to index
      %swap3A_533 = arith.constant 624 : index
      %swap3A_534 = tpu.vector_load %arg5[%swap3A_532, %swap3A_533] {strides = array<i32>} : memref<16x1024xf32, #tpu.memory_space<vmem>>, vector<1x16xf32>,
      %swap3A_535 = vector.shape_cast %swap3A_534 : vector<1x16xf32> to vector<16xf32>
      %swap3A_536 = vector.shape_cast %mul3A_531 : vector<16xf32> to vector<1x16xf32>
      tpu.vector_store %arg5[%swap3A_532, %swap3A_533], %swap3A_536 {strides = array<i32>} : memref<16x1024xf32, #tpu.memory_space<vmem>>, vector<1x16xf32>,
      %get3A_537 = arith.index_cast %scan3A_58 : i32 to index
      %get3A_538 = arith.constant 640 : index
      %get3A_539 = tpu.vector_load %arg5[%get3A_537, %get3A_538] {strides = array<i32>} : memref<16x1024xf32, #tpu.memory_space<vmem>>, vector<1x16xf32>,
      %get3A_540 = vector.shape_cast %get3A_539 : vector<1x16xf32> to vector<16xf32>
      %mul3A_541 = arith.constant 3.125000e-02 : f32
      %mul3A_542 = vector.broadcast %mul3A_541 : f32 to vector<16xf32>
      %mul3A_543 = arith.mulf %get3A_540, %mul3A_542 : vector<16xf32>
      %swap3A_544 = arith.index_cast %scan3A_58 : i32 to index
      %swap3A_545 = arith.constant 640 : index
      %swap3A_546 = tpu.vector_load %arg5[%swap3A_544, %swap3A_545] {strides = array<i32>} : memref<16x1024xf32, #tpu.memory_space<vmem>>, vector<1x16xf32>,
      %swap3A_547 = vector.shape_cast %swap3A_546 : vector<1x16xf32> to vector<16xf32>
      %swap3A_548 = vector.shape_cast %mul3A_543 : vector<16xf32> to vector<1x16xf32>
      tpu.vector_store %arg5[%swap3A_544, %swap3A_545], %swap3A_548 {strides = array<i32>} : memref<16x1024xf32, #tpu.memory_space<vmem>>, vector<1x16xf32>,
      %get3A_549 = arith.index_cast %scan3A_58 : i32 to index
      %get3A_550 = arith.constant 656 : index
      %get3A_551 = tpu.vector_load %arg5[%get3A_549, %get3A_550] {strides = array<i32>} : memref<16x1024xf32, #tpu.memory_space<vmem>>, vector<1x16xf32>,
      %get3A_552 = vector.shape_cast %get3A_551 : vector<1x16xf32> to vector<16xf32>
      %mul3A_553 = arith.constant 3.125000e-02 : f32
      %mul3A_554 = vector.broadcast %mul3A_553 : f32 to vector<16xf32>
      %mul3A_555 = arith.mulf %get3A_552, %mul3A_554 : vector<16xf32>
      %swap3A_556 = arith.index_cast %scan3A_58 : i32 to index
      %swap3A_557 = arith.constant 656 : index
      %swap3A_558 = tpu.vector_load %arg5[%swap3A_556, %swap3A_557] {strides = array<i32>} : memref<16x1024xf32, #tpu.memory_space<vmem>>, vector<1x16xf32>,
      %swap3A_559 = vector.shape_cast %swap3A_558 : vector<1x16xf32> to vector<16xf32>
      %swap3A_560 = vector.shape_cast %mul3A_555 : vector<16xf32> to vector<1x16xf32>
      tpu.vector_store %arg5[%swap3A_556, %swap3A_557], %swap3A_560 {strides = array<i32>} : memref<16x1024xf32, #tpu.memory_space<vmem>>, vector<1x16xf32>,
      %get3A_561 = arith.index_cast %scan3A_58 : i32 to index
      %get3A_562 = arith.constant 672 : index
      %get3A_563 = tpu.vector_load %arg5[%get3A_561, %get3A_562] {strides = array<i32>} : memref<16x1024xf32, #tpu.memory_space<vmem>>, vector<1x16xf32>,
      %get3A_564 = vector.shape_cast %get3A_563 : vector<1x16xf32> to vector<16xf32>
      %mul3A_565 = arith.constant 3.125000e-02 : f32
      %mul3A_566 = vector.broadcast %mul3A_565 : f32 to vector<16xf32>
      %mul3A_567 = arith.mulf %get3A_564, %mul3A_566 : vector<16xf32>
      %swap3A_568 = arith.index_cast %scan3A_58 : i32 to index
      %swap3A_569 = arith.constant 672 : index
      %swap3A_570 = tpu.vector_load %arg5[%swap3A_568, %swap3A_569] {strides = array<i32>} : memref<16x1024xf32, #tpu.memory_space<vmem>>, vector<1x16xf32>,
      %swap3A_571 = vector.shape_cast %swap3A_570 : vector<1x16xf32> to vector<16xf32>
      %swap3A_572 = vector.shape_cast %mul3A_567 : vector<16xf32> to vector<1x16xf32>
      tpu.vector_store %arg5[%swap3A_568, %swap3A_569], %swap3A_572 {strides = array<i32>} : memref<16x1024xf32, #tpu.memory_space<vmem>>, vector<1x16xf32>,
      %get3A_573 = arith.index_cast %scan3A_58 : i32 to index
      %get3A_574 = arith.constant 688 : index
      %get3A_575 = tpu.vector_load %arg5[%get3A_573, %get3A_574] {strides = array<i32>} : memref<16x1024xf32, #tpu.memory_space<vmem>>, vector<1x16xf32>,
      %get3A_576 = vector.shape_cast %get3A_575 : vector<1x16xf32> to vector<16xf32>
      %mul3A_577 = arith.constant 3.125000e-02 : f32
      %mul3A_578 = vector.broadcast %mul3A_577 : f32 to vector<16xf32>
      %mul3A_579 = arith.mulf %get3A_576, %mul3A_578 : vector<16xf32>
      %swap3A_580 = arith.index_cast %scan3A_58 : i32 to index
      %swap3A_581 = arith.constant 688 : index
      %swap3A_582 = tpu.vector_load %arg5[%swap3A_580, %swap3A_581] {strides = array<i32>} : memref<16x1024xf32, #tpu.memory_space<vmem>>, vector<1x16xf32>,
      %swap3A_583 = vector.shape_cast %swap3A_582 : vector<1x16xf32> to vector<16xf32>
      %swap3A_584 = vector.shape_cast %mul3A_579 : vector<16xf32> to vector<1x16xf32>
      tpu.vector_store %arg5[%swap3A_580, %swap3A_581], %swap3A_584 {strides = array<i32>} : memref<16x1024xf32, #tpu.memory_space<vmem>>, vector<1x16xf32>,
      %get3A_585 = arith.index_cast %scan3A_58 : i32 to index
      %get3A_586 = arith.constant 704 : index
      %get3A_587 = tpu.vector_load %arg5[%get3A_585, %get3A_586] {strides = array<i32>} : memref<16x1024xf32, #tpu.memory_space<vmem>>, vector<1x16xf32>,
      %get3A_588 = vector.shape_cast %get3A_587 : vector<1x16xf32> to vector<16xf32>
      %mul3A_589 = arith.constant 3.125000e-02 : f32
      %mul3A_590 = vector.broadcast %mul3A_589 : f32 to vector<16xf32>
      %mul3A_591 = arith.mulf %get3A_588, %mul3A_590 : vector<16xf32>
      %swap3A_592 = arith.index_cast %scan3A_58 : i32 to index
      %swap3A_593 = arith.constant 704 : index
      %swap3A_594 = tpu.vector_load %arg5[%swap3A_592, %swap3A_593] {strides = array<i32>} : memref<16x1024xf32, #tpu.memory_space<vmem>>, vector<1x16xf32>,
      %swap3A_595 = vector.shape_cast %swap3A_594 : vector<1x16xf32> to vector<16xf32>
      %swap3A_596 = vector.shape_cast %mul3A_591 : vector<16xf32> to vector<1x16xf32>
      tpu.vector_store %arg5[%swap3A_592, %swap3A_593], %swap3A_596 {strides = array<i32>} : memref<16x1024xf32, #tpu.memory_space<vmem>>, vector<1x16xf32>,
      %get3A_597 = arith.index_cast %scan3A_58 : i32 to index
      %get3A_598 = arith.constant 720 : index
      %get3A_599 = tpu.vector_load %arg5[%get3A_597, %get3A_598] {strides = array<i32>} : memref<16x1024xf32, #tpu.memory_space<vmem>>, vector<1x16xf32>,
      %get3A_600 = vector.shape_cast %get3A_599 : vector<1x16xf32> to vector<16xf32>
      %mul3A_601 = arith.constant 3.125000e-02 : f32
      %mul3A_602 = vector.broadcast %mul3A_601 : f32 to vector<16xf32>
      %mul3A_603 = arith.mulf %get3A_600, %mul3A_602 : vector<16xf32>
      %swap3A_604 = arith.index_cast %scan3A_58 : i32 to index
      %swap3A_605 = arith.constant 720 : index
      %swap3A_606 = tpu.vector_load %arg5[%swap3A_604, %swap3A_605] {strides = array<i32>} : memref<16x1024xf32, #tpu.memory_space<vmem>>, vector<1x16xf32>,
      %swap3A_607 = vector.shape_cast %swap3A_606 : vector<1x16xf32> to vector<16xf32>
      %swap3A_608 = vector.shape_cast %mul3A_603 : vector<16xf32> to vector<1x16xf32>
      tpu.vector_store %arg5[%swap3A_604, %swap3A_605], %swap3A_608 {strides = array<i32>} : memref<16x1024xf32, #tpu.memory_space<vmem>>, vector<1x16xf32>,
      %get3A_609 = arith.index_cast %scan3A_58 : i32 to index
      %get3A_610 = arith.constant 736 : index
      %get3A_611 = tpu.vector_load %arg5[%get3A_609, %get3A_610] {strides = array<i32>} : memref<16x1024xf32, #tpu.memory_space<vmem>>, vector<1x16xf32>,
      %get3A_612 = vector.shape_cast %get3A_611 : vector<1x16xf32> to vector<16xf32>
      %mul3A_613 = arith.constant 3.125000e-02 : f32
      %mul3A_614 = vector.broadcast %mul3A_613 : f32 to vector<16xf32>
      %mul3A_615 = arith.mulf %get3A_612, %mul3A_614 : vector<16xf32>
      %swap3A_616 = arith.index_cast %scan3A_58 : i32 to index
      %swap3A_617 = arith.constant 736 : index
      %swap3A_618 = tpu.vector_load %arg5[%swap3A_616, %swap3A_617] {strides = array<i32>} : memref<16x1024xf32, #tpu.memory_space<vmem>>, vector<1x16xf32>,
      %swap3A_619 = vector.shape_cast %swap3A_618 : vector<1x16xf32> to vector<16xf32>
      %swap3A_620 = vector.shape_cast %mul3A_615 : vector<16xf32> to vector<1x16xf32>
      tpu.vector_store %arg5[%swap3A_616, %swap3A_617], %swap3A_620 {strides = array<i32>} : memref<16x1024xf32, #tpu.memory_space<vmem>>, vector<1x16xf32>,
      %get3A_621 = arith.index_cast %scan3A_58 : i32 to index
      %get3A_622 = arith.constant 752 : index
      %get3A_623 = tpu.vector_load %arg5[%get3A_621, %get3A_622] {strides = array<i32>} : memref<16x1024xf32, #tpu.memory_space<vmem>>, vector<1x16xf32>,
      %get3A_624 = vector.shape_cast %get3A_623 : vector<1x16xf32> to vector<16xf32>
      %mul3A_625 = arith.constant 3.125000e-02 : f32
      %mul3A_626 = vector.broadcast %mul3A_625 : f32 to vector<16xf32>
      %mul3A_627 = arith.mulf %get3A_624, %mul3A_626 : vector<16xf32>
      %swap3A_628 = arith.index_cast %scan3A_58 : i32 to index
      %swap3A_629 = arith.constant 752 : index
      %swap3A_630 = tpu.vector_load %arg5[%swap3A_628, %swap3A_629] {strides = array<i32>} : memref<16x1024xf32, #tpu.memory_space<vmem>>, vector<1x16xf32>,
      %swap3A_631 = vector.shape_cast %swap3A_630 : vector<1x16xf32> to vector<16xf32>
      %swap3A_632 = vector.shape_cast %mul3A_627 : vector<16xf32> to vector<1x16xf32>
      tpu.vector_store %arg5[%swap3A_628, %swap3A_629], %swap3A_632 {strides = array<i32>} : memref<16x1024xf32, #tpu.memory_space<vmem>>, vector<1x16xf32>,
      %get3A_633 = arith.index_cast %scan3A_58 : i32 to index
      %get3A_634 = arith.constant 768 : index
      %get3A_635 = tpu.vector_load %arg5[%get3A_633, %get3A_634] {strides = array<i32>} : memref<16x1024xf32, #tpu.memory_space<vmem>>, vector<1x16xf32>,
      %get3A_636 = vector.shape_cast %get3A_635 : vector<1x16xf32> to vector<16xf32>
      %mul3A_637 = arith.constant 3.125000e-02 : f32
      %mul3A_638 = vector.broadcast %mul3A_637 : f32 to vector<16xf32>
      %mul3A_639 = arith.mulf %get3A_636, %mul3A_638 : vector<16xf32>
      %swap3A_640 = arith.index_cast %scan3A_58 : i32 to index
      %swap3A_641 = arith.constant 768 : index
      %swap3A_642 = tpu.vector_load %arg5[%swap3A_640, %swap3A_641] {strides = array<i32>} : memref<16x1024xf32, #tpu.memory_space<vmem>>, vector<1x16xf32>,
      %swap3A_643 = vector.shape_cast %swap3A_642 : vector<1x16xf32> to vector<16xf32>
      %swap3A_644 = vector.shape_cast %mul3A_639 : vector<16xf32> to vector<1x16xf32>
      tpu.vector_store %arg5[%swap3A_640, %swap3A_641], %swap3A_644 {strides = array<i32>} : memref<16x1024xf32, #tpu.memory_space<vmem>>, vector<1x16xf32>,
      %get3A_645 = arith.index_cast %scan3A_58 : i32 to index
      %get3A_646 = arith.constant 784 : index
      %get3A_647 = tpu.vector_load %arg5[%get3A_645, %get3A_646] {strides = array<i32>} : memref<16x1024xf32, #tpu.memory_space<vmem>>, vector<1x16xf32>,
      %get3A_648 = vector.shape_cast %get3A_647 : vector<1x16xf32> to vector<16xf32>
      %mul3A_649 = arith.constant 3.125000e-02 : f32
      %mul3A_650 = vector.broadcast %mul3A_649 : f32 to vector<16xf32>
      %mul3A_651 = arith.mulf %get3A_648, %mul3A_650 : vector<16xf32>
      %swap3A_652 = arith.index_cast %scan3A_58 : i32 to index
      %swap3A_653 = arith.constant 784 : index
      %swap3A_654 = tpu.vector_load %arg5[%swap3A_652, %swap3A_653] {strides = array<i32>} : memref<16x1024xf32, #tpu.memory_space<vmem>>, vector<1x16xf32>,
      %swap3A_655 = vector.shape_cast %swap3A_654 : vector<1x16xf32> to vector<16xf32>
      %swap3A_656 = vector.shape_cast %mul3A_651 : vector<16xf32> to vector<1x16xf32>
      tpu.vector_store %arg5[%swap3A_652, %swap3A_653], %swap3A_656 {strides = array<i32>} : memref<16x1024xf32, #tpu.memory_space<vmem>>, vector<1x16xf32>,
      %get3A_657 = arith.index_cast %scan3A_58 : i32 to index
      %get3A_658 = arith.constant 800 : index
      %get3A_659 = tpu.vector_load %arg5[%get3A_657, %get3A_658] {strides = array<i32>} : memref<16x1024xf32, #tpu.memory_space<vmem>>, vector<1x16xf32>,
      %get3A_660 = vector.shape_cast %get3A_659 : vector<1x16xf32> to vector<16xf32>
      %mul3A_661 = arith.constant 3.125000e-02 : f32
      %mul3A_662 = vector.broadcast %mul3A_661 : f32 to vector<16xf32>
      %mul3A_663 = arith.mulf %get3A_660, %mul3A_662 : vector<16xf32>
      %swap3A_664 = arith.index_cast %scan3A_58 : i32 to index
      %swap3A_665 = arith.constant 800 : index
      %swap3A_666 = tpu.vector_load %arg5[%swap3A_664, %swap3A_665] {strides = array<i32>} : memref<16x1024xf32, #tpu.memory_space<vmem>>, vector<1x16xf32>,
      %swap3A_667 = vector.shape_cast %swap3A_666 : vector<1x16xf32> to vector<16xf32>
      %swap3A_668 = vector.shape_cast %mul3A_663 : vector<16xf32> to vector<1x16xf32>
      tpu.vector_store %arg5[%swap3A_664, %swap3A_665], %swap3A_668 {strides = array<i32>} : memref<16x1024xf32, #tpu.memory_space<vmem>>, vector<1x16xf32>,
      %get3A_669 = arith.index_cast %scan3A_58 : i32 to index
      %get3A_670 = arith.constant 816 : index
      %get3A_671 = tpu.vector_load %arg5[%get3A_669, %get3A_670] {strides = array<i32>} : memref<16x1024xf32, #tpu.memory_space<vmem>>, vector<1x16xf32>,
      %get3A_672 = vector.shape_cast %get3A_671 : vector<1x16xf32> to vector<16xf32>
      %mul3A_673 = arith.constant 3.125000e-02 : f32
      %mul3A_674 = vector.broadcast %mul3A_673 : f32 to vector<16xf32>
      %mul3A_675 = arith.mulf %get3A_672, %mul3A_674 : vector<16xf32>
      %swap3A_676 = arith.index_cast %scan3A_58 : i32 to index
      %swap3A_677 = arith.constant 816 : index
      %swap3A_678 = tpu.vector_load %arg5[%swap3A_676, %swap3A_677] {strides = array<i32>} : memref<16x1024xf32, #tpu.memory_space<vmem>>, vector<1x16xf32>,
      %swap3A_679 = vector.shape_cast %swap3A_678 : vector<1x16xf32> to vector<16xf32>
      %swap3A_680 = vector.shape_cast %mul3A_675 : vector<16xf32> to vector<1x16xf32>
      tpu.vector_store %arg5[%swap3A_676, %swap3A_677], %swap3A_680 {strides = array<i32>} : memref<16x1024xf32, #tpu.memory_space<vmem>>, vector<1x16xf32>,
      %get3A_681 = arith.index_cast %scan3A_58 : i32 to index
      %get3A_682 = arith.constant 832 : index
      %get3A_683 = tpu.vector_load %arg5[%get3A_681, %get3A_682] {strides = array<i32>} : memref<16x1024xf32, #tpu.memory_space<vmem>>, vector<1x16xf32>,
      %get3A_684 = vector.shape_cast %get3A_683 : vector<1x16xf32> to vector<16xf32>
      %mul3A_685 = arith.constant 3.125000e-02 : f32
      %mul3A_686 = vector.broadcast %mul3A_685 : f32 to vector<16xf32>
      %mul3A_687 = arith.mulf %get3A_684, %mul3A_686 : vector<16xf32>
      %swap3A_688 = arith.index_cast %scan3A_58 : i32 to index
      %swap3A_689 = arith.constant 832 : index
      %swap3A_690 = tpu.vector_load %arg5[%swap3A_688, %swap3A_689] {strides = array<i32>} : memref<16x1024xf32, #tpu.memory_space<vmem>>, vector<1x16xf32>,
      %swap3A_691 = vector.shape_cast %swap3A_690 : vector<1x16xf32> to vector<16xf32>
      %swap3A_692 = vector.shape_cast %mul3A_687 : vector<16xf32> to vector<1x16xf32>
      tpu.vector_store %arg5[%swap3A_688, %swap3A_689], %swap3A_692 {strides = array<i32>} : memref<16x1024xf32, #tpu.memory_space<vmem>>, vector<1x16xf32>,
      %get3A_693 = arith.index_cast %scan3A_58 : i32 to index
      %get3A_694 = arith.constant 848 : index
      %get3A_695 = tpu.vector_load %arg5[%get3A_693, %get3A_694] {strides = array<i32>} : memref<16x1024xf32, #tpu.memory_space<vmem>>, vector<1x16xf32>,
      %get3A_696 = vector.shape_cast %get3A_695 : vector<1x16xf32> to vector<16xf32>
      %mul3A_697 = arith.constant 3.125000e-02 : f32
      %mul3A_698 = vector.broadcast %mul3A_697 : f32 to vector<16xf32>
      %mul3A_699 = arith.mulf %get3A_696, %mul3A_698 : vector<16xf32>
      %swap3A_700 = arith.index_cast %scan3A_58 : i32 to index
      %swap3A_701 = arith.constant 848 : index
      %swap3A_702 = tpu.vector_load %arg5[%swap3A_700, %swap3A_701] {strides = array<i32>} : memref<16x1024xf32, #tpu.memory_space<vmem>>, vector<1x16xf32>,
      %swap3A_703 = vector.shape_cast %swap3A_702 : vector<1x16xf32> to vector<16xf32>
      %swap3A_704 = vector.shape_cast %mul3A_699 : vector<16xf32> to vector<1x16xf32>
      tpu.vector_store %arg5[%swap3A_700, %swap3A_701], %swap3A_704 {strides = array<i32>} : memref<16x1024xf32, #tpu.memory_space<vmem>>, vector<1x16xf32>,
      %get3A_705 = arith.index_cast %scan3A_58 : i32 to index
      %get3A_706 = arith.constant 864 : index
      %get3A_707 = tpu.vector_load %arg5[%get3A_705, %get3A_706] {strides = array<i32>} : memref<16x1024xf32, #tpu.memory_space<vmem>>, vector<1x16xf32>,
      %get3A_708 = vector.shape_cast %get3A_707 : vector<1x16xf32> to vector<16xf32>
      %mul3A_709 = arith.constant 3.125000e-02 : f32
      %mul3A_710 = vector.broadcast %mul3A_709 : f32 to vector<16xf32>
      %mul3A_711 = arith.mulf %get3A_708, %mul3A_710 : vector<16xf32>
      %swap3A_712 = arith.index_cast %scan3A_58 : i32 to index
      %swap3A_713 = arith.constant 864 : index
      %swap3A_714 = tpu.vector_load %arg5[%swap3A_712, %swap3A_713] {strides = array<i32>} : memref<16x1024xf32, #tpu.memory_space<vmem>>, vector<1x16xf32>,
      %swap3A_715 = vector.shape_cast %swap3A_714 : vector<1x16xf32> to vector<16xf32>
      %swap3A_716 = vector.shape_cast %mul3A_711 : vector<16xf32> to vector<1x16xf32>
      tpu.vector_store %arg5[%swap3A_712, %swap3A_713], %swap3A_716 {strides = array<i32>} : memref<16x1024xf32, #tpu.memory_space<vmem>>, vector<1x16xf32>,
      %get3A_717 = arith.index_cast %scan3A_58 : i32 to index
      %get3A_718 = arith.constant 880 : index
      %get3A_719 = tpu.vector_load %arg5[%get3A_717, %get3A_718] {strides = array<i32>} : memref<16x1024xf32, #tpu.memory_space<vmem>>, vector<1x16xf32>,
      %get3A_720 = vector.shape_cast %get3A_719 : vector<1x16xf32> to vector<16xf32>
      %mul3A_721 = arith.constant 3.125000e-02 : f32
      %mul3A_722 = vector.broadcast %mul3A_721 : f32 to vector<16xf32>
      %mul3A_723 = arith.mulf %get3A_720, %mul3A_722 : vector<16xf32>
      %swap3A_724 = arith.index_cast %scan3A_58 : i32 to index
      %swap3A_725 = arith.constant 880 : index
      %swap3A_726 = tpu.vector_load %arg5[%swap3A_724, %swap3A_725] {strides = array<i32>} : memref<16x1024xf32, #tpu.memory_space<vmem>>, vector<1x16xf32>,
      %swap3A_727 = vector.shape_cast %swap3A_726 : vector<1x16xf32> to vector<16xf32>
      %swap3A_728 = vector.shape_cast %mul3A_723 : vector<16xf32> to vector<1x16xf32>
      tpu.vector_store %arg5[%swap3A_724, %swap3A_725], %swap3A_728 {strides = array<i32>} : memref<16x1024xf32, #tpu.memory_space<vmem>>, vector<1x16xf32>,
      %get3A_729 = arith.index_cast %scan3A_58 : i32 to index
      %get3A_730 = arith.constant 896 : index
      %get3A_731 = tpu.vector_load %arg5[%get3A_729, %get3A_730] {strides = array<i32>} : memref<16x1024xf32, #tpu.memory_space<vmem>>, vector<1x16xf32>,
      %get3A_732 = vector.shape_cast %get3A_731 : vector<1x16xf32> to vector<16xf32>
      %mul3A_733 = arith.constant 3.125000e-02 : f32
      %mul3A_734 = vector.broadcast %mul3A_733 : f32 to vector<16xf32>
      %mul3A_735 = arith.mulf %get3A_732, %mul3A_734 : vector<16xf32>
      %swap3A_736 = arith.index_cast %scan3A_58 : i32 to index
      %swap3A_737 = arith.constant 896 : index
      %swap3A_738 = tpu.vector_load %arg5[%swap3A_736, %swap3A_737] {strides = array<i32>} : memref<16x1024xf32, #tpu.memory_space<vmem>>, vector<1x16xf32>,
      %swap3A_739 = vector.shape_cast %swap3A_738 : vector<1x16xf32> to vector<16xf32>
      %swap3A_740 = vector.shape_cast %mul3A_735 : vector<16xf32> to vector<1x16xf32>
      tpu.vector_store %arg5[%swap3A_736, %swap3A_737], %swap3A_740 {strides = array<i32>} : memref<16x1024xf32, #tpu.memory_space<vmem>>, vector<1x16xf32>,
      %get3A_741 = arith.index_cast %scan3A_58 : i32 to index
      %get3A_742 = arith.constant 912 : index
      %get3A_743 = tpu.vector_load %arg5[%get3A_741, %get3A_742] {strides = array<i32>} : memref<16x1024xf32, #tpu.memory_space<vmem>>, vector<1x16xf32>,
      %get3A_744 = vector.shape_cast %get3A_743 : vector<1x16xf32> to vector<16xf32>
      %mul3A_745 = arith.constant 3.125000e-02 : f32
      %mul3A_746 = vector.broadcast %mul3A_745 : f32 to vector<16xf32>
      %mul3A_747 = arith.mulf %get3A_744, %mul3A_746 : vector<16xf32>
      %swap3A_748 = arith.index_cast %scan3A_58 : i32 to index
      %swap3A_749 = arith.constant 912 : index
      %swap3A_750 = tpu.vector_load %arg5[%swap3A_748, %swap3A_749] {strides = array<i32>} : memref<16x1024xf32, #tpu.memory_space<vmem>>, vector<1x16xf32>,
      %swap3A_751 = vector.shape_cast %swap3A_750 : vector<1x16xf32> to vector<16xf32>
      %swap3A_752 = vector.shape_cast %mul3A_747 : vector<16xf32> to vector<1x16xf32>
      tpu.vector_store %arg5[%swap3A_748, %swap3A_749], %swap3A_752 {strides = array<i32>} : memref<16x1024xf32, #tpu.memory_space<vmem>>, vector<1x16xf32>,
      %get3A_753 = arith.index_cast %scan3A_58 : i32 to index
      %get3A_754 = arith.constant 928 : index
      %get3A_755 = tpu.vector_load %arg5[%get3A_753, %get3A_754] {strides = array<i32>} : memref<16x1024xf32, #tpu.memory_space<vmem>>, vector<1x16xf32>,
      %get3A_756 = vector.shape_cast %get3A_755 : vector<1x16xf32> to vector<16xf32>
      %mul3A_757 = arith.constant 3.125000e-02 : f32
      %mul3A_758 = vector.broadcast %mul3A_757 : f32 to vector<16xf32>
      %mul3A_759 = arith.mulf %get3A_756, %mul3A_758 : vector<16xf32>
      %swap3A_760 = arith.index_cast %scan3A_58 : i32 to index
      %swap3A_761 = arith.constant 928 : index
      %swap3A_762 = tpu.vector_load %arg5[%swap3A_760, %swap3A_761] {strides = array<i32>} : memref<16x1024xf32, #tpu.memory_space<vmem>>, vector<1x16xf32>,
      %swap3A_763 = vector.shape_cast %swap3A_762 : vector<1x16xf32> to vector<16xf32>
      %swap3A_764 = vector.shape_cast %mul3A_759 : vector<16xf32> to vector<1x16xf32>
      tpu.vector_store %arg5[%swap3A_760, %swap3A_761], %swap3A_764 {strides = array<i32>} : memref<16x1024xf32, #tpu.memory_space<vmem>>, vector<1x16xf32>,
      %get3A_765 = arith.index_cast %scan3A_58 : i32 to index
      %get3A_766 = arith.constant 944 : index
      %get3A_767 = tpu.vector_load %arg5[%get3A_765, %get3A_766] {strides = array<i32>} : memref<16x1024xf32, #tpu.memory_space<vmem>>, vector<1x16xf32>,
      %get3A_768 = vector.shape_cast %get3A_767 : vector<1x16xf32> to vector<16xf32>
      %mul3A_769 = arith.constant 3.125000e-02 : f32
      %mul3A_770 = vector.broadcast %mul3A_769 : f32 to vector<16xf32>
      %mul3A_771 = arith.mulf %get3A_768, %mul3A_770 : vector<16xf32>
      %swap3A_772 = arith.index_cast %scan3A_58 : i32 to index
      %swap3A_773 = arith.constant 944 : index
      %swap3A_774 = tpu.vector_load %arg5[%swap3A_772, %swap3A_773] {strides = array<i32>} : memref<16x1024xf32, #tpu.memory_space<vmem>>, vector<1x16xf32>,
      %swap3A_775 = vector.shape_cast %swap3A_774 : vector<1x16xf32> to vector<16xf32>
      %swap3A_776 = vector.shape_cast %mul3A_771 : vector<16xf32> to vector<1x16xf32>
      tpu.vector_store %arg5[%swap3A_772, %swap3A_773], %swap3A_776 {strides = array<i32>} : memref<16x1024xf32, #tpu.memory_space<vmem>>, vector<1x16xf32>,
      %get3A_777 = arith.index_cast %scan3A_58 : i32 to index
      %get3A_778 = arith.constant 960 : index
      %get3A_779 = tpu.vector_load %arg5[%get3A_777, %get3A_778] {strides = array<i32>} : memref<16x1024xf32, #tpu.memory_space<vmem>>, vector<1x16xf32>,
      %get3A_780 = vector.shape_cast %get3A_779 : vector<1x16xf32> to vector<16xf32>
      %mul3A_781 = arith.constant 3.125000e-02 : f32
      %mul3A_782 = vector.broadcast %mul3A_781 : f32 to vector<16xf32>
      %mul3A_783 = arith.mulf %get3A_780, %mul3A_782 : vector<16xf32>
      %swap3A_784 = arith.index_cast %scan3A_58 : i32 to index
      %swap3A_785 = arith.constant 960 : index
      %swap3A_786 = tpu.vector_load %arg5[%swap3A_784, %swap3A_785] {strides = array<i32>} : memref<16x1024xf32, #tpu.memory_space<vmem>>, vector<1x16xf32>,
      %swap3A_787 = vector.shape_cast %swap3A_786 : vector<1x16xf32> to vector<16xf32>
      %swap3A_788 = vector.shape_cast %mul3A_783 : vector<16xf32> to vector<1x16xf32>
      tpu.vector_store %arg5[%swap3A_784, %swap3A_785], %swap3A_788 {strides = array<i32>} : memref<16x1024xf32, #tpu.memory_space<vmem>>, vector<1x16xf32>,
      %get3A_789 = arith.index_cast %scan3A_58 : i32 to index
      %get3A_790 = arith.constant 976 : index
      %get3A_791 = tpu.vector_load %arg5[%get3A_789, %get3A_790] {strides = array<i32>} : memref<16x1024xf32, #tpu.memory_space<vmem>>, vector<1x16xf32>,
      %get3A_792 = vector.shape_cast %get3A_791 : vector<1x16xf32> to vector<16xf32>
      %mul3A_793 = arith.constant 3.125000e-02 : f32
      %mul3A_794 = vector.broadcast %mul3A_793 : f32 to vector<16xf32>
      %mul3A_795 = arith.mulf %get3A_792, %mul3A_794 : vector<16xf32>
      %swap3A_796 = arith.index_cast %scan3A_58 : i32 to index
      %swap3A_797 = arith.constant 976 : index
      %swap3A_798 = tpu.vector_load %arg5[%swap3A_796, %swap3A_797] {strides = array<i32>} : memref<16x1024xf32, #tpu.memory_space<vmem>>, vector<1x16xf32>,
      %swap3A_799 = vector.shape_cast %swap3A_798 : vector<1x16xf32> to vector<16xf32>
      %swap3A_800 = vector.shape_cast %mul3A_795 : vector<16xf32> to vector<1x16xf32>
      tpu.vector_store %arg5[%swap3A_796, %swap3A_797], %swap3A_800 {strides = array<i32>} : memref<16x1024xf32, #tpu.memory_space<vmem>>, vector<1x16xf32>,
      %get3A_801 = arith.index_cast %scan3A_58 : i32 to index
      %get3A_802 = arith.constant 992 : index
      %get3A_803 = tpu.vector_load %arg5[%get3A_801, %get3A_802] {strides = array<i32>} : memref<16x1024xf32, #tpu.memory_space<vmem>>, vector<1x16xf32>,
      %get3A_804 = vector.shape_cast %get3A_803 : vector<1x16xf32> to vector<16xf32>
      %mul3A_805 = arith.constant 3.125000e-02 : f32
      %mul3A_806 = vector.broadcast %mul3A_805 : f32 to vector<16xf32>
      %mul3A_807 = arith.mulf %get3A_804, %mul3A_806 : vector<16xf32>
      %swap3A_808 = arith.index_cast %scan3A_58 : i32 to index
      %swap3A_809 = arith.constant 992 : index
      %swap3A_810 = tpu.vector_load %arg5[%swap3A_808, %swap3A_809] {strides = array<i32>} : memref<16x1024xf32, #tpu.memory_space<vmem>>, vector<1x16xf32>,
      %swap3A_811 = vector.shape_cast %swap3A_810 : vector<1x16xf32> to vector<16xf32>
      %swap3A_812 = vector.shape_cast %mul3A_807 : vector<16xf32> to vector<1x16xf32>
      tpu.vector_store %arg5[%swap3A_808, %swap3A_809], %swap3A_812 {strides = array<i32>} : memref<16x1024xf32, #tpu.memory_space<vmem>>, vector<1x16xf32>,
      %get3A_813 = arith.index_cast %scan3A_58 : i32 to index
      %get3A_814 = arith.constant 1008 : index
      %get3A_815 = tpu.vector_load %arg5[%get3A_813, %get3A_814] {strides = array<i32>} : memref<16x1024xf32, #tpu.memory_space<vmem>>, vector<1x16xf32>,
      %get3A_816 = vector.shape_cast %get3A_815 : vector<1x16xf32> to vector<16xf32>
      %mul3A_817 = arith.constant 3.125000e-02 : f32
      %mul3A_818 = vector.broadcast %mul3A_817 : f32 to vector<16xf32>
      %mul3A_819 = arith.mulf %get3A_816, %mul3A_818 : vector<16xf32>
      %swap3A_820 = arith.index_cast %scan3A_58 : i32 to index
      %swap3A_821 = arith.constant 1008 : index
      %swap3A_822 = tpu.vector_load %arg5[%swap3A_820, %swap3A_821] {strides = array<i32>} : memref<16x1024xf32, #tpu.memory_space<vmem>>, vector<1x16xf32>,
      %swap3A_823 = vector.shape_cast %swap3A_822 : vector<1x16xf32> to vector<16xf32>
      %swap3A_824 = vector.shape_cast %mul3A_819 : vector<16xf32> to vector<1x16xf32>
      tpu.vector_store %arg5[%swap3A_820, %swap3A_821], %swap3A_824 {strides = array<i32>} : memref<16x1024xf32, #tpu.memory_space<vmem>>, vector<1x16xf32>,
    }
    %scan3A_43 = arith.constant 16 : i32
    %add3A_44 = arith.constant 112 : i32
    %add3A_45 = arith.addi %mul3A_2, %add3A_44 : i32
    %dma_start3A_46 = arith.constant 0 : i32
    %dma_start3A_47 = tpu.memref_slice %arg3[%add3A_45, %dma_start3A_46] : memref<4096x1024xf32, #tpu.memory_space<hbm>> -> memref<16x1024xf32, #tpu.memory_space<hbm>>
    %dma_start3A_48 = arith.constant 0 : i32
    %dma_start3A_49 = tpu.memref_slice %arg3[%add3A_45, %dma_start3A_48] : memref<4096x1024xf32, #tpu.memory_space<hbm>> -> memref<16x1024xf32, #tpu.memory_space<hbm>>
    tpu.enqueue_dma source(%arg5 : memref<16x1024xf32, #tpu.memory_space<vmem>>) target(%dma_start3A_49 : memref<16x1024xf32, #tpu.memory_space<hbm>>) target_semaphore(%arg9 : memref<!tpu.dma_semaphore, #tpu.memory_space<semaphore_mem>>)
    %dma_wait3A_50 = arith.constant 0 : i32
    %dma_wait3A_51 = tpu.memref_slice %arg3[%mul3A_2, %dma_wait3A_50] : memref<4096x1024xf32, #tpu.memory_space<hbm>> -> memref<16x1024xf32, #tpu.memory_space<hbm>>
    %dma_wait3A_52 = arith.constant 0 : i32
    %dma_wait3A_53 = tpu.memref_slice %arg3[%mul3A_2, %dma_wait3A_52] : memref<4096x1024xf32, #tpu.memory_space<hbm>> -> memref<16x1024xf32, #tpu.memory_space<hbm>>
    tpu.wait_dma2 semaphore(%arg8 : memref<!tpu.dma_semaphore, #tpu.memory_space<semaphore_mem>>) src(%arg4 : memref<16x1024xf32, #tpu.memory_space<vmem>>) dst(%dma_wait3A_53 : memref<16x1024xf32, #tpu.memory_space<hbm>>)
    %dma_wait3A_54 = arith.constant 0 : i32
    %dma_wait3A_55 = tpu.memref_slice %arg3[%mul3A_2, %dma_wait3A_54] : memref<4096x1024xf32, #tpu.memory_space<hbm>> -> memref<16x1024xf32, #tpu.memory_space<hbm>>
    %dma_wait3A_56 = arith.constant 0 : i32
    %dma_wait3A_57 = tpu.memref_slice %arg3[%mul3A_2, %dma_wait3A_56] : memref<4096x1024xf32, #tpu.memory_space<hbm>> -> memref<16x1024xf32, #tpu.memory_space<hbm>>
    tpu.wait_dma2 semaphore(%arg9 : memref<!tpu.dma_semaphore, #tpu.memory_space<semaphore_mem>>) src(%arg5 : memref<16x1024xf32, #tpu.memory_space<vmem>>) dst(%dma_wait3A_57 : memref<16x1024xf32, #tpu.memory_space<hbm>>)
    return
  }
}

</mosaic_0001>

<sc_bundles>
// kernel: kernel.3.cloned.1.call-start
scs
__scs_entry_jumppad:
0x0: {  	(pc) =	sbr.rel $0x88, $3  }
0x1: {  	(tag) =	ssettag $0x0;
	lr =	simm.s32 $0x1  }
0x2: {  	[smem:$0x3FA0] =	sst lr;
	_ =	strace $0xD0000000  }
0x3: {  	_ = 	snop  }
0x4: {  	_ = 	snop  }
0x5: {  	_ = 	snop  }
0x6: {  	_ = 	snop  }
0x7: {  	_ = 	snop  }
__scs_overlays_trampoline_lowered:
0x8: {  	[smem:$0x3FAF] =	sst s0  }
0x9: {  	[smem:$0x3FB0] =	sst s1  }
0xa: {  	[smem:$0x3FB1] =	sst s2  }
0xb: {  	[smem:$0x3FB2] =	sst s3  }
0xc: {  	[smem:$0x3FB3] =	sst s4  }
0xd: {  	[smem:$0x3FB4] =	sst s5  }
0xe: {  	[smem:$0x3FB5] =	sst s6  }
0xf: {  	[smem:$0x3FB6] =	sst s7  }
0x10: {  	[smem:$0x3FB7] =	sst s8  }
0x11: {  	[smem:$0x3FB8] =	sst s9;
	s0 =	simm.s32 @!p0 $0x0  }
0x12: {  	s1 =	sld [smem:$0x3F9E];
	s0 =	simm.s32 @p0 $0x1  }
0x13: {  	[smem:$0x3FB9] =	sst s0;
	s0 =	simm.s32 @!p1 $0x0  }
0x14: {  	s2 =	sld [smem:$0x3F9D];
	s0 =	simm.s32 @p1 $0x1  }
0x15: {  	[smem:$0x3FBA] =	sst s0;
	s0 =	simm.s32 @!p2 $0x0  }
0x16: {  	s3 =	sld [smem:$0x3FDB];
	s0 =	simm.s32 @p2 $0x1  }
0x17: {  	s4 =	simm.s32 $0x1BF5;
	[smem:$0x3FBC] =	sst s0  }
0x18: {  	s0 =	sld [smem:$0x3F9F];
	_ =	swait.ge [sflag:s4], $0x0  }
0x19: {  	s7 =	sld [smem:$0x3FA0]  }
0x1a: {  	s8 =	sadd.s32 $0xFFFFE003, lr  }
0x1b: {  	s9 =	sadd.s32 $0xFFFFFEF7, lr;
	s5 =	simm.s32 $0xFFFFFFFF;
	p2 =	slt.u32 s8, $0xFFFFF086  }
0x1c: {  	p1 =	slt.u32 s9, $0xF7A;
	s5 =	simm.s32 @!p2 $0x0  }
0x1d: {  	s5 =	simm.s32 @p1 $0x1;
	p0 =	seq.s32 s7, s2  }
0x1e: {  	s7 =	smul.u32 @!p0 $0xF7A, s2;
	p2 =	seq.s32 @!p0 s5, $0x0  }
0x1f: {  	s9 =	smul.u32 $0xF7A, s1;
	s8 =	simm.s32 @!p0 $0x1BF5;
	p2 =	por !p2, p0  }
0x20: {  	[sflag:s8] =	ssyncset.s32 @!p0 $0xFFFFF086;
	s6 =	sadd.s32 @!p0 s3, s7;
	s7 =	simm.s32 @!p0 $0x108  }
0x21: {  	s3 =	sadd.s32 s3, s9;
	s6 =	sadd.s32 @!p0 $0x88, s6;
	s7 =	simm.s32 @p2 $0x1082  }
0x22: {  	[simem:s7], [sflag:s8] =	dma.local @!p0 [hbm:s6], $0xF7A  }
0x23: {  	s9 =	sor.u32 $0xD0000000, s2;
	s6 =	simm.s32 $0x108;
	_ =	swait.ge @!p0 [sflag:s8], $0x0  }
0x24: {  	s3 =	sadd.s32 $0x88, s3;
	s6 =	simm.s32 @!p1 $0x1082;
	[sflag:s4] =	ssyncset.s32 $0xFFFFF086  }
0x25: {  	[simem:s6], [sflag:s4] =	dma.local [hbm:s3], $0xF7A  }
0x26: {  	[smem:$0x3FA0] =	sst s1;
	(tag) =	ssettag s2;
	_ =	strace s9  }
0x27: {  	s1 =	sld [smem:$0x3FB0]  }
0x28: {  	s2 =	sld [smem:$0x3FB1]  }
0x29: {  	s4 =	sld [smem:$0x3FB3]  }
0x2a: {  	p0 =	seq.s32 s5, $0x0;
	s5 =	sld [smem:$0x3FB4]  }
0x2b: {  	s6 =	sld [smem:$0x3FB5]  }
0x2c: {  	s7 =	sld [smem:$0x3FB6]  }
0x2d: {  	s3 =	simm.s32 $0x108;
	s8 =	sld [smem:$0x3FB7]  }
0x2e: {  	s3 =	simm.s32 @!p0 $0x1082;
	s9 =	sld [smem:$0x3FB8]  }
0x2f: {  	lr =	sadd.s32 s0, s3;
	s0 =	sld [smem:$0x3FAF]  }
0x30: {  	s3 =	sld [smem:$0x3FB2]  }
0x31: {  	[smem:$0x3FBB] =	sst s10  }
0x32: {  	s10 =	sld [smem:$0x3FB9];
	_ =	sdelay $0x3  }
0x33: {  	p0 =	seq.s32 s10, $0x1;
	s10 =	sld [smem:$0x3FBB];
	_ =	sdelay $0x3  }
0x34: {  	[smem:$0x3FBB] =	sst s10  }
0x35: {  	s10 =	sld [smem:$0x3FBA];
	_ =	sdelay $0x3  }
0x36: {  	p1 =	seq.s32 s10, $0x1;
	s10 =	sld [smem:$0x3FBB];
	_ =	sdelay $0x3  }
0x37: {  	[smem:$0x3FBB] =	sst s10  }
0x38: {  	s10 =	sld [smem:$0x3FBC]  }
0x39: {  	_ = 	snop;
	(pc) =	sbr.ind lr, $3  }
0x3a: {  	_ = 	snop  }
0x3b: {  	_ = 	snop  }
0x3c: {  	p2 =	seq.s32 s10, $0x1;
	s10 =	sld [smem:$0x3FBB]  }
0x3d: {  	_ =	shalt  }
0x3e: {  	_ =	shalt  }
0x3f: {  	_ =	shalt  }
0x40: {  	_ =	shalt  }
0x41: {  	_ =	shalt  }
0x42: {  	_ =	shalt  }
0x43: {  	_ =	shalt  }
0x44: {  	_ =	shalt  }
0x45: {  	_ =	shalt  }
0x46: {  	_ =	shalt  }
0x47: {  	_ =	shalt  }
0x48: {  	_ =	shalt  }
0x49: {  	_ =	shalt  }
0x4a: {  	_ =	shalt  }
0x4b: {  	_ =	shalt  }
0x4c: {  	_ =	shalt  }
0x4d: {  	_ =	shalt  }
0x4e: {  	_ =	shalt  }
0x4f: {  	_ =	shalt  }
0x50: {  	_ =	shalt  }
0x51: {  	_ =	shalt  }
0x52: {  	_ =	shalt  }
0x53: {  	_ =	shalt  }
0x54: {  	_ =	shalt  }
0x55: {  	_ =	shalt  }
0x56: {  	_ =	shalt  }
0x57: {  	_ =	shalt  }
0x58: {  	_ =	shalt  }
0x59: {  	_ =	shalt  }
0x5a: {  	_ =	shalt  }
0x5b: {  	_ =	shalt  }
0x5c: {  	_ =	shalt  }
0x5d: {  	_ =	shalt  }
0x5e: {  	_ =	shalt  }
0x5f: {  	_ =	shalt  }
0x60: {  	_ =	shalt  }
0x61: {  	_ =	shalt  }
0x62: {  	_ =	shalt  }
0x63: {  	_ =	shalt  }
0x64: {  	_ =	shalt  }
0x65: {  	_ =	shalt  }
0x66: {  	_ =	shalt  }
0x67: {  	_ =	shalt  }
0x68: {  	_ =	shalt  }
0x69: {  	_ =	shalt  }
0x6a: {  	_ =	shalt  }
0x6b: {  	_ =	shalt  }
0x6c: {  	_ =	shalt  }
0x6d: {  	_ =	shalt  }
0x6e: {  	_ =	shalt  }
0x6f: {  	_ =	shalt  }
0x70: {  	_ =	shalt  }
0x71: {  	_ =	shalt  }
0x72: {  	_ =	shalt  }
0x73: {  	_ =	shalt  }
0x74: {  	_ =	shalt  }
0x75: {  	_ =	shalt  }
0x76: {  	_ =	shalt  }
0x77: {  	_ =	shalt  }
0x78: {  	_ =	shalt  }
0x79: {  	_ =	shalt  }
0x7a: {  	_ =	shalt  }
0x7b: {  	_ =	shalt  }
0x7c: {  	_ =	shalt  }
0x7d: {  	_ =	shalt  }
0x7e: {  	_ =	shalt  }
0x7f: {  	_ =	shalt  }
0x80: {  	_ =	shalt  }
0x81: {  	_ =	shalt  }
0x82: {  	_ =	shalt  }
0x83: {  	_ =	shalt  }
0x84: {  	_ =	shalt  }
0x85: {  	_ =	shalt  }
0x86: {  	_ =	shalt  }
0x87: {  	_ =	shalt  }
.Lfunc_end0:
.L_simem_size_0:
called_computation_lowered:
.L_overlay_start_0:
0x88: {  	s2 =	sld [smem:$0x3FD9]  }
0x89: {  	s3 =	sld [smem:$0x3FFE];
	_ =	sdelay $0x1  }
0x8a: {  	s1 =	srdreg.scid  }
0x8b: {  	s0 =	sand.u32 $0x1, s1  }
0x8c: {  	s18 =	sshll.u32 s0, $0xA;
	s2 =	sadd.s32 s3, s2  }
0x8d: {  	s2 =	sadd.s32 s2, s18  }
0x8e: {  	[smem:$0x3FC7] =	sst s2  }
0x8f: {  	_ = 	snop  }
0x90: {  	s2 =	sld [smem:$0x3FC9]  }
0x91: {  	s19 =	sld [smem:$0x3FD0];
	(tm) =	ssettm $0x1  }
0x92: {  	s4 =	sld [smem:$0x3FFB];
	_ =	sdelay $0x3  }
0x93: {  	_ =	strace s4  }
0x94: {  	s4 =	sld [smem:$0x3FFC];
	_ =	sdelay $0x3  }
0x95: {  	_ =	strace s4  }
0x96: {  	s4 =	sld [smem:$0x3FFD];
	_ =	sdelay $0x3  }
0x97: {  	_ =	strace s4  }
0x98: {  	_ =	strace $0x8FFFFFFF  }
0x99: {  	s20 =	sld [smem:$0x3FDB];
	_ =	sdelay $0x1  }
0x9a: {  	s5 =	simm.s32 $_scs_section_size  }
0x9b: {  	s6 =	simm.s32 $_size__tile_overlayer_lowered;
	s7 =	simm.s32 $_tile_overlayer_lowered  }
0x9c: {  	s23 =	simm.s32 $0x1BFF;
	s22 =	sshll.u32 s7, $0x1;
	s4 =	sadd.s32 s5, s20  }
0x9d: {  	s8 =	simm.s32 $0x0;
	s21 =	sshll.u32 s6, $0x1;
	s6 =	sadd.s32 s22, s4  }
0x9e: {  	[timem:s8], [sflag:s23] =	dma.local [hbm:s6], s21  }
0x9f: {  	_ =	swait.ge [sflag:s23], s21  }
0xa0: {  	s5 =	ssub.s32 $0x0, s21;
	[sflag:s23] =	ssyncset.done $0x0  }
0xa1: {  	[sflag:s23] =	ssyncadd.s32 s5;
	_ =	sdelay $0x1  }
0xa2: {  	s24 =	simm.s32 $0x1B8B  }
0xa3: {  	_ =	swait.ge [sflag:s24], $0x1  }
0xa4: {  	[sflag:s24] =	ssyncset.done $0x0  }
0xa5: {  	s25 =	simm.s32 $0x1B8E;
	[sflag:s24] =	ssyncadd.s32 $0xFFFFFFFF  }
0xa6: {  	s26 =	simm.s32 $execute0_lowered;
	[smem:$0x3FD2] =	sst s25  }
0xa7: {  	s5 =	sshll.u32 s26, $0x1;
	_ =	strace $0x80000046;
	[dreg:$0x1] =	wrdreg $0xFFFFFFFF  }
0xa8: {  	s28 =	simm.s32 $_size_execute0_lowered;
	s4 =	sadd.s32 s4, s5;
	[dreg:$0x0] =	wrdreg $0x0  }
0xa9: {  	s5 =	sshll.u32 s28, $0x1;
	[dreg:$0x2] =	wrdreg s4  }
0xaa: {  	[dreg:$0x3] =	wrdreg s5  }
0xab: {  	[dreg:$0x4] =	wrdreg $0xC0  }
0xac: {  	_ =	task [dreg:s8], $0x5FFFF  }
0xad: {  	[dreg:$0x1] =	wrdreg $0xFFFFFFFF  }
0xae: {  	[dreg:$0x0] =	wrdreg $0x60  }
0xaf: {  	[dreg:$0x2] =	wrdreg s2  }
0xb0: {  	[dreg:$0x3] =	wrdreg s19  }
0xb1: {  	[dreg:$0x4] =	wrdreg $0x9  }
0xb2: {  	_ =	task.clear_ibuf [dreg:s8], $0x5FFFF;
	_ =	strace $0x90000046  }
0xb3: {  	s29 =	simm.s32 $0x9;
	_ =	strace $0x80000048  }
0xb4: {  	_ =	swait.ge [sflag:s29], $0x1  }
0xb5: {  	[sflag:s29] =	ssyncadd.s32 $0xFFFFFFFF  }
0xb6: {  	_ =	strace $0x90000048  }
0xb7: {  	_ =	sfence  }
0xb8: {  	s30 =	sld [smem:$0x0];
	_ =	sdelay $0x2  }
0xb9: {  	s31 =	sshll.u32 s1, $0xD;
	s1 =	sshrl.u32 s1, $0x2  }
0xba: {  	s3 =	sand.u32 $0x4000, s31;
	s1 =	sadd.s32 s1, s30  }
0xbb: {  	s0 =	sor.u32 s3, s0;
	s1 =	sshll.u32 s1, $0x11  }
0xbc: {  	s0 =	sor.u32 s1, s0  }
0xbd: {  	s0 =	sadd.s32 $0x8F2B, s0  }
0xbe: {  	[sflag:s0] =	ssyncadd.remote.s32 $0x1  }
0xbf: {  	_ =	sfence.sel $0xFFFF  }
0xc0: {  	[dreg:$0x0] =	wrdreg $0xFFFFFFFF;
	(pc) =	sbr.abs _section_cstart, $3  }
0xc1: {  	[dreg:$0x1] =	wrdreg $0xFFFFFFFF  }
0xc2: {  	_ =	task.clear_ibuf [dreg:s8], $0x2FFFF;
	_ =	strace $0x9FFFFFFF  }
0xc3: {  	(tm) =	ssettm $0x7FFFFFFF  }
tec
execute0_lowered:
.L_overlay_start_1:
0x0: {  	(tag) =	ssettag $0x1  }
0x1: {  	s1 =	srdreg.scid  }
0x2: {  	s2 =	rddreg [dreg:$0x0];
	s0 =	stileid.u32  }
0x3: {  	s3 =	rddreg [dreg:$0x1];
	s14 =	simm.s32 $0x4000;
	s15 =	simm.s32 $0x1  }
0x4: {  	s16 =	simm.s32 $0x2;
	s17 =	simm.s32 $0x3;
	s18 =	simm.s32 $0x4  }
0x5: {  	s19 =	simm.s32 $0x0;
	s6 =	sand.u32 $0x1, s1;
	s4 =	sshll.u32 s0, $0x8  }
0x6: {  	s1 =	rddreg [dreg:$0x2];
	s5 =	sshll.u32 s6, $0x7;
	s7 =	ssub.s32 $0x2, s6  }
0x7: {  	s4 =	sor.u32 s5, s4;
	s5 =	simm.s32 $0x0;
	s9 =	sshrl.u32 s7, $0x1  }
0x8: {  	s8 =	sshll.u32 s4, $0x7;
	[smem:$0x7FF] =	sst s5;
	s13 =	ssub.s32 s7, s9  }
0x9: {  	s9 =	sor.u32 $0x20, s4;
	s10 =	sor.u32 $0x30, s4;
	s6 =	sadd.s32 s2, s8  }
0xa: {  	_ =	strace $0x80000047;
	s8 =	sadd.s32 s3, s8;
	s13 =	smax.u32 s13, $0x1  }
0xb: {  	s7 =	sadd.s32 $0x800, s6;
	s11 =	sadd.s32 $0x3000, s8;
	s12 =	sadd.s32 $0x3800, s8  }
.LBB2_1:
0xc: {  	[tilespmem:s5], [sflag:$0x1] =	stream.linear.gather [hbm4b:s6+s5], $0x4000, $0x38;
	[tilespmem:$0x8000] =	vst v63  }
0xd: {  	s20 =	simm.s32 $0x0  }
0xe: {  	[tilespmem:s14], [sflag:$0x2] =	stream.linear.gather [hbm4b:s7+s5], $0x4000, $0x38;
	[tilespmem:$0x8000] =	vst v63  }
.LBB2_2:
0xf: {  	_ =	swait.ge [sflag:s15], $0x4000  }
0x10: {  	s21 =	simm.s32 $0x0;
	s22 =	simm.s32 $0xFFFFC000;
	[sflag:s15] =	ssyncset.done $0x0  }
0x11: {  	s23 =	simm.s32 $0x0;
	s24 =	simm.s32 $0x0;
	[sflag:s15] =	ssyncadd.s32 $0xFFFFC000  }
.LBB2_3:
0x12: {  	s25 =	sadd.s32 $0x4000, s22  }
0x13: {  	s26 =	sand.u32 $0x380, s24;
	s25 =	sand.u32 $0x2000, s25  }
0x14: {  	s25 =	sor.u32 s26, s25  }
0x15: {  	v0 =	vld [tilespmem:s25+$0x0]  }
0x16: {  	v1 =	vld [tilespmem:s25+$0x10]  }
0x17: {  	v2 =	vld [tilespmem:s25+$0x20]  }
0x18: {  	v3 =	vld [tilespmem:s25+$0x30]  }
0x19: {  	v4 =	vld [tilespmem:s25+$0x50]  }
0x1a: {  	v5 =	vld [tilespmem:s25+$0x60];
	v0 =	vmul.f32 $3.125000000e-02, v0  }
0x1b: {  	v6 =	vld [tilespmem:s25+$0x70];
	v1 =	vmul.f32 $3.125000000e-02, v1  }
0x1c: {  	v23 =	vld [tilespmem:s25+$0x400];
	v22 =	vmul.f32 $3.125000000e-02, v2;
	[tilespmem:s25+$0x0] =	vst v0  }
0x1d: {  	v25 =	vld [tilespmem:s25+$0x410];
	v24 =	vmul.f32 $3.125000000e-02, v3;
	[tilespmem:s25+$0x10] =	vst v1  }
0x1e: {  	v27 =	vld [tilespmem:s25+$0x420];
	v26 =	vmul.f32 $3.125000000e-02, v4;
	[tilespmem:s25+$0x20] =	vst v22  }
0x1f: {  	v29 =	vld [tilespmem:s25+$0x430];
	v28 =	vmul.f32 $3.125000000e-02, v5;
	[tilespmem:s25+$0x30] =	vst v24  }
0x20: {  	v31 =	vld [tilespmem:s25+$0x450];
	v30 =	vmul.f32 $3.125000000e-02, v6;
	[tilespmem:s25+$0x50] =	vst v26  }
0x21: {  	v33 =	vld [tilespmem:s25+$0x460];
	v32 =	vmul.f32 $3.125000000e-02, v23;
	[tilespmem:s25+$0x60] =	vst v28  }
0x22: {  	v35 =	vld [tilespmem:s25+$0x470];
	v34 =	vmul.f32 $3.125000000e-02, v25;
	[tilespmem:s25+$0x70] =	vst v30  }
0x23: {  	v37 =	vld [tilespmem:s25+$0x800];
	v36 =	vmul.f32 $3.125000000e-02, v27;
	[tilespmem:s25+$0x400] =	vst v32  }
0x24: {  	v39 =	vld [tilespmem:s25+$0x810];
	v38 =	vmul.f32 $3.125000000e-02, v29;
	[tilespmem:s25+$0x410] =	vst v34  }
0x25: {  	v41 =	vld [tilespmem:s25+$0x820];
	v40 =	vmul.f32 $3.125000000e-02, v31;
	[tilespmem:s25+$0x420] =	vst v36  }
0x26: {  	v43 =	vld [tilespmem:s25+$0x830];
	v42 =	vmul.f32 $3.125000000e-02, v33;
	[tilespmem:s25+$0x430] =	vst v38  }
0x27: {  	v45 =	vld [tilespmem:s25+$0x850];
	v44 =	vmul.f32 $3.125000000e-02, v35;
	[tilespmem:s25+$0x450] =	vst v40  }
0x28: {  	v47 =	vld [tilespmem:s25+$0x860];
	v46 =	vmul.f32 $3.125000000e-02, v37;
	[tilespmem:s25+$0x460] =	vst v42  }
0x29: {  	v49 =	vld [tilespmem:s25+$0x870];
	v48 =	vmul.f32 $3.125000000e-02, v39;
	[tilespmem:s25+$0x470] =	vst v44  }
0x2a: {  	v51 =	vld [tilespmem:s25+$0xC00];
	v50 =	vmul.f32 $3.125000000e-02, v41;
	[tilespmem:s25+$0x800] =	vst v46  }
0x2b: {  	v53 =	vld [tilespmem:s25+$0xC10];
	v52 =	vmul.f32 $3.125000000e-02, v43;
	[tilespmem:s25+$0x810] =	vst v48  }
0x2c: {  	v55 =	vld [tilespmem:s25+$0xC20];
	v54 =	vmul.f32 $3.125000000e-02, v45;
	[tilespmem:s25+$0x820] =	vst v50  }
0x2d: {  	v57 =	vld [tilespmem:s25+$0xC30];
	v56 =	vmul.f32 $3.125000000e-02, v47;
	[tilespmem:s25+$0x830] =	vst v52  }
0x2e: {  	v59 =	vld [tilespmem:s25+$0xC50];
	v58 =	vmul.f32 $3.125000000e-02, v49;
	[tilespmem:s25+$0x850] =	vst v54  }
0x2f: {  	v61 =	vld [tilespmem:s25+$0xC60];
	v60 =	vmul.f32 $3.125000000e-02, v51;
	[tilespmem:s25+$0x860] =	vst v56  }
0x30: {  	v63 =	vld [tilespmem:s25+$0xC70];
	v62 =	vmul.f32 $3.125000000e-02, v53;
	[tilespmem:s25+$0x870] =	vst v58  }
0x31: {  	v9 =	vld [tilespmem:s25+$0x1000];
	v8 =	vmul.f32 $3.125000000e-02, v55;
	[tilespmem:s25+$0xC00] =	vst v60  }
0x32: {  	v11 =	vld [tilespmem:s25+$0x1010];
	v10 =	vmul.f32 $3.125000000e-02, v57;
	[tilespmem:s25+$0xC10] =	vst v62  }
0x33: {  	v13 =	vld [tilespmem:s25+$0x1020];
	v12 =	vmul.f32 $3.125000000e-02, v59;
	[tilespmem:s25+$0xC20] =	vst v8  }
0x34: {  	v15 =	vld [tilespmem:s25+$0x1030];
	v14 =	vmul.f32 $3.125000000e-02, v61;
	[tilespmem:s25+$0xC30] =	vst v10  }
0x35: {  	v17 =	vld [tilespmem:s25+$0x1050];
	v16 =	vmul.f32 $3.125000000e-02, v63;
	[tilespmem:s25+$0xC50] =	vst v12  }
0x36: {  	v19 =	vld [tilespmem:s25+$0x1060];
	v18 =	vmul.f32 $3.125000000e-02, v9;
	[tilespmem:s25+$0xC60] =	vst v14  }
0x37: {  	v21 =	vld [tilespmem:s25+$0x1070];
	v20 =	vmul.f32 $3.125000000e-02, v11;
	[tilespmem:s25+$0xC70] =	vst v16  }
0x38: {  	v23 =	vld [tilespmem:s25+$0x1400];
	[tilespmem:s25+$0x1000] =	vst v18;
	v22 =	vmul.f32 $3.125000000e-02, v13  }
0x39: {  	v25 =	vld [tilespmem:s25+$0x1410];
	[tilespmem:s25+$0x1010] =	vst v20;
	v24 =	vmul.f32 $3.125000000e-02, v15  }
0x3a: {  	v27 =	vld [tilespmem:s25+$0x1420];
	v26 =	vmul.f32 $3.125000000e-02, v17;
	[tilespmem:s25+$0x1020] =	vst v22  }
0x3b: {  	v29 =	vld [tilespmem:s25+$0x1430];
	v28 =	vmul.f32 $3.125000000e-02, v19;
	[tilespmem:s25+$0x1030] =	vst v24  }
0x3c: {  	v31 =	vld [tilespmem:s25+$0x1450];
	v30 =	vmul.f32 $3.125000000e-02, v21;
	[tilespmem:s25+$0x1050] =	vst v26  }
0x3d: {  	v33 =	vld [tilespmem:s25+$0x1460];
	[tilespmem:s25+$0x1060] =	vst v28;
	v32 =	vmul.f32 $3.125000000e-02, v23  }
0x3e: {  	v35 =	vld [tilespmem:s25+$0x1470];
	[tilespmem:s25+$0x1070] =	vst v30;
	v34 =	vmul.f32 $3.125000000e-02, v25  }
0x3f: {  	v37 =	vld [tilespmem:s25+$0x1800];
	v36 =	vmul.f32 $3.125000000e-02, v27;
	[tilespmem:s25+$0x1400] =	vst v32  }
0x40: {  	v39 =	vld [tilespmem:s25+$0x1810];
	v38 =	vmul.f32 $3.125000000e-02, v29;
	[tilespmem:s25+$0x1410] =	vst v34  }
0x41: {  	v41 =	vld [tilespmem:s25+$0x1820];
	v40 =	vmul.f32 $3.125000000e-02, v31;
	[tilespmem:s25+$0x1420] =	vst v36  }
0x42: {  	v43 =	vld [tilespmem:s25+$0x1830];
	v42 =	vmul.f32 $3.125000000e-02, v33;
	[tilespmem:s25+$0x1430] =	vst v38  }
0x43: {  	v45 =	vld [tilespmem:s25+$0x1850];
	v44 =	vmul.f32 $3.125000000e-02, v35;
	[tilespmem:s25+$0x1450] =	vst v40  }
0x44: {  	v47 =	vld [tilespmem:s25+$0x1860];
	v46 =	vmul.f32 $3.125000000e-02, v37;
	[tilespmem:s25+$0x1460] =	vst v42  }
0x45: {  	v49 =	vld [tilespmem:s25+$0x1870];
	v48 =	vmul.f32 $3.125000000e-02, v39;
	[tilespmem:s25+$0x1470] =	vst v44  }
0x46: {  	v51 =	vld [tilespmem:s25+$0x440];
	v4 =	vmul.f32 $3.125000000e-02, v41;
	[tilespmem:s25+$0x1800] =	vst v46  }
0x47: {  	v53 =	vld [tilespmem:s25+$0xC40];
	v5 =	vmul.f32 $3.125000000e-02, v43;
	[tilespmem:s25+$0x1810] =	vst v48  }
0x48: {  	v55 =	vld [tilespmem:s25+$0x1440];
	v6 =	vmul.f32 $3.125000000e-02, v45;
	[tilespmem:s25+$0x1820] =	vst v4  }
0x49: {  	s28 =	sand.u32 $0x7, s21;
	v50 =	vld [tilespmem:s25+$0x40];
	v2 =	vmul.f32 $3.125000000e-02, v47;
	[tilespmem:s25+$0x1830] =	vst v5  }
0x4a: {  	s26 =	sshll.u32 s28, $0x7;
	v52 =	vld [tilespmem:s25+$0x840];
	v3 =	vmul.f32 $3.125000000e-02, v49;
	[tilespmem:s25+$0x1850] =	vst v6  }
0x4b: {  	s26 =	sadd.s32 s26, s23;
	v54 =	vld [tilespmem:s25+$0x1040];
	v1 =	vmul.f32 $3.125000000e-02, v51;
	[tilespmem:s25+$0x1860] =	vst v2  }
0x4c: {  	s28 =	sor.u32 $0x1C00, s26;
	v56 =	vld [tilespmem:s25+$0x1840];
	v59 =	vmul.f32 $3.125000000e-02, v53;
	[tilespmem:s25+$0x1870] =	vst v3  }
0x4d: {  	v61 =	vmul.f32 $3.125000000e-02, v55;
	[tilespmem:s25+$0x440] =	vst v1;
	v58 =	vld [tilespmem:s28+$0x0]  }
0x4e: {  	v0 =	vmul.f32 $3.125000000e-02, v50;
	[tilespmem:s25+$0xC40] =	vst v59  }
0x4f: {  	v57 =	vmul.f32 $3.125000000e-02, v52;
	[tilespmem:s25+$0x1440] =	vst v61  }
0x50: {  	v60 =	vmul.f32 $3.125000000e-02, v54;
	[tilespmem:s25+$0x40] =	vst v0  }
0x51: {  	v62 =	vmul.f32 $3.125000000e-02, v56;
	[tilespmem:s25+$0x840] =	vst v57  }
0x52: {  	[tilespmem:s25+$0x1040] =	vst v60;
	v63 =	vmul.f32 $3.125000000e-02, v58  }
0x53: {  	[tilespmem:s25+$0x1840] =	vst v62  }
0x54: {  	s29 =	sor.u32 $0x1C10, s26;
	[tilespmem:s28+$0x0] =	vst v63  }
0x55: {  	v0 =	vld [tilespmem:s29+$0x0];
	_ =	sdelay $0x4  }
0x56: {  	v0 =	vmul.f32 $3.125000000e-02, v0;
	_ =	sdelay $0x1  }
0x57: {  	s30 =	sor.u32 $0x1C20, s26;
	[tilespmem:s29+$0x0] =	vst v0  }
0x58: {  	v0 =	vld [tilespmem:s30+$0x0];
	_ =	sdelay $0x4  }
0x59: {  	v0 =	vmul.f32 $3.125000000e-02, v0;
	_ =	sdelay $0x1  }
0x5a: {  	s31 =	sor.u32 $0x1C30, s26;
	[tilespmem:s30+$0x0] =	vst v0  }
0x5b: {  	v0 =	vld [tilespmem:s31+$0x0];
	_ =	sdelay $0x4  }
0x5c: {  	v0 =	vmul.f32 $3.125000000e-02, v0;
	_ =	sdelay $0x1  }
0x5d: {  	s28 =	sor.u32 $0x1C40, s26;
	[tilespmem:s31+$0x0] =	vst v0  }
0x5e: {  	v0 =	vld [tilespmem:s28+$0x0];
	_ =	sdelay $0x4  }
0x5f: {  	v0 =	vmul.f32 $3.125000000e-02, v0;
	_ =	sdelay $0x1  }
0x60: {  	s29 =	sor.u32 $0x1C50, s26;
	[tilespmem:s28+$0x0] =	vst v0  }
0x61: {  	v0 =	vld [tilespmem:s29+$0x0];
	_ =	sdelay $0x4  }
0x62: {  	v0 =	vmul.f32 $3.125000000e-02, v0;
	_ =	sdelay $0x1  }
0x63: {  	s30 =	sor.u32 $0x1C60, s26;
	[tilespmem:s29+$0x0] =	vst v0  }
0x64: {  	v0 =	vld [tilespmem:s30+$0x0];
	_ =	sdelay $0x4  }
0x65: {  	v0 =	vmul.f32 $3.125000000e-02, v0;
	_ =	sdelay $0x1  }
0x66: {  	s31 =	sor.u32 $0x1C70, s26;
	[tilespmem:s30+$0x0] =	vst v0  }
0x67: {  	v0 =	vld [tilespmem:s31+$0x0];
	_ =	sdelay $0x1  }
0x68: {  	p0 =	sne.s32 s24, $0x780  }
.Ltmp0:
0x69: {  	_ = 	snop;
	(pc) =	sbr.rel @p0 .LBB2_3-.Ltmp0, $4  }
0x6a: {  	_ = 	snop  }
0x6b: {  	v0 =	vmul.f32 $3.125000000e-02, v0  }
0x6c: {  	s21 =	sadd.s32 $0x1, s21  }
0x6d: {  	s22 =	sadd.s32 $0x400, s22;
	s24 =	sadd.s32 $0x80, s24;
	s23 =	sadd.s32 $0x400, s23;
	[tilespmem:s31+$0x0] =	vst v0  }
0x6e: {  	s21 =	sshll.u32 s20, $0xC  }
0x6f: {  	s22 =	sadd.s32 s21, s8;
	s21 =	simm.s32 $0x0  }
0x70: {  	[hbm4b:s22+s21] =	stream.linear.scatter [tilespmem:s21], [sflag:$0x3], $0x4000, $0x38;
	[tilespmem:$0x8000] =	vst v63  }
0x71: {  	_ =	swait.ge [sflag:s16], $0x4000  }
0x72: {  	s23 =	simm.s32 $0x0;
	[sflag:s16] =	ssyncset.done $0x0  }
0x73: {  	s24 =	simm.s32 $0x0;
	s22 =	simm.s32 $0xFFFFC000;
	[sflag:s16] =	ssyncadd.s32 $0xFFFFC000  }
.LBB2_5:
0x74: {  	s25 =	sadd.s32 $0x4000, s22  }
0x75: {  	s26 =	sand.u32 $0x380, s24;
	s25 =	sand.u32 $0x2000, s25  }
0x76: {  	s25 =	sor.u32 s26, s25  }
0x77: {  	v0 =	vld [tilespmem:s25+$0x4000]  }
0x78: {  	v1 =	vld [tilespmem:s25+$0x4010]  }
0x79: {  	v2 =	vld [tilespmem:s25+$0x4020]  }
0x7a: {  	v3 =	vld [tilespmem:s25+$0x4030]  }
0x7b: {  	v4 =	vld [tilespmem:s25+$0x4050]  }
0x7c: {  	v5 =	vld [tilespmem:s25+$0x4060];
	v0 =	vmul.f32 $3.125000000e-02, v0  }
0x7d: {  	v6 =	vld [tilespmem:s25+$0x4070];
	v1 =	vmul.f32 $3.125000000e-02, v1  }
0x7e: {  	v23 =	vld [tilespmem:s25+$0x4400];
	v22 =	vmul.f32 $3.125000000e-02, v2;
	[tilespmem:s25+$0x4000] =	vst v0  }
0x7f: {  	v25 =	vld [tilespmem:s25+$0x4410];
	v24 =	vmul.f32 $3.125000000e-02, v3;
	[tilespmem:s25+$0x4010] =	vst v1  }
0x80: {  	v27 =	vld [tilespmem:s25+$0x4420];
	v26 =	vmul.f32 $3.125000000e-02, v4;
	[tilespmem:s25+$0x4020] =	vst v22  }
0x81: {  	v29 =	vld [tilespmem:s25+$0x4430];
	v28 =	vmul.f32 $3.125000000e-02, v5;
	[tilespmem:s25+$0x4030] =	vst v24  }
0x82: {  	v31 =	vld [tilespmem:s25+$0x4450];
	v30 =	vmul.f32 $3.125000000e-02, v6;
	[tilespmem:s25+$0x4050] =	vst v26  }
0x83: {  	v33 =	vld [tilespmem:s25+$0x4460];
	v32 =	vmul.f32 $3.125000000e-02, v23;
	[tilespmem:s25+$0x4060] =	vst v28  }
0x84: {  	v35 =	vld [tilespmem:s25+$0x4470];
	v34 =	vmul.f32 $3.125000000e-02, v25;
	[tilespmem:s25+$0x4070] =	vst v30  }
0x85: {  	v37 =	vld [tilespmem:s25+$0x4800];
	v36 =	vmul.f32 $3.125000000e-02, v27;
	[tilespmem:s25+$0x4400] =	vst v32  }
0x86: {  	v39 =	vld [tilespmem:s25+$0x4810];
	v38 =	vmul.f32 $3.125000000e-02, v29;
	[tilespmem:s25+$0x4410] =	vst v34  }
0x87: {  	v41 =	vld [tilespmem:s25+$0x4820];
	v40 =	vmul.f32 $3.125000000e-02, v31;
	[tilespmem:s25+$0x4420] =	vst v36  }
0x88: {  	v43 =	vld [tilespmem:s25+$0x4830];
	v42 =	vmul.f32 $3.125000000e-02, v33;
	[tilespmem:s25+$0x4430] =	vst v38  }
0x89: {  	v45 =	vld [tilespmem:s25+$0x4850];
	v44 =	vmul.f32 $3.125000000e-02, v35;
	[tilespmem:s25+$0x4450] =	vst v40  }
0x8a: {  	v47 =	vld [tilespmem:s25+$0x4860];
	v46 =	vmul.f32 $3.125000000e-02, v37;
	[tilespmem:s25+$0x4460] =	vst v42  }
0x8b: {  	v49 =	vld [tilespmem:s25+$0x4870];
	v48 =	vmul.f32 $3.125000000e-02, v39;
	[tilespmem:s25+$0x4470] =	vst v44  }
0x8c: {  	v51 =	vld [tilespmem:s25+$0x4C00];
	v50 =	vmul.f32 $3.125000000e-02, v41;
	[tilespmem:s25+$0x4800] =	vst v46  }
0x8d: {  	v53 =	vld [tilespmem:s25+$0x4C10];
	v52 =	vmul.f32 $3.125000000e-02, v43;
	[tilespmem:s25+$0x4810] =	vst v48  }
0x8e: {  	v55 =	vld [tilespmem:s25+$0x4C20];
	v54 =	vmul.f32 $3.125000000e-02, v45;
	[tilespmem:s25+$0x4820] =	vst v50  }
0x8f: {  	v57 =	vld [tilespmem:s25+$0x4C30];
	v56 =	vmul.f32 $3.125000000e-02, v47;
	[tilespmem:s25+$0x4830] =	vst v52  }
0x90: {  	v59 =	vld [tilespmem:s25+$0x4C50];
	v58 =	vmul.f32 $3.125000000e-02, v49;
	[tilespmem:s25+$0x4850] =	vst v54  }
0x91: {  	v61 =	vld [tilespmem:s25+$0x4C60];
	v60 =	vmul.f32 $3.125000000e-02, v51;
	[tilespmem:s25+$0x4860] =	vst v56  }
0x92: {  	v63 =	vld [tilespmem:s25+$0x4C70];
	v62 =	vmul.f32 $3.125000000e-02, v53;
	[tilespmem:s25+$0x4870] =	vst v58  }
0x93: {  	v9 =	vld [tilespmem:s25+$0x5000];
	v8 =	vmul.f32 $3.125000000e-02, v55;
	[tilespmem:s25+$0x4C00] =	vst v60  }
0x94: {  	v11 =	vld [tilespmem:s25+$0x5010];
	v10 =	vmul.f32 $3.125000000e-02, v57;
	[tilespmem:s25+$0x4C10] =	vst v62  }
0x95: {  	v13 =	vld [tilespmem:s25+$0x5020];
	v12 =	vmul.f32 $3.125000000e-02, v59;
	[tilespmem:s25+$0x4C20] =	vst v8  }
0x96: {  	v15 =	vld [tilespmem:s25+$0x5030];
	v14 =	vmul.f32 $3.125000000e-02, v61;
	[tilespmem:s25+$0x4C30] =	vst v10  }
0x97: {  	v17 =	vld [tilespmem:s25+$0x5050];
	v16 =	vmul.f32 $3.125000000e-02, v63;
	[tilespmem:s25+$0x4C50] =	vst v12  }
0x98: {  	v19 =	vld [tilespmem:s25+$0x5060];
	v18 =	vmul.f32 $3.125000000e-02, v9;
	[tilespmem:s25+$0x4C60] =	vst v14  }
0x99: {  	v21 =	vld [tilespmem:s25+$0x5070];
	v20 =	vmul.f32 $3.125000000e-02, v11;
	[tilespmem:s25+$0x4C70] =	vst v16  }
0x9a: {  	v23 =	vld [tilespmem:s25+$0x5400];
	[tilespmem:s25+$0x5000] =	vst v18;
	v22 =	vmul.f32 $3.125000000e-02, v13  }
0x9b: {  	v25 =	vld [tilespmem:s25+$0x5410];
	[tilespmem:s25+$0x5010] =	vst v20;
	v24 =	vmul.f32 $3.125000000e-02, v15  }
0x9c: {  	v27 =	vld [tilespmem:s25+$0x5420];
	v26 =	vmul.f32 $3.125000000e-02, v17;
	[tilespmem:s25+$0x5020] =	vst v22  }
0x9d: {  	v29 =	vld [tilespmem:s25+$0x5430];
	v28 =	vmul.f32 $3.125000000e-02, v19;
	[tilespmem:s25+$0x5030] =	vst v24  }
0x9e: {  	v31 =	vld [tilespmem:s25+$0x5450];
	v30 =	vmul.f32 $3.125000000e-02, v21;
	[tilespmem:s25+$0x5050] =	vst v26  }
0x9f: {  	v33 =	vld [tilespmem:s25+$0x5460];
	[tilespmem:s25+$0x5060] =	vst v28;
	v32 =	vmul.f32 $3.125000000e-02, v23  }
0xa0: {  	v35 =	vld [tilespmem:s25+$0x5470];
	[tilespmem:s25+$0x5070] =	vst v30;
	v34 =	vmul.f32 $3.125000000e-02, v25  }
0xa1: {  	v37 =	vld [tilespmem:s25+$0x5800];
	v36 =	vmul.f32 $3.125000000e-02, v27;
	[tilespmem:s25+$0x5400] =	vst v32  }
0xa2: {  	v39 =	vld [tilespmem:s25+$0x5810];
	v38 =	vmul.f32 $3.125000000e-02, v29;
	[tilespmem:s25+$0x5410] =	vst v34  }
0xa3: {  	v41 =	vld [tilespmem:s25+$0x5820];
	v40 =	vmul.f32 $3.125000000e-02, v31;
	[tilespmem:s25+$0x5420] =	vst v36  }
0xa4: {  	v43 =	vld [tilespmem:s25+$0x5830];
	v42 =	vmul.f32 $3.125000000e-02, v33;
	[tilespmem:s25+$0x5430] =	vst v38  }
0xa5: {  	v45 =	vld [tilespmem:s25+$0x5850];
	v44 =	vmul.f32 $3.125000000e-02, v35;
	[tilespmem:s25+$0x5450] =	vst v40  }
0xa6: {  	v47 =	vld [tilespmem:s25+$0x5860];
	v46 =	vmul.f32 $3.125000000e-02, v37;
	[tilespmem:s25+$0x5460] =	vst v42  }
0xa7: {  	v49 =	vld [tilespmem:s25+$0x5870];
	v48 =	vmul.f32 $3.125000000e-02, v39;
	[tilespmem:s25+$0x5470] =	vst v44  }
0xa8: {  	v51 =	vld [tilespmem:s25+$0x4440];
	v4 =	vmul.f32 $3.125000000e-02, v41;
	[tilespmem:s25+$0x5800] =	vst v46  }
0xa9: {  	v53 =	vld [tilespmem:s25+$0x4C40];
	v5 =	vmul.f32 $3.125000000e-02, v43;
	[tilespmem:s25+$0x5810] =	vst v48  }
0xaa: {  	v55 =	vld [tilespmem:s25+$0x5440];
	v6 =	vmul.f32 $3.125000000e-02, v45;
	[tilespmem:s25+$0x5820] =	vst v4  }
0xab: {  	s28 =	sand.u32 $0x7, s21;
	v50 =	vld [tilespmem:s25+$0x4040];
	v2 =	vmul.f32 $3.125000000e-02, v47;
	[tilespmem:s25+$0x5830] =	vst v5  }
0xac: {  	s26 =	sshll.u32 s28, $0x7;
	v52 =	vld [tilespmem:s25+$0x4840];
	v3 =	vmul.f32 $3.125000000e-02, v49;
	[tilespmem:s25+$0x5850] =	vst v6  }
0xad: {  	s26 =	sadd.s32 s26, s23;
	v54 =	vld [tilespmem:s25+$0x5040];
	v1 =	vmul.f32 $3.125000000e-02, v51;
	[tilespmem:s25+$0x5860] =	vst v2  }
0xae: {  	s28 =	sor.u32 $0x1C00, s26;
	v56 =	vld [tilespmem:s25+$0x5840];
	v59 =	vmul.f32 $3.125000000e-02, v53;
	[tilespmem:s25+$0x5870] =	vst v3  }
0xaf: {  	v61 =	vmul.f32 $3.125000000e-02, v55;
	[tilespmem:s25+$0x4440] =	vst v1;
	v58 =	vld [tilespmem:s28+$0x4000]  }
0xb0: {  	v0 =	vmul.f32 $3.125000000e-02, v50;
	[tilespmem:s25+$0x4C40] =	vst v59  }
0xb1: {  	v57 =	vmul.f32 $3.125000000e-02, v52;
	[tilespmem:s25+$0x5440] =	vst v61  }
0xb2: {  	v60 =	vmul.f32 $3.125000000e-02, v54;
	[tilespmem:s25+$0x4040] =	vst v0  }
0xb3: {  	v62 =	vmul.f32 $3.125000000e-02, v56;
	[tilespmem:s25+$0x4840] =	vst v57  }
0xb4: {  	[tilespmem:s25+$0x5040] =	vst v60;
	v63 =	vmul.f32 $3.125000000e-02, v58  }
0xb5: {  	[tilespmem:s25+$0x5840] =	vst v62  }
0xb6: {  	s29 =	sor.u32 $0x1C10, s26;
	[tilespmem:s28+$0x4000] =	vst v63  }
0xb7: {  	v0 =	vld [tilespmem:s29+$0x4000];
	_ =	sdelay $0x4  }
0xb8: {  	v0 =	vmul.f32 $3.125000000e-02, v0;
	_ =	sdelay $0x1  }
0xb9: {  	s30 =	sor.u32 $0x1C20, s26;
	[tilespmem:s29+$0x4000] =	vst v0  }
0xba: {  	v0 =	vld [tilespmem:s30+$0x4000];
	_ =	sdelay $0x4  }
0xbb: {  	v0 =	vmul.f32 $3.125000000e-02, v0;
	_ =	sdelay $0x1  }
0xbc: {  	s31 =	sor.u32 $0x1C30, s26;
	[tilespmem:s30+$0x4000] =	vst v0  }
0xbd: {  	v0 =	vld [tilespmem:s31+$0x4000];
	_ =	sdelay $0x4  }
0xbe: {  	v0 =	vmul.f32 $3.125000000e-02, v0;
	_ =	sdelay $0x1  }
0xbf: {  	s28 =	sor.u32 $0x1C40, s26;
	[tilespmem:s31+$0x4000] =	vst v0  }
0xc0: {  	v0 =	vld [tilespmem:s28+$0x4000];
	_ =	sdelay $0x4  }
0xc1: {  	v0 =	vmul.f32 $3.125000000e-02, v0;
	_ =	sdelay $0x1  }
0xc2: {  	s29 =	sor.u32 $0x1C50, s26;
	[tilespmem:s28+$0x4000] =	vst v0  }
0xc3: {  	v0 =	vld [tilespmem:s29+$0x4000];
	_ =	sdelay $0x4  }
0xc4: {  	v0 =	vmul.f32 $3.125000000e-02, v0;
	_ =	sdelay $0x1  }
0xc5: {  	s30 =	sor.u32 $0x1C60, s26;
	[tilespmem:s29+$0x4000] =	vst v0  }
0xc6: {  	v0 =	vld [tilespmem:s30+$0x4000];
	_ =	sdelay $0x4  }
0xc7: {  	v0 =	vmul.f32 $3.125000000e-02, v0;
	_ =	sdelay $0x1  }
0xc8: {  	s31 =	sor.u32 $0x1C70, s26;
	[tilespmem:s30+$0x4000] =	vst v0  }
0xc9: {  	v0 =	vld [tilespmem:s31+$0x4000];
	_ =	sdelay $0x1  }
0xca: {  	p0 =	sne.s32 s24, $0x780  }
.Ltmp1:
0xcb: {  	_ = 	snop;
	(pc) =	sbr.rel @p0 .LBB2_5-.Ltmp1, $4  }
0xcc: {  	_ = 	snop  }
0xcd: {  	v0 =	vmul.f32 $3.125000000e-02, v0  }
0xce: {  	s21 =	sadd.s32 $0x1, s21  }
0xcf: {  	s22 =	sadd.s32 $0x400, s22;
	s24 =	sadd.s32 $0x80, s24;
	s23 =	sadd.s32 $0x400, s23;
	[tilespmem:s31+$0x4000] =	vst v0  }
0xd0: {  	s21 =	sshll.u32 s20, $0x5  }
0xd1: {  	s22 =	sadd.s32 s21, s4  }
0xd2: {  	s22 =	sshll.u32 s22, $0x7  }
0xd3: {  	s22 =	sadd.s32 s3, s22  }
0xd4: {  	s22 =	sadd.s32 $0x800, s22  }
0xd5: {  	[hbm4b:s22+s5] =	stream.linear.scatter [tilespmem:s14], [sflag:$0x4], $0x4000, $0x38;
	[tilespmem:$0x8000] =	vst v63  }
0xd6: {  	s31 =	sadd.s32 s21, s9;
	_ =	swait.ge [sflag:s17], $0x4000  }
0xd7: {  	s20 =	sadd.s32 $0x1, s20;
	s22 =	sshll.u32 s31, $0x7;
	[sflag:s17] =	ssyncset.done $0x0  }
0xd8: {  	p0 =	sne.s32 s20, $0x3;
	s22 =	sadd.s32 s2, s22;
	[sflag:s17] =	ssyncadd.s32 $0xFFFFC000  }
0xd9: {  	[tilespmem:s5], [sflag:$0x1] =	stream.linear.gather [hbm4b:s22+s5], $0x4000, $0x38;
	[tilespmem:$0x8000] =	vst v63  }
.Ltmp2:
0xda: {  	_ = 	snop;
	(pc) =	sbr.rel @p0 .LBB2_2-.Ltmp2, $4  }
0xdb: {  	s21 =	sadd.s32 s21, s10;
	_ =	swait.ge [sflag:s18], $0x4000  }
0xdc: {  	s21 =	sshll.u32 s21, $0x7;
	[sflag:s18] =	ssyncset.done $0x0  }
0xdd: {  	s21 =	sadd.s32 s2, s21;
	[sflag:s18] =	ssyncadd.s32 $0xFFFFC000  }
0xde: {  	[tilespmem:s14], [sflag:$0x2] =	stream.linear.gather [hbm4b:s21+s5], $0x4000, $0x38;
	[tilespmem:$0x8000] =	vst v63  }
0xdf: {  	_ =	swait.ge [sflag:s15], $0x4000  }
0xe0: {  	s20 =	simm.s32 $0x0;
	s21 =	simm.s32 $0xFFFFC000;
	[sflag:s15] =	ssyncset.done $0x0  }
0xe1: {  	s22 =	simm.s32 $0x0;
	s23 =	simm.s32 $0x0;
	[sflag:s15] =	ssyncadd.s32 $0xFFFFC000  }
.LBB2_8:
0xe2: {  	s24 =	sadd.s32 $0x4000, s21  }
0xe3: {  	s25 =	sand.u32 $0x380, s23;
	s24 =	sand.u32 $0x2000, s24  }
0xe4: {  	s24 =	sor.u32 s25, s24  }
0xe5: {  	v0 =	vld [tilespmem:s24+$0x0]  }
0xe6: {  	v1 =	vld [tilespmem:s24+$0x10]  }
0xe7: {  	v2 =	vld [tilespmem:s24+$0x20]  }
0xe8: {  	v3 =	vld [tilespmem:s24+$0x30]  }
0xe9: {  	v4 =	vld [tilespmem:s24+$0x50]  }
0xea: {  	v5 =	vld [tilespmem:s24+$0x60];
	v0 =	vmul.f32 $3.125000000e-02, v0  }
0xeb: {  	v6 =	vld [tilespmem:s24+$0x70];
	v1 =	vmul.f32 $3.125000000e-02, v1  }
0xec: {  	v23 =	vld [tilespmem:s24+$0x400];
	v22 =	vmul.f32 $3.125000000e-02, v2;
	[tilespmem:s24+$0x0] =	vst v0  }
0xed: {  	v25 =	vld [tilespmem:s24+$0x410];
	v24 =	vmul.f32 $3.125000000e-02, v3;
	[tilespmem:s24+$0x10] =	vst v1  }
0xee: {  	v27 =	vld [tilespmem:s24+$0x420];
	v26 =	vmul.f32 $3.125000000e-02, v4;
	[tilespmem:s24+$0x20] =	vst v22  }
0xef: {  	v29 =	vld [tilespmem:s24+$0x430];
	v28 =	vmul.f32 $3.125000000e-02, v5;
	[tilespmem:s24+$0x30] =	vst v24  }
0xf0: {  	v31 =	vld [tilespmem:s24+$0x450];
	v30 =	vmul.f32 $3.125000000e-02, v6;
	[tilespmem:s24+$0x50] =	vst v26  }
0xf1: {  	v33 =	vld [tilespmem:s24+$0x460];
	v32 =	vmul.f32 $3.125000000e-02, v23;
	[tilespmem:s24+$0x60] =	vst v28  }
0xf2: {  	v35 =	vld [tilespmem:s24+$0x470];
	v34 =	vmul.f32 $3.125000000e-02, v25;
	[tilespmem:s24+$0x70] =	vst v30  }
0xf3: {  	v37 =	vld [tilespmem:s24+$0x800];
	v36 =	vmul.f32 $3.125000000e-02, v27;
	[tilespmem:s24+$0x400] =	vst v32  }
0xf4: {  	v39 =	vld [tilespmem:s24+$0x810];
	v38 =	vmul.f32 $3.125000000e-02, v29;
	[tilespmem:s24+$0x410] =	vst v34  }
0xf5: {  	v41 =	vld [tilespmem:s24+$0x820];
	v40 =	vmul.f32 $3.125000000e-02, v31;
	[tilespmem:s24+$0x420] =	vst v36  }
0xf6: {  	v43 =	vld [tilespmem:s24+$0x830];
	v42 =	vmul.f32 $3.125000000e-02, v33;
	[tilespmem:s24+$0x430] =	vst v38  }
0xf7: {  	v45 =	vld [tilespmem:s24+$0x850];
	v44 =	vmul.f32 $3.125000000e-02, v35;
	[tilespmem:s24+$0x450] =	vst v40  }
0xf8: {  	v47 =	vld [tilespmem:s24+$0x860];
	v46 =	vmul.f32 $3.125000000e-02, v37;
	[tilespmem:s24+$0x460] =	vst v42  }
0xf9: {  	v49 =	vld [tilespmem:s24+$0x870];
	v48 =	vmul.f32 $3.125000000e-02, v39;
	[tilespmem:s24+$0x470] =	vst v44  }
0xfa: {  	v51 =	vld [tilespmem:s24+$0xC00];
	v50 =	vmul.f32 $3.125000000e-02, v41;
	[tilespmem:s24+$0x800] =	vst v46  }
0xfb: {  	v53 =	vld [tilespmem:s24+$0xC10];
	v52 =	vmul.f32 $3.125000000e-02, v43;
	[tilespmem:s24+$0x810] =	vst v48  }
0xfc: {  	v55 =	vld [tilespmem:s24+$0xC20];
	v54 =	vmul.f32 $3.125000000e-02, v45;
	[tilespmem:s24+$0x820] =	vst v50  }
0xfd: {  	v57 =	vld [tilespmem:s24+$0xC30];
	v56 =	vmul.f32 $3.125000000e-02, v47;
	[tilespmem:s24+$0x830] =	vst v52  }
0xfe: {  	v59 =	vld [tilespmem:s24+$0xC50];
	v58 =	vmul.f32 $3.125000000e-02, v49;
	[tilespmem:s24+$0x850] =	vst v54  }
0xff: {  	v61 =	vld [tilespmem:s24+$0xC60];
	v60 =	vmul.f32 $3.125000000e-02, v51;
	[tilespmem:s24+$0x860] =	vst v56  }
0x100: {  	v63 =	vld [tilespmem:s24+$0xC70];
	v62 =	vmul.f32 $3.125000000e-02, v53;
	[tilespmem:s24+$0x870] =	vst v58  }
0x101: {  	v9 =	vld [tilespmem:s24+$0x1000];
	v8 =	vmul.f32 $3.125000000e-02, v55;
	[tilespmem:s24+$0xC00] =	vst v60  }
0x102: {  	v11 =	vld [tilespmem:s24+$0x1010];
	v10 =	vmul.f32 $3.125000000e-02, v57;
	[tilespmem:s24+$0xC10] =	vst v62  }
0x103: {  	v13 =	vld [tilespmem:s24+$0x1020];
	v12 =	vmul.f32 $3.125000000e-02, v59;
	[tilespmem:s24+$0xC20] =	vst v8  }
0x104: {  	v15 =	vld [tilespmem:s24+$0x1030];
	v14 =	vmul.f32 $3.125000000e-02, v61;
	[tilespmem:s24+$0xC30] =	vst v10  }
0x105: {  	v17 =	vld [tilespmem:s24+$0x1050];
	v16 =	vmul.f32 $3.125000000e-02, v63;
	[tilespmem:s24+$0xC50] =	vst v12  }
0x106: {  	v19 =	vld [tilespmem:s24+$0x1060];
	v18 =	vmul.f32 $3.125000000e-02, v9;
	[tilespmem:s24+$0xC60] =	vst v14  }
0x107: {  	v21 =	vld [tilespmem:s24+$0x1070];
	v20 =	vmul.f32 $3.125000000e-02, v11;
	[tilespmem:s24+$0xC70] =	vst v16  }
0x108: {  	v23 =	vld [tilespmem:s24+$0x1400];
	[tilespmem:s24+$0x1000] =	vst v18;
	v22 =	vmul.f32 $3.125000000e-02, v13  }
0x109: {  	v25 =	vld [tilespmem:s24+$0x1410];
	[tilespmem:s24+$0x1010] =	vst v20;
	v24 =	vmul.f32 $3.125000000e-02, v15  }
0x10a: {  	v27 =	vld [tilespmem:s24+$0x1420];
	v26 =	vmul.f32 $3.125000000e-02, v17;
	[tilespmem:s24+$0x1020] =	vst v22  }
0x10b: {  	v29 =	vld [tilespmem:s24+$0x1430];
	v28 =	vmul.f32 $3.125000000e-02, v19;
	[tilespmem:s24+$0x1030] =	vst v24  }
0x10c: {  	v31 =	vld [tilespmem:s24+$0x1450];
	v30 =	vmul.f32 $3.125000000e-02, v21;
	[tilespmem:s24+$0x1050] =	vst v26  }
0x10d: {  	v33 =	vld [tilespmem:s24+$0x1460];
	[tilespmem:s24+$0x1060] =	vst v28;
	v32 =	vmul.f32 $3.125000000e-02, v23  }
0x10e: {  	v35 =	vld [tilespmem:s24+$0x1470];
	[tilespmem:s24+$0x1070] =	vst v30;
	v34 =	vmul.f32 $3.125000000e-02, v25  }
0x10f: {  	v37 =	vld [tilespmem:s24+$0x1800];
	v36 =	vmul.f32 $3.125000000e-02, v27;
	[tilespmem:s24+$0x1400] =	vst v32  }
0x110: {  	v39 =	vld [tilespmem:s24+$0x1810];
	v38 =	vmul.f32 $3.125000000e-02, v29;
	[tilespmem:s24+$0x1410] =	vst v34  }
0x111: {  	v41 =	vld [tilespmem:s24+$0x1820];
	v40 =	vmul.f32 $3.125000000e-02, v31;
	[tilespmem:s24+$0x1420] =	vst v36  }
0x112: {  	v43 =	vld [tilespmem:s24+$0x1830];
	v42 =	vmul.f32 $3.125000000e-02, v33;
	[tilespmem:s24+$0x1430] =	vst v38  }
0x113: {  	v45 =	vld [tilespmem:s24+$0x1850];
	v44 =	vmul.f32 $3.125000000e-02, v35;
	[tilespmem:s24+$0x1450] =	vst v40  }
0x114: {  	v47 =	vld [tilespmem:s24+$0x1860];
	v46 =	vmul.f32 $3.125000000e-02, v37;
	[tilespmem:s24+$0x1460] =	vst v42  }
0x115: {  	v49 =	vld [tilespmem:s24+$0x1870];
	v48 =	vmul.f32 $3.125000000e-02, v39;
	[tilespmem:s24+$0x1470] =	vst v44  }
0x116: {  	v51 =	vld [tilespmem:s24+$0x440];
	v4 =	vmul.f32 $3.125000000e-02, v41;
	[tilespmem:s24+$0x1800] =	vst v46  }
0x117: {  	v53 =	vld [tilespmem:s24+$0xC40];
	v5 =	vmul.f32 $3.125000000e-02, v43;
	[tilespmem:s24+$0x1810] =	vst v48  }
0x118: {  	v55 =	vld [tilespmem:s24+$0x1440];
	v6 =	vmul.f32 $3.125000000e-02, v45;
	[tilespmem:s24+$0x1820] =	vst v4  }
0x119: {  	s29 =	sand.u32 $0x7, s20;
	v50 =	vld [tilespmem:s24+$0x40];
	v2 =	vmul.f32 $3.125000000e-02, v47;
	[tilespmem:s24+$0x1830] =	vst v5  }
0x11a: {  	s25 =	sshll.u32 s29, $0x7;
	v52 =	vld [tilespmem:s24+$0x840];
	v3 =	vmul.f32 $3.125000000e-02, v49;
	[tilespmem:s24+$0x1850] =	vst v6  }
0x11b: {  	s25 =	sadd.s32 s25, s22;
	v54 =	vld [tilespmem:s24+$0x1040];
	v1 =	vmul.f32 $3.125000000e-02, v51;
	[tilespmem:s24+$0x1860] =	vst v2  }
0x11c: {  	s26 =	sor.u32 $0x1C00, s25;
	v56 =	vld [tilespmem:s24+$0x1840];
	v59 =	vmul.f32 $3.125000000e-02, v53;
	[tilespmem:s24+$0x1870] =	vst v3  }
0x11d: {  	v61 =	vmul.f32 $3.125000000e-02, v55;
	[tilespmem:s24+$0x440] =	vst v1;
	v58 =	vld [tilespmem:s26+$0x0]  }
0x11e: {  	v0 =	vmul.f32 $3.125000000e-02, v50;
	[tilespmem:s24+$0xC40] =	vst v59  }
0x11f: {  	v57 =	vmul.f32 $3.125000000e-02, v52;
	[tilespmem:s24+$0x1440] =	vst v61  }
0x120: {  	v60 =	vmul.f32 $3.125000000e-02, v54;
	[tilespmem:s24+$0x40] =	vst v0  }
0x121: {  	v62 =	vmul.f32 $3.125000000e-02, v56;
	[tilespmem:s24+$0x840] =	vst v57  }
0x122: {  	[tilespmem:s24+$0x1040] =	vst v60;
	v63 =	vmul.f32 $3.125000000e-02, v58  }
0x123: {  	[tilespmem:s24+$0x1840] =	vst v62  }
0x124: {  	s30 =	sor.u32 $0x1C10, s25;
	[tilespmem:s26+$0x0] =	vst v63  }
0x125: {  	v0 =	vld [tilespmem:s30+$0x0];
	_ =	sdelay $0x4  }
0x126: {  	v0 =	vmul.f32 $3.125000000e-02, v0;
	_ =	sdelay $0x1  }
0x127: {  	s31 =	sor.u32 $0x1C20, s25;
	[tilespmem:s30+$0x0] =	vst v0  }
0x128: {  	v0 =	vld [tilespmem:s31+$0x0];
	_ =	sdelay $0x4  }
0x129: {  	v0 =	vmul.f32 $3.125000000e-02, v0;
	_ =	sdelay $0x1  }
0x12a: {  	s26 =	sor.u32 $0x1C30, s25;
	[tilespmem:s31+$0x0] =	vst v0  }
0x12b: {  	v0 =	vld [tilespmem:s26+$0x0];
	_ =	sdelay $0x4  }
0x12c: {  	v0 =	vmul.f32 $3.125000000e-02, v0;
	_ =	sdelay $0x1  }
0x12d: {  	s28 =	sor.u32 $0x1C40, s25;
	[tilespmem:s26+$0x0] =	vst v0  }
0x12e: {  	v0 =	vld [tilespmem:s28+$0x0];
	_ =	sdelay $0x4  }
0x12f: {  	v0 =	vmul.f32 $3.125000000e-02, v0;
	_ =	sdelay $0x1  }
0x130: {  	s29 =	sor.u32 $0x1C50, s25;
	[tilespmem:s28+$0x0] =	vst v0  }
0x131: {  	v0 =	vld [tilespmem:s29+$0x0];
	_ =	sdelay $0x4  }
0x132: {  	v0 =	vmul.f32 $3.125000000e-02, v0;
	_ =	sdelay $0x1  }
0x133: {  	s30 =	sor.u32 $0x1C60, s25;
	[tilespmem:s29+$0x0] =	vst v0  }
0x134: {  	v0 =	vld [tilespmem:s30+$0x0];
	_ =	sdelay $0x4  }
0x135: {  	v0 =	vmul.f32 $3.125000000e-02, v0;
	_ =	sdelay $0x1  }
0x136: {  	s31 =	sor.u32 $0x1C70, s25;
	[tilespmem:s30+$0x0] =	vst v0  }
0x137: {  	v0 =	vld [tilespmem:s31+$0x0];
	_ =	sdelay $0x1  }
0x138: {  	p0 =	sne.s32 s23, $0x780  }
.Ltmp3:
0x139: {  	_ = 	snop;
	(pc) =	sbr.rel @p0 .LBB2_8-.Ltmp3, $4  }
0x13a: {  	_ = 	snop  }
0x13b: {  	v0 =	vmul.f32 $3.125000000e-02, v0  }
0x13c: {  	s20 =	sadd.s32 $0x1, s20  }
0x13d: {  	s21 =	sadd.s32 $0x400, s21;
	s23 =	sadd.s32 $0x80, s23;
	s22 =	sadd.s32 $0x400, s22;
	[tilespmem:s31+$0x0] =	vst v0  }
0x13e: {  	s20 =	simm.s32 $0x0  }
0x13f: {  	[hbm4b:s11+s20] =	stream.linear.scatter [tilespmem:s20], [sflag:$0x3], $0x4000, $0x38;
	[tilespmem:$0x8000] =	vst v63  }
0x140: {  	_ =	swait.ge [sflag:s16], $0x4000  }
0x141: {  	s21 =	simm.s32 $0xFFFFC000;
	[sflag:s16] =	ssyncset.done $0x0  }
0x142: {  	s22 =	simm.s32 $0x0;
	s23 =	simm.s32 $0x0;
	[sflag:s16] =	ssyncadd.s32 $0xFFFFC000  }
.LBB2_10:
0x143: {  	s24 =	sadd.s32 $0x4000, s21  }
0x144: {  	s25 =	sand.u32 $0x380, s23;
	s24 =	sand.u32 $0x2000, s24  }
0x145: {  	s24 =	sor.u32 s25, s24  }
0x146: {  	v0 =	vld [tilespmem:s24+$0x4000]  }
0x147: {  	v1 =	vld [tilespmem:s24+$0x4010]  }
0x148: {  	v2 =	vld [tilespmem:s24+$0x4020]  }
0x149: {  	v3 =	vld [tilespmem:s24+$0x4030]  }
0x14a: {  	v4 =	vld [tilespmem:s24+$0x4050]  }
0x14b: {  	v5 =	vld [tilespmem:s24+$0x4060];
	v0 =	vmul.f32 $3.125000000e-02, v0  }
0x14c: {  	v6 =	vld [tilespmem:s24+$0x4070];
	v1 =	vmul.f32 $3.125000000e-02, v1  }
0x14d: {  	v23 =	vld [tilespmem:s24+$0x4400];
	v22 =	vmul.f32 $3.125000000e-02, v2;
	[tilespmem:s24+$0x4000] =	vst v0  }
0x14e: {  	v25 =	vld [tilespmem:s24+$0x4410];
	v24 =	vmul.f32 $3.125000000e-02, v3;
	[tilespmem:s24+$0x4010] =	vst v1  }
0x14f: {  	v27 =	vld [tilespmem:s24+$0x4420];
	v26 =	vmul.f32 $3.125000000e-02, v4;
	[tilespmem:s24+$0x4020] =	vst v22  }
0x150: {  	v29 =	vld [tilespmem:s24+$0x4430];
	v28 =	vmul.f32 $3.125000000e-02, v5;
	[tilespmem:s24+$0x4030] =	vst v24  }
0x151: {  	v31 =	vld [tilespmem:s24+$0x4450];
	v30 =	vmul.f32 $3.125000000e-02, v6;
	[tilespmem:s24+$0x4050] =	vst v26  }
0x152: {  	v33 =	vld [tilespmem:s24+$0x4460];
	v32 =	vmul.f32 $3.125000000e-02, v23;
	[tilespmem:s24+$0x4060] =	vst v28  }
0x153: {  	v35 =	vld [tilespmem:s24+$0x4470];
	v34 =	vmul.f32 $3.125000000e-02, v25;
	[tilespmem:s24+$0x4070] =	vst v30  }
0x154: {  	v37 =	vld [tilespmem:s24+$0x4800];
	v36 =	vmul.f32 $3.125000000e-02, v27;
	[tilespmem:s24+$0x4400] =	vst v32  }
0x155: {  	v39 =	vld [tilespmem:s24+$0x4810];
	v38 =	vmul.f32 $3.125000000e-02, v29;
	[tilespmem:s24+$0x4410] =	vst v34  }
0x156: {  	v41 =	vld [tilespmem:s24+$0x4820];
	v40 =	vmul.f32 $3.125000000e-02, v31;
	[tilespmem:s24+$0x4420] =	vst v36  }
0x157: {  	v43 =	vld [tilespmem:s24+$0x4830];
	v42 =	vmul.f32 $3.125000000e-02, v33;
	[tilespmem:s24+$0x4430] =	vst v38  }
0x158: {  	v45 =	vld [tilespmem:s24+$0x4850];
	v44 =	vmul.f32 $3.125000000e-02, v35;
	[tilespmem:s24+$0x4450] =	vst v40  }
0x159: {  	v47 =	vld [tilespmem:s24+$0x4860];
	v46 =	vmul.f32 $3.125000000e-02, v37;
	[tilespmem:s24+$0x4460] =	vst v42  }
0x15a: {  	v49 =	vld [tilespmem:s24+$0x4870];
	v48 =	vmul.f32 $3.125000000e-02, v39;
	[tilespmem:s24+$0x4470] =	vst v44  }
0x15b: {  	v51 =	vld [tilespmem:s24+$0x4C00];
	v50 =	vmul.f32 $3.125000000e-02, v41;
	[tilespmem:s24+$0x4800] =	vst v46  }
0x15c: {  	v53 =	vld [tilespmem:s24+$0x4C10];
	v52 =	vmul.f32 $3.125000000e-02, v43;
	[tilespmem:s24+$0x4810] =	vst v48  }
0x15d: {  	v55 =	vld [tilespmem:s24+$0x4C20];
	v54 =	vmul.f32 $3.125000000e-02, v45;
	[tilespmem:s24+$0x4820] =	vst v50  }
0x15e: {  	v57 =	vld [tilespmem:s24+$0x4C30];
	v56 =	vmul.f32 $3.125000000e-02, v47;
	[tilespmem:s24+$0x4830] =	vst v52  }
0x15f: {  	v59 =	vld [tilespmem:s24+$0x4C50];
	v58 =	vmul.f32 $3.125000000e-02, v49;
	[tilespmem:s24+$0x4850] =	vst v54  }
0x160: {  	v61 =	vld [tilespmem:s24+$0x4C60];
	v60 =	vmul.f32 $3.125000000e-02, v51;
	[tilespmem:s24+$0x4860] =	vst v56  }
0x161: {  	v63 =	vld [tilespmem:s24+$0x4C70];
	v62 =	vmul.f32 $3.125000000e-02, v53;
	[tilespmem:s24+$0x4870] =	vst v58  }
0x162: {  	v9 =	vld [tilespmem:s24+$0x5000];
	v8 =	vmul.f32 $3.125000000e-02, v55;
	[tilespmem:s24+$0x4C00] =	vst v60  }
0x163: {  	v11 =	vld [tilespmem:s24+$0x5010];
	v10 =	vmul.f32 $3.125000000e-02, v57;
	[tilespmem:s24+$0x4C10] =	vst v62  }
0x164: {  	v13 =	vld [tilespmem:s24+$0x5020];
	v12 =	vmul.f32 $3.125000000e-02, v59;
	[tilespmem:s24+$0x4C20] =	vst v8  }
0x165: {  	v15 =	vld [tilespmem:s24+$0x5030];
	v14 =	vmul.f32 $3.125000000e-02, v61;
	[tilespmem:s24+$0x4C30] =	vst v10  }
0x166: {  	v17 =	vld [tilespmem:s24+$0x5050];
	v16 =	vmul.f32 $3.125000000e-02, v63;
	[tilespmem:s24+$0x4C50] =	vst v12  }
0x167: {  	v19 =	vld [tilespmem:s24+$0x5060];
	v18 =	vmul.f32 $3.125000000e-02, v9;
	[tilespmem:s24+$0x4C60] =	vst v14  }
0x168: {  	v21 =	vld [tilespmem:s24+$0x5070];
	v20 =	vmul.f32 $3.125000000e-02, v11;
	[tilespmem:s24+$0x4C70] =	vst v16  }
0x169: {  	v23 =	vld [tilespmem:s24+$0x5400];
	[tilespmem:s24+$0x5000] =	vst v18;
	v22 =	vmul.f32 $3.125000000e-02, v13  }
0x16a: {  	v25 =	vld [tilespmem:s24+$0x5410];
	[tilespmem:s24+$0x5010] =	vst v20;
	v24 =	vmul.f32 $3.125000000e-02, v15  }
0x16b: {  	v27 =	vld [tilespmem:s24+$0x5420];
	v26 =	vmul.f32 $3.125000000e-02, v17;
	[tilespmem:s24+$0x5020] =	vst v22  }
0x16c: {  	v29 =	vld [tilespmem:s24+$0x5430];
	v28 =	vmul.f32 $3.125000000e-02, v19;
	[tilespmem:s24+$0x5030] =	vst v24  }
0x16d: {  	v31 =	vld [tilespmem:s24+$0x5450];
	v30 =	vmul.f32 $3.125000000e-02, v21;
	[tilespmem:s24+$0x5050] =	vst v26  }
0x16e: {  	v33 =	vld [tilespmem:s24+$0x5460];
	[tilespmem:s24+$0x5060] =	vst v28;
	v32 =	vmul.f32 $3.125000000e-02, v23  }
0x16f: {  	v35 =	vld [tilespmem:s24+$0x5470];
	[tilespmem:s24+$0x5070] =	vst v30;
	v34 =	vmul.f32 $3.125000000e-02, v25  }
0x170: {  	v37 =	vld [tilespmem:s24+$0x5800];
	v36 =	vmul.f32 $3.125000000e-02, v27;
	[tilespmem:s24+$0x5400] =	vst v32  }
0x171: {  	v39 =	vld [tilespmem:s24+$0x5810];
	v38 =	vmul.f32 $3.125000000e-02, v29;
	[tilespmem:s24+$0x5410] =	vst v34  }
0x172: {  	v41 =	vld [tilespmem:s24+$0x5820];
	v40 =	vmul.f32 $3.125000000e-02, v31;
	[tilespmem:s24+$0x5420] =	vst v36  }
0x173: {  	v43 =	vld [tilespmem:s24+$0x5830];
	v42 =	vmul.f32 $3.125000000e-02, v33;
	[tilespmem:s24+$0x5430] =	vst v38  }
0x174: {  	v45 =	vld [tilespmem:s24+$0x5850];
	v44 =	vmul.f32 $3.125000000e-02, v35;
	[tilespmem:s24+$0x5450] =	vst v40  }
0x175: {  	v47 =	vld [tilespmem:s24+$0x5860];
	v46 =	vmul.f32 $3.125000000e-02, v37;
	[tilespmem:s24+$0x5460] =	vst v42  }
0x176: {  	v49 =	vld [tilespmem:s24+$0x5870];
	v48 =	vmul.f32 $3.125000000e-02, v39;
	[tilespmem:s24+$0x5470] =	vst v44  }
0x177: {  	v51 =	vld [tilespmem:s24+$0x4440];
	v4 =	vmul.f32 $3.125000000e-02, v41;
	[tilespmem:s24+$0x5800] =	vst v46  }
0x178: {  	v53 =	vld [tilespmem:s24+$0x4C40];
	v5 =	vmul.f32 $3.125000000e-02, v43;
	[tilespmem:s24+$0x5810] =	vst v48  }
0x179: {  	v55 =	vld [tilespmem:s24+$0x5440];
	v6 =	vmul.f32 $3.125000000e-02, v45;
	[tilespmem:s24+$0x5820] =	vst v4  }
0x17a: {  	s29 =	sand.u32 $0x7, s20;
	v50 =	vld [tilespmem:s24+$0x4040];
	v2 =	vmul.f32 $3.125000000e-02, v47;
	[tilespmem:s24+$0x5830] =	vst v5  }
0x17b: {  	s25 =	sshll.u32 s29, $0x7;
	v52 =	vld [tilespmem:s24+$0x4840];
	v3 =	vmul.f32 $3.125000000e-02, v49;
	[tilespmem:s24+$0x5850] =	vst v6  }
0x17c: {  	s25 =	sadd.s32 s25, s22;
	v54 =	vld [tilespmem:s24+$0x5040];
	v1 =	vmul.f32 $3.125000000e-02, v51;
	[tilespmem:s24+$0x5860] =	vst v2  }
0x17d: {  	s26 =	sor.u32 $0x1C00, s25;
	v56 =	vld [tilespmem:s24+$0x5840];
	v59 =	vmul.f32 $3.125000000e-02, v53;
	[tilespmem:s24+$0x5870] =	vst v3  }
0x17e: {  	v61 =	vmul.f32 $3.125000000e-02, v55;
	[tilespmem:s24+$0x4440] =	vst v1;
	v58 =	vld [tilespmem:s26+$0x4000]  }
0x17f: {  	v0 =	vmul.f32 $3.125000000e-02, v50;
	[tilespmem:s24+$0x4C40] =	vst v59  }
0x180: {  	v57 =	vmul.f32 $3.125000000e-02, v52;
	[tilespmem:s24+$0x5440] =	vst v61  }
0x181: {  	v60 =	vmul.f32 $3.125000000e-02, v54;
	[tilespmem:s24+$0x4040] =	vst v0  }
0x182: {  	v62 =	vmul.f32 $3.125000000e-02, v56;
	[tilespmem:s24+$0x4840] =	vst v57  }
0x183: {  	[tilespmem:s24+$0x5040] =	vst v60;
	v63 =	vmul.f32 $3.125000000e-02, v58  }
0x184: {  	[tilespmem:s24+$0x5840] =	vst v62  }
0x185: {  	s30 =	sor.u32 $0x1C10, s25;
	[tilespmem:s26+$0x4000] =	vst v63  }
0x186: {  	v0 =	vld [tilespmem:s30+$0x4000];
	_ =	sdelay $0x4  }
0x187: {  	v0 =	vmul.f32 $3.125000000e-02, v0;
	_ =	sdelay $0x1  }
0x188: {  	s31 =	sor.u32 $0x1C20, s25;
	[tilespmem:s30+$0x4000] =	vst v0  }
0x189: {  	v0 =	vld [tilespmem:s31+$0x4000];
	_ =	sdelay $0x4  }
0x18a: {  	v0 =	vmul.f32 $3.125000000e-02, v0;
	_ =	sdelay $0x1  }
0x18b: {  	s26 =	sor.u32 $0x1C30, s25;
	[tilespmem:s31+$0x4000] =	vst v0  }
0x18c: {  	v0 =	vld [tilespmem:s26+$0x4000];
	_ =	sdelay $0x4  }
0x18d: {  	v0 =	vmul.f32 $3.125000000e-02, v0;
	_ =	sdelay $0x1  }
0x18e: {  	s28 =	sor.u32 $0x1C40, s25;
	[tilespmem:s26+$0x4000] =	vst v0  }
0x18f: {  	v0 =	vld [tilespmem:s28+$0x4000];
	_ =	sdelay $0x4  }
0x190: {  	v0 =	vmul.f32 $3.125000000e-02, v0;
	_ =	sdelay $0x1  }
0x191: {  	s29 =	sor.u32 $0x1C50, s25;
	[tilespmem:s28+$0x4000] =	vst v0  }
0x192: {  	v0 =	vld [tilespmem:s29+$0x4000];
	_ =	sdelay $0x4  }
0x193: {  	v0 =	vmul.f32 $3.125000000e-02, v0;
	_ =	sdelay $0x1  }
0x194: {  	s30 =	sor.u32 $0x1C60, s25;
	[tilespmem:s29+$0x4000] =	vst v0  }
0x195: {  	v0 =	vld [tilespmem:s30+$0x4000];
	_ =	sdelay $0x4  }
0x196: {  	v0 =	vmul.f32 $3.125000000e-02, v0;
	_ =	sdelay $0x1  }
0x197: {  	s31 =	sor.u32 $0x1C70, s25;
	[tilespmem:s30+$0x4000] =	vst v0  }
0x198: {  	v0 =	vld [tilespmem:s31+$0x4000];
	_ =	sdelay $0x1  }
0x199: {  	p0 =	sne.s32 s23, $0x780  }
.Ltmp4:
0x19a: {  	_ = 	snop;
	(pc) =	sbr.rel @p0 .LBB2_10-.Ltmp4, $4  }
0x19b: {  	_ = 	snop  }
0x19c: {  	v0 =	vmul.f32 $3.125000000e-02, v0  }
0x19d: {  	s20 =	sadd.s32 $0x1, s20  }
0x19e: {  	s21 =	sadd.s32 $0x400, s21;
	s23 =	sadd.s32 $0x80, s23;
	s22 =	sadd.s32 $0x400, s22;
	[tilespmem:s31+$0x4000] =	vst v0  }
0x19f: {  	[hbm4b:s12+s5] =	stream.linear.scatter [tilespmem:s14], [sflag:$0x4], $0x4000, $0x38;
	[tilespmem:$0x8000] =	vst v63  }
0x1a0: {  	s19 =	sadd.s32 $0x1, s19  }
0x1a1: {  	_ =	swait.ge [sflag:s17], $0x4000;
	p0 =	sne.s32 s19, s13  }
.Ltmp5:
0x1a2: {  	[sflag:s17] =	ssyncset.done $0x0;
	(pc) =	sbr.rel @p0 .LBB2_1-.Ltmp5, $4  }
0x1a3: {  	[sflag:s17] =	ssyncadd.s32 $0xFFFFC000  }
0x1a4: {  	_ =	swait.ge [sflag:s18], $0x4000  }
0x1a5: {  	[sflag:s18] =	ssyncset.done $0x0  }
0x1a6: {  	[sflag:s18] =	ssyncadd.s32 $0xFFFFC000  }
0x1a7: {  	_ =	sfence.sel $0x180000  }
0x1a8: {  	[bflag:$0x0] =	sbarrier.arrive $0xFFFF  }
0x1a9: {  	p0 =	sne.s32 s0, $0x0;
	_ =	strace $0x90000047  }
0x1aa: {  	s0 =	sadd.s32 @!p0 $0x100000, s1;
	[bflag:$0x2] =	sbarrier.arrive $0xFFFF  }
0x1ab: {  	[sflag:s0] =	ssyncadd.tile.s32 @!p0 $0x1;
	_ =	shalt  }
.Lfunc_end2:
_tile_overlayer_lowered:
.L_overlay_start_2:
0x1ac: {  	(tag) =	ssettag $0x2  }
0x1ad: {  	s0 =	rddreg [dreg:$0x0];
	s2 =	stileid.u32  }
0x1ae: {  	s1 =	rddreg [dreg:$0x1];
	p0 =	sne.s32 s2, $0x0  }
0x1af: {  	s3 =	rddreg [dreg:$0x2];
	[bflag:$0x3] =	sbarrier.arrive $0xFFFF;
	s2 =	simm.s32 @!p0 $0x1C05  }
0x1b0: {  	[timem:s3], [sflag:s2] =	dma.local @!p0 [hbm:s0], s1  }
0x1b1: {  	s0 =	simm.s32 @!p0 $0x5  }
0x1b2: {  	_ =	swait.ge @!p0 [sflag:s0], s1  }
0x1b3: {  	s1 =	ssub.s32 @!p0 $0x0, s1;
	[sflag:s0] =	ssyncset.done @!p0 $0x0  }
0x1b4: {  	[sflag:s0] =	ssyncadd.s32 @!p0 s1  }
0x1b5: {  	[bflag:$0x3] =	sbarrier.arrive $0xFFFF  }
0x1b6: {  	_ =	shalt  }

</sc_bundles>
